<compile_context>
chip_gen: v7x
topology: tpu7x:2x2x1
jax: 0.10.2.dev20260603
libtpu: 0.0.44.dev20260713+nightly
codegen_flags: <defaults>
</compile_context>

<pallas_src>
import functools

import jax
import jax.numpy as jnp
from jax import lax
from jax.experimental import pallas as pl
from jax.experimental.pallas import tpu as pltpu
from jax.experimental.pallas import tpu_sc as plsc

K = 16
NT = 512
QT = 128


def _conv_body(w_ref, b_ref, f_ref, o_ref):
    acc = jnp.dot(w_ref[...], f_ref[0], preferred_element_type=jnp.float32)
    y = jnp.maximum(acc + b_ref[...], 0.0)
    yt = y.T
    o_ref[0] = jnp.concatenate(
        [yt, jnp.zeros((yt.shape[0], 128 - yt.shape[1]), jnp.float32)], axis=1)


def _conv_all(feature, W, b):
    B, C, N = feature.shape
    CO = W.shape[0]
    grid = (B, N // NT)
    return pl.pallas_call(
        _conv_body,
        grid=grid,
        in_specs=[
            pl.BlockSpec((CO, C), lambda bi, ni: (0, 0)),
            pl.BlockSpec((CO, 1), lambda bi, ni: (0, 0)),
            pl.BlockSpec((1, C, NT), lambda bi, ni: (bi, 0, ni)),
        ],
        out_specs=pl.BlockSpec((1, NT, 128), lambda bi, ni: (bi, ni, 0)),
        out_shape=jax.ShapeDtypeStruct((B, N, 128), jnp.float32),
    )(W, b[:, None], feature)


def _fps_body(pc_ref, idx_ref, dists_ref):
    B, _, N = pc_ref.shape
    M = idx_ref.shape[1]
    X = pc_ref[:, 0, :]
    Y = pc_ref[:, 1, :]
    Z = pc_ref[:, 2, :]
    lane = jax.lax.broadcasted_iota(jnp.int32, (B, N), 1)
    lane128 = jax.lax.broadcasted_iota(jnp.int32, (B, 128), 1)
    dists_ref[...] = jnp.full((B, N), 1e10, jnp.float32)

    def body(j, carry):
        xl, yl, zl, picks = carry
        dx = X - xl
        dy = Y - yl
        dz = Z - zl
        d = (dx * dx + dz * dz) + dy * dy
        dists = jnp.minimum(dists_ref[...], d)
        dists_ref[...] = dists
        mx = jnp.max(dists, axis=1, keepdims=True)
        eq = dists == mx
        nxt = jnp.min(jnp.where(eq, lane, N), axis=1, keepdims=True)
        picks = jnp.where(lane128 == j, nxt, picks)
        sel = lane == nxt
        ninf = jnp.float32(-jnp.inf)
        xn = jnp.max(jnp.where(sel, X, ninf), axis=1, keepdims=True)
        yn = jnp.max(jnp.where(sel, Y, ninf), axis=1, keepdims=True)
        zn = jnp.max(jnp.where(sel, Z, ninf), axis=1, keepdims=True)
        return (xn, yn, zn, picks)

    carry = (X[:, 0:1], Y[:, 0:1], Z[:, 0:1],
             jnp.zeros((B, 128), jnp.int32))
    for blk in range(M // 128):
        lo = 1 if blk == 0 else 0
        carry = jax.lax.fori_loop(lo, 128, body, carry)
        idx_ref[:, blk * 128:(blk + 1) * 128] = carry[3]
        carry = (carry[0], carry[1], carry[2], jnp.zeros((B, 128), jnp.int32))


def _fps_all(pc, m):
    B, _, N = pc.shape
    return pl.pallas_call(
        _fps_body,
        out_shape=jax.ShapeDtypeStruct((B, m), jnp.int32),
        scratch_shapes=[pltpu.VMEM((B, N), jnp.float32)],
    )(pc)


def _knn_body(fq_ref, p_ref, nidx_ref):
    _, _, N = p_ref.shape
    fq = fq_ref[0]
    p = p_ref[0]
    qx = fq[:, 0:1]
    qy = fq[:, 1:2]
    qz = fq[:, 2:3]
    qn = (qx * qx + qz * qz) + qy * qy
    px = p[0:1, :]
    py = p[1:2, :]
    pz = p[2:3, :]
    pn = (px * px + pz * pz) + py * py
    g = jnp.dot(fq, p, preferred_element_type=jnp.float32)
    d = (qn + pn) - 2.0 * g
    lane = jax.lax.broadcasted_iota(jnp.int32, (QT, N), 1)
    lane16 = jax.lax.broadcasted_iota(jnp.int32, (QT, K), 1)
    inf = jnp.float32(jnp.inf)
    acc = jnp.zeros((QT, K), jnp.int32)
    for j in range(K):
        mn = jnp.min(d, axis=1, keepdims=True)
        idx = jnp.min(jnp.where(d == mn, lane, N), axis=1, keepdims=True)
        acc = jnp.where(lane16 == j, idx, acc)
        d = jnp.where(lane == idx, inf, d)
    nidx_ref[0] = acc


def _knn_all(fps_pc, pc):
    B, m, _ = fps_pc.shape
    N = pc.shape[2]
    grid = (B, m // QT)
    return pl.pallas_call(
        _knn_body,
        grid=grid,
        in_specs=[
            pl.BlockSpec((1, QT, 3), lambda bi, qi: (bi, qi, 0)),
            pl.BlockSpec((1, 3, N), lambda bi, qi: (bi, 0, 0)),
        ],
        out_specs=pl.BlockSpec((1, QT, K), lambda bi, qi: (bi, qi, 0)),
        out_shape=jax.ShapeDtypeStruct((B, m, K), jnp.int32),
    )(fps_pc, pc)


def _gathermax_all(Y2d, gidx, CO):
    R, D = Y2d.shape
    Qfull = gidx.shape[0]
    Q = Qfull // 2
    info = plsc.get_sparse_core_info()
    NW = info.num_cores * info.num_subcores
    qpw = Q // NW
    mesh = plsc.VectorSubcoreMesh(core_axis_name="c", subcore_axis_name="s")

    CH = qpw // 2

    @functools.partial(
        pl.kernel, mesh=mesh,
        out_type=jax.ShapeDtypeStruct((Q, CO), jnp.float32),
        scratch_types=[
            pltpu.VMEM((qpw, K), jnp.int32),
            pltpu.VMEM((K, D), jnp.float32),
            pltpu.VMEM((CH, CO), jnp.float32),
            pltpu.SemaphoreType.DMA,
        ],
    )
    def k(y_hbm, idx_hbm, out_hbm, idx_v, rows_v, out_v, sem):
        wid = lax.axis_index("s") * info.num_cores + lax.axis_index("c")
        base = wid * qpw
        pltpu.sync_copy(idx_hbm.at[pl.ds(base, qpw)], idx_v)

        for h in range(2):
            def body(q, _):
                idx_vec = idx_v[h * CH + q]
                pltpu.async_copy(y_hbm.at[idx_vec], rows_v, sem).wait()
                for c in range(CO // 16):
                    acc = rows_v[0, pl.ds(c * 16, 16)]
                    for r in range(1, K):
                        acc = jnp.maximum(acc, rows_v[r, pl.ds(c * 16, 16)])
                    out_v[q, pl.ds(c * 16, 16)] = acc
                return 0

            lax.fori_loop(0, CH, body, 0)
            pltpu.sync_copy(out_v, out_hbm.at[pl.ds(base + h * CH, CH)])

    return jnp.concatenate([k(Y2d, gidx[:Q]), k(Y2d, gidx[Q:])], axis=0)


def kernel(pc, feature, W, b):
    Bb, C, Nn = feature.shape
    m = Nn // 2
    pc_t = jnp.transpose(pc, (0, 2, 1))
    fps_idx = _fps_all(pc, m)
    fps_pc = jnp.take_along_axis(pc_t, fps_idx[..., None], axis=1)

    Yp = _conv_all(feature, W, b)

    nidx = _knn_all(fps_pc, pc)
    gidx = (nidx + (jnp.arange(Bb, dtype=jnp.int32) * Nn)[:, None, None])
    CO = W.shape[0]
    out2d = _gathermax_all(Yp.reshape(Bb * Nn, 128),
                           gidx.reshape(Bb * m, K), CO)
    out = out2d.reshape(Bb, m, CO)
    fps_feature = jnp.transpose(out, (0, 2, 1))
    fps_pc_out = jnp.transpose(fps_pc, (0, 2, 1))
    return (fps_pc_out, fps_feature, fps_idx.astype(jnp.int64))

# --- scband reference (transcript-rebuilt; emitter-appended) ---
"""Pipeline reference for scband-translation-down-10024453668973 (READ-ONLY COPY).

The authoritative reference and input builder live on the scoring server;
editing this copy changes nothing except your own understanding.
"""

import jax, jax.numpy as jnp
import numpy as np

K = 16
B = 8
N = 8192
C_IN = 64
C_OUT = 64


def _fps(pts, m):
    n = pts.shape[0]

    def body(i, carry):
        dists, last, idxs = carry
        d = jnp.sum((pts - pts[last]) ** 2, axis=1)
        dists = jnp.minimum(dists, d)
        nxt = jnp.argmax(dists).astype(jnp.int32)
        idxs = idxs.at[i].set(nxt)
        return (dists, nxt, idxs)

    idxs = jnp.zeros((m,), dtype=jnp.int32)
    dists = jnp.full((n,), 1e10, dtype=jnp.float32)
    dists, last, idxs = jax.lax.fori_loop(1, m, body, (dists, jnp.int32(0), idxs))
    return idxs


def setup_inputs(seed: int = 0):
    key = jax.random.key(seed)
    k1, k2, k3, k4 = jax.random.split(key, 4)
    pc = jax.random.normal(k1, (B, 3, N), dtype=jnp.float32)
    feature = jax.random.normal(k2, (B, C_IN, N), dtype=jnp.float32)
    W = jax.random.normal(k3, (C_OUT, C_IN), dtype=jnp.float32) * (1.0 / np.sqrt(C_IN))
    b = jax.random.normal(k4, (C_OUT,), dtype=jnp.float32) * 0.01
    return {"pc": pc, "feature": feature, "W": W, "b": b}


def reference(pc, feature, W, b):
    Bb, C, Nn = feature.shape
    m = Nn // 2
    pc_t = jnp.transpose(pc, (0, 2, 1))  # [B, N, 3]
    fps_idx = jax.vmap(lambda p: _fps(p, m))(pc_t)  # [B, m]
    fps_pc = jnp.take_along_axis(pc_t, fps_idx[..., None], axis=1)  # [B, m, 3]
    feat_t = jnp.transpose(feature, (0, 2, 1))  # [B, N, C]

    def knn_group(args):
        fp, p, feat = args
        d = jnp.sum(fp * fp, axis=1)[:, None] + jnp.sum(p * p, axis=1)[None, :] - 2.0 * (fp @ p.T)  # [m, N]
        _, nidx = jax.lax.top_k(-d, K)  # [m, K]
        return jnp.take(feat, nidx, axis=0)  # [m, K, C]

    grouped = jax.lax.map(knn_group, (fps_pc, pc_t, feat_t))  # [B, m, K, C]
    out = jnp.einsum('bmkc,oc->bmko', grouped, W) + b  # 1x1 conv
    out = jax.nn.relu(out)
    out = jnp.max(out, axis=2)  # max over K neighbors -> [B, m, C_OUT]
    fps_feature = jnp.transpose(out, (0, 2, 1))  # [B, C_OUT, m]
    fps_pc_out = jnp.transpose(fps_pc, (0, 2, 1))  # [B, 3, m]
    return (fps_pc_out, fps_feature, fps_idx.astype(jnp.int64))

if __name__ == "__main__":
    import jax
    _d = setup_inputs()
    print(jax.jit(kernel)(*tuple(_d.values())))

</pallas_src>

<mosaic_0001>
#map = affine_map<(d0, d1) -> (0, 0)>
module attributes {stable_mosaic.version = 14 : i64} {
  func.func @k(%arg0: i32, %arg1: i32, %arg2: memref<65536x128xf32, #tpu.memory_space<hbm>>, %arg3: memref<16384x16xi32, #tpu.memory_space<hbm>>, %arg4: memref<16384x64xf32, #tpu.memory_space<hbm>>, %arg5: memref<512x16xi32, #tpu.memory_space<vmem>>, %arg6: memref<16x128xf32, #tpu.memory_space<vmem>>, %arg7: memref<256x64xf32, #tpu.memory_space<vmem>>, %arg8: memref<!tpu.dma_semaphore, #tpu.memory_space<semaphore_mem>>) attributes {dimension_semantics = [#tpu.dimension_semantics<core_parallel>, #tpu.dimension_semantics<subcore_parallel>], iteration_bounds = array<i64: 2, 16>, scalar_prefetch = 0 : i64, scratch_operands = 4 : i64, tpu.core_type = #tpu.core_type<sc_vector_subcore>, window_params = [{transform_indices = #map}, {transform_indices = #map}, {transform_indices = #map}]} {
    %mul3A = arith.constant 2 : i32
    %mul3A_0 = arith.muli %arg1, %mul3A : i32
    %add3A = arith.addi %mul3A_0, %arg0 : i32
    %mul3A_1 = arith.constant 512 : i32
    %mul3A_2 = arith.muli %add3A, %mul3A_1 : i32
    "tpu.region"() ({
      %run_scoped3A = tpu.sem_alloc : memref<!tpu.dma_semaphore, #tpu.memory_space<semaphore_mem>>
      %dma_start3A = arith.constant 0 : i32
      %dma_start3A_20 = tpu.memref_slice %arg3[%mul3A_2, %dma_start3A] : memref<16384x16xi32, #tpu.memory_space<hbm>> -> memref<512x16xi32, #tpu.memory_space<hbm>>
      %dma_start3A_21 = arith.constant 0 : i32
      %dma_start3A_22 = tpu.memref_slice %arg3[%mul3A_2, %dma_start3A_21] : memref<16384x16xi32, #tpu.memory_space<hbm>> -> memref<512x16xi32, #tpu.memory_space<hbm>>
      tpu.enqueue_dma source(%dma_start3A_22 : memref<512x16xi32, #tpu.memory_space<hbm>>) target(%arg5 : memref<512x16xi32, #tpu.memory_space<vmem>>) target_semaphore(%run_scoped3A : memref<!tpu.dma_semaphore, #tpu.memory_space<semaphore_mem>>)
      %dma_wait3A = arith.constant 0 : i32
      %dma_wait3A_23 = tpu.memref_slice %arg3[%mul3A_2, %dma_wait3A] : memref<16384x16xi32, #tpu.memory_space<hbm>> -> memref<512x16xi32, #tpu.memory_space<hbm>>
      %dma_wait3A_24 = arith.constant 0 : i32
      %dma_wait3A_25 = tpu.memref_slice %arg3[%mul3A_2, %dma_wait3A_24] : memref<16384x16xi32, #tpu.memory_space<hbm>> -> memref<512x16xi32, #tpu.memory_space<hbm>>
      tpu.wait_dma2 semaphore(%run_scoped3A : memref<!tpu.dma_semaphore, #tpu.memory_space<semaphore_mem>>) src(%dma_wait3A_25 : memref<512x16xi32, #tpu.memory_space<hbm>>) dst(%arg5 : memref<512x16xi32, #tpu.memory_space<vmem>>)
      tpu.yield
    }) : () -> ()
    %scan3A = arith.constant 0 : i32
    %scan3A_3 = arith.constant 0 : i32
    %scan3A_4 = arith.constant 256 : i32
    %scan3A_5 = arith.addi %scan3A_3, %scan3A_4 : i32
    %scan3A_6 = arith.constant 1 : i32
    %scan3A_7 = scf.for %scan3A_20 = %scan3A_3 to %scan3A_5 step %scan3A_6 iter_args(%scan3A_21 = %scan3A) -> (i32)  : i32 {
      %add3A_22 = arith.constant 0 : i32
      %add3A_23 = arith.addi %add3A_22, %scan3A_20 : i32
      %get3A = arith.index_cast %add3A_23 : i32 to index
      %get3A_24 = arith.constant 0 : index
      %get3A_25 = tpu.vector_load %arg5[%get3A, %get3A_24] {strides = array<i32>} : memref<512x16xi32, #tpu.memory_space<vmem>>, vector<1x16xi32>,
      %get3A_26 = vector.shape_cast %get3A_25 : vector<1x16xi32> to vector<16xi32>
      %dma_start3A = arith.constant 0 : i32
      %dma_start3A_27 = arith.constant 0 : i32
      %dma_start3A_28 = tpu.memref_slice %arg2[%dma_start3A, %dma_start3A_27] : memref<65536x128xf32, #tpu.memory_space<hbm>> -> memref<65536x128xf32, #tpu.memory_space<hbm>>
      tpu.enqueue_indirect_dma source(%dma_start3A_28 : memref<65536x128xf32, #tpu.memory_space<hbm>>) target(%arg6 : memref<16x128xf32, #tpu.memory_space<vmem>>) offsets(%get3A_26 : vector<16xi32>) semaphore(%arg8 : memref<!tpu.dma_semaphore, #tpu.memory_space<semaphore_mem>>)
      %dma_wait3A = arith.constant 0 : i32
      %dma_wait3A_29 = arith.constant 0 : i32
      %dma_wait3A_30 = tpu.memref_slice %arg2[%dma_wait3A, %dma_wait3A_29] : memref<65536x128xf32, #tpu.memory_space<hbm>> -> memref<65536x128xf32, #tpu.memory_space<hbm>>
      tpu.wait_indirect_dma semaphore(%arg8 : memref<!tpu.dma_semaphore, #tpu.memory_space<semaphore_mem>>) src(%dma_wait3A_30 : memref<65536x128xf32, #tpu.memory_space<hbm>>) dst(%arg6 : memref<16x128xf32, #tpu.memory_space<vmem>>)
      %get3A_31 = arith.constant 0 : i32
      %get3A_32 = arith.index_cast %get3A_31 : i32 to index
      %get3A_33 = arith.constant 0 : index
      %get3A_34 = tpu.vector_load %arg6[%get3A_32, %get3A_33] {strides = array<i32>} : memref<16x128xf32, #tpu.memory_space<vmem>>, vector<1x16xf32>,
      %get3A_35 = vector.shape_cast %get3A_34 : vector<1x16xf32> to vector<16xf32>
      %get3A_36 = arith.constant 1 : i32
      %get3A_37 = arith.index_cast %get3A_36 : i32 to index
      %get3A_38 = arith.constant 0 : index
      %get3A_39 = tpu.vector_load %arg6[%get3A_37, %get3A_38] {strides = array<i32>} : memref<16x128xf32, #tpu.memory_space<vmem>>, vector<1x16xf32>,
      %get3A_40 = vector.shape_cast %get3A_39 : vector<1x16xf32> to vector<16xf32>
      %max3A = arith.maximumf %get3A_35, %get3A_40 : vector<16xf32>
      %get3A_41 = arith.constant 2 : i32
      %get3A_42 = arith.index_cast %get3A_41 : i32 to index
      %get3A_43 = arith.constant 0 : index
      %get3A_44 = tpu.vector_load %arg6[%get3A_42, %get3A_43] {strides = array<i32>} : memref<16x128xf32, #tpu.memory_space<vmem>>, vector<1x16xf32>,
      %get3A_45 = vector.shape_cast %get3A_44 : vector<1x16xf32> to vector<16xf32>
      %max3A_46 = arith.maximumf %max3A, %get3A_45 : vector<16xf32>
      %get3A_47 = arith.constant 3 : i32
      %get3A_48 = arith.index_cast %get3A_47 : i32 to index
      %get3A_49 = arith.constant 0 : index
      %get3A_50 = tpu.vector_load %arg6[%get3A_48, %get3A_49] {strides = array<i32>} : memref<16x128xf32, #tpu.memory_space<vmem>>, vector<1x16xf32>,
      %get3A_51 = vector.shape_cast %get3A_50 : vector<1x16xf32> to vector<16xf32>
      %max3A_52 = arith.maximumf %max3A_46, %get3A_51 : vector<16xf32>
      %get3A_53 = arith.constant 4 : i32
      %get3A_54 = arith.index_cast %get3A_53 : i32 to index
      %get3A_55 = arith.constant 0 : index
      %get3A_56 = tpu.vector_load %arg6[%get3A_54, %get3A_55] {strides = array<i32>} : memref<16x128xf32, #tpu.memory_space<vmem>>, vector<1x16xf32>,
      %get3A_57 = vector.shape_cast %get3A_56 : vector<1x16xf32> to vector<16xf32>
      %max3A_58 = arith.maximumf %max3A_52, %get3A_57 : vector<16xf32>
      %get3A_59 = arith.constant 5 : i32
      %get3A_60 = arith.index_cast %get3A_59 : i32 to index
      %get3A_61 = arith.constant 0 : index
      %get3A_62 = tpu.vector_load %arg6[%get3A_60, %get3A_61] {strides = array<i32>} : memref<16x128xf32, #tpu.memory_space<vmem>>, vector<1x16xf32>,
      %get3A_63 = vector.shape_cast %get3A_62 : vector<1x16xf32> to vector<16xf32>
      %max3A_64 = arith.maximumf %max3A_58, %get3A_63 : vector<16xf32>
      %get3A_65 = arith.constant 6 : i32
      %get3A_66 = arith.index_cast %get3A_65 : i32 to index
      %get3A_67 = arith.constant 0 : index
      %get3A_68 = tpu.vector_load %arg6[%get3A_66, %get3A_67] {strides = array<i32>} : memref<16x128xf32, #tpu.memory_space<vmem>>, vector<1x16xf32>,
      %get3A_69 = vector.shape_cast %get3A_68 : vector<1x16xf32> to vector<16xf32>
      %max3A_70 = arith.maximumf %max3A_64, %get3A_69 : vector<16xf32>
      %get3A_71 = arith.constant 7 : i32
      %get3A_72 = arith.index_cast %get3A_71 : i32 to index
      %get3A_73 = arith.constant 0 : index
      %get3A_74 = tpu.vector_load %arg6[%get3A_72, %get3A_73] {strides = array<i32>} : memref<16x128xf32, #tpu.memory_space<vmem>>, vector<1x16xf32>,
      %get3A_75 = vector.shape_cast %get3A_74 : vector<1x16xf32> to vector<16xf32>
      %max3A_76 = arith.maximumf %max3A_70, %get3A_75 : vector<16xf32>
      %get3A_77 = arith.constant 8 : i32
      %get3A_78 = arith.index_cast %get3A_77 : i32 to index
      %get3A_79 = arith.constant 0 : index
      %get3A_80 = tpu.vector_load %arg6[%get3A_78, %get3A_79] {strides = array<i32>} : memref<16x128xf32, #tpu.memory_space<vmem>>, vector<1x16xf32>,
      %get3A_81 = vector.shape_cast %get3A_80 : vector<1x16xf32> to vector<16xf32>
      %max3A_82 = arith.maximumf %max3A_76, %get3A_81 : vector<16xf32>
      %get3A_83 = arith.constant 9 : i32
      %get3A_84 = arith.index_cast %get3A_83 : i32 to index
      %get3A_85 = arith.constant 0 : index
      %get3A_86 = tpu.vector_load %arg6[%get3A_84, %get3A_85] {strides = array<i32>} : memref<16x128xf32, #tpu.memory_space<vmem>>, vector<1x16xf32>,
      %get3A_87 = vector.shape_cast %get3A_86 : vector<1x16xf32> to vector<16xf32>
      %max3A_88 = arith.maximumf %max3A_82, %get3A_87 : vector<16xf32>
      %get3A_89 = arith.constant 10 : i32
      %get3A_90 = arith.index_cast %get3A_89 : i32 to index
      %get3A_91 = arith.constant 0 : index
      %get3A_92 = tpu.vector_load %arg6[%get3A_90, %get3A_91] {strides = array<i32>} : memref<16x128xf32, #tpu.memory_space<vmem>>, vector<1x16xf32>,
      %get3A_93 = vector.shape_cast %get3A_92 : vector<1x16xf32> to vector<16xf32>
      %max3A_94 = arith.maximumf %max3A_88, %get3A_93 : vector<16xf32>
      %get3A_95 = arith.constant 11 : i32
      %get3A_96 = arith.index_cast %get3A_95 : i32 to index
      %get3A_97 = arith.constant 0 : index
      %get3A_98 = tpu.vector_load %arg6[%get3A_96, %get3A_97] {strides = array<i32>} : memref<16x128xf32, #tpu.memory_space<vmem>>, vector<1x16xf32>,
      %get3A_99 = vector.shape_cast %get3A_98 : vector<1x16xf32> to vector<16xf32>
      %max3A_100 = arith.maximumf %max3A_94, %get3A_99 : vector<16xf32>
      %get3A_101 = arith.constant 12 : i32
      %get3A_102 = arith.index_cast %get3A_101 : i32 to index
      %get3A_103 = arith.constant 0 : index
      %get3A_104 = tpu.vector_load %arg6[%get3A_102, %get3A_103] {strides = array<i32>} : memref<16x128xf32, #tpu.memory_space<vmem>>, vector<1x16xf32>,
      %get3A_105 = vector.shape_cast %get3A_104 : vector<1x16xf32> to vector<16xf32>
      %max3A_106 = arith.maximumf %max3A_100, %get3A_105 : vector<16xf32>
      %get3A_107 = arith.constant 13 : i32
      %get3A_108 = arith.index_cast %get3A_107 : i32 to index
      %get3A_109 = arith.constant 0 : index
      %get3A_110 = tpu.vector_load %arg6[%get3A_108, %get3A_109] {strides = array<i32>} : memref<16x128xf32, #tpu.memory_space<vmem>>, vector<1x16xf32>,
      %get3A_111 = vector.shape_cast %get3A_110 : vector<1x16xf32> to vector<16xf32>
      %max3A_112 = arith.maximumf %max3A_106, %get3A_111 : vector<16xf32>
      %get3A_113 = arith.constant 14 : i32
      %get3A_114 = arith.index_cast %get3A_113 : i32 to index
      %get3A_115 = arith.constant 0 : index
      %get3A_116 = tpu.vector_load %arg6[%get3A_114, %get3A_115] {strides = array<i32>} : memref<16x128xf32, #tpu.memory_space<vmem>>, vector<1x16xf32>,
      %get3A_117 = vector.shape_cast %get3A_116 : vector<1x16xf32> to vector<16xf32>
      %max3A_118 = arith.maximumf %max3A_112, %get3A_117 : vector<16xf32>
      %get3A_119 = arith.constant 15 : i32
      %get3A_120 = arith.index_cast %get3A_119 : i32 to index
      %get3A_121 = arith.constant 0 : index
      %get3A_122 = tpu.vector_load %arg6[%get3A_120, %get3A_121] {strides = array<i32>} : memref<16x128xf32, #tpu.memory_space<vmem>>, vector<1x16xf32>,
      %get3A_123 = vector.shape_cast %get3A_122 : vector<1x16xf32> to vector<16xf32>
      %max3A_124 = arith.maximumf %max3A_118, %get3A_123 : vector<16xf32>
      %swap3A = arith.index_cast %scan3A_20 : i32 to index
      %swap3A_125 = arith.constant 0 : index
      %swap3A_126 = tpu.vector_load %arg7[%swap3A, %swap3A_125] {strides = array<i32>} : memref<256x64xf32, #tpu.memory_space<vmem>>, vector<1x16xf32>,
      %swap3A_127 = vector.shape_cast %swap3A_126 : vector<1x16xf32> to vector<16xf32>
      %swap3A_128 = vector.shape_cast %max3A_124 : vector<16xf32> to vector<1x16xf32>
      tpu.vector_store %arg7[%swap3A, %swap3A_125], %swap3A_128 {strides = array<i32>} : memref<256x64xf32, #tpu.memory_space<vmem>>, vector<1x16xf32>,
      %get3A_129 = arith.constant 0 : i32
      %get3A_130 = arith.index_cast %get3A_129 : i32 to index
      %get3A_131 = arith.constant 16 : index
      %get3A_132 = tpu.vector_load %arg6[%get3A_130, %get3A_131] {strides = array<i32>} : memref<16x128xf32, #tpu.memory_space<vmem>>, vector<1x16xf32>,
      %get3A_133 = vector.shape_cast %get3A_132 : vector<1x16xf32> to vector<16xf32>
      %get3A_134 = arith.constant 1 : i32
      %get3A_135 = arith.index_cast %get3A_134 : i32 to index
      %get3A_136 = arith.constant 16 : index
      %get3A_137 = tpu.vector_load %arg6[%get3A_135, %get3A_136] {strides = array<i32>} : memref<16x128xf32, #tpu.memory_space<vmem>>, vector<1x16xf32>,
      %get3A_138 = vector.shape_cast %get3A_137 : vector<1x16xf32> to vector<16xf32>
      %max3A_139 = arith.maximumf %get3A_133, %get3A_138 : vector<16xf32>
      %get3A_140 = arith.constant 2 : i32
      %get3A_141 = arith.index_cast %get3A_140 : i32 to index
      %get3A_142 = arith.constant 16 : index
      %get3A_143 = tpu.vector_load %arg6[%get3A_141, %get3A_142] {strides = array<i32>} : memref<16x128xf32, #tpu.memory_space<vmem>>, vector<1x16xf32>,
      %get3A_144 = vector.shape_cast %get3A_143 : vector<1x16xf32> to vector<16xf32>
      %max3A_145 = arith.maximumf %max3A_139, %get3A_144 : vector<16xf32>
      %get3A_146 = arith.constant 3 : i32
      %get3A_147 = arith.index_cast %get3A_146 : i32 to index
      %get3A_148 = arith.constant 16 : index
      %get3A_149 = tpu.vector_load %arg6[%get3A_147, %get3A_148] {strides = array<i32>} : memref<16x128xf32, #tpu.memory_space<vmem>>, vector<1x16xf32>,
      %get3A_150 = vector.shape_cast %get3A_149 : vector<1x16xf32> to vector<16xf32>
      %max3A_151 = arith.maximumf %max3A_145, %get3A_150 : vector<16xf32>
      %get3A_152 = arith.constant 4 : i32
      %get3A_153 = arith.index_cast %get3A_152 : i32 to index
      %get3A_154 = arith.constant 16 : index
      %get3A_155 = tpu.vector_load %arg6[%get3A_153, %get3A_154] {strides = array<i32>} : memref<16x128xf32, #tpu.memory_space<vmem>>, vector<1x16xf32>,
      %get3A_156 = vector.shape_cast %get3A_155 : vector<1x16xf32> to vector<16xf32>
      %max3A_157 = arith.maximumf %max3A_151, %get3A_156 : vector<16xf32>
      %get3A_158 = arith.constant 5 : i32
      %get3A_159 = arith.index_cast %get3A_158 : i32 to index
      %get3A_160 = arith.constant 16 : index
      %get3A_161 = tpu.vector_load %arg6[%get3A_159, %get3A_160] {strides = array<i32>} : memref<16x128xf32, #tpu.memory_space<vmem>>, vector<1x16xf32>,
      %get3A_162 = vector.shape_cast %get3A_161 : vector<1x16xf32> to vector<16xf32>
      %max3A_163 = arith.maximumf %max3A_157, %get3A_162 : vector<16xf32>
      %get3A_164 = arith.constant 6 : i32
      %get3A_165 = arith.index_cast %get3A_164 : i32 to index
      %get3A_166 = arith.constant 16 : index
      %get3A_167 = tpu.vector_load %arg6[%get3A_165, %get3A_166] {strides = array<i32>} : memref<16x128xf32, #tpu.memory_space<vmem>>, vector<1x16xf32>,
      %get3A_168 = vector.shape_cast %get3A_167 : vector<1x16xf32> to vector<16xf32>
      %max3A_169 = arith.maximumf %max3A_163, %get3A_168 : vector<16xf32>
      %get3A_170 = arith.constant 7 : i32
      %get3A_171 = arith.index_cast %get3A_170 : i32 to index
      %get3A_172 = arith.constant 16 : index
      %get3A_173 = tpu.vector_load %arg6[%get3A_171, %get3A_172] {strides = array<i32>} : memref<16x128xf32, #tpu.memory_space<vmem>>, vector<1x16xf32>,
      %get3A_174 = vector.shape_cast %get3A_173 : vector<1x16xf32> to vector<16xf32>
      %max3A_175 = arith.maximumf %max3A_169, %get3A_174 : vector<16xf32>
      %get3A_176 = arith.constant 8 : i32
      %get3A_177 = arith.index_cast %get3A_176 : i32 to index
      %get3A_178 = arith.constant 16 : index
      %get3A_179 = tpu.vector_load %arg6[%get3A_177, %get3A_178] {strides = array<i32>} : memref<16x128xf32, #tpu.memory_space<vmem>>, vector<1x16xf32>,
      %get3A_180 = vector.shape_cast %get3A_179 : vector<1x16xf32> to vector<16xf32>
      %max3A_181 = arith.maximumf %max3A_175, %get3A_180 : vector<16xf32>
      %get3A_182 = arith.constant 9 : i32
      %get3A_183 = arith.index_cast %get3A_182 : i32 to index
      %get3A_184 = arith.constant 16 : index
      %get3A_185 = tpu.vector_load %arg6[%get3A_183, %get3A_184] {strides = array<i32>} : memref<16x128xf32, #tpu.memory_space<vmem>>, vector<1x16xf32>,
      %get3A_186 = vector.shape_cast %get3A_185 : vector<1x16xf32> to vector<16xf32>
      %max3A_187 = arith.maximumf %max3A_181, %get3A_186 : vector<16xf32>
      %get3A_188 = arith.constant 10 : i32
      %get3A_189 = arith.index_cast %get3A_188 : i32 to index
      %get3A_190 = arith.constant 16 : index
      %get3A_191 = tpu.vector_load %arg6[%get3A_189, %get3A_190] {strides = array<i32>} : memref<16x128xf32, #tpu.memory_space<vmem>>, vector<1x16xf32>,
      %get3A_192 = vector.shape_cast %get3A_191 : vector<1x16xf32> to vector<16xf32>
      %max3A_193 = arith.maximumf %max3A_187, %get3A_192 : vector<16xf32>
      %get3A_194 = arith.constant 11 : i32
      %get3A_195 = arith.index_cast %get3A_194 : i32 to index
      %get3A_196 = arith.constant 16 : index
      %get3A_197 = tpu.vector_load %arg6[%get3A_195, %get3A_196] {strides = array<i32>} : memref<16x128xf32, #tpu.memory_space<vmem>>, vector<1x16xf32>,
      %get3A_198 = vector.shape_cast %get3A_197 : vector<1x16xf32> to vector<16xf32>
      %max3A_199 = arith.maximumf %max3A_193, %get3A_198 : vector<16xf32>
      %get3A_200 = arith.constant 12 : i32
      %get3A_201 = arith.index_cast %get3A_200 : i32 to index
      %get3A_202 = arith.constant 16 : index
      %get3A_203 = tpu.vector_load %arg6[%get3A_201, %get3A_202] {strides = array<i32>} : memref<16x128xf32, #tpu.memory_space<vmem>>, vector<1x16xf32>,
      %get3A_204 = vector.shape_cast %get3A_203 : vector<1x16xf32> to vector<16xf32>
      %max3A_205 = arith.maximumf %max3A_199, %get3A_204 : vector<16xf32>
      %get3A_206 = arith.constant 13 : i32
      %get3A_207 = arith.index_cast %get3A_206 : i32 to index
      %get3A_208 = arith.constant 16 : index
      %get3A_209 = tpu.vector_load %arg6[%get3A_207, %get3A_208] {strides = array<i32>} : memref<16x128xf32, #tpu.memory_space<vmem>>, vector<1x16xf32>,
      %get3A_210 = vector.shape_cast %get3A_209 : vector<1x16xf32> to vector<16xf32>
      %max3A_211 = arith.maximumf %max3A_205, %get3A_210 : vector<16xf32>
      %get3A_212 = arith.constant 14 : i32
      %get3A_213 = arith.index_cast %get3A_212 : i32 to index
      %get3A_214 = arith.constant 16 : index
      %get3A_215 = tpu.vector_load %arg6[%get3A_213, %get3A_214] {strides = array<i32>} : memref<16x128xf32, #tpu.memory_space<vmem>>, vector<1x16xf32>,
      %get3A_216 = vector.shape_cast %get3A_215 : vector<1x16xf32> to vector<16xf32>
      %max3A_217 = arith.maximumf %max3A_211, %get3A_216 : vector<16xf32>
      %get3A_218 = arith.constant 15 : i32
      %get3A_219 = arith.index_cast %get3A_218 : i32 to index
      %get3A_220 = arith.constant 16 : index
      %get3A_221 = tpu.vector_load %arg6[%get3A_219, %get3A_220] {strides = array<i32>} : memref<16x128xf32, #tpu.memory_space<vmem>>, vector<1x16xf32>,
      %get3A_222 = vector.shape_cast %get3A_221 : vector<1x16xf32> to vector<16xf32>
      %max3A_223 = arith.maximumf %max3A_217, %get3A_222 : vector<16xf32>
      %swap3A_224 = arith.index_cast %scan3A_20 : i32 to index
      %swap3A_225 = arith.constant 16 : index
      %swap3A_226 = tpu.vector_load %arg7[%swap3A_224, %swap3A_225] {strides = array<i32>} : memref<256x64xf32, #tpu.memory_space<vmem>>, vector<1x16xf32>,
      %swap3A_227 = vector.shape_cast %swap3A_226 : vector<1x16xf32> to vector<16xf32>
      %swap3A_228 = vector.shape_cast %max3A_223 : vector<16xf32> to vector<1x16xf32>
      tpu.vector_store %arg7[%swap3A_224, %swap3A_225], %swap3A_228 {strides = array<i32>} : memref<256x64xf32, #tpu.memory_space<vmem>>, vector<1x16xf32>,
      %get3A_229 = arith.constant 0 : i32
      %get3A_230 = arith.index_cast %get3A_229 : i32 to index
      %get3A_231 = arith.constant 32 : index
      %get3A_232 = tpu.vector_load %arg6[%get3A_230, %get3A_231] {strides = array<i32>} : memref<16x128xf32, #tpu.memory_space<vmem>>, vector<1x16xf32>,
      %get3A_233 = vector.shape_cast %get3A_232 : vector<1x16xf32> to vector<16xf32>
      %get3A_234 = arith.constant 1 : i32
      %get3A_235 = arith.index_cast %get3A_234 : i32 to index
      %get3A_236 = arith.constant 32 : index
      %get3A_237 = tpu.vector_load %arg6[%get3A_235, %get3A_236] {strides = array<i32>} : memref<16x128xf32, #tpu.memory_space<vmem>>, vector<1x16xf32>,
      %get3A_238 = vector.shape_cast %get3A_237 : vector<1x16xf32> to vector<16xf32>
      %max3A_239 = arith.maximumf %get3A_233, %get3A_238 : vector<16xf32>
      %get3A_240 = arith.constant 2 : i32
      %get3A_241 = arith.index_cast %get3A_240 : i32 to index
      %get3A_242 = arith.constant 32 : index
      %get3A_243 = tpu.vector_load %arg6[%get3A_241, %get3A_242] {strides = array<i32>} : memref<16x128xf32, #tpu.memory_space<vmem>>, vector<1x16xf32>,
      %get3A_244 = vector.shape_cast %get3A_243 : vector<1x16xf32> to vector<16xf32>
      %max3A_245 = arith.maximumf %max3A_239, %get3A_244 : vector<16xf32>
      %get3A_246 = arith.constant 3 : i32
      %get3A_247 = arith.index_cast %get3A_246 : i32 to index
      %get3A_248 = arith.constant 32 : index
      %get3A_249 = tpu.vector_load %arg6[%get3A_247, %get3A_248] {strides = array<i32>} : memref<16x128xf32, #tpu.memory_space<vmem>>, vector<1x16xf32>,
      %get3A_250 = vector.shape_cast %get3A_249 : vector<1x16xf32> to vector<16xf32>
      %max3A_251 = arith.maximumf %max3A_245, %get3A_250 : vector<16xf32>
      %get3A_252 = arith.constant 4 : i32
      %get3A_253 = arith.index_cast %get3A_252 : i32 to index
      %get3A_254 = arith.constant 32 : index
      %get3A_255 = tpu.vector_load %arg6[%get3A_253, %get3A_254] {strides = array<i32>} : memref<16x128xf32, #tpu.memory_space<vmem>>, vector<1x16xf32>,
      %get3A_256 = vector.shape_cast %get3A_255 : vector<1x16xf32> to vector<16xf32>
      %max3A_257 = arith.maximumf %max3A_251, %get3A_256 : vector<16xf32>
      %get3A_258 = arith.constant 5 : i32
      %get3A_259 = arith.index_cast %get3A_258 : i32 to index
      %get3A_260 = arith.constant 32 : index
      %get3A_261 = tpu.vector_load %arg6[%get3A_259, %get3A_260] {strides = array<i32>} : memref<16x128xf32, #tpu.memory_space<vmem>>, vector<1x16xf32>,
      %get3A_262 = vector.shape_cast %get3A_261 : vector<1x16xf32> to vector<16xf32>
      %max3A_263 = arith.maximumf %max3A_257, %get3A_262 : vector<16xf32>
      %get3A_264 = arith.constant 6 : i32
      %get3A_265 = arith.index_cast %get3A_264 : i32 to index
      %get3A_266 = arith.constant 32 : index
      %get3A_267 = tpu.vector_load %arg6[%get3A_265, %get3A_266] {strides = array<i32>} : memref<16x128xf32, #tpu.memory_space<vmem>>, vector<1x16xf32>,
      %get3A_268 = vector.shape_cast %get3A_267 : vector<1x16xf32> to vector<16xf32>
      %max3A_269 = arith.maximumf %max3A_263, %get3A_268 : vector<16xf32>
      %get3A_270 = arith.constant 7 : i32
      %get3A_271 = arith.index_cast %get3A_270 : i32 to index
      %get3A_272 = arith.constant 32 : index
      %get3A_273 = tpu.vector_load %arg6[%get3A_271, %get3A_272] {strides = array<i32>} : memref<16x128xf32, #tpu.memory_space<vmem>>, vector<1x16xf32>,
      %get3A_274 = vector.shape_cast %get3A_273 : vector<1x16xf32> to vector<16xf32>
      %max3A_275 = arith.maximumf %max3A_269, %get3A_274 : vector<16xf32>
      %get3A_276 = arith.constant 8 : i32
      %get3A_277 = arith.index_cast %get3A_276 : i32 to index
      %get3A_278 = arith.constant 32 : index
      %get3A_279 = tpu.vector_load %arg6[%get3A_277, %get3A_278] {strides = array<i32>} : memref<16x128xf32, #tpu.memory_space<vmem>>, vector<1x16xf32>,
      %get3A_280 = vector.shape_cast %get3A_279 : vector<1x16xf32> to vector<16xf32>
      %max3A_281 = arith.maximumf %max3A_275, %get3A_280 : vector<16xf32>
      %get3A_282 = arith.constant 9 : i32
      %get3A_283 = arith.index_cast %get3A_282 : i32 to index
      %get3A_284 = arith.constant 32 : index
      %get3A_285 = tpu.vector_load %arg6[%get3A_283, %get3A_284] {strides = array<i32>} : memref<16x128xf32, #tpu.memory_space<vmem>>, vector<1x16xf32>,
      %get3A_286 = vector.shape_cast %get3A_285 : vector<1x16xf32> to vector<16xf32>
      %max3A_287 = arith.maximumf %max3A_281, %get3A_286 : vector<16xf32>
      %get3A_288 = arith.constant 10 : i32
      %get3A_289 = arith.index_cast %get3A_288 : i32 to index
      %get3A_290 = arith.constant 32 : index
      %get3A_291 = tpu.vector_load %arg6[%get3A_289, %get3A_290] {strides = array<i32>} : memref<16x128xf32, #tpu.memory_space<vmem>>, vector<1x16xf32>,
      %get3A_292 = vector.shape_cast %get3A_291 : vector<1x16xf32> to vector<16xf32>
      %max3A_293 = arith.maximumf %max3A_287, %get3A_292 : vector<16xf32>
      %get3A_294 = arith.constant 11 : i32
      %get3A_295 = arith.index_cast %get3A_294 : i32 to index
      %get3A_296 = arith.constant 32 : index
      %get3A_297 = tpu.vector_load %arg6[%get3A_295, %get3A_296] {strides = array<i32>} : memref<16x128xf32, #tpu.memory_space<vmem>>, vector<1x16xf32>,
      %get3A_298 = vector.shape_cast %get3A_297 : vector<1x16xf32> to vector<16xf32>
      %max3A_299 = arith.maximumf %max3A_293, %get3A_298 : vector<16xf32>
      %get3A_300 = arith.constant 12 : i32
      %get3A_301 = arith.index_cast %get3A_300 : i32 to index
      %get3A_302 = arith.constant 32 : index
      %get3A_303 = tpu.vector_load %arg6[%get3A_301, %get3A_302] {strides = array<i32>} : memref<16x128xf32, #tpu.memory_space<vmem>>, vector<1x16xf32>,
      %get3A_304 = vector.shape_cast %get3A_303 : vector<1x16xf32> to vector<16xf32>
      %max3A_305 = arith.maximumf %max3A_299, %get3A_304 : vector<16xf32>
      %get3A_306 = arith.constant 13 : i32
      %get3A_307 = arith.index_cast %get3A_306 : i32 to index
      %get3A_308 = arith.constant 32 : index
      %get3A_309 = tpu.vector_load %arg6[%get3A_307, %get3A_308] {strides = array<i32>} : memref<16x128xf32, #tpu.memory_space<vmem>>, vector<1x16xf32>,
      %get3A_310 = vector.shape_cast %get3A_309 : vector<1x16xf32> to vector<16xf32>
      %max3A_311 = arith.maximumf %max3A_305, %get3A_310 : vector<16xf32>
      %get3A_312 = arith.constant 14 : i32
      %get3A_313 = arith.index_cast %get3A_312 : i32 to index
      %get3A_314 = arith.constant 32 : index
      %get3A_315 = tpu.vector_load %arg6[%get3A_313, %get3A_314] {strides = array<i32>} : memref<16x128xf32, #tpu.memory_space<vmem>>, vector<1x16xf32>,
      %get3A_316 = vector.shape_cast %get3A_315 : vector<1x16xf32> to vector<16xf32>
      %max3A_317 = arith.maximumf %max3A_311, %get3A_316 : vector<16xf32>
      %get3A_318 = arith.constant 15 : i32
      %get3A_319 = arith.index_cast %get3A_318 : i32 to index
      %get3A_320 = arith.constant 32 : index
      %get3A_321 = tpu.vector_load %arg6[%get3A_319, %get3A_320] {strides = array<i32>} : memref<16x128xf32, #tpu.memory_space<vmem>>, vector<1x16xf32>,
      %get3A_322 = vector.shape_cast %get3A_321 : vector<1x16xf32> to vector<16xf32>
      %max3A_323 = arith.maximumf %max3A_317, %get3A_322 : vector<16xf32>
      %swap3A_324 = arith.index_cast %scan3A_20 : i32 to index
      %swap3A_325 = arith.constant 32 : index
      %swap3A_326 = tpu.vector_load %arg7[%swap3A_324, %swap3A_325] {strides = array<i32>} : memref<256x64xf32, #tpu.memory_space<vmem>>, vector<1x16xf32>,
      %swap3A_327 = vector.shape_cast %swap3A_326 : vector<1x16xf32> to vector<16xf32>
      %swap3A_328 = vector.shape_cast %max3A_323 : vector<16xf32> to vector<1x16xf32>
      tpu.vector_store %arg7[%swap3A_324, %swap3A_325], %swap3A_328 {strides = array<i32>} : memref<256x64xf32, #tpu.memory_space<vmem>>, vector<1x16xf32>,
      %get3A_329 = arith.constant 0 : i32
      %get3A_330 = arith.index_cast %get3A_329 : i32 to index
      %get3A_331 = arith.constant 48 : index
      %get3A_332 = tpu.vector_load %arg6[%get3A_330, %get3A_331] {strides = array<i32>} : memref<16x128xf32, #tpu.memory_space<vmem>>, vector<1x16xf32>,
      %get3A_333 = vector.shape_cast %get3A_332 : vector<1x16xf32> to vector<16xf32>
      %get3A_334 = arith.constant 1 : i32
      %get3A_335 = arith.index_cast %get3A_334 : i32 to index
      %get3A_336 = arith.constant 48 : index
      %get3A_337 = tpu.vector_load %arg6[%get3A_335, %get3A_336] {strides = array<i32>} : memref<16x128xf32, #tpu.memory_space<vmem>>, vector<1x16xf32>,
      %get3A_338 = vector.shape_cast %get3A_337 : vector<1x16xf32> to vector<16xf32>
      %max3A_339 = arith.maximumf %get3A_333, %get3A_338 : vector<16xf32>
      %get3A_340 = arith.constant 2 : i32
      %get3A_341 = arith.index_cast %get3A_340 : i32 to index
      %get3A_342 = arith.constant 48 : index
      %get3A_343 = tpu.vector_load %arg6[%get3A_341, %get3A_342] {strides = array<i32>} : memref<16x128xf32, #tpu.memory_space<vmem>>, vector<1x16xf32>,
      %get3A_344 = vector.shape_cast %get3A_343 : vector<1x16xf32> to vector<16xf32>
      %max3A_345 = arith.maximumf %max3A_339, %get3A_344 : vector<16xf32>
      %get3A_346 = arith.constant 3 : i32
      %get3A_347 = arith.index_cast %get3A_346 : i32 to index
      %get3A_348 = arith.constant 48 : index
      %get3A_349 = tpu.vector_load %arg6[%get3A_347, %get3A_348] {strides = array<i32>} : memref<16x128xf32, #tpu.memory_space<vmem>>, vector<1x16xf32>,
      %get3A_350 = vector.shape_cast %get3A_349 : vector<1x16xf32> to vector<16xf32>
      %max3A_351 = arith.maximumf %max3A_345, %get3A_350 : vector<16xf32>
      %get3A_352 = arith.constant 4 : i32
      %get3A_353 = arith.index_cast %get3A_352 : i32 to index
      %get3A_354 = arith.constant 48 : index
      %get3A_355 = tpu.vector_load %arg6[%get3A_353, %get3A_354] {strides = array<i32>} : memref<16x128xf32, #tpu.memory_space<vmem>>, vector<1x16xf32>,
      %get3A_356 = vector.shape_cast %get3A_355 : vector<1x16xf32> to vector<16xf32>
      %max3A_357 = arith.maximumf %max3A_351, %get3A_356 : vector<16xf32>
      %get3A_358 = arith.constant 5 : i32
      %get3A_359 = arith.index_cast %get3A_358 : i32 to index
      %get3A_360 = arith.constant 48 : index
      %get3A_361 = tpu.vector_load %arg6[%get3A_359, %get3A_360] {strides = array<i32>} : memref<16x128xf32, #tpu.memory_space<vmem>>, vector<1x16xf32>,
      %get3A_362 = vector.shape_cast %get3A_361 : vector<1x16xf32> to vector<16xf32>
      %max3A_363 = arith.maximumf %max3A_357, %get3A_362 : vector<16xf32>
      %get3A_364 = arith.constant 6 : i32
      %get3A_365 = arith.index_cast %get3A_364 : i32 to index
      %get3A_366 = arith.constant 48 : index
      %get3A_367 = tpu.vector_load %arg6[%get3A_365, %get3A_366] {strides = array<i32>} : memref<16x128xf32, #tpu.memory_space<vmem>>, vector<1x16xf32>,
      %get3A_368 = vector.shape_cast %get3A_367 : vector<1x16xf32> to vector<16xf32>
      %max3A_369 = arith.maximumf %max3A_363, %get3A_368 : vector<16xf32>
      %get3A_370 = arith.constant 7 : i32
      %get3A_371 = arith.index_cast %get3A_370 : i32 to index
      %get3A_372 = arith.constant 48 : index
      %get3A_373 = tpu.vector_load %arg6[%get3A_371, %get3A_372] {strides = array<i32>} : memref<16x128xf32, #tpu.memory_space<vmem>>, vector<1x16xf32>,
      %get3A_374 = vector.shape_cast %get3A_373 : vector<1x16xf32> to vector<16xf32>
      %max3A_375 = arith.maximumf %max3A_369, %get3A_374 : vector<16xf32>
      %get3A_376 = arith.constant 8 : i32
      %get3A_377 = arith.index_cast %get3A_376 : i32 to index
      %get3A_378 = arith.constant 48 : index
      %get3A_379 = tpu.vector_load %arg6[%get3A_377, %get3A_378] {strides = array<i32>} : memref<16x128xf32, #tpu.memory_space<vmem>>, vector<1x16xf32>,
      %get3A_380 = vector.shape_cast %get3A_379 : vector<1x16xf32> to vector<16xf32>
      %max3A_381 = arith.maximumf %max3A_375, %get3A_380 : vector<16xf32>
      %get3A_382 = arith.constant 9 : i32
      %get3A_383 = arith.index_cast %get3A_382 : i32 to index
      %get3A_384 = arith.constant 48 : index
      %get3A_385 = tpu.vector_load %arg6[%get3A_383, %get3A_384] {strides = array<i32>} : memref<16x128xf32, #tpu.memory_space<vmem>>, vector<1x16xf32>,
      %get3A_386 = vector.shape_cast %get3A_385 : vector<1x16xf32> to vector<16xf32>
      %max3A_387 = arith.maximumf %max3A_381, %get3A_386 : vector<16xf32>
      %get3A_388 = arith.constant 10 : i32
      %get3A_389 = arith.index_cast %get3A_388 : i32 to index
      %get3A_390 = arith.constant 48 : index
      %get3A_391 = tpu.vector_load %arg6[%get3A_389, %get3A_390] {strides = array<i32>} : memref<16x128xf32, #tpu.memory_space<vmem>>, vector<1x16xf32>,
      %get3A_392 = vector.shape_cast %get3A_391 : vector<1x16xf32> to vector<16xf32>
      %max3A_393 = arith.maximumf %max3A_387, %get3A_392 : vector<16xf32>
      %get3A_394 = arith.constant 11 : i32
      %get3A_395 = arith.index_cast %get3A_394 : i32 to index
      %get3A_396 = arith.constant 48 : index
      %get3A_397 = tpu.vector_load %arg6[%get3A_395, %get3A_396] {strides = array<i32>} : memref<16x128xf32, #tpu.memory_space<vmem>>, vector<1x16xf32>,
      %get3A_398 = vector.shape_cast %get3A_397 : vector<1x16xf32> to vector<16xf32>
      %max3A_399 = arith.maximumf %max3A_393, %get3A_398 : vector<16xf32>
      %get3A_400 = arith.constant 12 : i32
      %get3A_401 = arith.index_cast %get3A_400 : i32 to index
      %get3A_402 = arith.constant 48 : index
      %get3A_403 = tpu.vector_load %arg6[%get3A_401, %get3A_402] {strides = array<i32>} : memref<16x128xf32, #tpu.memory_space<vmem>>, vector<1x16xf32>,
      %get3A_404 = vector.shape_cast %get3A_403 : vector<1x16xf32> to vector<16xf32>
      %max3A_405 = arith.maximumf %max3A_399, %get3A_404 : vector<16xf32>
      %get3A_406 = arith.constant 13 : i32
      %get3A_407 = arith.index_cast %get3A_406 : i32 to index
      %get3A_408 = arith.constant 48 : index
      %get3A_409 = tpu.vector_load %arg6[%get3A_407, %get3A_408] {strides = array<i32>} : memref<16x128xf32, #tpu.memory_space<vmem>>, vector<1x16xf32>,
      %get3A_410 = vector.shape_cast %get3A_409 : vector<1x16xf32> to vector<16xf32>
      %max3A_411 = arith.maximumf %max3A_405, %get3A_410 : vector<16xf32>
      %get3A_412 = arith.constant 14 : i32
      %get3A_413 = arith.index_cast %get3A_412 : i32 to index
      %get3A_414 = arith.constant 48 : index
      %get3A_415 = tpu.vector_load %arg6[%get3A_413, %get3A_414] {strides = array<i32>} : memref<16x128xf32, #tpu.memory_space<vmem>>, vector<1x16xf32>,
      %get3A_416 = vector.shape_cast %get3A_415 : vector<1x16xf32> to vector<16xf32>
      %max3A_417 = arith.maximumf %max3A_411, %get3A_416 : vector<16xf32>
      %get3A_418 = arith.constant 15 : i32
      %get3A_419 = arith.index_cast %get3A_418 : i32 to index
      %get3A_420 = arith.constant 48 : index
      %get3A_421 = tpu.vector_load %arg6[%get3A_419, %get3A_420] {strides = array<i32>} : memref<16x128xf32, #tpu.memory_space<vmem>>, vector<1x16xf32>,
      %get3A_422 = vector.shape_cast %get3A_421 : vector<1x16xf32> to vector<16xf32>
      %max3A_423 = arith.maximumf %max3A_417, %get3A_422 : vector<16xf32>
      %swap3A_424 = arith.index_cast %scan3A_20 : i32 to index
      %swap3A_425 = arith.constant 48 : index
      %swap3A_426 = tpu.vector_load %arg7[%swap3A_424, %swap3A_425] {strides = array<i32>} : memref<256x64xf32, #tpu.memory_space<vmem>>, vector<1x16xf32>,
      %swap3A_427 = vector.shape_cast %swap3A_426 : vector<1x16xf32> to vector<16xf32>
      %swap3A_428 = vector.shape_cast %max3A_423 : vector<16xf32> to vector<1x16xf32>
      tpu.vector_store %arg7[%swap3A_424, %swap3A_425], %swap3A_428 {strides = array<i32>} : memref<256x64xf32, #tpu.memory_space<vmem>>, vector<1x16xf32>,
      %scan3A_429 = arith.constant 0 : i32
      scf.yield %scan3A_429 : i32
    }
    %scan3A_8 = arith.constant 256 : i32
    %add3A_9 = arith.constant 0 : i32
    %add3A_10 = arith.addi %mul3A_2, %add3A_9 : i32
    "tpu.region"() ({
      %run_scoped3A = tpu.sem_alloc : memref<!tpu.dma_semaphore, #tpu.memory_space<semaphore_mem>>
      %dma_start3A = arith.constant 0 : i32
      %dma_start3A_20 = tpu.memref_slice %arg4[%add3A_10, %dma_start3A] : memref<16384x64xf32, #tpu.memory_space<hbm>> -> memref<256x64xf32, #tpu.memory_space<hbm>>
      %dma_start3A_21 = arith.constant 0 : i32
      %dma_start3A_22 = tpu.memref_slice %arg4[%add3A_10, %dma_start3A_21] : memref<16384x64xf32, #tpu.memory_space<hbm>> -> memref<256x64xf32, #tpu.memory_space<hbm>>
      tpu.enqueue_dma source(%arg7 : memref<256x64xf32, #tpu.memory_space<vmem>>) target(%dma_start3A_22 : memref<256x64xf32, #tpu.memory_space<hbm>>) target_semaphore(%run_scoped3A : memref<!tpu.dma_semaphore, #tpu.memory_space<semaphore_mem>>)
      %dma_wait3A = arith.constant 0 : i32
      %dma_wait3A_23 = tpu.memref_slice %arg4[%add3A_10, %dma_wait3A] : memref<16384x64xf32, #tpu.memory_space<hbm>> -> memref<256x64xf32, #tpu.memory_space<hbm>>
      %dma_wait3A_24 = arith.constant 0 : i32
      %dma_wait3A_25 = tpu.memref_slice %arg4[%add3A_10, %dma_wait3A_24] : memref<16384x64xf32, #tpu.memory_space<hbm>> -> memref<256x64xf32, #tpu.memory_space<hbm>>
      tpu.wait_dma2 semaphore(%run_scoped3A : memref<!tpu.dma_semaphore, #tpu.memory_space<semaphore_mem>>) src(%arg7 : memref<256x64xf32, #tpu.memory_space<vmem>>) dst(%dma_wait3A_25 : memref<256x64xf32, #tpu.memory_space<hbm>>)
      tpu.yield
    }) : () -> ()
    %scan3A_11 = arith.constant 0 : i32
    %scan3A_12 = arith.constant 0 : i32
    %scan3A_13 = arith.constant 256 : i32
    %scan3A_14 = arith.addi %scan3A_12, %scan3A_13 : i32
    %scan3A_15 = arith.constant 1 : i32
    %scan3A_16 = scf.for %scan3A_20 = %scan3A_12 to %scan3A_14 step %scan3A_15 iter_args(%scan3A_21 = %scan3A_11) -> (i32)  : i32 {
      %add3A_22 = arith.constant 256 : i32
      %add3A_23 = arith.addi %add3A_22, %scan3A_20 : i32
      %get3A = arith.index_cast %add3A_23 : i32 to index
      %get3A_24 = arith.constant 0 : index
      %get3A_25 = tpu.vector_load %arg5[%get3A, %get3A_24] {strides = array<i32>} : memref<512x16xi32, #tpu.memory_space<vmem>>, vector<1x16xi32>,
      %get3A_26 = vector.shape_cast %get3A_25 : vector<1x16xi32> to vector<16xi32>
      %dma_start3A = arith.constant 0 : i32
      %dma_start3A_27 = arith.constant 0 : i32
      %dma_start3A_28 = tpu.memref_slice %arg2[%dma_start3A, %dma_start3A_27] : memref<65536x128xf32, #tpu.memory_space<hbm>> -> memref<65536x128xf32, #tpu.memory_space<hbm>>
      tpu.enqueue_indirect_dma source(%dma_start3A_28 : memref<65536x128xf32, #tpu.memory_space<hbm>>) target(%arg6 : memref<16x128xf32, #tpu.memory_space<vmem>>) offsets(%get3A_26 : vector<16xi32>) semaphore(%arg8 : memref<!tpu.dma_semaphore, #tpu.memory_space<semaphore_mem>>)
      %dma_wait3A = arith.constant 0 : i32
      %dma_wait3A_29 = arith.constant 0 : i32
      %dma_wait3A_30 = tpu.memref_slice %arg2[%dma_wait3A, %dma_wait3A_29] : memref<65536x128xf32, #tpu.memory_space<hbm>> -> memref<65536x128xf32, #tpu.memory_space<hbm>>
      tpu.wait_indirect_dma semaphore(%arg8 : memref<!tpu.dma_semaphore, #tpu.memory_space<semaphore_mem>>) src(%dma_wait3A_30 : memref<65536x128xf32, #tpu.memory_space<hbm>>) dst(%arg6 : memref<16x128xf32, #tpu.memory_space<vmem>>)
      %get3A_31 = arith.constant 0 : i32
      %get3A_32 = arith.index_cast %get3A_31 : i32 to index
      %get3A_33 = arith.constant 0 : index
      %get3A_34 = tpu.vector_load %arg6[%get3A_32, %get3A_33] {strides = array<i32>} : memref<16x128xf32, #tpu.memory_space<vmem>>, vector<1x16xf32>,
      %get3A_35 = vector.shape_cast %get3A_34 : vector<1x16xf32> to vector<16xf32>
      %get3A_36 = arith.constant 1 : i32
      %get3A_37 = arith.index_cast %get3A_36 : i32 to index
      %get3A_38 = arith.constant 0 : index
      %get3A_39 = tpu.vector_load %arg6[%get3A_37, %get3A_38] {strides = array<i32>} : memref<16x128xf32, #tpu.memory_space<vmem>>, vector<1x16xf32>,
      %get3A_40 = vector.shape_cast %get3A_39 : vector<1x16xf32> to vector<16xf32>
      %max3A = arith.maximumf %get3A_35, %get3A_40 : vector<16xf32>
      %get3A_41 = arith.constant 2 : i32
      %get3A_42 = arith.index_cast %get3A_41 : i32 to index
      %get3A_43 = arith.constant 0 : index
      %get3A_44 = tpu.vector_load %arg6[%get3A_42, %get3A_43] {strides = array<i32>} : memref<16x128xf32, #tpu.memory_space<vmem>>, vector<1x16xf32>,
      %get3A_45 = vector.shape_cast %get3A_44 : vector<1x16xf32> to vector<16xf32>
      %max3A_46 = arith.maximumf %max3A, %get3A_45 : vector<16xf32>
      %get3A_47 = arith.constant 3 : i32
      %get3A_48 = arith.index_cast %get3A_47 : i32 to index
      %get3A_49 = arith.constant 0 : index
      %get3A_50 = tpu.vector_load %arg6[%get3A_48, %get3A_49] {strides = array<i32>} : memref<16x128xf32, #tpu.memory_space<vmem>>, vector<1x16xf32>,
      %get3A_51 = vector.shape_cast %get3A_50 : vector<1x16xf32> to vector<16xf32>
      %max3A_52 = arith.maximumf %max3A_46, %get3A_51 : vector<16xf32>
      %get3A_53 = arith.constant 4 : i32
      %get3A_54 = arith.index_cast %get3A_53 : i32 to index
      %get3A_55 = arith.constant 0 : index
      %get3A_56 = tpu.vector_load %arg6[%get3A_54, %get3A_55] {strides = array<i32>} : memref<16x128xf32, #tpu.memory_space<vmem>>, vector<1x16xf32>,
      %get3A_57 = vector.shape_cast %get3A_56 : vector<1x16xf32> to vector<16xf32>
      %max3A_58 = arith.maximumf %max3A_52, %get3A_57 : vector<16xf32>
      %get3A_59 = arith.constant 5 : i32
      %get3A_60 = arith.index_cast %get3A_59 : i32 to index
      %get3A_61 = arith.constant 0 : index
      %get3A_62 = tpu.vector_load %arg6[%get3A_60, %get3A_61] {strides = array<i32>} : memref<16x128xf32, #tpu.memory_space<vmem>>, vector<1x16xf32>,
      %get3A_63 = vector.shape_cast %get3A_62 : vector<1x16xf32> to vector<16xf32>
      %max3A_64 = arith.maximumf %max3A_58, %get3A_63 : vector<16xf32>
      %get3A_65 = arith.constant 6 : i32
      %get3A_66 = arith.index_cast %get3A_65 : i32 to index
      %get3A_67 = arith.constant 0 : index
      %get3A_68 = tpu.vector_load %arg6[%get3A_66, %get3A_67] {strides = array<i32>} : memref<16x128xf32, #tpu.memory_space<vmem>>, vector<1x16xf32>,
      %get3A_69 = vector.shape_cast %get3A_68 : vector<1x16xf32> to vector<16xf32>
      %max3A_70 = arith.maximumf %max3A_64, %get3A_69 : vector<16xf32>
      %get3A_71 = arith.constant 7 : i32
      %get3A_72 = arith.index_cast %get3A_71 : i32 to index
      %get3A_73 = arith.constant 0 : index
      %get3A_74 = tpu.vector_load %arg6[%get3A_72, %get3A_73] {strides = array<i32>} : memref<16x128xf32, #tpu.memory_space<vmem>>, vector<1x16xf32>,
      %get3A_75 = vector.shape_cast %get3A_74 : vector<1x16xf32> to vector<16xf32>
      %max3A_76 = arith.maximumf %max3A_70, %get3A_75 : vector<16xf32>
      %get3A_77 = arith.constant 8 : i32
      %get3A_78 = arith.index_cast %get3A_77 : i32 to index
      %get3A_79 = arith.constant 0 : index
      %get3A_80 = tpu.vector_load %arg6[%get3A_78, %get3A_79] {strides = array<i32>} : memref<16x128xf32, #tpu.memory_space<vmem>>, vector<1x16xf32>,
      %get3A_81 = vector.shape_cast %get3A_80 : vector<1x16xf32> to vector<16xf32>
      %max3A_82 = arith.maximumf %max3A_76, %get3A_81 : vector<16xf32>
      %get3A_83 = arith.constant 9 : i32
      %get3A_84 = arith.index_cast %get3A_83 : i32 to index
      %get3A_85 = arith.constant 0 : index
      %get3A_86 = tpu.vector_load %arg6[%get3A_84, %get3A_85] {strides = array<i32>} : memref<16x128xf32, #tpu.memory_space<vmem>>, vector<1x16xf32>,
      %get3A_87 = vector.shape_cast %get3A_86 : vector<1x16xf32> to vector<16xf32>
      %max3A_88 = arith.maximumf %max3A_82, %get3A_87 : vector<16xf32>
      %get3A_89 = arith.constant 10 : i32
      %get3A_90 = arith.index_cast %get3A_89 : i32 to index
      %get3A_91 = arith.constant 0 : index
      %get3A_92 = tpu.vector_load %arg6[%get3A_90, %get3A_91] {strides = array<i32>} : memref<16x128xf32, #tpu.memory_space<vmem>>, vector<1x16xf32>,
      %get3A_93 = vector.shape_cast %get3A_92 : vector<1x16xf32> to vector<16xf32>
      %max3A_94 = arith.maximumf %max3A_88, %get3A_93 : vector<16xf32>
      %get3A_95 = arith.constant 11 : i32
      %get3A_96 = arith.index_cast %get3A_95 : i32 to index
      %get3A_97 = arith.constant 0 : index
      %get3A_98 = tpu.vector_load %arg6[%get3A_96, %get3A_97] {strides = array<i32>} : memref<16x128xf32, #tpu.memory_space<vmem>>, vector<1x16xf32>,
      %get3A_99 = vector.shape_cast %get3A_98 : vector<1x16xf32> to vector<16xf32>
      %max3A_100 = arith.maximumf %max3A_94, %get3A_99 : vector<16xf32>
      %get3A_101 = arith.constant 12 : i32
      %get3A_102 = arith.index_cast %get3A_101 : i32 to index
      %get3A_103 = arith.constant 0 : index
      %get3A_104 = tpu.vector_load %arg6[%get3A_102, %get3A_103] {strides = array<i32>} : memref<16x128xf32, #tpu.memory_space<vmem>>, vector<1x16xf32>,
      %get3A_105 = vector.shape_cast %get3A_104 : vector<1x16xf32> to vector<16xf32>
      %max3A_106 = arith.maximumf %max3A_100, %get3A_105 : vector<16xf32>
      %get3A_107 = arith.constant 13 : i32
      %get3A_108 = arith.index_cast %get3A_107 : i32 to index
      %get3A_109 = arith.constant 0 : index
      %get3A_110 = tpu.vector_load %arg6[%get3A_108, %get3A_109] {strides = array<i32>} : memref<16x128xf32, #tpu.memory_space<vmem>>, vector<1x16xf32>,
      %get3A_111 = vector.shape_cast %get3A_110 : vector<1x16xf32> to vector<16xf32>
      %max3A_112 = arith.maximumf %max3A_106, %get3A_111 : vector<16xf32>
      %get3A_113 = arith.constant 14 : i32
      %get3A_114 = arith.index_cast %get3A_113 : i32 to index
      %get3A_115 = arith.constant 0 : index
      %get3A_116 = tpu.vector_load %arg6[%get3A_114, %get3A_115] {strides = array<i32>} : memref<16x128xf32, #tpu.memory_space<vmem>>, vector<1x16xf32>,
      %get3A_117 = vector.shape_cast %get3A_116 : vector<1x16xf32> to vector<16xf32>
      %max3A_118 = arith.maximumf %max3A_112, %get3A_117 : vector<16xf32>
      %get3A_119 = arith.constant 15 : i32
      %get3A_120 = arith.index_cast %get3A_119 : i32 to index
      %get3A_121 = arith.constant 0 : index
      %get3A_122 = tpu.vector_load %arg6[%get3A_120, %get3A_121] {strides = array<i32>} : memref<16x128xf32, #tpu.memory_space<vmem>>, vector<1x16xf32>,
      %get3A_123 = vector.shape_cast %get3A_122 : vector<1x16xf32> to vector<16xf32>
      %max3A_124 = arith.maximumf %max3A_118, %get3A_123 : vector<16xf32>
      %swap3A = arith.index_cast %scan3A_20 : i32 to index
      %swap3A_125 = arith.constant 0 : index
      %swap3A_126 = tpu.vector_load %arg7[%swap3A, %swap3A_125] {strides = array<i32>} : memref<256x64xf32, #tpu.memory_space<vmem>>, vector<1x16xf32>,
      %swap3A_127 = vector.shape_cast %swap3A_126 : vector<1x16xf32> to vector<16xf32>
      %swap3A_128 = vector.shape_cast %max3A_124 : vector<16xf32> to vector<1x16xf32>
      tpu.vector_store %arg7[%swap3A, %swap3A_125], %swap3A_128 {strides = array<i32>} : memref<256x64xf32, #tpu.memory_space<vmem>>, vector<1x16xf32>,
      %get3A_129 = arith.constant 0 : i32
      %get3A_130 = arith.index_cast %get3A_129 : i32 to index
      %get3A_131 = arith.constant 16 : index
      %get3A_132 = tpu.vector_load %arg6[%get3A_130, %get3A_131] {strides = array<i32>} : memref<16x128xf32, #tpu.memory_space<vmem>>, vector<1x16xf32>,
      %get3A_133 = vector.shape_cast %get3A_132 : vector<1x16xf32> to vector<16xf32>
      %get3A_134 = arith.constant 1 : i32
      %get3A_135 = arith.index_cast %get3A_134 : i32 to index
      %get3A_136 = arith.constant 16 : index
      %get3A_137 = tpu.vector_load %arg6[%get3A_135, %get3A_136] {strides = array<i32>} : memref<16x128xf32, #tpu.memory_space<vmem>>, vector<1x16xf32>,
      %get3A_138 = vector.shape_cast %get3A_137 : vector<1x16xf32> to vector<16xf32>
      %max3A_139 = arith.maximumf %get3A_133, %get3A_138 : vector<16xf32>
      %get3A_140 = arith.constant 2 : i32
      %get3A_141 = arith.index_cast %get3A_140 : i32 to index
      %get3A_142 = arith.constant 16 : index
      %get3A_143 = tpu.vector_load %arg6[%get3A_141, %get3A_142] {strides = array<i32>} : memref<16x128xf32, #tpu.memory_space<vmem>>, vector<1x16xf32>,
      %get3A_144 = vector.shape_cast %get3A_143 : vector<1x16xf32> to vector<16xf32>
      %max3A_145 = arith.maximumf %max3A_139, %get3A_144 : vector<16xf32>
      %get3A_146 = arith.constant 3 : i32
      %get3A_147 = arith.index_cast %get3A_146 : i32 to index
      %get3A_148 = arith.constant 16 : index
      %get3A_149 = tpu.vector_load %arg6[%get3A_147, %get3A_148] {strides = array<i32>} : memref<16x128xf32, #tpu.memory_space<vmem>>, vector<1x16xf32>,
      %get3A_150 = vector.shape_cast %get3A_149 : vector<1x16xf32> to vector<16xf32>
      %max3A_151 = arith.maximumf %max3A_145, %get3A_150 : vector<16xf32>
      %get3A_152 = arith.constant 4 : i32
      %get3A_153 = arith.index_cast %get3A_152 : i32 to index
      %get3A_154 = arith.constant 16 : index
      %get3A_155 = tpu.vector_load %arg6[%get3A_153, %get3A_154] {strides = array<i32>} : memref<16x128xf32, #tpu.memory_space<vmem>>, vector<1x16xf32>,
      %get3A_156 = vector.shape_cast %get3A_155 : vector<1x16xf32> to vector<16xf32>
      %max3A_157 = arith.maximumf %max3A_151, %get3A_156 : vector<16xf32>
      %get3A_158 = arith.constant 5 : i32
      %get3A_159 = arith.index_cast %get3A_158 : i32 to index
      %get3A_160 = arith.constant 16 : index
      %get3A_161 = tpu.vector_load %arg6[%get3A_159, %get3A_160] {strides = array<i32>} : memref<16x128xf32, #tpu.memory_space<vmem>>, vector<1x16xf32>,
      %get3A_162 = vector.shape_cast %get3A_161 : vector<1x16xf32> to vector<16xf32>
      %max3A_163 = arith.maximumf %max3A_157, %get3A_162 : vector<16xf32>
      %get3A_164 = arith.constant 6 : i32
      %get3A_165 = arith.index_cast %get3A_164 : i32 to index
      %get3A_166 = arith.constant 16 : index
      %get3A_167 = tpu.vector_load %arg6[%get3A_165, %get3A_166] {strides = array<i32>} : memref<16x128xf32, #tpu.memory_space<vmem>>, vector<1x16xf32>,
      %get3A_168 = vector.shape_cast %get3A_167 : vector<1x16xf32> to vector<16xf32>
      %max3A_169 = arith.maximumf %max3A_163, %get3A_168 : vector<16xf32>
      %get3A_170 = arith.constant 7 : i32
      %get3A_171 = arith.index_cast %get3A_170 : i32 to index
      %get3A_172 = arith.constant 16 : index
      %get3A_173 = tpu.vector_load %arg6[%get3A_171, %get3A_172] {strides = array<i32>} : memref<16x128xf32, #tpu.memory_space<vmem>>, vector<1x16xf32>,
      %get3A_174 = vector.shape_cast %get3A_173 : vector<1x16xf32> to vector<16xf32>
      %max3A_175 = arith.maximumf %max3A_169, %get3A_174 : vector<16xf32>
      %get3A_176 = arith.constant 8 : i32
      %get3A_177 = arith.index_cast %get3A_176 : i32 to index
      %get3A_178 = arith.constant 16 : index
      %get3A_179 = tpu.vector_load %arg6[%get3A_177, %get3A_178] {strides = array<i32>} : memref<16x128xf32, #tpu.memory_space<vmem>>, vector<1x16xf32>,
      %get3A_180 = vector.shape_cast %get3A_179 : vector<1x16xf32> to vector<16xf32>
      %max3A_181 = arith.maximumf %max3A_175, %get3A_180 : vector<16xf32>
      %get3A_182 = arith.constant 9 : i32
      %get3A_183 = arith.index_cast %get3A_182 : i32 to index
      %get3A_184 = arith.constant 16 : index
      %get3A_185 = tpu.vector_load %arg6[%get3A_183, %get3A_184] {strides = array<i32>} : memref<16x128xf32, #tpu.memory_space<vmem>>, vector<1x16xf32>,
      %get3A_186 = vector.shape_cast %get3A_185 : vector<1x16xf32> to vector<16xf32>
      %max3A_187 = arith.maximumf %max3A_181, %get3A_186 : vector<16xf32>
      %get3A_188 = arith.constant 10 : i32
      %get3A_189 = arith.index_cast %get3A_188 : i32 to index
      %get3A_190 = arith.constant 16 : index
      %get3A_191 = tpu.vector_load %arg6[%get3A_189, %get3A_190] {strides = array<i32>} : memref<16x128xf32, #tpu.memory_space<vmem>>, vector<1x16xf32>,
      %get3A_192 = vector.shape_cast %get3A_191 : vector<1x16xf32> to vector<16xf32>
      %max3A_193 = arith.maximumf %max3A_187, %get3A_192 : vector<16xf32>
      %get3A_194 = arith.constant 11 : i32
      %get3A_195 = arith.index_cast %get3A_194 : i32 to index
      %get3A_196 = arith.constant 16 : index
      %get3A_197 = tpu.vector_load %arg6[%get3A_195, %get3A_196] {strides = array<i32>} : memref<16x128xf32, #tpu.memory_space<vmem>>, vector<1x16xf32>,
      %get3A_198 = vector.shape_cast %get3A_197 : vector<1x16xf32> to vector<16xf32>
      %max3A_199 = arith.maximumf %max3A_193, %get3A_198 : vector<16xf32>
      %get3A_200 = arith.constant 12 : i32
      %get3A_201 = arith.index_cast %get3A_200 : i32 to index
      %get3A_202 = arith.constant 16 : index
      %get3A_203 = tpu.vector_load %arg6[%get3A_201, %get3A_202] {strides = array<i32>} : memref<16x128xf32, #tpu.memory_space<vmem>>, vector<1x16xf32>,
      %get3A_204 = vector.shape_cast %get3A_203 : vector<1x16xf32> to vector<16xf32>
      %max3A_205 = arith.maximumf %max3A_199, %get3A_204 : vector<16xf32>
      %get3A_206 = arith.constant 13 : i32
      %get3A_207 = arith.index_cast %get3A_206 : i32 to index
      %get3A_208 = arith.constant 16 : index
      %get3A_209 = tpu.vector_load %arg6[%get3A_207, %get3A_208] {strides = array<i32>} : memref<16x128xf32, #tpu.memory_space<vmem>>, vector<1x16xf32>,
      %get3A_210 = vector.shape_cast %get3A_209 : vector<1x16xf32> to vector<16xf32>
      %max3A_211 = arith.maximumf %max3A_205, %get3A_210 : vector<16xf32>
      %get3A_212 = arith.constant 14 : i32
      %get3A_213 = arith.index_cast %get3A_212 : i32 to index
      %get3A_214 = arith.constant 16 : index
      %get3A_215 = tpu.vector_load %arg6[%get3A_213, %get3A_214] {strides = array<i32>} : memref<16x128xf32, #tpu.memory_space<vmem>>, vector<1x16xf32>,
      %get3A_216 = vector.shape_cast %get3A_215 : vector<1x16xf32> to vector<16xf32>
      %max3A_217 = arith.maximumf %max3A_211, %get3A_216 : vector<16xf32>
      %get3A_218 = arith.constant 15 : i32
      %get3A_219 = arith.index_cast %get3A_218 : i32 to index
      %get3A_220 = arith.constant 16 : index
      %get3A_221 = tpu.vector_load %arg6[%get3A_219, %get3A_220] {strides = array<i32>} : memref<16x128xf32, #tpu.memory_space<vmem>>, vector<1x16xf32>,
      %get3A_222 = vector.shape_cast %get3A_221 : vector<1x16xf32> to vector<16xf32>
      %max3A_223 = arith.maximumf %max3A_217, %get3A_222 : vector<16xf32>
      %swap3A_224 = arith.index_cast %scan3A_20 : i32 to index
      %swap3A_225 = arith.constant 16 : index
      %swap3A_226 = tpu.vector_load %arg7[%swap3A_224, %swap3A_225] {strides = array<i32>} : memref<256x64xf32, #tpu.memory_space<vmem>>, vector<1x16xf32>,
      %swap3A_227 = vector.shape_cast %swap3A_226 : vector<1x16xf32> to vector<16xf32>
      %swap3A_228 = vector.shape_cast %max3A_223 : vector<16xf32> to vector<1x16xf32>
      tpu.vector_store %arg7[%swap3A_224, %swap3A_225], %swap3A_228 {strides = array<i32>} : memref<256x64xf32, #tpu.memory_space<vmem>>, vector<1x16xf32>,
      %get3A_229 = arith.constant 0 : i32
      %get3A_230 = arith.index_cast %get3A_229 : i32 to index
      %get3A_231 = arith.constant 32 : index
      %get3A_232 = tpu.vector_load %arg6[%get3A_230, %get3A_231] {strides = array<i32>} : memref<16x128xf32, #tpu.memory_space<vmem>>, vector<1x16xf32>,
      %get3A_233 = vector.shape_cast %get3A_232 : vector<1x16xf32> to vector<16xf32>
      %get3A_234 = arith.constant 1 : i32
      %get3A_235 = arith.index_cast %get3A_234 : i32 to index
      %get3A_236 = arith.constant 32 : index
      %get3A_237 = tpu.vector_load %arg6[%get3A_235, %get3A_236] {strides = array<i32>} : memref<16x128xf32, #tpu.memory_space<vmem>>, vector<1x16xf32>,
      %get3A_238 = vector.shape_cast %get3A_237 : vector<1x16xf32> to vector<16xf32>
      %max3A_239 = arith.maximumf %get3A_233, %get3A_238 : vector<16xf32>
      %get3A_240 = arith.constant 2 : i32
      %get3A_241 = arith.index_cast %get3A_240 : i32 to index
      %get3A_242 = arith.constant 32 : index
      %get3A_243 = tpu.vector_load %arg6[%get3A_241, %get3A_242] {strides = array<i32>} : memref<16x128xf32, #tpu.memory_space<vmem>>, vector<1x16xf32>,
      %get3A_244 = vector.shape_cast %get3A_243 : vector<1x16xf32> to vector<16xf32>
      %max3A_245 = arith.maximumf %max3A_239, %get3A_244 : vector<16xf32>
      %get3A_246 = arith.constant 3 : i32
      %get3A_247 = arith.index_cast %get3A_246 : i32 to index
      %get3A_248 = arith.constant 32 : index
      %get3A_249 = tpu.vector_load %arg6[%get3A_247, %get3A_248] {strides = array<i32>} : memref<16x128xf32, #tpu.memory_space<vmem>>, vector<1x16xf32>,
      %get3A_250 = vector.shape_cast %get3A_249 : vector<1x16xf32> to vector<16xf32>
      %max3A_251 = arith.maximumf %max3A_245, %get3A_250 : vector<16xf32>
      %get3A_252 = arith.constant 4 : i32
      %get3A_253 = arith.index_cast %get3A_252 : i32 to index
      %get3A_254 = arith.constant 32 : index
      %get3A_255 = tpu.vector_load %arg6[%get3A_253, %get3A_254] {strides = array<i32>} : memref<16x128xf32, #tpu.memory_space<vmem>>, vector<1x16xf32>,
      %get3A_256 = vector.shape_cast %get3A_255 : vector<1x16xf32> to vector<16xf32>
      %max3A_257 = arith.maximumf %max3A_251, %get3A_256 : vector<16xf32>
      %get3A_258 = arith.constant 5 : i32
      %get3A_259 = arith.index_cast %get3A_258 : i32 to index
      %get3A_260 = arith.constant 32 : index
      %get3A_261 = tpu.vector_load %arg6[%get3A_259, %get3A_260] {strides = array<i32>} : memref<16x128xf32, #tpu.memory_space<vmem>>, vector<1x16xf32>,
      %get3A_262 = vector.shape_cast %get3A_261 : vector<1x16xf32> to vector<16xf32>
      %max3A_263 = arith.maximumf %max3A_257, %get3A_262 : vector<16xf32>
      %get3A_264 = arith.constant 6 : i32
      %get3A_265 = arith.index_cast %get3A_264 : i32 to index
      %get3A_266 = arith.constant 32 : index
      %get3A_267 = tpu.vector_load %arg6[%get3A_265, %get3A_266] {strides = array<i32>} : memref<16x128xf32, #tpu.memory_space<vmem>>, vector<1x16xf32>,
      %get3A_268 = vector.shape_cast %get3A_267 : vector<1x16xf32> to vector<16xf32>
      %max3A_269 = arith.maximumf %max3A_263, %get3A_268 : vector<16xf32>
      %get3A_270 = arith.constant 7 : i32
      %get3A_271 = arith.index_cast %get3A_270 : i32 to index
      %get3A_272 = arith.constant 32 : index
      %get3A_273 = tpu.vector_load %arg6[%get3A_271, %get3A_272] {strides = array<i32>} : memref<16x128xf32, #tpu.memory_space<vmem>>, vector<1x16xf32>,
      %get3A_274 = vector.shape_cast %get3A_273 : vector<1x16xf32> to vector<16xf32>
      %max3A_275 = arith.maximumf %max3A_269, %get3A_274 : vector<16xf32>
      %get3A_276 = arith.constant 8 : i32
      %get3A_277 = arith.index_cast %get3A_276 : i32 to index
      %get3A_278 = arith.constant 32 : index
      %get3A_279 = tpu.vector_load %arg6[%get3A_277, %get3A_278] {strides = array<i32>} : memref<16x128xf32, #tpu.memory_space<vmem>>, vector<1x16xf32>,
      %get3A_280 = vector.shape_cast %get3A_279 : vector<1x16xf32> to vector<16xf32>
      %max3A_281 = arith.maximumf %max3A_275, %get3A_280 : vector<16xf32>
      %get3A_282 = arith.constant 9 : i32
      %get3A_283 = arith.index_cast %get3A_282 : i32 to index
      %get3A_284 = arith.constant 32 : index
      %get3A_285 = tpu.vector_load %arg6[%get3A_283, %get3A_284] {strides = array<i32>} : memref<16x128xf32, #tpu.memory_space<vmem>>, vector<1x16xf32>,
      %get3A_286 = vector.shape_cast %get3A_285 : vector<1x16xf32> to vector<16xf32>
      %max3A_287 = arith.maximumf %max3A_281, %get3A_286 : vector<16xf32>
      %get3A_288 = arith.constant 10 : i32
      %get3A_289 = arith.index_cast %get3A_288 : i32 to index
      %get3A_290 = arith.constant 32 : index
      %get3A_291 = tpu.vector_load %arg6[%get3A_289, %get3A_290] {strides = array<i32>} : memref<16x128xf32, #tpu.memory_space<vmem>>, vector<1x16xf32>,
      %get3A_292 = vector.shape_cast %get3A_291 : vector<1x16xf32> to vector<16xf32>
      %max3A_293 = arith.maximumf %max3A_287, %get3A_292 : vector<16xf32>
      %get3A_294 = arith.constant 11 : i32
      %get3A_295 = arith.index_cast %get3A_294 : i32 to index
      %get3A_296 = arith.constant 32 : index
      %get3A_297 = tpu.vector_load %arg6[%get3A_295, %get3A_296] {strides = array<i32>} : memref<16x128xf32, #tpu.memory_space<vmem>>, vector<1x16xf32>,
      %get3A_298 = vector.shape_cast %get3A_297 : vector<1x16xf32> to vector<16xf32>
      %max3A_299 = arith.maximumf %max3A_293, %get3A_298 : vector<16xf32>
      %get3A_300 = arith.constant 12 : i32
      %get3A_301 = arith.index_cast %get3A_300 : i32 to index
      %get3A_302 = arith.constant 32 : index
      %get3A_303 = tpu.vector_load %arg6[%get3A_301, %get3A_302] {strides = array<i32>} : memref<16x128xf32, #tpu.memory_space<vmem>>, vector<1x16xf32>,
      %get3A_304 = vector.shape_cast %get3A_303 : vector<1x16xf32> to vector<16xf32>
      %max3A_305 = arith.maximumf %max3A_299, %get3A_304 : vector<16xf32>
      %get3A_306 = arith.constant 13 : i32
      %get3A_307 = arith.index_cast %get3A_306 : i32 to index
      %get3A_308 = arith.constant 32 : index
      %get3A_309 = tpu.vector_load %arg6[%get3A_307, %get3A_308] {strides = array<i32>} : memref<16x128xf32, #tpu.memory_space<vmem>>, vector<1x16xf32>,
      %get3A_310 = vector.shape_cast %get3A_309 : vector<1x16xf32> to vector<16xf32>
      %max3A_311 = arith.maximumf %max3A_305, %get3A_310 : vector<16xf32>
      %get3A_312 = arith.constant 14 : i32
      %get3A_313 = arith.index_cast %get3A_312 : i32 to index
      %get3A_314 = arith.constant 32 : index
      %get3A_315 = tpu.vector_load %arg6[%get3A_313, %get3A_314] {strides = array<i32>} : memref<16x128xf32, #tpu.memory_space<vmem>>, vector<1x16xf32>,
      %get3A_316 = vector.shape_cast %get3A_315 : vector<1x16xf32> to vector<16xf32>
      %max3A_317 = arith.maximumf %max3A_311, %get3A_316 : vector<16xf32>
      %get3A_318 = arith.constant 15 : i32
      %get3A_319 = arith.index_cast %get3A_318 : i32 to index
      %get3A_320 = arith.constant 32 : index
      %get3A_321 = tpu.vector_load %arg6[%get3A_319, %get3A_320] {strides = array<i32>} : memref<16x128xf32, #tpu.memory_space<vmem>>, vector<1x16xf32>,
      %get3A_322 = vector.shape_cast %get3A_321 : vector<1x16xf32> to vector<16xf32>
      %max3A_323 = arith.maximumf %max3A_317, %get3A_322 : vector<16xf32>
      %swap3A_324 = arith.index_cast %scan3A_20 : i32 to index
      %swap3A_325 = arith.constant 32 : index
      %swap3A_326 = tpu.vector_load %arg7[%swap3A_324, %swap3A_325] {strides = array<i32>} : memref<256x64xf32, #tpu.memory_space<vmem>>, vector<1x16xf32>,
      %swap3A_327 = vector.shape_cast %swap3A_326 : vector<1x16xf32> to vector<16xf32>
      %swap3A_328 = vector.shape_cast %max3A_323 : vector<16xf32> to vector<1x16xf32>
      tpu.vector_store %arg7[%swap3A_324, %swap3A_325], %swap3A_328 {strides = array<i32>} : memref<256x64xf32, #tpu.memory_space<vmem>>, vector<1x16xf32>,
      %get3A_329 = arith.constant 0 : i32
      %get3A_330 = arith.index_cast %get3A_329 : i32 to index
      %get3A_331 = arith.constant 48 : index
      %get3A_332 = tpu.vector_load %arg6[%get3A_330, %get3A_331] {strides = array<i32>} : memref<16x128xf32, #tpu.memory_space<vmem>>, vector<1x16xf32>,
      %get3A_333 = vector.shape_cast %get3A_332 : vector<1x16xf32> to vector<16xf32>
      %get3A_334 = arith.constant 1 : i32
      %get3A_335 = arith.index_cast %get3A_334 : i32 to index
      %get3A_336 = arith.constant 48 : index
      %get3A_337 = tpu.vector_load %arg6[%get3A_335, %get3A_336] {strides = array<i32>} : memref<16x128xf32, #tpu.memory_space<vmem>>, vector<1x16xf32>,
      %get3A_338 = vector.shape_cast %get3A_337 : vector<1x16xf32> to vector<16xf32>
      %max3A_339 = arith.maximumf %get3A_333, %get3A_338 : vector<16xf32>
      %get3A_340 = arith.constant 2 : i32
      %get3A_341 = arith.index_cast %get3A_340 : i32 to index
      %get3A_342 = arith.constant 48 : index
      %get3A_343 = tpu.vector_load %arg6[%get3A_341, %get3A_342] {strides = array<i32>} : memref<16x128xf32, #tpu.memory_space<vmem>>, vector<1x16xf32>,
      %get3A_344 = vector.shape_cast %get3A_343 : vector<1x16xf32> to vector<16xf32>
      %max3A_345 = arith.maximumf %max3A_339, %get3A_344 : vector<16xf32>
      %get3A_346 = arith.constant 3 : i32
      %get3A_347 = arith.index_cast %get3A_346 : i32 to index
      %get3A_348 = arith.constant 48 : index
      %get3A_349 = tpu.vector_load %arg6[%get3A_347, %get3A_348] {strides = array<i32>} : memref<16x128xf32, #tpu.memory_space<vmem>>, vector<1x16xf32>,
      %get3A_350 = vector.shape_cast %get3A_349 : vector<1x16xf32> to vector<16xf32>
      %max3A_351 = arith.maximumf %max3A_345, %get3A_350 : vector<16xf32>
      %get3A_352 = arith.constant 4 : i32
      %get3A_353 = arith.index_cast %get3A_352 : i32 to index
      %get3A_354 = arith.constant 48 : index
      %get3A_355 = tpu.vector_load %arg6[%get3A_353, %get3A_354] {strides = array<i32>} : memref<16x128xf32, #tpu.memory_space<vmem>>, vector<1x16xf32>,
      %get3A_356 = vector.shape_cast %get3A_355 : vector<1x16xf32> to vector<16xf32>
      %max3A_357 = arith.maximumf %max3A_351, %get3A_356 : vector<16xf32>
      %get3A_358 = arith.constant 5 : i32
      %get3A_359 = arith.index_cast %get3A_358 : i32 to index
      %get3A_360 = arith.constant 48 : index
      %get3A_361 = tpu.vector_load %arg6[%get3A_359, %get3A_360] {strides = array<i32>} : memref<16x128xf32, #tpu.memory_space<vmem>>, vector<1x16xf32>,
      %get3A_362 = vector.shape_cast %get3A_361 : vector<1x16xf32> to vector<16xf32>
      %max3A_363 = arith.maximumf %max3A_357, %get3A_362 : vector<16xf32>
      %get3A_364 = arith.constant 6 : i32
      %get3A_365 = arith.index_cast %get3A_364 : i32 to index
      %get3A_366 = arith.constant 48 : index
      %get3A_367 = tpu.vector_load %arg6[%get3A_365, %get3A_366] {strides = array<i32>} : memref<16x128xf32, #tpu.memory_space<vmem>>, vector<1x16xf32>,
      %get3A_368 = vector.shape_cast %get3A_367 : vector<1x16xf32> to vector<16xf32>
      %max3A_369 = arith.maximumf %max3A_363, %get3A_368 : vector<16xf32>
      %get3A_370 = arith.constant 7 : i32
      %get3A_371 = arith.index_cast %get3A_370 : i32 to index
      %get3A_372 = arith.constant 48 : index
      %get3A_373 = tpu.vector_load %arg6[%get3A_371, %get3A_372] {strides = array<i32>} : memref<16x128xf32, #tpu.memory_space<vmem>>, vector<1x16xf32>,
      %get3A_374 = vector.shape_cast %get3A_373 : vector<1x16xf32> to vector<16xf32>
      %max3A_375 = arith.maximumf %max3A_369, %get3A_374 : vector<16xf32>
      %get3A_376 = arith.constant 8 : i32
      %get3A_377 = arith.index_cast %get3A_376 : i32 to index
      %get3A_378 = arith.constant 48 : index
      %get3A_379 = tpu.vector_load %arg6[%get3A_377, %get3A_378] {strides = array<i32>} : memref<16x128xf32, #tpu.memory_space<vmem>>, vector<1x16xf32>,
      %get3A_380 = vector.shape_cast %get3A_379 : vector<1x16xf32> to vector<16xf32>
      %max3A_381 = arith.maximumf %max3A_375, %get3A_380 : vector<16xf32>
      %get3A_382 = arith.constant 9 : i32
      %get3A_383 = arith.index_cast %get3A_382 : i32 to index
      %get3A_384 = arith.constant 48 : index
      %get3A_385 = tpu.vector_load %arg6[%get3A_383, %get3A_384] {strides = array<i32>} : memref<16x128xf32, #tpu.memory_space<vmem>>, vector<1x16xf32>,
      %get3A_386 = vector.shape_cast %get3A_385 : vector<1x16xf32> to vector<16xf32>
      %max3A_387 = arith.maximumf %max3A_381, %get3A_386 : vector<16xf32>
      %get3A_388 = arith.constant 10 : i32
      %get3A_389 = arith.index_cast %get3A_388 : i32 to index
      %get3A_390 = arith.constant 48 : index
      %get3A_391 = tpu.vector_load %arg6[%get3A_389, %get3A_390] {strides = array<i32>} : memref<16x128xf32, #tpu.memory_space<vmem>>, vector<1x16xf32>,
      %get3A_392 = vector.shape_cast %get3A_391 : vector<1x16xf32> to vector<16xf32>
      %max3A_393 = arith.maximumf %max3A_387, %get3A_392 : vector<16xf32>
      %get3A_394 = arith.constant 11 : i32
      %get3A_395 = arith.index_cast %get3A_394 : i32 to index
      %get3A_396 = arith.constant 48 : index
      %get3A_397 = tpu.vector_load %arg6[%get3A_395, %get3A_396] {strides = array<i32>} : memref<16x128xf32, #tpu.memory_space<vmem>>, vector<1x16xf32>,
      %get3A_398 = vector.shape_cast %get3A_397 : vector<1x16xf32> to vector<16xf32>
      %max3A_399 = arith.maximumf %max3A_393, %get3A_398 : vector<16xf32>
      %get3A_400 = arith.constant 12 : i32
      %get3A_401 = arith.index_cast %get3A_400 : i32 to index
      %get3A_402 = arith.constant 48 : index
      %get3A_403 = tpu.vector_load %arg6[%get3A_401, %get3A_402] {strides = array<i32>} : memref<16x128xf32, #tpu.memory_space<vmem>>, vector<1x16xf32>,
      %get3A_404 = vector.shape_cast %get3A_403 : vector<1x16xf32> to vector<16xf32>
      %max3A_405 = arith.maximumf %max3A_399, %get3A_404 : vector<16xf32>
      %get3A_406 = arith.constant 13 : i32
      %get3A_407 = arith.index_cast %get3A_406 : i32 to index
      %get3A_408 = arith.constant 48 : index
      %get3A_409 = tpu.vector_load %arg6[%get3A_407, %get3A_408] {strides = array<i32>} : memref<16x128xf32, #tpu.memory_space<vmem>>, vector<1x16xf32>,
      %get3A_410 = vector.shape_cast %get3A_409 : vector<1x16xf32> to vector<16xf32>
      %max3A_411 = arith.maximumf %max3A_405, %get3A_410 : vector<16xf32>
      %get3A_412 = arith.constant 14 : i32
      %get3A_413 = arith.index_cast %get3A_412 : i32 to index
      %get3A_414 = arith.constant 48 : index
      %get3A_415 = tpu.vector_load %arg6[%get3A_413, %get3A_414] {strides = array<i32>} : memref<16x128xf32, #tpu.memory_space<vmem>>, vector<1x16xf32>,
      %get3A_416 = vector.shape_cast %get3A_415 : vector<1x16xf32> to vector<16xf32>
      %max3A_417 = arith.maximumf %max3A_411, %get3A_416 : vector<16xf32>
      %get3A_418 = arith.constant 15 : i32
      %get3A_419 = arith.index_cast %get3A_418 : i32 to index
      %get3A_420 = arith.constant 48 : index
      %get3A_421 = tpu.vector_load %arg6[%get3A_419, %get3A_420] {strides = array<i32>} : memref<16x128xf32, #tpu.memory_space<vmem>>, vector<1x16xf32>,
      %get3A_422 = vector.shape_cast %get3A_421 : vector<1x16xf32> to vector<16xf32>
      %max3A_423 = arith.maximumf %max3A_417, %get3A_422 : vector<16xf32>
      %swap3A_424 = arith.index_cast %scan3A_20 : i32 to index
      %swap3A_425 = arith.constant 48 : index
      %swap3A_426 = tpu.vector_load %arg7[%swap3A_424, %swap3A_425] {strides = array<i32>} : memref<256x64xf32, #tpu.memory_space<vmem>>, vector<1x16xf32>,
      %swap3A_427 = vector.shape_cast %swap3A_426 : vector<1x16xf32> to vector<16xf32>
      %swap3A_428 = vector.shape_cast %max3A_423 : vector<16xf32> to vector<1x16xf32>
      tpu.vector_store %arg7[%swap3A_424, %swap3A_425], %swap3A_428 {strides = array<i32>} : memref<256x64xf32, #tpu.memory_space<vmem>>, vector<1x16xf32>,
      %scan3A_429 = arith.constant 0 : i32
      scf.yield %scan3A_429 : i32
    }
    %scan3A_17 = arith.constant 256 : i32
    %add3A_18 = arith.constant 256 : i32
    %add3A_19 = arith.addi %mul3A_2, %add3A_18 : i32
    "tpu.region"() ({
      %run_scoped3A = tpu.sem_alloc : memref<!tpu.dma_semaphore, #tpu.memory_space<semaphore_mem>>
      %dma_start3A = arith.constant 0 : i32
      %dma_start3A_20 = tpu.memref_slice %arg4[%add3A_19, %dma_start3A] : memref<16384x64xf32, #tpu.memory_space<hbm>> -> memref<256x64xf32, #tpu.memory_space<hbm>>
      %dma_start3A_21 = arith.constant 0 : i32
      %dma_start3A_22 = tpu.memref_slice %arg4[%add3A_19, %dma_start3A_21] : memref<16384x64xf32, #tpu.memory_space<hbm>> -> memref<256x64xf32, #tpu.memory_space<hbm>>
      tpu.enqueue_dma source(%arg7 : memref<256x64xf32, #tpu.memory_space<vmem>>) target(%dma_start3A_22 : memref<256x64xf32, #tpu.memory_space<hbm>>) target_semaphore(%run_scoped3A : memref<!tpu.dma_semaphore, #tpu.memory_space<semaphore_mem>>)
      %dma_wait3A = arith.constant 0 : i32
      %dma_wait3A_23 = tpu.memref_slice %arg4[%add3A_19, %dma_wait3A] : memref<16384x64xf32, #tpu.memory_space<hbm>> -> memref<256x64xf32, #tpu.memory_space<hbm>>
      %dma_wait3A_24 = arith.constant 0 : i32
      %dma_wait3A_25 = tpu.memref_slice %arg4[%add3A_19, %dma_wait3A_24] : memref<16384x64xf32, #tpu.memory_space<hbm>> -> memref<256x64xf32, #tpu.memory_space<hbm>>
      tpu.wait_dma2 semaphore(%run_scoped3A : memref<!tpu.dma_semaphore, #tpu.memory_space<semaphore_mem>>) src(%arg7 : memref<256x64xf32, #tpu.memory_space<vmem>>) dst(%dma_wait3A_25 : memref<256x64xf32, #tpu.memory_space<hbm>>)
      tpu.yield
    }) : () -> ()
    return
  }
}

#map = affine_map<(d0, d1) -> (0, 0)>
module attributes {stable_mosaic.version = 14 : i64} {
  func.func @k(%arg0: i32, %arg1: i32, %arg2: memref<65536x128xf32, #tpu.memory_space<hbm>>, %arg3: memref<16384x16xi32, #tpu.memory_space<hbm>>, %arg4: memref<16384x64xf32, #tpu.memory_space<hbm>>, %arg5: memref<512x16xi32, #tpu.memory_space<vmem>>, %arg6: memref<16x128xf32, #tpu.memory_space<vmem>>, %arg7: memref<256x64xf32, #tpu.memory_space<vmem>>, %arg8: memref<!tpu.dma_semaphore, #tpu.memory_space<semaphore_mem>>) attributes {dimension_semantics = [#tpu.dimension_semantics<core_parallel>, #tpu.dimension_semantics<subcore_parallel>], iteration_bounds = array<i64: 2, 16>, scalar_prefetch = 0 : i64, scratch_operands = 4 : i64, tpu.core_type = #tpu.core_type<sc_vector_subcore>, window_params = [{transform_indices = #map}, {transform_indices = #map}, {transform_indices = #map}]} {
    %mul3A = arith.constant 2 : i32
    %mul3A_0 = arith.muli %arg1, %mul3A : i32
    %add3A = arith.addi %mul3A_0, %arg0 : i32
    %mul3A_1 = arith.constant 512 : i32
    %mul3A_2 = arith.muli %add3A, %mul3A_1 : i32
    "tpu.region"() ({
      %run_scoped3A = tpu.sem_alloc : memref<!tpu.dma_semaphore, #tpu.memory_space<semaphore_mem>>
      %dma_start3A = arith.constant 0 : i32
      %dma_start3A_20 = tpu.memref_slice %arg3[%mul3A_2, %dma_start3A] : memref<16384x16xi32, #tpu.memory_space<hbm>> -> memref<512x16xi32, #tpu.memory_space<hbm>>
      %dma_start3A_21 = arith.constant 0 : i32
      %dma_start3A_22 = tpu.memref_slice %arg3[%mul3A_2, %dma_start3A_21] : memref<16384x16xi32, #tpu.memory_space<hbm>> -> memref<512x16xi32, #tpu.memory_space<hbm>>
      tpu.enqueue_dma source(%dma_start3A_22 : memref<512x16xi32, #tpu.memory_space<hbm>>) target(%arg5 : memref<512x16xi32, #tpu.memory_space<vmem>>) target_semaphore(%run_scoped3A : memref<!tpu.dma_semaphore, #tpu.memory_space<semaphore_mem>>)
      %dma_wait3A = arith.constant 0 : i32
      %dma_wait3A_23 = tpu.memref_slice %arg3[%mul3A_2, %dma_wait3A] : memref<16384x16xi32, #tpu.memory_space<hbm>> -> memref<512x16xi32, #tpu.memory_space<hbm>>
      %dma_wait3A_24 = arith.constant 0 : i32
      %dma_wait3A_25 = tpu.memref_slice %arg3[%mul3A_2, %dma_wait3A_24] : memref<16384x16xi32, #tpu.memory_space<hbm>> -> memref<512x16xi32, #tpu.memory_space<hbm>>
      tpu.wait_dma2 semaphore(%run_scoped3A : memref<!tpu.dma_semaphore, #tpu.memory_space<semaphore_mem>>) src(%dma_wait3A_25 : memref<512x16xi32, #tpu.memory_space<hbm>>) dst(%arg5 : memref<512x16xi32, #tpu.memory_space<vmem>>)
      tpu.yield
    }) : () -> ()
    %scan3A = arith.constant 0 : i32
    %scan3A_3 = arith.constant 0 : i32
    %scan3A_4 = arith.constant 256 : i32
    %scan3A_5 = arith.addi %scan3A_3, %scan3A_4 : i32
    %scan3A_6 = arith.constant 1 : i32
    %scan3A_7 = scf.for %scan3A_20 = %scan3A_3 to %scan3A_5 step %scan3A_6 iter_args(%scan3A_21 = %scan3A) -> (i32)  : i32 {
      %add3A_22 = arith.constant 0 : i32
      %add3A_23 = arith.addi %add3A_22, %scan3A_20 : i32
      %get3A = arith.index_cast %add3A_23 : i32 to index
      %get3A_24 = arith.constant 0 : index
      %get3A_25 = tpu.vector_load %arg5[%get3A, %get3A_24] {strides = array<i32>} : memref<512x16xi32, #tpu.memory_space<vmem>>, vector<1x16xi32>,
      %get3A_26 = vector.shape_cast %get3A_25 : vector<1x16xi32> to vector<16xi32>
      %dma_start3A = arith.constant 0 : i32
      %dma_start3A_27 = arith.constant 0 : i32
      %dma_start3A_28 = tpu.memref_slice %arg2[%dma_start3A, %dma_start3A_27] : memref<65536x128xf32, #tpu.memory_space<hbm>> -> memref<65536x128xf32, #tpu.memory_space<hbm>>
      tpu.enqueue_indirect_dma source(%dma_start3A_28 : memref<65536x128xf32, #tpu.memory_space<hbm>>) target(%arg6 : memref<16x128xf32, #tpu.memory_space<vmem>>) offsets(%get3A_26 : vector<16xi32>) semaphore(%arg8 : memref<!tpu.dma_semaphore, #tpu.memory_space<semaphore_mem>>)
      %dma_wait3A = arith.constant 0 : i32
      %dma_wait3A_29 = arith.constant 0 : i32
      %dma_wait3A_30 = tpu.memref_slice %arg2[%dma_wait3A, %dma_wait3A_29] : memref<65536x128xf32, #tpu.memory_space<hbm>> -> memref<65536x128xf32, #tpu.memory_space<hbm>>
      tpu.wait_indirect_dma semaphore(%arg8 : memref<!tpu.dma_semaphore, #tpu.memory_space<semaphore_mem>>) src(%dma_wait3A_30 : memref<65536x128xf32, #tpu.memory_space<hbm>>) dst(%arg6 : memref<16x128xf32, #tpu.memory_space<vmem>>)
      %get3A_31 = arith.constant 0 : i32
      %get3A_32 = arith.index_cast %get3A_31 : i32 to index
      %get3A_33 = arith.constant 0 : index
      %get3A_34 = tpu.vector_load %arg6[%get3A_32, %get3A_33] {strides = array<i32>} : memref<16x128xf32, #tpu.memory_space<vmem>>, vector<1x16xf32>,
      %get3A_35 = vector.shape_cast %get3A_34 : vector<1x16xf32> to vector<16xf32>
      %get3A_36 = arith.constant 1 : i32
      %get3A_37 = arith.index_cast %get3A_36 : i32 to index
      %get3A_38 = arith.constant 0 : index
      %get3A_39 = tpu.vector_load %arg6[%get3A_37, %get3A_38] {strides = array<i32>} : memref<16x128xf32, #tpu.memory_space<vmem>>, vector<1x16xf32>,
      %get3A_40 = vector.shape_cast %get3A_39 : vector<1x16xf32> to vector<16xf32>
      %max3A = arith.maximumf %get3A_35, %get3A_40 : vector<16xf32>
      %get3A_41 = arith.constant 2 : i32
      %get3A_42 = arith.index_cast %get3A_41 : i32 to index
      %get3A_43 = arith.constant 0 : index
      %get3A_44 = tpu.vector_load %arg6[%get3A_42, %get3A_43] {strides = array<i32>} : memref<16x128xf32, #tpu.memory_space<vmem>>, vector<1x16xf32>,
      %get3A_45 = vector.shape_cast %get3A_44 : vector<1x16xf32> to vector<16xf32>
      %max3A_46 = arith.maximumf %max3A, %get3A_45 : vector<16xf32>
      %get3A_47 = arith.constant 3 : i32
      %get3A_48 = arith.index_cast %get3A_47 : i32 to index
      %get3A_49 = arith.constant 0 : index
      %get3A_50 = tpu.vector_load %arg6[%get3A_48, %get3A_49] {strides = array<i32>} : memref<16x128xf32, #tpu.memory_space<vmem>>, vector<1x16xf32>,
      %get3A_51 = vector.shape_cast %get3A_50 : vector<1x16xf32> to vector<16xf32>
      %max3A_52 = arith.maximumf %max3A_46, %get3A_51 : vector<16xf32>
      %get3A_53 = arith.constant 4 : i32
      %get3A_54 = arith.index_cast %get3A_53 : i32 to index
      %get3A_55 = arith.constant 0 : index
      %get3A_56 = tpu.vector_load %arg6[%get3A_54, %get3A_55] {strides = array<i32>} : memref<16x128xf32, #tpu.memory_space<vmem>>, vector<1x16xf32>,
      %get3A_57 = vector.shape_cast %get3A_56 : vector<1x16xf32> to vector<16xf32>
      %max3A_58 = arith.maximumf %max3A_52, %get3A_57 : vector<16xf32>
      %get3A_59 = arith.constant 5 : i32
      %get3A_60 = arith.index_cast %get3A_59 : i32 to index
      %get3A_61 = arith.constant 0 : index
      %get3A_62 = tpu.vector_load %arg6[%get3A_60, %get3A_61] {strides = array<i32>} : memref<16x128xf32, #tpu.memory_space<vmem>>, vector<1x16xf32>,
      %get3A_63 = vector.shape_cast %get3A_62 : vector<1x16xf32> to vector<16xf32>
      %max3A_64 = arith.maximumf %max3A_58, %get3A_63 : vector<16xf32>
      %get3A_65 = arith.constant 6 : i32
      %get3A_66 = arith.index_cast %get3A_65 : i32 to index
      %get3A_67 = arith.constant 0 : index
      %get3A_68 = tpu.vector_load %arg6[%get3A_66, %get3A_67] {strides = array<i32>} : memref<16x128xf32, #tpu.memory_space<vmem>>, vector<1x16xf32>,
      %get3A_69 = vector.shape_cast %get3A_68 : vector<1x16xf32> to vector<16xf32>
      %max3A_70 = arith.maximumf %max3A_64, %get3A_69 : vector<16xf32>
      %get3A_71 = arith.constant 7 : i32
      %get3A_72 = arith.index_cast %get3A_71 : i32 to index
      %get3A_73 = arith.constant 0 : index
      %get3A_74 = tpu.vector_load %arg6[%get3A_72, %get3A_73] {strides = array<i32>} : memref<16x128xf32, #tpu.memory_space<vmem>>, vector<1x16xf32>,
      %get3A_75 = vector.shape_cast %get3A_74 : vector<1x16xf32> to vector<16xf32>
      %max3A_76 = arith.maximumf %max3A_70, %get3A_75 : vector<16xf32>
      %get3A_77 = arith.constant 8 : i32
      %get3A_78 = arith.index_cast %get3A_77 : i32 to index
      %get3A_79 = arith.constant 0 : index
      %get3A_80 = tpu.vector_load %arg6[%get3A_78, %get3A_79] {strides = array<i32>} : memref<16x128xf32, #tpu.memory_space<vmem>>, vector<1x16xf32>,
      %get3A_81 = vector.shape_cast %get3A_80 : vector<1x16xf32> to vector<16xf32>
      %max3A_82 = arith.maximumf %max3A_76, %get3A_81 : vector<16xf32>
      %get3A_83 = arith.constant 9 : i32
      %get3A_84 = arith.index_cast %get3A_83 : i32 to index
      %get3A_85 = arith.constant 0 : index
      %get3A_86 = tpu.vector_load %arg6[%get3A_84, %get3A_85] {strides = array<i32>} : memref<16x128xf32, #tpu.memory_space<vmem>>, vector<1x16xf32>,
      %get3A_87 = vector.shape_cast %get3A_86 : vector<1x16xf32> to vector<16xf32>
      %max3A_88 = arith.maximumf %max3A_82, %get3A_87 : vector<16xf32>
      %get3A_89 = arith.constant 10 : i32
      %get3A_90 = arith.index_cast %get3A_89 : i32 to index
      %get3A_91 = arith.constant 0 : index
      %get3A_92 = tpu.vector_load %arg6[%get3A_90, %get3A_91] {strides = array<i32>} : memref<16x128xf32, #tpu.memory_space<vmem>>, vector<1x16xf32>,
      %get3A_93 = vector.shape_cast %get3A_92 : vector<1x16xf32> to vector<16xf32>
      %max3A_94 = arith.maximumf %max3A_88, %get3A_93 : vector<16xf32>
      %get3A_95 = arith.constant 11 : i32
      %get3A_96 = arith.index_cast %get3A_95 : i32 to index
      %get3A_97 = arith.constant 0 : index
      %get3A_98 = tpu.vector_load %arg6[%get3A_96, %get3A_97] {strides = array<i32>} : memref<16x128xf32, #tpu.memory_space<vmem>>, vector<1x16xf32>,
      %get3A_99 = vector.shape_cast %get3A_98 : vector<1x16xf32> to vector<16xf32>
      %max3A_100 = arith.maximumf %max3A_94, %get3A_99 : vector<16xf32>
      %get3A_101 = arith.constant 12 : i32
      %get3A_102 = arith.index_cast %get3A_101 : i32 to index
      %get3A_103 = arith.constant 0 : index
      %get3A_104 = tpu.vector_load %arg6[%get3A_102, %get3A_103] {strides = array<i32>} : memref<16x128xf32, #tpu.memory_space<vmem>>, vector<1x16xf32>,
      %get3A_105 = vector.shape_cast %get3A_104 : vector<1x16xf32> to vector<16xf32>
      %max3A_106 = arith.maximumf %max3A_100, %get3A_105 : vector<16xf32>
      %get3A_107 = arith.constant 13 : i32
      %get3A_108 = arith.index_cast %get3A_107 : i32 to index
      %get3A_109 = arith.constant 0 : index
      %get3A_110 = tpu.vector_load %arg6[%get3A_108, %get3A_109] {strides = array<i32>} : memref<16x128xf32, #tpu.memory_space<vmem>>, vector<1x16xf32>,
      %get3A_111 = vector.shape_cast %get3A_110 : vector<1x16xf32> to vector<16xf32>
      %max3A_112 = arith.maximumf %max3A_106, %get3A_111 : vector<16xf32>
      %get3A_113 = arith.constant 14 : i32
      %get3A_114 = arith.index_cast %get3A_113 : i32 to index
      %get3A_115 = arith.constant 0 : index
      %get3A_116 = tpu.vector_load %arg6[%get3A_114, %get3A_115] {strides = array<i32>} : memref<16x128xf32, #tpu.memory_space<vmem>>, vector<1x16xf32>,
      %get3A_117 = vector.shape_cast %get3A_116 : vector<1x16xf32> to vector<16xf32>
      %max3A_118 = arith.maximumf %max3A_112, %get3A_117 : vector<16xf32>
      %get3A_119 = arith.constant 15 : i32
      %get3A_120 = arith.index_cast %get3A_119 : i32 to index
      %get3A_121 = arith.constant 0 : index
      %get3A_122 = tpu.vector_load %arg6[%get3A_120, %get3A_121] {strides = array<i32>} : memref<16x128xf32, #tpu.memory_space<vmem>>, vector<1x16xf32>,
      %get3A_123 = vector.shape_cast %get3A_122 : vector<1x16xf32> to vector<16xf32>
      %max3A_124 = arith.maximumf %max3A_118, %get3A_123 : vector<16xf32>
      %swap3A = arith.index_cast %scan3A_20 : i32 to index
      %swap3A_125 = arith.constant 0 : index
      %swap3A_126 = tpu.vector_load %arg7[%swap3A, %swap3A_125] {strides = array<i32>} : memref<256x64xf32, #tpu.memory_space<vmem>>, vector<1x16xf32>,
      %swap3A_127 = vector.shape_cast %swap3A_126 : vector<1x16xf32> to vector<16xf32>
      %swap3A_128 = vector.shape_cast %max3A_124 : vector<16xf32> to vector<1x16xf32>
      tpu.vector_store %arg7[%swap3A, %swap3A_125], %swap3A_128 {strides = array<i32>} : memref<256x64xf32, #tpu.memory_space<vmem>>, vector<1x16xf32>,
      %get3A_129 = arith.constant 0 : i32
      %get3A_130 = arith.index_cast %get3A_129 : i32 to index
      %get3A_131 = arith.constant 16 : index
      %get3A_132 = tpu.vector_load %arg6[%get3A_130, %get3A_131] {strides = array<i32>} : memref<16x128xf32, #tpu.memory_space<vmem>>, vector<1x16xf32>,
      %get3A_133 = vector.shape_cast %get3A_132 : vector<1x16xf32> to vector<16xf32>
      %get3A_134 = arith.constant 1 : i32
      %get3A_135 = arith.index_cast %get3A_134 : i32 to index
      %get3A_136 = arith.constant 16 : index
      %get3A_137 = tpu.vector_load %arg6[%get3A_135, %get3A_136] {strides = array<i32>} : memref<16x128xf32, #tpu.memory_space<vmem>>, vector<1x16xf32>,
      %get3A_138 = vector.shape_cast %get3A_137 : vector<1x16xf32> to vector<16xf32>
      %max3A_139 = arith.maximumf %get3A_133, %get3A_138 : vector<16xf32>
      %get3A_140 = arith.constant 2 : i32
      %get3A_141 = arith.index_cast %get3A_140 : i32 to index
      %get3A_142 = arith.constant 16 : index
      %get3A_143 = tpu.vector_load %arg6[%get3A_141, %get3A_142] {strides = array<i32>} : memref<16x128xf32, #tpu.memory_space<vmem>>, vector<1x16xf32>,
      %get3A_144 = vector.shape_cast %get3A_143 : vector<1x16xf32> to vector<16xf32>
      %max3A_145 = arith.maximumf %max3A_139, %get3A_144 : vector<16xf32>
      %get3A_146 = arith.constant 3 : i32
      %get3A_147 = arith.index_cast %get3A_146 : i32 to index
      %get3A_148 = arith.constant 16 : index
      %get3A_149 = tpu.vector_load %arg6[%get3A_147, %get3A_148] {strides = array<i32>} : memref<16x128xf32, #tpu.memory_space<vmem>>, vector<1x16xf32>,
      %get3A_150 = vector.shape_cast %get3A_149 : vector<1x16xf32> to vector<16xf32>
      %max3A_151 = arith.maximumf %max3A_145, %get3A_150 : vector<16xf32>
      %get3A_152 = arith.constant 4 : i32
      %get3A_153 = arith.index_cast %get3A_152 : i32 to index
      %get3A_154 = arith.constant 16 : index
      %get3A_155 = tpu.vector_load %arg6[%get3A_153, %get3A_154] {strides = array<i32>} : memref<16x128xf32, #tpu.memory_space<vmem>>, vector<1x16xf32>,
      %get3A_156 = vector.shape_cast %get3A_155 : vector<1x16xf32> to vector<16xf32>
      %max3A_157 = arith.maximumf %max3A_151, %get3A_156 : vector<16xf32>
      %get3A_158 = arith.constant 5 : i32
      %get3A_159 = arith.index_cast %get3A_158 : i32 to index
      %get3A_160 = arith.constant 16 : index
      %get3A_161 = tpu.vector_load %arg6[%get3A_159, %get3A_160] {strides = array<i32>} : memref<16x128xf32, #tpu.memory_space<vmem>>, vector<1x16xf32>,
      %get3A_162 = vector.shape_cast %get3A_161 : vector<1x16xf32> to vector<16xf32>
      %max3A_163 = arith.maximumf %max3A_157, %get3A_162 : vector<16xf32>
      %get3A_164 = arith.constant 6 : i32
      %get3A_165 = arith.index_cast %get3A_164 : i32 to index
      %get3A_166 = arith.constant 16 : index
      %get3A_167 = tpu.vector_load %arg6[%get3A_165, %get3A_166] {strides = array<i32>} : memref<16x128xf32, #tpu.memory_space<vmem>>, vector<1x16xf32>,
      %get3A_168 = vector.shape_cast %get3A_167 : vector<1x16xf32> to vector<16xf32>
      %max3A_169 = arith.maximumf %max3A_163, %get3A_168 : vector<16xf32>
      %get3A_170 = arith.constant 7 : i32
      %get3A_171 = arith.index_cast %get3A_170 : i32 to index
      %get3A_172 = arith.constant 16 : index
      %get3A_173 = tpu.vector_load %arg6[%get3A_171, %get3A_172] {strides = array<i32>} : memref<16x128xf32, #tpu.memory_space<vmem>>, vector<1x16xf32>,
      %get3A_174 = vector.shape_cast %get3A_173 : vector<1x16xf32> to vector<16xf32>
      %max3A_175 = arith.maximumf %max3A_169, %get3A_174 : vector<16xf32>
      %get3A_176 = arith.constant 8 : i32
      %get3A_177 = arith.index_cast %get3A_176 : i32 to index
      %get3A_178 = arith.constant 16 : index
      %get3A_179 = tpu.vector_load %arg6[%get3A_177, %get3A_178] {strides = array<i32>} : memref<16x128xf32, #tpu.memory_space<vmem>>, vector<1x16xf32>,
      %get3A_180 = vector.shape_cast %get3A_179 : vector<1x16xf32> to vector<16xf32>
      %max3A_181 = arith.maximumf %max3A_175, %get3A_180 : vector<16xf32>
      %get3A_182 = arith.constant 9 : i32
      %get3A_183 = arith.index_cast %get3A_182 : i32 to index
      %get3A_184 = arith.constant 16 : index
      %get3A_185 = tpu.vector_load %arg6[%get3A_183, %get3A_184] {strides = array<i32>} : memref<16x128xf32, #tpu.memory_space<vmem>>, vector<1x16xf32>,
      %get3A_186 = vector.shape_cast %get3A_185 : vector<1x16xf32> to vector<16xf32>
      %max3A_187 = arith.maximumf %max3A_181, %get3A_186 : vector<16xf32>
      %get3A_188 = arith.constant 10 : i32
      %get3A_189 = arith.index_cast %get3A_188 : i32 to index
      %get3A_190 = arith.constant 16 : index
      %get3A_191 = tpu.vector_load %arg6[%get3A_189, %get3A_190] {strides = array<i32>} : memref<16x128xf32, #tpu.memory_space<vmem>>, vector<1x16xf32>,
      %get3A_192 = vector.shape_cast %get3A_191 : vector<1x16xf32> to vector<16xf32>
      %max3A_193 = arith.maximumf %max3A_187, %get3A_192 : vector<16xf32>
      %get3A_194 = arith.constant 11 : i32
      %get3A_195 = arith.index_cast %get3A_194 : i32 to index
      %get3A_196 = arith.constant 16 : index
      %get3A_197 = tpu.vector_load %arg6[%get3A_195, %get3A_196] {strides = array<i32>} : memref<16x128xf32, #tpu.memory_space<vmem>>, vector<1x16xf32>,
      %get3A_198 = vector.shape_cast %get3A_197 : vector<1x16xf32> to vector<16xf32>
      %max3A_199 = arith.maximumf %max3A_193, %get3A_198 : vector<16xf32>
      %get3A_200 = arith.constant 12 : i32
      %get3A_201 = arith.index_cast %get3A_200 : i32 to index
      %get3A_202 = arith.constant 16 : index
      %get3A_203 = tpu.vector_load %arg6[%get3A_201, %get3A_202] {strides = array<i32>} : memref<16x128xf32, #tpu.memory_space<vmem>>, vector<1x16xf32>,
      %get3A_204 = vector.shape_cast %get3A_203 : vector<1x16xf32> to vector<16xf32>
      %max3A_205 = arith.maximumf %max3A_199, %get3A_204 : vector<16xf32>
      %get3A_206 = arith.constant 13 : i32
      %get3A_207 = arith.index_cast %get3A_206 : i32 to index
      %get3A_208 = arith.constant 16 : index
      %get3A_209 = tpu.vector_load %arg6[%get3A_207, %get3A_208] {strides = array<i32>} : memref<16x128xf32, #tpu.memory_space<vmem>>, vector<1x16xf32>,
      %get3A_210 = vector.shape_cast %get3A_209 : vector<1x16xf32> to vector<16xf32>
      %max3A_211 = arith.maximumf %max3A_205, %get3A_210 : vector<16xf32>
      %get3A_212 = arith.constant 14 : i32
      %get3A_213 = arith.index_cast %get3A_212 : i32 to index
      %get3A_214 = arith.constant 16 : index
      %get3A_215 = tpu.vector_load %arg6[%get3A_213, %get3A_214] {strides = array<i32>} : memref<16x128xf32, #tpu.memory_space<vmem>>, vector<1x16xf32>,
      %get3A_216 = vector.shape_cast %get3A_215 : vector<1x16xf32> to vector<16xf32>
      %max3A_217 = arith.maximumf %max3A_211, %get3A_216 : vector<16xf32>
      %get3A_218 = arith.constant 15 : i32
      %get3A_219 = arith.index_cast %get3A_218 : i32 to index
      %get3A_220 = arith.constant 16 : index
      %get3A_221 = tpu.vector_load %arg6[%get3A_219, %get3A_220] {strides = array<i32>} : memref<16x128xf32, #tpu.memory_space<vmem>>, vector<1x16xf32>,
      %get3A_222 = vector.shape_cast %get3A_221 : vector<1x16xf32> to vector<16xf32>
      %max3A_223 = arith.maximumf %max3A_217, %get3A_222 : vector<16xf32>
      %swap3A_224 = arith.index_cast %scan3A_20 : i32 to index
      %swap3A_225 = arith.constant 16 : index
      %swap3A_226 = tpu.vector_load %arg7[%swap3A_224, %swap3A_225] {strides = array<i32>} : memref<256x64xf32, #tpu.memory_space<vmem>>, vector<1x16xf32>,
      %swap3A_227 = vector.shape_cast %swap3A_226 : vector<1x16xf32> to vector<16xf32>
      %swap3A_228 = vector.shape_cast %max3A_223 : vector<16xf32> to vector<1x16xf32>
      tpu.vector_store %arg7[%swap3A_224, %swap3A_225], %swap3A_228 {strides = array<i32>} : memref<256x64xf32, #tpu.memory_space<vmem>>, vector<1x16xf32>,
      %get3A_229 = arith.constant 0 : i32
      %get3A_230 = arith.index_cast %get3A_229 : i32 to index
      %get3A_231 = arith.constant 32 : index
      %get3A_232 = tpu.vector_load %arg6[%get3A_230, %get3A_231] {strides = array<i32>} : memref<16x128xf32, #tpu.memory_space<vmem>>, vector<1x16xf32>,
      %get3A_233 = vector.shape_cast %get3A_232 : vector<1x16xf32> to vector<16xf32>
      %get3A_234 = arith.constant 1 : i32
      %get3A_235 = arith.index_cast %get3A_234 : i32 to index
      %get3A_236 = arith.constant 32 : index
      %get3A_237 = tpu.vector_load %arg6[%get3A_235, %get3A_236] {strides = array<i32>} : memref<16x128xf32, #tpu.memory_space<vmem>>, vector<1x16xf32>,
      %get3A_238 = vector.shape_cast %get3A_237 : vector<1x16xf32> to vector<16xf32>
      %max3A_239 = arith.maximumf %get3A_233, %get3A_238 : vector<16xf32>
      %get3A_240 = arith.constant 2 : i32
      %get3A_241 = arith.index_cast %get3A_240 : i32 to index
      %get3A_242 = arith.constant 32 : index
      %get3A_243 = tpu.vector_load %arg6[%get3A_241, %get3A_242] {strides = array<i32>} : memref<16x128xf32, #tpu.memory_space<vmem>>, vector<1x16xf32>,
      %get3A_244 = vector.shape_cast %get3A_243 : vector<1x16xf32> to vector<16xf32>
      %max3A_245 = arith.maximumf %max3A_239, %get3A_244 : vector<16xf32>
      %get3A_246 = arith.constant 3 : i32
      %get3A_247 = arith.index_cast %get3A_246 : i32 to index
      %get3A_248 = arith.constant 32 : index
      %get3A_249 = tpu.vector_load %arg6[%get3A_247, %get3A_248] {strides = array<i32>} : memref<16x128xf32, #tpu.memory_space<vmem>>, vector<1x16xf32>,
      %get3A_250 = vector.shape_cast %get3A_249 : vector<1x16xf32> to vector<16xf32>
      %max3A_251 = arith.maximumf %max3A_245, %get3A_250 : vector<16xf32>
      %get3A_252 = arith.constant 4 : i32
      %get3A_253 = arith.index_cast %get3A_252 : i32 to index
      %get3A_254 = arith.constant 32 : index
      %get3A_255 = tpu.vector_load %arg6[%get3A_253, %get3A_254] {strides = array<i32>} : memref<16x128xf32, #tpu.memory_space<vmem>>, vector<1x16xf32>,
      %get3A_256 = vector.shape_cast %get3A_255 : vector<1x16xf32> to vector<16xf32>
      %max3A_257 = arith.maximumf %max3A_251, %get3A_256 : vector<16xf32>
      %get3A_258 = arith.constant 5 : i32
      %get3A_259 = arith.index_cast %get3A_258 : i32 to index
      %get3A_260 = arith.constant 32 : index
      %get3A_261 = tpu.vector_load %arg6[%get3A_259, %get3A_260] {strides = array<i32>} : memref<16x128xf32, #tpu.memory_space<vmem>>, vector<1x16xf32>,
      %get3A_262 = vector.shape_cast %get3A_261 : vector<1x16xf32> to vector<16xf32>
      %max3A_263 = arith.maximumf %max3A_257, %get3A_262 : vector<16xf32>
      %get3A_264 = arith.constant 6 : i32
      %get3A_265 = arith.index_cast %get3A_264 : i32 to index
      %get3A_266 = arith.constant 32 : index
      %get3A_267 = tpu.vector_load %arg6[%get3A_265, %get3A_266] {strides = array<i32>} : memref<16x128xf32, #tpu.memory_space<vmem>>, vector<1x16xf32>,
      %get3A_268 = vector.shape_cast %get3A_267 : vector<1x16xf32> to vector<16xf32>
      %max3A_269 = arith.maximumf %max3A_263, %get3A_268 : vector<16xf32>
      %get3A_270 = arith.constant 7 : i32
      %get3A_271 = arith.index_cast %get3A_270 : i32 to index
      %get3A_272 = arith.constant 32 : index
      %get3A_273 = tpu.vector_load %arg6[%get3A_271, %get3A_272] {strides = array<i32>} : memref<16x128xf32, #tpu.memory_space<vmem>>, vector<1x16xf32>,
      %get3A_274 = vector.shape_cast %get3A_273 : vector<1x16xf32> to vector<16xf32>
      %max3A_275 = arith.maximumf %max3A_269, %get3A_274 : vector<16xf32>
      %get3A_276 = arith.constant 8 : i32
      %get3A_277 = arith.index_cast %get3A_276 : i32 to index
      %get3A_278 = arith.constant 32 : index
      %get3A_279 = tpu.vector_load %arg6[%get3A_277, %get3A_278] {strides = array<i32>} : memref<16x128xf32, #tpu.memory_space<vmem>>, vector<1x16xf32>,
      %get3A_280 = vector.shape_cast %get3A_279 : vector<1x16xf32> to vector<16xf32>
      %max3A_281 = arith.maximumf %max3A_275, %get3A_280 : vector<16xf32>
      %get3A_282 = arith.constant 9 : i32
      %get3A_283 = arith.index_cast %get3A_282 : i32 to index
      %get3A_284 = arith.constant 32 : index
      %get3A_285 = tpu.vector_load %arg6[%get3A_283, %get3A_284] {strides = array<i32>} : memref<16x128xf32, #tpu.memory_space<vmem>>, vector<1x16xf32>,
      %get3A_286 = vector.shape_cast %get3A_285 : vector<1x16xf32> to vector<16xf32>
      %max3A_287 = arith.maximumf %max3A_281, %get3A_286 : vector<16xf32>
      %get3A_288 = arith.constant 10 : i32
      %get3A_289 = arith.index_cast %get3A_288 : i32 to index
      %get3A_290 = arith.constant 32 : index
      %get3A_291 = tpu.vector_load %arg6[%get3A_289, %get3A_290] {strides = array<i32>} : memref<16x128xf32, #tpu.memory_space<vmem>>, vector<1x16xf32>,
      %get3A_292 = vector.shape_cast %get3A_291 : vector<1x16xf32> to vector<16xf32>
      %max3A_293 = arith.maximumf %max3A_287, %get3A_292 : vector<16xf32>
      %get3A_294 = arith.constant 11 : i32
      %get3A_295 = arith.index_cast %get3A_294 : i32 to index
      %get3A_296 = arith.constant 32 : index
      %get3A_297 = tpu.vector_load %arg6[%get3A_295, %get3A_296] {strides = array<i32>} : memref<16x128xf32, #tpu.memory_space<vmem>>, vector<1x16xf32>,
      %get3A_298 = vector.shape_cast %get3A_297 : vector<1x16xf32> to vector<16xf32>
      %max3A_299 = arith.maximumf %max3A_293, %get3A_298 : vector<16xf32>
      %get3A_300 = arith.constant 12 : i32
      %get3A_301 = arith.index_cast %get3A_300 : i32 to index
      %get3A_302 = arith.constant 32 : index
      %get3A_303 = tpu.vector_load %arg6[%get3A_301, %get3A_302] {strides = array<i32>} : memref<16x128xf32, #tpu.memory_space<vmem>>, vector<1x16xf32>,
      %get3A_304 = vector.shape_cast %get3A_303 : vector<1x16xf32> to vector<16xf32>
      %max3A_305 = arith.maximumf %max3A_299, %get3A_304 : vector<16xf32>
      %get3A_306 = arith.constant 13 : i32
      %get3A_307 = arith.index_cast %get3A_306 : i32 to index
      %get3A_308 = arith.constant 32 : index
      %get3A_309 = tpu.vector_load %arg6[%get3A_307, %get3A_308] {strides = array<i32>} : memref<16x128xf32, #tpu.memory_space<vmem>>, vector<1x16xf32>,
      %get3A_310 = vector.shape_cast %get3A_309 : vector<1x16xf32> to vector<16xf32>
      %max3A_311 = arith.maximumf %max3A_305, %get3A_310 : vector<16xf32>
      %get3A_312 = arith.constant 14 : i32
      %get3A_313 = arith.index_cast %get3A_312 : i32 to index
      %get3A_314 = arith.constant 32 : index
      %get3A_315 = tpu.vector_load %arg6[%get3A_313, %get3A_314] {strides = array<i32>} : memref<16x128xf32, #tpu.memory_space<vmem>>, vector<1x16xf32>,
      %get3A_316 = vector.shape_cast %get3A_315 : vector<1x16xf32> to vector<16xf32>
      %max3A_317 = arith.maximumf %max3A_311, %get3A_316 : vector<16xf32>
      %get3A_318 = arith.constant 15 : i32
      %get3A_319 = arith.index_cast %get3A_318 : i32 to index
      %get3A_320 = arith.constant 32 : index
      %get3A_321 = tpu.vector_load %arg6[%get3A_319, %get3A_320] {strides = array<i32>} : memref<16x128xf32, #tpu.memory_space<vmem>>, vector<1x16xf32>,
      %get3A_322 = vector.shape_cast %get3A_321 : vector<1x16xf32> to vector<16xf32>
      %max3A_323 = arith.maximumf %max3A_317, %get3A_322 : vector<16xf32>
      %swap3A_324 = arith.index_cast %scan3A_20 : i32 to index
      %swap3A_325 = arith.constant 32 : index
      %swap3A_326 = tpu.vector_load %arg7[%swap3A_324, %swap3A_325] {strides = array<i32>} : memref<256x64xf32, #tpu.memory_space<vmem>>, vector<1x16xf32>,
      %swap3A_327 = vector.shape_cast %swap3A_326 : vector<1x16xf32> to vector<16xf32>
      %swap3A_328 = vector.shape_cast %max3A_323 : vector<16xf32> to vector<1x16xf32>
      tpu.vector_store %arg7[%swap3A_324, %swap3A_325], %swap3A_328 {strides = array<i32>} : memref<256x64xf32, #tpu.memory_space<vmem>>, vector<1x16xf32>,
      %get3A_329 = arith.constant 0 : i32
      %get3A_330 = arith.index_cast %get3A_329 : i32 to index
      %get3A_331 = arith.constant 48 : index
      %get3A_332 = tpu.vector_load %arg6[%get3A_330, %get3A_331] {strides = array<i32>} : memref<16x128xf32, #tpu.memory_space<vmem>>, vector<1x16xf32>,
      %get3A_333 = vector.shape_cast %get3A_332 : vector<1x16xf32> to vector<16xf32>
      %get3A_334 = arith.constant 1 : i32
      %get3A_335 = arith.index_cast %get3A_334 : i32 to index
      %get3A_336 = arith.constant 48 : index
      %get3A_337 = tpu.vector_load %arg6[%get3A_335, %get3A_336] {strides = array<i32>} : memref<16x128xf32, #tpu.memory_space<vmem>>, vector<1x16xf32>,
      %get3A_338 = vector.shape_cast %get3A_337 : vector<1x16xf32> to vector<16xf32>
      %max3A_339 = arith.maximumf %get3A_333, %get3A_338 : vector<16xf32>
      %get3A_340 = arith.constant 2 : i32
      %get3A_341 = arith.index_cast %get3A_340 : i32 to index
      %get3A_342 = arith.constant 48 : index
      %get3A_343 = tpu.vector_load %arg6[%get3A_341, %get3A_342] {strides = array<i32>} : memref<16x128xf32, #tpu.memory_space<vmem>>, vector<1x16xf32>,
      %get3A_344 = vector.shape_cast %get3A_343 : vector<1x16xf32> to vector<16xf32>
      %max3A_345 = arith.maximumf %max3A_339, %get3A_344 : vector<16xf32>
      %get3A_346 = arith.constant 3 : i32
      %get3A_347 = arith.index_cast %get3A_346 : i32 to index
      %get3A_348 = arith.constant 48 : index
      %get3A_349 = tpu.vector_load %arg6[%get3A_347, %get3A_348] {strides = array<i32>} : memref<16x128xf32, #tpu.memory_space<vmem>>, vector<1x16xf32>,
      %get3A_350 = vector.shape_cast %get3A_349 : vector<1x16xf32> to vector<16xf32>
      %max3A_351 = arith.maximumf %max3A_345, %get3A_350 : vector<16xf32>
      %get3A_352 = arith.constant 4 : i32
      %get3A_353 = arith.index_cast %get3A_352 : i32 to index
      %get3A_354 = arith.constant 48 : index
      %get3A_355 = tpu.vector_load %arg6[%get3A_353, %get3A_354] {strides = array<i32>} : memref<16x128xf32, #tpu.memory_space<vmem>>, vector<1x16xf32>,
      %get3A_356 = vector.shape_cast %get3A_355 : vector<1x16xf32> to vector<16xf32>
      %max3A_357 = arith.maximumf %max3A_351, %get3A_356 : vector<16xf32>
      %get3A_358 = arith.constant 5 : i32
      %get3A_359 = arith.index_cast %get3A_358 : i32 to index
      %get3A_360 = arith.constant 48 : index
      %get3A_361 = tpu.vector_load %arg6[%get3A_359, %get3A_360] {strides = array<i32>} : memref<16x128xf32, #tpu.memory_space<vmem>>, vector<1x16xf32>,
      %get3A_362 = vector.shape_cast %get3A_361 : vector<1x16xf32> to vector<16xf32>
      %max3A_363 = arith.maximumf %max3A_357, %get3A_362 : vector<16xf32>
      %get3A_364 = arith.constant 6 : i32
      %get3A_365 = arith.index_cast %get3A_364 : i32 to index
      %get3A_366 = arith.constant 48 : index
      %get3A_367 = tpu.vector_load %arg6[%get3A_365, %get3A_366] {strides = array<i32>} : memref<16x128xf32, #tpu.memory_space<vmem>>, vector<1x16xf32>,
      %get3A_368 = vector.shape_cast %get3A_367 : vector<1x16xf32> to vector<16xf32>
      %max3A_369 = arith.maximumf %max3A_363, %get3A_368 : vector<16xf32>
      %get3A_370 = arith.constant 7 : i32
      %get3A_371 = arith.index_cast %get3A_370 : i32 to index
      %get3A_372 = arith.constant 48 : index
      %get3A_373 = tpu.vector_load %arg6[%get3A_371, %get3A_372] {strides = array<i32>} : memref<16x128xf32, #tpu.memory_space<vmem>>, vector<1x16xf32>,
      %get3A_374 = vector.shape_cast %get3A_373 : vector<1x16xf32> to vector<16xf32>
      %max3A_375 = arith.maximumf %max3A_369, %get3A_374 : vector<16xf32>
      %get3A_376 = arith.constant 8 : i32
      %get3A_377 = arith.index_cast %get3A_376 : i32 to index
      %get3A_378 = arith.constant 48 : index
      %get3A_379 = tpu.vector_load %arg6[%get3A_377, %get3A_378] {strides = array<i32>} : memref<16x128xf32, #tpu.memory_space<vmem>>, vector<1x16xf32>,
      %get3A_380 = vector.shape_cast %get3A_379 : vector<1x16xf32> to vector<16xf32>
      %max3A_381 = arith.maximumf %max3A_375, %get3A_380 : vector<16xf32>
      %get3A_382 = arith.constant 9 : i32
      %get3A_383 = arith.index_cast %get3A_382 : i32 to index
      %get3A_384 = arith.constant 48 : index
      %get3A_385 = tpu.vector_load %arg6[%get3A_383, %get3A_384] {strides = array<i32>} : memref<16x128xf32, #tpu.memory_space<vmem>>, vector<1x16xf32>,
      %get3A_386 = vector.shape_cast %get3A_385 : vector<1x16xf32> to vector<16xf32>
      %max3A_387 = arith.maximumf %max3A_381, %get3A_386 : vector<16xf32>
      %get3A_388 = arith.constant 10 : i32
      %get3A_389 = arith.index_cast %get3A_388 : i32 to index
      %get3A_390 = arith.constant 48 : index
      %get3A_391 = tpu.vector_load %arg6[%get3A_389, %get3A_390] {strides = array<i32>} : memref<16x128xf32, #tpu.memory_space<vmem>>, vector<1x16xf32>,
      %get3A_392 = vector.shape_cast %get3A_391 : vector<1x16xf32> to vector<16xf32>
      %max3A_393 = arith.maximumf %max3A_387, %get3A_392 : vector<16xf32>
      %get3A_394 = arith.constant 11 : i32
      %get3A_395 = arith.index_cast %get3A_394 : i32 to index
      %get3A_396 = arith.constant 48 : index
      %get3A_397 = tpu.vector_load %arg6[%get3A_395, %get3A_396] {strides = array<i32>} : memref<16x128xf32, #tpu.memory_space<vmem>>, vector<1x16xf32>,
      %get3A_398 = vector.shape_cast %get3A_397 : vector<1x16xf32> to vector<16xf32>
      %max3A_399 = arith.maximumf %max3A_393, %get3A_398 : vector<16xf32>
      %get3A_400 = arith.constant 12 : i32
      %get3A_401 = arith.index_cast %get3A_400 : i32 to index
      %get3A_402 = arith.constant 48 : index
      %get3A_403 = tpu.vector_load %arg6[%get3A_401, %get3A_402] {strides = array<i32>} : memref<16x128xf32, #tpu.memory_space<vmem>>, vector<1x16xf32>,
      %get3A_404 = vector.shape_cast %get3A_403 : vector<1x16xf32> to vector<16xf32>
      %max3A_405 = arith.maximumf %max3A_399, %get3A_404 : vector<16xf32>
      %get3A_406 = arith.constant 13 : i32
      %get3A_407 = arith.index_cast %get3A_406 : i32 to index
      %get3A_408 = arith.constant 48 : index
      %get3A_409 = tpu.vector_load %arg6[%get3A_407, %get3A_408] {strides = array<i32>} : memref<16x128xf32, #tpu.memory_space<vmem>>, vector<1x16xf32>,
      %get3A_410 = vector.shape_cast %get3A_409 : vector<1x16xf32> to vector<16xf32>
      %max3A_411 = arith.maximumf %max3A_405, %get3A_410 : vector<16xf32>
      %get3A_412 = arith.constant 14 : i32
      %get3A_413 = arith.index_cast %get3A_412 : i32 to index
      %get3A_414 = arith.constant 48 : index
      %get3A_415 = tpu.vector_load %arg6[%get3A_413, %get3A_414] {strides = array<i32>} : memref<16x128xf32, #tpu.memory_space<vmem>>, vector<1x16xf32>,
      %get3A_416 = vector.shape_cast %get3A_415 : vector<1x16xf32> to vector<16xf32>
      %max3A_417 = arith.maximumf %max3A_411, %get3A_416 : vector<16xf32>
      %get3A_418 = arith.constant 15 : i32
      %get3A_419 = arith.index_cast %get3A_418 : i32 to index
      %get3A_420 = arith.constant 48 : index
      %get3A_421 = tpu.vector_load %arg6[%get3A_419, %get3A_420] {strides = array<i32>} : memref<16x128xf32, #tpu.memory_space<vmem>>, vector<1x16xf32>,
      %get3A_422 = vector.shape_cast %get3A_421 : vector<1x16xf32> to vector<16xf32>
      %max3A_423 = arith.maximumf %max3A_417, %get3A_422 : vector<16xf32>
      %swap3A_424 = arith.index_cast %scan3A_20 : i32 to index
      %swap3A_425 = arith.constant 48 : index
      %swap3A_426 = tpu.vector_load %arg7[%swap3A_424, %swap3A_425] {strides = array<i32>} : memref<256x64xf32, #tpu.memory_space<vmem>>, vector<1x16xf32>,
      %swap3A_427 = vector.shape_cast %swap3A_426 : vector<1x16xf32> to vector<16xf32>
      %swap3A_428 = vector.shape_cast %max3A_423 : vector<16xf32> to vector<1x16xf32>
      tpu.vector_store %arg7[%swap3A_424, %swap3A_425], %swap3A_428 {strides = array<i32>} : memref<256x64xf32, #tpu.memory_space<vmem>>, vector<1x16xf32>,
      %scan3A_429 = arith.constant 0 : i32
      scf.yield %scan3A_429 : i32
    }
    %scan3A_8 = arith.constant 256 : i32
    %add3A_9 = arith.constant 0 : i32
    %add3A_10 = arith.addi %mul3A_2, %add3A_9 : i32
    "tpu.region"() ({
      %run_scoped3A = tpu.sem_alloc : memref<!tpu.dma_semaphore, #tpu.memory_space<semaphore_mem>>
      %dma_start3A = arith.constant 0 : i32
      %dma_start3A_20 = tpu.memref_slice %arg4[%add3A_10, %dma_start3A] : memref<16384x64xf32, #tpu.memory_space<hbm>> -> memref<256x64xf32, #tpu.memory_space<hbm>>
      %dma_start3A_21 = arith.constant 0 : i32
      %dma_start3A_22 = tpu.memref_slice %arg4[%add3A_10, %dma_start3A_21] : memref<16384x64xf32, #tpu.memory_space<hbm>> -> memref<256x64xf32, #tpu.memory_space<hbm>>
      tpu.enqueue_dma source(%arg7 : memref<256x64xf32, #tpu.memory_space<vmem>>) target(%dma_start3A_22 : memref<256x64xf32, #tpu.memory_space<hbm>>) target_semaphore(%run_scoped3A : memref<!tpu.dma_semaphore, #tpu.memory_space<semaphore_mem>>)
      %dma_wait3A = arith.constant 0 : i32
      %dma_wait3A_23 = tpu.memref_slice %arg4[%add3A_10, %dma_wait3A] : memref<16384x64xf32, #tpu.memory_space<hbm>> -> memref<256x64xf32, #tpu.memory_space<hbm>>
      %dma_wait3A_24 = arith.constant 0 : i32
      %dma_wait3A_25 = tpu.memref_slice %arg4[%add3A_10, %dma_wait3A_24] : memref<16384x64xf32, #tpu.memory_space<hbm>> -> memref<256x64xf32, #tpu.memory_space<hbm>>
      tpu.wait_dma2 semaphore(%run_scoped3A : memref<!tpu.dma_semaphore, #tpu.memory_space<semaphore_mem>>) src(%arg7 : memref<256x64xf32, #tpu.memory_space<vmem>>) dst(%dma_wait3A_25 : memref<256x64xf32, #tpu.memory_space<hbm>>)
      tpu.yield
    }) : () -> ()
    %scan3A_11 = arith.constant 0 : i32
    %scan3A_12 = arith.constant 0 : i32
    %scan3A_13 = arith.constant 256 : i32
    %scan3A_14 = arith.addi %scan3A_12, %scan3A_13 : i32
    %scan3A_15 = arith.constant 1 : i32
    %scan3A_16 = scf.for %scan3A_20 = %scan3A_12 to %scan3A_14 step %scan3A_15 iter_args(%scan3A_21 = %scan3A_11) -> (i32)  : i32 {
      %add3A_22 = arith.constant 256 : i32
      %add3A_23 = arith.addi %add3A_22, %scan3A_20 : i32
      %get3A = arith.index_cast %add3A_23 : i32 to index
      %get3A_24 = arith.constant 0 : index
      %get3A_25 = tpu.vector_load %arg5[%get3A, %get3A_24] {strides = array<i32>} : memref<512x16xi32, #tpu.memory_space<vmem>>, vector<1x16xi32>,
      %get3A_26 = vector.shape_cast %get3A_25 : vector<1x16xi32> to vector<16xi32>
      %dma_start3A = arith.constant 0 : i32
      %dma_start3A_27 = arith.constant 0 : i32
      %dma_start3A_28 = tpu.memref_slice %arg2[%dma_start3A, %dma_start3A_27] : memref<65536x128xf32, #tpu.memory_space<hbm>> -> memref<65536x128xf32, #tpu.memory_space<hbm>>
      tpu.enqueue_indirect_dma source(%dma_start3A_28 : memref<65536x128xf32, #tpu.memory_space<hbm>>) target(%arg6 : memref<16x128xf32, #tpu.memory_space<vmem>>) offsets(%get3A_26 : vector<16xi32>) semaphore(%arg8 : memref<!tpu.dma_semaphore, #tpu.memory_space<semaphore_mem>>)
      %dma_wait3A = arith.constant 0 : i32
      %dma_wait3A_29 = arith.constant 0 : i32
      %dma_wait3A_30 = tpu.memref_slice %arg2[%dma_wait3A, %dma_wait3A_29] : memref<65536x128xf32, #tpu.memory_space<hbm>> -> memref<65536x128xf32, #tpu.memory_space<hbm>>
      tpu.wait_indirect_dma semaphore(%arg8 : memref<!tpu.dma_semaphore, #tpu.memory_space<semaphore_mem>>) src(%dma_wait3A_30 : memref<65536x128xf32, #tpu.memory_space<hbm>>) dst(%arg6 : memref<16x128xf32, #tpu.memory_space<vmem>>)
      %get3A_31 = arith.constant 0 : i32
      %get3A_32 = arith.index_cast %get3A_31 : i32 to index
      %get3A_33 = arith.constant 0 : index
      %get3A_34 = tpu.vector_load %arg6[%get3A_32, %get3A_33] {strides = array<i32>} : memref<16x128xf32, #tpu.memory_space<vmem>>, vector<1x16xf32>,
      %get3A_35 = vector.shape_cast %get3A_34 : vector<1x16xf32> to vector<16xf32>
      %get3A_36 = arith.constant 1 : i32
      %get3A_37 = arith.index_cast %get3A_36 : i32 to index
      %get3A_38 = arith.constant 0 : index
      %get3A_39 = tpu.vector_load %arg6[%get3A_37, %get3A_38] {strides = array<i32>} : memref<16x128xf32, #tpu.memory_space<vmem>>, vector<1x16xf32>,
      %get3A_40 = vector.shape_cast %get3A_39 : vector<1x16xf32> to vector<16xf32>
      %max3A = arith.maximumf %get3A_35, %get3A_40 : vector<16xf32>
      %get3A_41 = arith.constant 2 : i32
      %get3A_42 = arith.index_cast %get3A_41 : i32 to index
      %get3A_43 = arith.constant 0 : index
      %get3A_44 = tpu.vector_load %arg6[%get3A_42, %get3A_43] {strides = array<i32>} : memref<16x128xf32, #tpu.memory_space<vmem>>, vector<1x16xf32>,
      %get3A_45 = vector.shape_cast %get3A_44 : vector<1x16xf32> to vector<16xf32>
      %max3A_46 = arith.maximumf %max3A, %get3A_45 : vector<16xf32>
      %get3A_47 = arith.constant 3 : i32
      %get3A_48 = arith.index_cast %get3A_47 : i32 to index
      %get3A_49 = arith.constant 0 : index
      %get3A_50 = tpu.vector_load %arg6[%get3A_48, %get3A_49] {strides = array<i32>} : memref<16x128xf32, #tpu.memory_space<vmem>>, vector<1x16xf32>,
      %get3A_51 = vector.shape_cast %get3A_50 : vector<1x16xf32> to vector<16xf32>
      %max3A_52 = arith.maximumf %max3A_46, %get3A_51 : vector<16xf32>
      %get3A_53 = arith.constant 4 : i32
      %get3A_54 = arith.index_cast %get3A_53 : i32 to index
      %get3A_55 = arith.constant 0 : index
      %get3A_56 = tpu.vector_load %arg6[%get3A_54, %get3A_55] {strides = array<i32>} : memref<16x128xf32, #tpu.memory_space<vmem>>, vector<1x16xf32>,
      %get3A_57 = vector.shape_cast %get3A_56 : vector<1x16xf32> to vector<16xf32>
      %max3A_58 = arith.maximumf %max3A_52, %get3A_57 : vector<16xf32>
      %get3A_59 = arith.constant 5 : i32
      %get3A_60 = arith.index_cast %get3A_59 : i32 to index
      %get3A_61 = arith.constant 0 : index
      %get3A_62 = tpu.vector_load %arg6[%get3A_60, %get3A_61] {strides = array<i32>} : memref<16x128xf32, #tpu.memory_space<vmem>>, vector<1x16xf32>,
      %get3A_63 = vector.shape_cast %get3A_62 : vector<1x16xf32> to vector<16xf32>
      %max3A_64 = arith.maximumf %max3A_58, %get3A_63 : vector<16xf32>
      %get3A_65 = arith.constant 6 : i32
      %get3A_66 = arith.index_cast %get3A_65 : i32 to index
      %get3A_67 = arith.constant 0 : index
      %get3A_68 = tpu.vector_load %arg6[%get3A_66, %get3A_67] {strides = array<i32>} : memref<16x128xf32, #tpu.memory_space<vmem>>, vector<1x16xf32>,
      %get3A_69 = vector.shape_cast %get3A_68 : vector<1x16xf32> to vector<16xf32>
      %max3A_70 = arith.maximumf %max3A_64, %get3A_69 : vector<16xf32>
      %get3A_71 = arith.constant 7 : i32
      %get3A_72 = arith.index_cast %get3A_71 : i32 to index
      %get3A_73 = arith.constant 0 : index
      %get3A_74 = tpu.vector_load %arg6[%get3A_72, %get3A_73] {strides = array<i32>} : memref<16x128xf32, #tpu.memory_space<vmem>>, vector<1x16xf32>,
      %get3A_75 = vector.shape_cast %get3A_74 : vector<1x16xf32> to vector<16xf32>
      %max3A_76 = arith.maximumf %max3A_70, %get3A_75 : vector<16xf32>
      %get3A_77 = arith.constant 8 : i32
      %get3A_78 = arith.index_cast %get3A_77 : i32 to index
      %get3A_79 = arith.constant 0 : index
      %get3A_80 = tpu.vector_load %arg6[%get3A_78, %get3A_79] {strides = array<i32>} : memref<16x128xf32, #tpu.memory_space<vmem>>, vector<1x16xf32>,
      %get3A_81 = vector.shape_cast %get3A_80 : vector<1x16xf32> to vector<16xf32>
      %max3A_82 = arith.maximumf %max3A_76, %get3A_81 : vector<16xf32>
      %get3A_83 = arith.constant 9 : i32
      %get3A_84 = arith.index_cast %get3A_83 : i32 to index
      %get3A_85 = arith.constant 0 : index
      %get3A_86 = tpu.vector_load %arg6[%get3A_84, %get3A_85] {strides = array<i32>} : memref<16x128xf32, #tpu.memory_space<vmem>>, vector<1x16xf32>,
      %get3A_87 = vector.shape_cast %get3A_86 : vector<1x16xf32> to vector<16xf32>
      %max3A_88 = arith.maximumf %max3A_82, %get3A_87 : vector<16xf32>
      %get3A_89 = arith.constant 10 : i32
      %get3A_90 = arith.index_cast %get3A_89 : i32 to index
      %get3A_91 = arith.constant 0 : index
      %get3A_92 = tpu.vector_load %arg6[%get3A_90, %get3A_91] {strides = array<i32>} : memref<16x128xf32, #tpu.memory_space<vmem>>, vector<1x16xf32>,
      %get3A_93 = vector.shape_cast %get3A_92 : vector<1x16xf32> to vector<16xf32>
      %max3A_94 = arith.maximumf %max3A_88, %get3A_93 : vector<16xf32>
      %get3A_95 = arith.constant 11 : i32
      %get3A_96 = arith.index_cast %get3A_95 : i32 to index
      %get3A_97 = arith.constant 0 : index
      %get3A_98 = tpu.vector_load %arg6[%get3A_96, %get3A_97] {strides = array<i32>} : memref<16x128xf32, #tpu.memory_space<vmem>>, vector<1x16xf32>,
      %get3A_99 = vector.shape_cast %get3A_98 : vector<1x16xf32> to vector<16xf32>
      %max3A_100 = arith.maximumf %max3A_94, %get3A_99 : vector<16xf32>
      %get3A_101 = arith.constant 12 : i32
      %get3A_102 = arith.index_cast %get3A_101 : i32 to index
      %get3A_103 = arith.constant 0 : index
      %get3A_104 = tpu.vector_load %arg6[%get3A_102, %get3A_103] {strides = array<i32>} : memref<16x128xf32, #tpu.memory_space<vmem>>, vector<1x16xf32>,
      %get3A_105 = vector.shape_cast %get3A_104 : vector<1x16xf32> to vector<16xf32>
      %max3A_106 = arith.maximumf %max3A_100, %get3A_105 : vector<16xf32>
      %get3A_107 = arith.constant 13 : i32
      %get3A_108 = arith.index_cast %get3A_107 : i32 to index
      %get3A_109 = arith.constant 0 : index
      %get3A_110 = tpu.vector_load %arg6[%get3A_108, %get3A_109] {strides = array<i32>} : memref<16x128xf32, #tpu.memory_space<vmem>>, vector<1x16xf32>,
      %get3A_111 = vector.shape_cast %get3A_110 : vector<1x16xf32> to vector<16xf32>
      %max3A_112 = arith.maximumf %max3A_106, %get3A_111 : vector<16xf32>
      %get3A_113 = arith.constant 14 : i32
      %get3A_114 = arith.index_cast %get3A_113 : i32 to index
      %get3A_115 = arith.constant 0 : index
      %get3A_116 = tpu.vector_load %arg6[%get3A_114, %get3A_115] {strides = array<i32>} : memref<16x128xf32, #tpu.memory_space<vmem>>, vector<1x16xf32>,
      %get3A_117 = vector.shape_cast %get3A_116 : vector<1x16xf32> to vector<16xf32>
      %max3A_118 = arith.maximumf %max3A_112, %get3A_117 : vector<16xf32>
      %get3A_119 = arith.constant 15 : i32
      %get3A_120 = arith.index_cast %get3A_119 : i32 to index
      %get3A_121 = arith.constant 0 : index
      %get3A_122 = tpu.vector_load %arg6[%get3A_120, %get3A_121] {strides = array<i32>} : memref<16x128xf32, #tpu.memory_space<vmem>>, vector<1x16xf32>,
      %get3A_123 = vector.shape_cast %get3A_122 : vector<1x16xf32> to vector<16xf32>
      %max3A_124 = arith.maximumf %max3A_118, %get3A_123 : vector<16xf32>
      %swap3A = arith.index_cast %scan3A_20 : i32 to index
      %swap3A_125 = arith.constant 0 : index
      %swap3A_126 = tpu.vector_load %arg7[%swap3A, %swap3A_125] {strides = array<i32>} : memref<256x64xf32, #tpu.memory_space<vmem>>, vector<1x16xf32>,
      %swap3A_127 = vector.shape_cast %swap3A_126 : vector<1x16xf32> to vector<16xf32>
      %swap3A_128 = vector.shape_cast %max3A_124 : vector<16xf32> to vector<1x16xf32>
      tpu.vector_store %arg7[%swap3A, %swap3A_125], %swap3A_128 {strides = array<i32>} : memref<256x64xf32, #tpu.memory_space<vmem>>, vector<1x16xf32>,
      %get3A_129 = arith.constant 0 : i32
      %get3A_130 = arith.index_cast %get3A_129 : i32 to index
      %get3A_131 = arith.constant 16 : index
      %get3A_132 = tpu.vector_load %arg6[%get3A_130, %get3A_131] {strides = array<i32>} : memref<16x128xf32, #tpu.memory_space<vmem>>, vector<1x16xf32>,
      %get3A_133 = vector.shape_cast %get3A_132 : vector<1x16xf32> to vector<16xf32>
      %get3A_134 = arith.constant 1 : i32
      %get3A_135 = arith.index_cast %get3A_134 : i32 to index
      %get3A_136 = arith.constant 16 : index
      %get3A_137 = tpu.vector_load %arg6[%get3A_135, %get3A_136] {strides = array<i32>} : memref<16x128xf32, #tpu.memory_space<vmem>>, vector<1x16xf32>,
      %get3A_138 = vector.shape_cast %get3A_137 : vector<1x16xf32> to vector<16xf32>
      %max3A_139 = arith.maximumf %get3A_133, %get3A_138 : vector<16xf32>
      %get3A_140 = arith.constant 2 : i32
      %get3A_141 = arith.index_cast %get3A_140 : i32 to index
      %get3A_142 = arith.constant 16 : index
      %get3A_143 = tpu.vector_load %arg6[%get3A_141, %get3A_142] {strides = array<i32>} : memref<16x128xf32, #tpu.memory_space<vmem>>, vector<1x16xf32>,
      %get3A_144 = vector.shape_cast %get3A_143 : vector<1x16xf32> to vector<16xf32>
      %max3A_145 = arith.maximumf %max3A_139, %get3A_144 : vector<16xf32>
      %get3A_146 = arith.constant 3 : i32
      %get3A_147 = arith.index_cast %get3A_146 : i32 to index
      %get3A_148 = arith.constant 16 : index
      %get3A_149 = tpu.vector_load %arg6[%get3A_147, %get3A_148] {strides = array<i32>} : memref<16x128xf32, #tpu.memory_space<vmem>>, vector<1x16xf32>,
      %get3A_150 = vector.shape_cast %get3A_149 : vector<1x16xf32> to vector<16xf32>
      %max3A_151 = arith.maximumf %max3A_145, %get3A_150 : vector<16xf32>
      %get3A_152 = arith.constant 4 : i32
      %get3A_153 = arith.index_cast %get3A_152 : i32 to index
      %get3A_154 = arith.constant 16 : index
      %get3A_155 = tpu.vector_load %arg6[%get3A_153, %get3A_154] {strides = array<i32>} : memref<16x128xf32, #tpu.memory_space<vmem>>, vector<1x16xf32>,
      %get3A_156 = vector.shape_cast %get3A_155 : vector<1x16xf32> to vector<16xf32>
      %max3A_157 = arith.maximumf %max3A_151, %get3A_156 : vector<16xf32>
      %get3A_158 = arith.constant 5 : i32
      %get3A_159 = arith.index_cast %get3A_158 : i32 to index
      %get3A_160 = arith.constant 16 : index
      %get3A_161 = tpu.vector_load %arg6[%get3A_159, %get3A_160] {strides = array<i32>} : memref<16x128xf32, #tpu.memory_space<vmem>>, vector<1x16xf32>,
      %get3A_162 = vector.shape_cast %get3A_161 : vector<1x16xf32> to vector<16xf32>
      %max3A_163 = arith.maximumf %max3A_157, %get3A_162 : vector<16xf32>
      %get3A_164 = arith.constant 6 : i32
      %get3A_165 = arith.index_cast %get3A_164 : i32 to index
      %get3A_166 = arith.constant 16 : index
      %get3A_167 = tpu.vector_load %arg6[%get3A_165, %get3A_166] {strides = array<i32>} : memref<16x128xf32, #tpu.memory_space<vmem>>, vector<1x16xf32>,
      %get3A_168 = vector.shape_cast %get3A_167 : vector<1x16xf32> to vector<16xf32>
      %max3A_169 = arith.maximumf %max3A_163, %get3A_168 : vector<16xf32>
      %get3A_170 = arith.constant 7 : i32
      %get3A_171 = arith.index_cast %get3A_170 : i32 to index
      %get3A_172 = arith.constant 16 : index
      %get3A_173 = tpu.vector_load %arg6[%get3A_171, %get3A_172] {strides = array<i32>} : memref<16x128xf32, #tpu.memory_space<vmem>>, vector<1x16xf32>,
      %get3A_174 = vector.shape_cast %get3A_173 : vector<1x16xf32> to vector<16xf32>
      %max3A_175 = arith.maximumf %max3A_169, %get3A_174 : vector<16xf32>
      %get3A_176 = arith.constant 8 : i32
      %get3A_177 = arith.index_cast %get3A_176 : i32 to index
      %get3A_178 = arith.constant 16 : index
      %get3A_179 = tpu.vector_load %arg6[%get3A_177, %get3A_178] {strides = array<i32>} : memref<16x128xf32, #tpu.memory_space<vmem>>, vector<1x16xf32>,
      %get3A_180 = vector.shape_cast %get3A_179 : vector<1x16xf32> to vector<16xf32>
      %max3A_181 = arith.maximumf %max3A_175, %get3A_180 : vector<16xf32>
      %get3A_182 = arith.constant 9 : i32
      %get3A_183 = arith.index_cast %get3A_182 : i32 to index
      %get3A_184 = arith.constant 16 : index
      %get3A_185 = tpu.vector_load %arg6[%get3A_183, %get3A_184] {strides = array<i32>} : memref<16x128xf32, #tpu.memory_space<vmem>>, vector<1x16xf32>,
      %get3A_186 = vector.shape_cast %get3A_185 : vector<1x16xf32> to vector<16xf32>
      %max3A_187 = arith.maximumf %max3A_181, %get3A_186 : vector<16xf32>
      %get3A_188 = arith.constant 10 : i32
      %get3A_189 = arith.index_cast %get3A_188 : i32 to index
      %get3A_190 = arith.constant 16 : index
      %get3A_191 = tpu.vector_load %arg6[%get3A_189, %get3A_190] {strides = array<i32>} : memref<16x128xf32, #tpu.memory_space<vmem>>, vector<1x16xf32>,
      %get3A_192 = vector.shape_cast %get3A_191 : vector<1x16xf32> to vector<16xf32>
      %max3A_193 = arith.maximumf %max3A_187, %get3A_192 : vector<16xf32>
      %get3A_194 = arith.constant 11 : i32
      %get3A_195 = arith.index_cast %get3A_194 : i32 to index
      %get3A_196 = arith.constant 16 : index
      %get3A_197 = tpu.vector_load %arg6[%get3A_195, %get3A_196] {strides = array<i32>} : memref<16x128xf32, #tpu.memory_space<vmem>>, vector<1x16xf32>,
      %get3A_198 = vector.shape_cast %get3A_197 : vector<1x16xf32> to vector<16xf32>
      %max3A_199 = arith.maximumf %max3A_193, %get3A_198 : vector<16xf32>
      %get3A_200 = arith.constant 12 : i32
      %get3A_201 = arith.index_cast %get3A_200 : i32 to index
      %get3A_202 = arith.constant 16 : index
      %get3A_203 = tpu.vector_load %arg6[%get3A_201, %get3A_202] {strides = array<i32>} : memref<16x128xf32, #tpu.memory_space<vmem>>, vector<1x16xf32>,
      %get3A_204 = vector.shape_cast %get3A_203 : vector<1x16xf32> to vector<16xf32>
      %max3A_205 = arith.maximumf %max3A_199, %get3A_204 : vector<16xf32>
      %get3A_206 = arith.constant 13 : i32
      %get3A_207 = arith.index_cast %get3A_206 : i32 to index
      %get3A_208 = arith.constant 16 : index
      %get3A_209 = tpu.vector_load %arg6[%get3A_207, %get3A_208] {strides = array<i32>} : memref<16x128xf32, #tpu.memory_space<vmem>>, vector<1x16xf32>,
      %get3A_210 = vector.shape_cast %get3A_209 : vector<1x16xf32> to vector<16xf32>
      %max3A_211 = arith.maximumf %max3A_205, %get3A_210 : vector<16xf32>
      %get3A_212 = arith.constant 14 : i32
      %get3A_213 = arith.index_cast %get3A_212 : i32 to index
      %get3A_214 = arith.constant 16 : index
      %get3A_215 = tpu.vector_load %arg6[%get3A_213, %get3A_214] {strides = array<i32>} : memref<16x128xf32, #tpu.memory_space<vmem>>, vector<1x16xf32>,
      %get3A_216 = vector.shape_cast %get3A_215 : vector<1x16xf32> to vector<16xf32>
      %max3A_217 = arith.maximumf %max3A_211, %get3A_216 : vector<16xf32>
      %get3A_218 = arith.constant 15 : i32
      %get3A_219 = arith.index_cast %get3A_218 : i32 to index
      %get3A_220 = arith.constant 16 : index
      %get3A_221 = tpu.vector_load %arg6[%get3A_219, %get3A_220] {strides = array<i32>} : memref<16x128xf32, #tpu.memory_space<vmem>>, vector<1x16xf32>,
      %get3A_222 = vector.shape_cast %get3A_221 : vector<1x16xf32> to vector<16xf32>
      %max3A_223 = arith.maximumf %max3A_217, %get3A_222 : vector<16xf32>
      %swap3A_224 = arith.index_cast %scan3A_20 : i32 to index
      %swap3A_225 = arith.constant 16 : index
      %swap3A_226 = tpu.vector_load %arg7[%swap3A_224, %swap3A_225] {strides = array<i32>} : memref<256x64xf32, #tpu.memory_space<vmem>>, vector<1x16xf32>,
      %swap3A_227 = vector.shape_cast %swap3A_226 : vector<1x16xf32> to vector<16xf32>
      %swap3A_228 = vector.shape_cast %max3A_223 : vector<16xf32> to vector<1x16xf32>
      tpu.vector_store %arg7[%swap3A_224, %swap3A_225], %swap3A_228 {strides = array<i32>} : memref<256x64xf32, #tpu.memory_space<vmem>>, vector<1x16xf32>,
      %get3A_229 = arith.constant 0 : i32
      %get3A_230 = arith.index_cast %get3A_229 : i32 to index
      %get3A_231 = arith.constant 32 : index
      %get3A_232 = tpu.vector_load %arg6[%get3A_230, %get3A_231] {strides = array<i32>} : memref<16x128xf32, #tpu.memory_space<vmem>>, vector<1x16xf32>,
      %get3A_233 = vector.shape_cast %get3A_232 : vector<1x16xf32> to vector<16xf32>
      %get3A_234 = arith.constant 1 : i32
      %get3A_235 = arith.index_cast %get3A_234 : i32 to index
      %get3A_236 = arith.constant 32 : index
      %get3A_237 = tpu.vector_load %arg6[%get3A_235, %get3A_236] {strides = array<i32>} : memref<16x128xf32, #tpu.memory_space<vmem>>, vector<1x16xf32>,
      %get3A_238 = vector.shape_cast %get3A_237 : vector<1x16xf32> to vector<16xf32>
      %max3A_239 = arith.maximumf %get3A_233, %get3A_238 : vector<16xf32>
      %get3A_240 = arith.constant 2 : i32
      %get3A_241 = arith.index_cast %get3A_240 : i32 to index
      %get3A_242 = arith.constant 32 : index
      %get3A_243 = tpu.vector_load %arg6[%get3A_241, %get3A_242] {strides = array<i32>} : memref<16x128xf32, #tpu.memory_space<vmem>>, vector<1x16xf32>,
      %get3A_244 = vector.shape_cast %get3A_243 : vector<1x16xf32> to vector<16xf32>
      %max3A_245 = arith.maximumf %max3A_239, %get3A_244 : vector<16xf32>
      %get3A_246 = arith.constant 3 : i32
      %get3A_247 = arith.index_cast %get3A_246 : i32 to index
      %get3A_248 = arith.constant 32 : index
      %get3A_249 = tpu.vector_load %arg6[%get3A_247, %get3A_248] {strides = array<i32>} : memref<16x128xf32, #tpu.memory_space<vmem>>, vector<1x16xf32>,
      %get3A_250 = vector.shape_cast %get3A_249 : vector<1x16xf32> to vector<16xf32>
      %max3A_251 = arith.maximumf %max3A_245, %get3A_250 : vector<16xf32>
      %get3A_252 = arith.constant 4 : i32
      %get3A_253 = arith.index_cast %get3A_252 : i32 to index
      %get3A_254 = arith.constant 32 : index
      %get3A_255 = tpu.vector_load %arg6[%get3A_253, %get3A_254] {strides = array<i32>} : memref<16x128xf32, #tpu.memory_space<vmem>>, vector<1x16xf32>,
      %get3A_256 = vector.shape_cast %get3A_255 : vector<1x16xf32> to vector<16xf32>
      %max3A_257 = arith.maximumf %max3A_251, %get3A_256 : vector<16xf32>
      %get3A_258 = arith.constant 5 : i32
      %get3A_259 = arith.index_cast %get3A_258 : i32 to index
      %get3A_260 = arith.constant 32 : index
      %get3A_261 = tpu.vector_load %arg6[%get3A_259, %get3A_260] {strides = array<i32>} : memref<16x128xf32, #tpu.memory_space<vmem>>, vector<1x16xf32>,
      %get3A_262 = vector.shape_cast %get3A_261 : vector<1x16xf32> to vector<16xf32>
      %max3A_263 = arith.maximumf %max3A_257, %get3A_262 : vector<16xf32>
      %get3A_264 = arith.constant 6 : i32
      %get3A_265 = arith.index_cast %get3A_264 : i32 to index
      %get3A_266 = arith.constant 32 : index
      %get3A_267 = tpu.vector_load %arg6[%get3A_265, %get3A_266] {strides = array<i32>} : memref<16x128xf32, #tpu.memory_space<vmem>>, vector<1x16xf32>,
      %get3A_268 = vector.shape_cast %get3A_267 : vector<1x16xf32> to vector<16xf32>
      %max3A_269 = arith.maximumf %max3A_263, %get3A_268 : vector<16xf32>
      %get3A_270 = arith.constant 7 : i32
      %get3A_271 = arith.index_cast %get3A_270 : i32 to index
      %get3A_272 = arith.constant 32 : index
      %get3A_273 = tpu.vector_load %arg6[%get3A_271, %get3A_272] {strides = array<i32>} : memref<16x128xf32, #tpu.memory_space<vmem>>, vector<1x16xf32>,
      %get3A_274 = vector.shape_cast %get3A_273 : vector<1x16xf32> to vector<16xf32>
      %max3A_275 = arith.maximumf %max3A_269, %get3A_274 : vector<16xf32>
      %get3A_276 = arith.constant 8 : i32
      %get3A_277 = arith.index_cast %get3A_276 : i32 to index
      %get3A_278 = arith.constant 32 : index
      %get3A_279 = tpu.vector_load %arg6[%get3A_277, %get3A_278] {strides = array<i32>} : memref<16x128xf32, #tpu.memory_space<vmem>>, vector<1x16xf32>,
      %get3A_280 = vector.shape_cast %get3A_279 : vector<1x16xf32> to vector<16xf32>
      %max3A_281 = arith.maximumf %max3A_275, %get3A_280 : vector<16xf32>
      %get3A_282 = arith.constant 9 : i32
      %get3A_283 = arith.index_cast %get3A_282 : i32 to index
      %get3A_284 = arith.constant 32 : index
      %get3A_285 = tpu.vector_load %arg6[%get3A_283, %get3A_284] {strides = array<i32>} : memref<16x128xf32, #tpu.memory_space<vmem>>, vector<1x16xf32>,
      %get3A_286 = vector.shape_cast %get3A_285 : vector<1x16xf32> to vector<16xf32>
      %max3A_287 = arith.maximumf %max3A_281, %get3A_286 : vector<16xf32>
      %get3A_288 = arith.constant 10 : i32
      %get3A_289 = arith.index_cast %get3A_288 : i32 to index
      %get3A_290 = arith.constant 32 : index
      %get3A_291 = tpu.vector_load %arg6[%get3A_289, %get3A_290] {strides = array<i32>} : memref<16x128xf32, #tpu.memory_space<vmem>>, vector<1x16xf32>,
      %get3A_292 = vector.shape_cast %get3A_291 : vector<1x16xf32> to vector<16xf32>
      %max3A_293 = arith.maximumf %max3A_287, %get3A_292 : vector<16xf32>
      %get3A_294 = arith.constant 11 : i32
      %get3A_295 = arith.index_cast %get3A_294 : i32 to index
      %get3A_296 = arith.constant 32 : index
      %get3A_297 = tpu.vector_load %arg6[%get3A_295, %get3A_296] {strides = array<i32>} : memref<16x128xf32, #tpu.memory_space<vmem>>, vector<1x16xf32>,
      %get3A_298 = vector.shape_cast %get3A_297 : vector<1x16xf32> to vector<16xf32>
      %max3A_299 = arith.maximumf %max3A_293, %get3A_298 : vector<16xf32>
      %get3A_300 = arith.constant 12 : i32
      %get3A_301 = arith.index_cast %get3A_300 : i32 to index
      %get3A_302 = arith.constant 32 : index
      %get3A_303 = tpu.vector_load %arg6[%get3A_301, %get3A_302] {strides = array<i32>} : memref<16x128xf32, #tpu.memory_space<vmem>>, vector<1x16xf32>,
      %get3A_304 = vector.shape_cast %get3A_303 : vector<1x16xf32> to vector<16xf32>
      %max3A_305 = arith.maximumf %max3A_299, %get3A_304 : vector<16xf32>
      %get3A_306 = arith.constant 13 : i32
      %get3A_307 = arith.index_cast %get3A_306 : i32 to index
      %get3A_308 = arith.constant 32 : index
      %get3A_309 = tpu.vector_load %arg6[%get3A_307, %get3A_308] {strides = array<i32>} : memref<16x128xf32, #tpu.memory_space<vmem>>, vector<1x16xf32>,
      %get3A_310 = vector.shape_cast %get3A_309 : vector<1x16xf32> to vector<16xf32>
      %max3A_311 = arith.maximumf %max3A_305, %get3A_310 : vector<16xf32>
      %get3A_312 = arith.constant 14 : i32
      %get3A_313 = arith.index_cast %get3A_312 : i32 to index
      %get3A_314 = arith.constant 32 : index
      %get3A_315 = tpu.vector_load %arg6[%get3A_313, %get3A_314] {strides = array<i32>} : memref<16x128xf32, #tpu.memory_space<vmem>>, vector<1x16xf32>,
      %get3A_316 = vector.shape_cast %get3A_315 : vector<1x16xf32> to vector<16xf32>
      %max3A_317 = arith.maximumf %max3A_311, %get3A_316 : vector<16xf32>
      %get3A_318 = arith.constant 15 : i32
      %get3A_319 = arith.index_cast %get3A_318 : i32 to index
      %get3A_320 = arith.constant 32 : index
      %get3A_321 = tpu.vector_load %arg6[%get3A_319, %get3A_320] {strides = array<i32>} : memref<16x128xf32, #tpu.memory_space<vmem>>, vector<1x16xf32>,
      %get3A_322 = vector.shape_cast %get3A_321 : vector<1x16xf32> to vector<16xf32>
      %max3A_323 = arith.maximumf %max3A_317, %get3A_322 : vector<16xf32>
      %swap3A_324 = arith.index_cast %scan3A_20 : i32 to index
      %swap3A_325 = arith.constant 32 : index
      %swap3A_326 = tpu.vector_load %arg7[%swap3A_324, %swap3A_325] {strides = array<i32>} : memref<256x64xf32, #tpu.memory_space<vmem>>, vector<1x16xf32>,
      %swap3A_327 = vector.shape_cast %swap3A_326 : vector<1x16xf32> to vector<16xf32>
      %swap3A_328 = vector.shape_cast %max3A_323 : vector<16xf32> to vector<1x16xf32>
      tpu.vector_store %arg7[%swap3A_324, %swap3A_325], %swap3A_328 {strides = array<i32>} : memref<256x64xf32, #tpu.memory_space<vmem>>, vector<1x16xf32>,
      %get3A_329 = arith.constant 0 : i32
      %get3A_330 = arith.index_cast %get3A_329 : i32 to index
      %get3A_331 = arith.constant 48 : index
      %get3A_332 = tpu.vector_load %arg6[%get3A_330, %get3A_331] {strides = array<i32>} : memref<16x128xf32, #tpu.memory_space<vmem>>, vector<1x16xf32>,
      %get3A_333 = vector.shape_cast %get3A_332 : vector<1x16xf32> to vector<16xf32>
      %get3A_334 = arith.constant 1 : i32
      %get3A_335 = arith.index_cast %get3A_334 : i32 to index
      %get3A_336 = arith.constant 48 : index
      %get3A_337 = tpu.vector_load %arg6[%get3A_335, %get3A_336] {strides = array<i32>} : memref<16x128xf32, #tpu.memory_space<vmem>>, vector<1x16xf32>,
      %get3A_338 = vector.shape_cast %get3A_337 : vector<1x16xf32> to vector<16xf32>
      %max3A_339 = arith.maximumf %get3A_333, %get3A_338 : vector<16xf32>
      %get3A_340 = arith.constant 2 : i32
      %get3A_341 = arith.index_cast %get3A_340 : i32 to index
      %get3A_342 = arith.constant 48 : index
      %get3A_343 = tpu.vector_load %arg6[%get3A_341, %get3A_342] {strides = array<i32>} : memref<16x128xf32, #tpu.memory_space<vmem>>, vector<1x16xf32>,
      %get3A_344 = vector.shape_cast %get3A_343 : vector<1x16xf32> to vector<16xf32>
      %max3A_345 = arith.maximumf %max3A_339, %get3A_344 : vector<16xf32>
      %get3A_346 = arith.constant 3 : i32
      %get3A_347 = arith.index_cast %get3A_346 : i32 to index
      %get3A_348 = arith.constant 48 : index
      %get3A_349 = tpu.vector_load %arg6[%get3A_347, %get3A_348] {strides = array<i32>} : memref<16x128xf32, #tpu.memory_space<vmem>>, vector<1x16xf32>,
      %get3A_350 = vector.shape_cast %get3A_349 : vector<1x16xf32> to vector<16xf32>
      %max3A_351 = arith.maximumf %max3A_345, %get3A_350 : vector<16xf32>
      %get3A_352 = arith.constant 4 : i32
      %get3A_353 = arith.index_cast %get3A_352 : i32 to index
      %get3A_354 = arith.constant 48 : index
      %get3A_355 = tpu.vector_load %arg6[%get3A_353, %get3A_354] {strides = array<i32>} : memref<16x128xf32, #tpu.memory_space<vmem>>, vector<1x16xf32>,
      %get3A_356 = vector.shape_cast %get3A_355 : vector<1x16xf32> to vector<16xf32>
      %max3A_357 = arith.maximumf %max3A_351, %get3A_356 : vector<16xf32>
      %get3A_358 = arith.constant 5 : i32
      %get3A_359 = arith.index_cast %get3A_358 : i32 to index
      %get3A_360 = arith.constant 48 : index
      %get3A_361 = tpu.vector_load %arg6[%get3A_359, %get3A_360] {strides = array<i32>} : memref<16x128xf32, #tpu.memory_space<vmem>>, vector<1x16xf32>,
      %get3A_362 = vector.shape_cast %get3A_361 : vector<1x16xf32> to vector<16xf32>
      %max3A_363 = arith.maximumf %max3A_357, %get3A_362 : vector<16xf32>
      %get3A_364 = arith.constant 6 : i32
      %get3A_365 = arith.index_cast %get3A_364 : i32 to index
      %get3A_366 = arith.constant 48 : index
      %get3A_367 = tpu.vector_load %arg6[%get3A_365, %get3A_366] {strides = array<i32>} : memref<16x128xf32, #tpu.memory_space<vmem>>, vector<1x16xf32>,
      %get3A_368 = vector.shape_cast %get3A_367 : vector<1x16xf32> to vector<16xf32>
      %max3A_369 = arith.maximumf %max3A_363, %get3A_368 : vector<16xf32>
      %get3A_370 = arith.constant 7 : i32
      %get3A_371 = arith.index_cast %get3A_370 : i32 to index
      %get3A_372 = arith.constant 48 : index
      %get3A_373 = tpu.vector_load %arg6[%get3A_371, %get3A_372] {strides = array<i32>} : memref<16x128xf32, #tpu.memory_space<vmem>>, vector<1x16xf32>,
      %get3A_374 = vector.shape_cast %get3A_373 : vector<1x16xf32> to vector<16xf32>
      %max3A_375 = arith.maximumf %max3A_369, %get3A_374 : vector<16xf32>
      %get3A_376 = arith.constant 8 : i32
      %get3A_377 = arith.index_cast %get3A_376 : i32 to index
      %get3A_378 = arith.constant 48 : index
      %get3A_379 = tpu.vector_load %arg6[%get3A_377, %get3A_378] {strides = array<i32>} : memref<16x128xf32, #tpu.memory_space<vmem>>, vector<1x16xf32>,
      %get3A_380 = vector.shape_cast %get3A_379 : vector<1x16xf32> to vector<16xf32>
      %max3A_381 = arith.maximumf %max3A_375, %get3A_380 : vector<16xf32>
      %get3A_382 = arith.constant 9 : i32
      %get3A_383 = arith.index_cast %get3A_382 : i32 to index
      %get3A_384 = arith.constant 48 : index
      %get3A_385 = tpu.vector_load %arg6[%get3A_383, %get3A_384] {strides = array<i32>} : memref<16x128xf32, #tpu.memory_space<vmem>>, vector<1x16xf32>,
      %get3A_386 = vector.shape_cast %get3A_385 : vector<1x16xf32> to vector<16xf32>
      %max3A_387 = arith.maximumf %max3A_381, %get3A_386 : vector<16xf32>
      %get3A_388 = arith.constant 10 : i32
      %get3A_389 = arith.index_cast %get3A_388 : i32 to index
      %get3A_390 = arith.constant 48 : index
      %get3A_391 = tpu.vector_load %arg6[%get3A_389, %get3A_390] {strides = array<i32>} : memref<16x128xf32, #tpu.memory_space<vmem>>, vector<1x16xf32>,
      %get3A_392 = vector.shape_cast %get3A_391 : vector<1x16xf32> to vector<16xf32>
      %max3A_393 = arith.maximumf %max3A_387, %get3A_392 : vector<16xf32>
      %get3A_394 = arith.constant 11 : i32
      %get3A_395 = arith.index_cast %get3A_394 : i32 to index
      %get3A_396 = arith.constant 48 : index
      %get3A_397 = tpu.vector_load %arg6[%get3A_395, %get3A_396] {strides = array<i32>} : memref<16x128xf32, #tpu.memory_space<vmem>>, vector<1x16xf32>,
      %get3A_398 = vector.shape_cast %get3A_397 : vector<1x16xf32> to vector<16xf32>
      %max3A_399 = arith.maximumf %max3A_393, %get3A_398 : vector<16xf32>
      %get3A_400 = arith.constant 12 : i32
      %get3A_401 = arith.index_cast %get3A_400 : i32 to index
      %get3A_402 = arith.constant 48 : index
      %get3A_403 = tpu.vector_load %arg6[%get3A_401, %get3A_402] {strides = array<i32>} : memref<16x128xf32, #tpu.memory_space<vmem>>, vector<1x16xf32>,
      %get3A_404 = vector.shape_cast %get3A_403 : vector<1x16xf32> to vector<16xf32>
      %max3A_405 = arith.maximumf %max3A_399, %get3A_404 : vector<16xf32>
      %get3A_406 = arith.constant 13 : i32
      %get3A_407 = arith.index_cast %get3A_406 : i32 to index
      %get3A_408 = arith.constant 48 : index
      %get3A_409 = tpu.vector_load %arg6[%get3A_407, %get3A_408] {strides = array<i32>} : memref<16x128xf32, #tpu.memory_space<vmem>>, vector<1x16xf32>,
      %get3A_410 = vector.shape_cast %get3A_409 : vector<1x16xf32> to vector<16xf32>
      %max3A_411 = arith.maximumf %max3A_405, %get3A_410 : vector<16xf32>
      %get3A_412 = arith.constant 14 : i32
      %get3A_413 = arith.index_cast %get3A_412 : i32 to index
      %get3A_414 = arith.constant 48 : index
      %get3A_415 = tpu.vector_load %arg6[%get3A_413, %get3A_414] {strides = array<i32>} : memref<16x128xf32, #tpu.memory_space<vmem>>, vector<1x16xf32>,
      %get3A_416 = vector.shape_cast %get3A_415 : vector<1x16xf32> to vector<16xf32>
      %max3A_417 = arith.maximumf %max3A_411, %get3A_416 : vector<16xf32>
      %get3A_418 = arith.constant 15 : i32
      %get3A_419 = arith.index_cast %get3A_418 : i32 to index
      %get3A_420 = arith.constant 48 : index
      %get3A_421 = tpu.vector_load %arg6[%get3A_419, %get3A_420] {strides = array<i32>} : memref<16x128xf32, #tpu.memory_space<vmem>>, vector<1x16xf32>,
      %get3A_422 = vector.shape_cast %get3A_421 : vector<1x16xf32> to vector<16xf32>
      %max3A_423 = arith.maximumf %max3A_417, %get3A_422 : vector<16xf32>
      %swap3A_424 = arith.index_cast %scan3A_20 : i32 to index
      %swap3A_425 = arith.constant 48 : index
      %swap3A_426 = tpu.vector_load %arg7[%swap3A_424, %swap3A_425] {strides = array<i32>} : memref<256x64xf32, #tpu.memory_space<vmem>>, vector<1x16xf32>,
      %swap3A_427 = vector.shape_cast %swap3A_426 : vector<1x16xf32> to vector<16xf32>
      %swap3A_428 = vector.shape_cast %max3A_423 : vector<16xf32> to vector<1x16xf32>
      tpu.vector_store %arg7[%swap3A_424, %swap3A_425], %swap3A_428 {strides = array<i32>} : memref<256x64xf32, #tpu.memory_space<vmem>>, vector<1x16xf32>,
      %scan3A_429 = arith.constant 0 : i32
      scf.yield %scan3A_429 : i32
    }
    %scan3A_17 = arith.constant 256 : i32
    %add3A_18 = arith.constant 256 : i32
    %add3A_19 = arith.addi %mul3A_2, %add3A_18 : i32
    "tpu.region"() ({
      %run_scoped3A = tpu.sem_alloc : memref<!tpu.dma_semaphore, #tpu.memory_space<semaphore_mem>>
      %dma_start3A = arith.constant 0 : i32
      %dma_start3A_20 = tpu.memref_slice %arg4[%add3A_19, %dma_start3A] : memref<16384x64xf32, #tpu.memory_space<hbm>> -> memref<256x64xf32, #tpu.memory_space<hbm>>
      %dma_start3A_21 = arith.constant 0 : i32
      %dma_start3A_22 = tpu.memref_slice %arg4[%add3A_19, %dma_start3A_21] : memref<16384x64xf32, #tpu.memory_space<hbm>> -> memref<256x64xf32, #tpu.memory_space<hbm>>
      tpu.enqueue_dma source(%arg7 : memref<256x64xf32, #tpu.memory_space<vmem>>) target(%dma_start3A_22 : memref<256x64xf32, #tpu.memory_space<hbm>>) target_semaphore(%run_scoped3A : memref<!tpu.dma_semaphore, #tpu.memory_space<semaphore_mem>>)
      %dma_wait3A = arith.constant 0 : i32
      %dma_wait3A_23 = tpu.memref_slice %arg4[%add3A_19, %dma_wait3A] : memref<16384x64xf32, #tpu.memory_space<hbm>> -> memref<256x64xf32, #tpu.memory_space<hbm>>
      %dma_wait3A_24 = arith.constant 0 : i32
      %dma_wait3A_25 = tpu.memref_slice %arg4[%add3A_19, %dma_wait3A_24] : memref<16384x64xf32, #tpu.memory_space<hbm>> -> memref<256x64xf32, #tpu.memory_space<hbm>>
      tpu.wait_dma2 semaphore(%run_scoped3A : memref<!tpu.dma_semaphore, #tpu.memory_space<semaphore_mem>>) src(%arg7 : memref<256x64xf32, #tpu.memory_space<vmem>>) dst(%dma_wait3A_25 : memref<256x64xf32, #tpu.memory_space<hbm>>)
      tpu.yield
    }) : () -> ()
    return
  }
}

module attributes {stable_mosaic.version = 14 : i64} {
  func.func @_fps_body(%arg0: memref<8x3x8192xf32, #tpu.memory_space<vmem>>, %arg1: memref<8x4096xi32, #tpu.memory_space<vmem>>, %arg2: memref<8x8192xf32, #tpu.memory_space<vmem>>) attributes {dimension_semantics = [], scalar_prefetch = 0 : i64, scratch_operands = 1 : i64, tpu.core_type = #tpu.core_type<tc>} {
    %get3A = arith.constant 0 : index
    %get3A_0 = arith.constant 0 : index
    %get3A_1 = arith.constant 0 : index
    %get3A_2 = vector.load %arg0[%get3A, %get3A_0, %get3A_1] : memref<8x3x8192xf32, #tpu.memory_space<vmem>>, vector<8x1x8192xf32>
    %get3A_3 = vector.shape_cast %get3A_2 : vector<8x1x8192xf32> to vector<8x8192xf32>
    %get3A_4 = arith.constant 0 : index
    %get3A_5 = arith.constant 1 : index
    %get3A_6 = arith.constant 0 : index
    %get3A_7 = vector.load %arg0[%get3A_4, %get3A_5, %get3A_6] : memref<8x3x8192xf32, #tpu.memory_space<vmem>>, vector<8x1x8192xf32>
    %get3A_8 = vector.shape_cast %get3A_7 : vector<8x1x8192xf32> to vector<8x8192xf32>
    %get3A_9 = arith.constant 0 : index
    %get3A_10 = arith.constant 2 : index
    %get3A_11 = arith.constant 0 : index
    %get3A_12 = vector.load %arg0[%get3A_9, %get3A_10, %get3A_11] : memref<8x3x8192xf32, #tpu.memory_space<vmem>>, vector<8x1x8192xf32>
    %get3A_13 = vector.shape_cast %get3A_12 : vector<8x1x8192xf32> to vector<8x8192xf32>
    %iota3A = tpu.iota {dimensions = array<i32: 1>} : vector<8x8192xi32>
    %iota3A_14 = tpu.iota {dimensions = array<i32: 1>} : vector<8x128xi32>
    %broadcast_in_dim3A = arith.constant 1.000000e+10 : f32
    %broadcast_in_dim3A_15 = vector.broadcast %broadcast_in_dim3A : f32 to vector<8x8192xf32>
    %swap3A = arith.constant 0 : index
    %swap3A_16 = arith.constant 0 : index
    %swap3A_17 = vector.load %arg2[%swap3A, %swap3A_16] : memref<8x8192xf32, #tpu.memory_space<vmem>>, vector<8x8192xf32>
    tpu.vector_store %arg2[%swap3A, %swap3A_16], %broadcast_in_dim3A_15 {strides = array<i32>} : memref<8x8192xf32, #tpu.memory_space<vmem>>, vector<8x8192xf32>,
    %slice3A = vector.extract_strided_slice %get3A_3 {offsets = [0, 0], sizes = [8, 1], strides = [1, 1]} : vector<8x8192xf32> to vector<8x1xf32>
    %slice3A_18 = vector.extract_strided_slice %get3A_8 {offsets = [0, 0], sizes = [8, 1], strides = [1, 1]} : vector<8x8192xf32> to vector<8x1xf32>
    %slice3A_19 = vector.extract_strided_slice %get3A_13 {offsets = [0, 0], sizes = [8, 1], strides = [1, 1]} : vector<8x8192xf32> to vector<8x1xf32>
    %broadcast_in_dim3A_20 = arith.constant 0 : i32
    %broadcast_in_dim3A_21 = vector.broadcast %broadcast_in_dim3A_20 : i32 to vector<8x128xi32>
    %scan3A = arith.constant 1 : i32
    %scan3A_22 = arith.constant 127 : i32
    %scan3A_23 = arith.addi %scan3A, %scan3A_22 : i32
    %scan3A_24 = arith.constant 1 : i32
    %scan3A_25:4 = scf.for %scan3A_371 = %scan3A to %scan3A_23 step %scan3A_24 iter_args(%scan3A_372 = %slice3A, %scan3A_373 = %slice3A_18, %scan3A_374 = %slice3A_19, %scan3A_375 = %broadcast_in_dim3A_21) -> (vector<8x1xf32>, vector<8x1xf32>, vector<8x1xf32>, vector<8x128xi32>)  : i32 {
      %sub3A = vector.broadcast %scan3A_372 : vector<8x1xf32> to vector<8x8192xf32>
      %sub3A_376 = arith.subf %get3A_3, %sub3A : vector<8x8192xf32>
      %sub3A_377 = vector.broadcast %scan3A_373 : vector<8x1xf32> to vector<8x8192xf32>
      %sub3A_378 = arith.subf %get3A_8, %sub3A_377 : vector<8x8192xf32>
      %sub3A_379 = vector.broadcast %scan3A_374 : vector<8x1xf32> to vector<8x8192xf32>
      %sub3A_380 = arith.subf %get3A_13, %sub3A_379 : vector<8x8192xf32>
      %mul3A = arith.mulf %sub3A_376, %sub3A_376 : vector<8x8192xf32>
      %mul3A_381 = arith.mulf %sub3A_380, %sub3A_380 : vector<8x8192xf32>
      %add3A = arith.addf %mul3A, %mul3A_381 : vector<8x8192xf32>
      %mul3A_382 = arith.mulf %sub3A_378, %sub3A_378 : vector<8x8192xf32>
      %add3A_383 = arith.addf %add3A, %mul3A_382 : vector<8x8192xf32>
      %get3A_384 = arith.constant 0 : index
      %get3A_385 = arith.constant 0 : index
      %get3A_386 = vector.load %arg2[%get3A_384, %get3A_385] : memref<8x8192xf32, #tpu.memory_space<vmem>>, vector<8x8192xf32>
      %min3A = arith.minimumf %get3A_386, %add3A_383 : vector<8x8192xf32>
      %swap3A_387 = arith.constant 0 : index
      %swap3A_388 = arith.constant 0 : index
      %swap3A_389 = vector.load %arg2[%swap3A_387, %swap3A_388] : memref<8x8192xf32, #tpu.memory_space<vmem>>, vector<8x8192xf32>
      tpu.vector_store %arg2[%swap3A_387, %swap3A_388], %min3A {strides = array<i32>} : memref<8x8192xf32, #tpu.memory_space<vmem>>, vector<8x8192xf32>,
      %reduce_max3A = arith.constant dense<0xFF800000> : vector<8xf32>
      %reduce_max3A_390 = vector.multi_reduction <maximumf>, %min3A, %reduce_max3A [1] : vector<8x8192xf32> to vector<8xf32>
      %broadcast_in_dim3A_391 = vector.shape_cast %reduce_max3A_390 : vector<8xf32> to vector<8x1xf32>
      %eq3A = vector.broadcast %broadcast_in_dim3A_391 : vector<8x1xf32> to vector<8x8192xf32>
      %eq3A_392 = arith.cmpf oeq, %min3A, %eq3A : vector<8x8192xf32>
      %jit3A = arith.constant 8192 : i32
      %broadcast_in_dim3A_393 = vector.broadcast %jit3A : i32 to vector<8x8192xi32>
      %select_n3A = arith.select %eq3A_392, %iota3A, %broadcast_in_dim3A_393 : vector<8x8192xi1>, vector<8x8192xi32>
      %reduce_min3A = arith.constant dense<2147483647> : vector<8xi32>
      %reduce_min3A_394 = vector.multi_reduction <minsi>, %select_n3A, %reduce_min3A [1] : vector<8x8192xi32> to vector<8xi32>
      %broadcast_in_dim3A_395 = vector.shape_cast %reduce_min3A_394 : vector<8xi32> to vector<8x1xi32>
      %eq3A_396 = vector.broadcast %scan3A_371 : i32 to vector<8x128xi32>
      %eq3A_397 = arith.cmpi eq, %iota3A_14, %eq3A_396 : vector<8x128xi32>
      %broadcast_in_dim3A_398 = vector.shape_cast %broadcast_in_dim3A_395 : vector<8x1xi32> to vector<8x1xi32>
      %broadcast_in_dim3A_399 = vector.broadcast %broadcast_in_dim3A_398 : vector<8x1xi32> to vector<8x128xi32>
      %select_n3A_400 = arith.select %eq3A_397, %broadcast_in_dim3A_399, %scan3A_375 : vector<8x128xi1>, vector<8x128xi32>
      %eq3A_401 = vector.broadcast %broadcast_in_dim3A_395 : vector<8x1xi32> to vector<8x8192xi32>
      %eq3A_402 = arith.cmpi eq, %iota3A, %eq3A_401 : vector<8x8192xi32>
      %jit3A_403 = arith.constant 0xFF800000 : f32
      %broadcast_in_dim3A_404 = vector.broadcast %jit3A_403 : f32 to vector<8x8192xf32>
      %select_n3A_405 = arith.select %eq3A_402, %get3A_3, %broadcast_in_dim3A_404 : vector<8x8192xi1>, vector<8x8192xf32>
      %reduce_max3A_406 = arith.constant dense<0xFF800000> : vector<8xf32>
      %reduce_max3A_407 = vector.multi_reduction <maximumf>, %select_n3A_405, %reduce_max3A_406 [1] : vector<8x8192xf32> to vector<8xf32>
      %broadcast_in_dim3A_408 = vector.shape_cast %reduce_max3A_407 : vector<8xf32> to vector<8x1xf32>
      %jit3A_409 = arith.constant 0xFF800000 : f32
      %broadcast_in_dim3A_410 = vector.broadcast %jit3A_409 : f32 to vector<8x8192xf32>
      %select_n3A_411 = arith.select %eq3A_402, %get3A_8, %broadcast_in_dim3A_410 : vector<8x8192xi1>, vector<8x8192xf32>
      %reduce_max3A_412 = arith.constant dense<0xFF800000> : vector<8xf32>
      %reduce_max3A_413 = vector.multi_reduction <maximumf>, %select_n3A_411, %reduce_max3A_412 [1] : vector<8x8192xf32> to vector<8xf32>
      %broadcast_in_dim3A_414 = vector.shape_cast %reduce_max3A_413 : vector<8xf32> to vector<8x1xf32>
      %jit3A_415 = arith.constant 0xFF800000 : f32
      %broadcast_in_dim3A_416 = vector.broadcast %jit3A_415 : f32 to vector<8x8192xf32>
      %select_n3A_417 = arith.select %eq3A_402, %get3A_13, %broadcast_in_dim3A_416 : vector<8x8192xi1>, vector<8x8192xf32>
      %reduce_max3A_418 = arith.constant dense<0xFF800000> : vector<8xf32>
      %reduce_max3A_419 = vector.multi_reduction <maximumf>, %select_n3A_417, %reduce_max3A_418 [1] : vector<8x8192xf32> to vector<8xf32>
      %broadcast_in_dim3A_420 = vector.shape_cast %reduce_max3A_419 : vector<8xf32> to vector<8x1xf32>
      scf.yield %broadcast_in_dim3A_408, %broadcast_in_dim3A_414, %broadcast_in_dim3A_420, %select_n3A_400 : vector<8x1xf32>, vector<8x1xf32>, vector<8x1xf32>, vector<8x128xi32>
    }
    %scan3A_26 = arith.constant 127 : i32
    %swap3A_27 = arith.constant 0 : index
    %swap3A_28 = arith.constant 0 : index
    %swap3A_29 = vector.load %arg1[%swap3A_27, %swap3A_28] : memref<8x4096xi32, #tpu.memory_space<vmem>>, vector<8x128xi32>
    tpu.vector_store %arg1[%swap3A_27, %swap3A_28], %scan3A_25#3 {strides = array<i32>} : memref<8x4096xi32, #tpu.memory_space<vmem>>, vector<8x128xi32>,
    %broadcast_in_dim3A_30 = arith.constant 0 : i32
    %broadcast_in_dim3A_31 = vector.broadcast %broadcast_in_dim3A_30 : i32 to vector<8x128xi32>
    %scan3A_32 = arith.constant 0 : i32
    %scan3A_33 = arith.constant 128 : i32
    %scan3A_34 = arith.addi %scan3A_32, %scan3A_33 : i32
    %scan3A_35 = arith.constant 1 : i32
    %scan3A_36:4 = scf.for %scan3A_371 = %scan3A_32 to %scan3A_34 step %scan3A_35 iter_args(%scan3A_372 = %scan3A_25#0, %scan3A_373 = %scan3A_25#1, %scan3A_374 = %scan3A_25#2, %scan3A_375 = %broadcast_in_dim3A_31) -> (vector<8x1xf32>, vector<8x1xf32>, vector<8x1xf32>, vector<8x128xi32>)  : i32 {
      %sub3A = vector.broadcast %scan3A_372 : vector<8x1xf32> to vector<8x8192xf32>
      %sub3A_376 = arith.subf %get3A_3, %sub3A : vector<8x8192xf32>
      %sub3A_377 = vector.broadcast %scan3A_373 : vector<8x1xf32> to vector<8x8192xf32>
      %sub3A_378 = arith.subf %get3A_8, %sub3A_377 : vector<8x8192xf32>
      %sub3A_379 = vector.broadcast %scan3A_374 : vector<8x1xf32> to vector<8x8192xf32>
      %sub3A_380 = arith.subf %get3A_13, %sub3A_379 : vector<8x8192xf32>
      %mul3A = arith.mulf %sub3A_376, %sub3A_376 : vector<8x8192xf32>
      %mul3A_381 = arith.mulf %sub3A_380, %sub3A_380 : vector<8x8192xf32>
      %add3A = arith.addf %mul3A, %mul3A_381 : vector<8x8192xf32>
      %mul3A_382 = arith.mulf %sub3A_378, %sub3A_378 : vector<8x8192xf32>
      %add3A_383 = arith.addf %add3A, %mul3A_382 : vector<8x8192xf32>
      %get3A_384 = arith.constant 0 : index
      %get3A_385 = arith.constant 0 : index
      %get3A_386 = vector.load %arg2[%get3A_384, %get3A_385] : memref<8x8192xf32, #tpu.memory_space<vmem>>, vector<8x8192xf32>
      %min3A = arith.minimumf %get3A_386, %add3A_383 : vector<8x8192xf32>
      %swap3A_387 = arith.constant 0 : index
      %swap3A_388 = arith.constant 0 : index
      %swap3A_389 = vector.load %arg2[%swap3A_387, %swap3A_388] : memref<8x8192xf32, #tpu.memory_space<vmem>>, vector<8x8192xf32>
      tpu.vector_store %arg2[%swap3A_387, %swap3A_388], %min3A {strides = array<i32>} : memref<8x8192xf32, #tpu.memory_space<vmem>>, vector<8x8192xf32>,
      %reduce_max3A = arith.constant dense<0xFF800000> : vector<8xf32>
      %reduce_max3A_390 = vector.multi_reduction <maximumf>, %min3A, %reduce_max3A [1] : vector<8x8192xf32> to vector<8xf32>
      %broadcast_in_dim3A_391 = vector.shape_cast %reduce_max3A_390 : vector<8xf32> to vector<8x1xf32>
      %eq3A = vector.broadcast %broadcast_in_dim3A_391 : vector<8x1xf32> to vector<8x8192xf32>
      %eq3A_392 = arith.cmpf oeq, %min3A, %eq3A : vector<8x8192xf32>
      %jit3A = arith.constant 8192 : i32
      %broadcast_in_dim3A_393 = vector.broadcast %jit3A : i32 to vector<8x8192xi32>
      %select_n3A = arith.select %eq3A_392, %iota3A, %broadcast_in_dim3A_393 : vector<8x8192xi1>, vector<8x8192xi32>
      %reduce_min3A = arith.constant dense<2147483647> : vector<8xi32>
      %reduce_min3A_394 = vector.multi_reduction <minsi>, %select_n3A, %reduce_min3A [1] : vector<8x8192xi32> to vector<8xi32>
      %broadcast_in_dim3A_395 = vector.shape_cast %reduce_min3A_394 : vector<8xi32> to vector<8x1xi32>
      %eq3A_396 = vector.broadcast %scan3A_371 : i32 to vector<8x128xi32>
      %eq3A_397 = arith.cmpi eq, %iota3A_14, %eq3A_396 : vector<8x128xi32>
      %broadcast_in_dim3A_398 = vector.shape_cast %broadcast_in_dim3A_395 : vector<8x1xi32> to vector<8x1xi32>
      %broadcast_in_dim3A_399 = vector.broadcast %broadcast_in_dim3A_398 : vector<8x1xi32> to vector<8x128xi32>
      %select_n3A_400 = arith.select %eq3A_397, %broadcast_in_dim3A_399, %scan3A_375 : vector<8x128xi1>, vector<8x128xi32>
      %eq3A_401 = vector.broadcast %broadcast_in_dim3A_395 : vector<8x1xi32> to vector<8x8192xi32>
      %eq3A_402 = arith.cmpi eq, %iota3A, %eq3A_401 : vector<8x8192xi32>
      %jit3A_403 = arith.constant 0xFF800000 : f32
      %broadcast_in_dim3A_404 = vector.broadcast %jit3A_403 : f32 to vector<8x8192xf32>
      %select_n3A_405 = arith.select %eq3A_402, %get3A_3, %broadcast_in_dim3A_404 : vector<8x8192xi1>, vector<8x8192xf32>
      %reduce_max3A_406 = arith.constant dense<0xFF800000> : vector<8xf32>
      %reduce_max3A_407 = vector.multi_reduction <maximumf>, %select_n3A_405, %reduce_max3A_406 [1] : vector<8x8192xf32> to vector<8xf32>
      %broadcast_in_dim3A_408 = vector.shape_cast %reduce_max3A_407 : vector<8xf32> to vector<8x1xf32>
      %jit3A_409 = arith.constant 0xFF800000 : f32
      %broadcast_in_dim3A_410 = vector.broadcast %jit3A_409 : f32 to vector<8x8192xf32>
      %select_n3A_411 = arith.select %eq3A_402, %get3A_8, %broadcast_in_dim3A_410 : vector<8x8192xi1>, vector<8x8192xf32>
      %reduce_max3A_412 = arith.constant dense<0xFF800000> : vector<8xf32>
      %reduce_max3A_413 = vector.multi_reduction <maximumf>, %select_n3A_411, %reduce_max3A_412 [1] : vector<8x8192xf32> to vector<8xf32>
      %broadcast_in_dim3A_414 = vector.shape_cast %reduce_max3A_413 : vector<8xf32> to vector<8x1xf32>
      %jit3A_415 = arith.constant 0xFF800000 : f32
      %broadcast_in_dim3A_416 = vector.broadcast %jit3A_415 : f32 to vector<8x8192xf32>
      %select_n3A_417 = arith.select %eq3A_402, %get3A_13, %broadcast_in_dim3A_416 : vector<8x8192xi1>, vector<8x8192xf32>
      %reduce_max3A_418 = arith.constant dense<0xFF800000> : vector<8xf32>
      %reduce_max3A_419 = vector.multi_reduction <maximumf>, %select_n3A_417, %reduce_max3A_418 [1] : vector<8x8192xf32> to vector<8xf32>
      %broadcast_in_dim3A_420 = vector.shape_cast %reduce_max3A_419 : vector<8xf32> to vector<8x1xf32>
      scf.yield %broadcast_in_dim3A_408, %broadcast_in_dim3A_414, %broadcast_in_dim3A_420, %select_n3A_400 : vector<8x1xf32>, vector<8x1xf32>, vector<8x1xf32>, vector<8x128xi32>
    }
    %scan3A_37 = arith.constant 128 : i32
    %swap3A_38 = arith.constant 0 : index
    %swap3A_39 = arith.constant 128 : index
    %swap3A_40 = vector.load %arg1[%swap3A_38, %swap3A_39] : memref<8x4096xi32, #tpu.memory_space<vmem>>, vector<8x128xi32>
    tpu.vector_store %arg1[%swap3A_38, %swap3A_39], %scan3A_36#3 {strides = array<i32>} : memref<8x4096xi32, #tpu.memory_space<vmem>>, vector<8x128xi32>,
    %broadcast_in_dim3A_41 = arith.constant 0 : i32
    %broadcast_in_dim3A_42 = vector.broadcast %broadcast_in_dim3A_41 : i32 to vector<8x128xi32>
    %scan3A_43 = arith.constant 0 : i32
    %scan3A_44 = arith.constant 128 : i32
    %scan3A_45 = arith.addi %scan3A_43, %scan3A_44 : i32
    %scan3A_46 = arith.constant 1 : i32
    %scan3A_47:4 = scf.for %scan3A_371 = %scan3A_43 to %scan3A_45 step %scan3A_46 iter_args(%scan3A_372 = %scan3A_36#0, %scan3A_373 = %scan3A_36#1, %scan3A_374 = %scan3A_36#2, %scan3A_375 = %broadcast_in_dim3A_42) -> (vector<8x1xf32>, vector<8x1xf32>, vector<8x1xf32>, vector<8x128xi32>)  : i32 {
      %sub3A = vector.broadcast %scan3A_372 : vector<8x1xf32> to vector<8x8192xf32>
      %sub3A_376 = arith.subf %get3A_3, %sub3A : vector<8x8192xf32>
      %sub3A_377 = vector.broadcast %scan3A_373 : vector<8x1xf32> to vector<8x8192xf32>
      %sub3A_378 = arith.subf %get3A_8, %sub3A_377 : vector<8x8192xf32>
      %sub3A_379 = vector.broadcast %scan3A_374 : vector<8x1xf32> to vector<8x8192xf32>
      %sub3A_380 = arith.subf %get3A_13, %sub3A_379 : vector<8x8192xf32>
      %mul3A = arith.mulf %sub3A_376, %sub3A_376 : vector<8x8192xf32>
      %mul3A_381 = arith.mulf %sub3A_380, %sub3A_380 : vector<8x8192xf32>
      %add3A = arith.addf %mul3A, %mul3A_381 : vector<8x8192xf32>
      %mul3A_382 = arith.mulf %sub3A_378, %sub3A_378 : vector<8x8192xf32>
      %add3A_383 = arith.addf %add3A, %mul3A_382 : vector<8x8192xf32>
      %get3A_384 = arith.constant 0 : index
      %get3A_385 = arith.constant 0 : index
      %get3A_386 = vector.load %arg2[%get3A_384, %get3A_385] : memref<8x8192xf32, #tpu.memory_space<vmem>>, vector<8x8192xf32>
      %min3A = arith.minimumf %get3A_386, %add3A_383 : vector<8x8192xf32>
      %swap3A_387 = arith.constant 0 : index
      %swap3A_388 = arith.constant 0 : index
      %swap3A_389 = vector.load %arg2[%swap3A_387, %swap3A_388] : memref<8x8192xf32, #tpu.memory_space<vmem>>, vector<8x8192xf32>
      tpu.vector_store %arg2[%swap3A_387, %swap3A_388], %min3A {strides = array<i32>} : memref<8x8192xf32, #tpu.memory_space<vmem>>, vector<8x8192xf32>,
      %reduce_max3A = arith.constant dense<0xFF800000> : vector<8xf32>
      %reduce_max3A_390 = vector.multi_reduction <maximumf>, %min3A, %reduce_max3A [1] : vector<8x8192xf32> to vector<8xf32>
      %broadcast_in_dim3A_391 = vector.shape_cast %reduce_max3A_390 : vector<8xf32> to vector<8x1xf32>
      %eq3A = vector.broadcast %broadcast_in_dim3A_391 : vector<8x1xf32> to vector<8x8192xf32>
      %eq3A_392 = arith.cmpf oeq, %min3A, %eq3A : vector<8x8192xf32>
      %jit3A = arith.constant 8192 : i32
      %broadcast_in_dim3A_393 = vector.broadcast %jit3A : i32 to vector<8x8192xi32>
      %select_n3A = arith.select %eq3A_392, %iota3A, %broadcast_in_dim3A_393 : vector<8x8192xi1>, vector<8x8192xi32>
      %reduce_min3A = arith.constant dense<2147483647> : vector<8xi32>
      %reduce_min3A_394 = vector.multi_reduction <minsi>, %select_n3A, %reduce_min3A [1] : vector<8x8192xi32> to vector<8xi32>
      %broadcast_in_dim3A_395 = vector.shape_cast %reduce_min3A_394 : vector<8xi32> to vector<8x1xi32>
      %eq3A_396 = vector.broadcast %scan3A_371 : i32 to vector<8x128xi32>
      %eq3A_397 = arith.cmpi eq, %iota3A_14, %eq3A_396 : vector<8x128xi32>
      %broadcast_in_dim3A_398 = vector.shape_cast %broadcast_in_dim3A_395 : vector<8x1xi32> to vector<8x1xi32>
      %broadcast_in_dim3A_399 = vector.broadcast %broadcast_in_dim3A_398 : vector<8x1xi32> to vector<8x128xi32>
      %select_n3A_400 = arith.select %eq3A_397, %broadcast_in_dim3A_399, %scan3A_375 : vector<8x128xi1>, vector<8x128xi32>
      %eq3A_401 = vector.broadcast %broadcast_in_dim3A_395 : vector<8x1xi32> to vector<8x8192xi32>
      %eq3A_402 = arith.cmpi eq, %iota3A, %eq3A_401 : vector<8x8192xi32>
      %jit3A_403 = arith.constant 0xFF800000 : f32
      %broadcast_in_dim3A_404 = vector.broadcast %jit3A_403 : f32 to vector<8x8192xf32>
      %select_n3A_405 = arith.select %eq3A_402, %get3A_3, %broadcast_in_dim3A_404 : vector<8x8192xi1>, vector<8x8192xf32>
      %reduce_max3A_406 = arith.constant dense<0xFF800000> : vector<8xf32>
      %reduce_max3A_407 = vector.multi_reduction <maximumf>, %select_n3A_405, %reduce_max3A_406 [1] : vector<8x8192xf32> to vector<8xf32>
      %broadcast_in_dim3A_408 = vector.shape_cast %reduce_max3A_407 : vector<8xf32> to vector<8x1xf32>
      %jit3A_409 = arith.constant 0xFF800000 : f32
      %broadcast_in_dim3A_410 = vector.broadcast %jit3A_409 : f32 to vector<8x8192xf32>
      %select_n3A_411 = arith.select %eq3A_402, %get3A_8, %broadcast_in_dim3A_410 : vector<8x8192xi1>, vector<8x8192xf32>
      %reduce_max3A_412 = arith.constant dense<0xFF800000> : vector<8xf32>
      %reduce_max3A_413 = vector.multi_reduction <maximumf>, %select_n3A_411, %reduce_max3A_412 [1] : vector<8x8192xf32> to vector<8xf32>
      %broadcast_in_dim3A_414 = vector.shape_cast %reduce_max3A_413 : vector<8xf32> to vector<8x1xf32>
      %jit3A_415 = arith.constant 0xFF800000 : f32
      %broadcast_in_dim3A_416 = vector.broadcast %jit3A_415 : f32 to vector<8x8192xf32>
      %select_n3A_417 = arith.select %eq3A_402, %get3A_13, %broadcast_in_dim3A_416 : vector<8x8192xi1>, vector<8x8192xf32>
      %reduce_max3A_418 = arith.constant dense<0xFF800000> : vector<8xf32>
      %reduce_max3A_419 = vector.multi_reduction <maximumf>, %select_n3A_417, %reduce_max3A_418 [1] : vector<8x8192xf32> to vector<8xf32>
      %broadcast_in_dim3A_420 = vector.shape_cast %reduce_max3A_419 : vector<8xf32> to vector<8x1xf32>
      scf.yield %broadcast_in_dim3A_408, %broadcast_in_dim3A_414, %broadcast_in_dim3A_420, %select_n3A_400 : vector<8x1xf32>, vector<8x1xf32>, vector<8x1xf32>, vector<8x128xi32>
    }
    %scan3A_48 = arith.constant 128 : i32
    %swap3A_49 = arith.constant 0 : index
    %swap3A_50 = arith.constant 256 : index
    %swap3A_51 = vector.load %arg1[%swap3A_49, %swap3A_50] : memref<8x4096xi32, #tpu.memory_space<vmem>>, vector<8x128xi32>
    tpu.vector_store %arg1[%swap3A_49, %swap3A_50], %scan3A_47#3 {strides = array<i32>} : memref<8x4096xi32, #tpu.memory_space<vmem>>, vector<8x128xi32>,
    %broadcast_in_dim3A_52 = arith.constant 0 : i32
    %broadcast_in_dim3A_53 = vector.broadcast %broadcast_in_dim3A_52 : i32 to vector<8x128xi32>
    %scan3A_54 = arith.constant 0 : i32
    %scan3A_55 = arith.constant 128 : i32
    %scan3A_56 = arith.addi %scan3A_54, %scan3A_55 : i32
    %scan3A_57 = arith.constant 1 : i32
    %scan3A_58:4 = scf.for %scan3A_371 = %scan3A_54 to %scan3A_56 step %scan3A_57 iter_args(%scan3A_372 = %scan3A_47#0, %scan3A_373 = %scan3A_47#1, %scan3A_374 = %scan3A_47#2, %scan3A_375 = %broadcast_in_dim3A_53) -> (vector<8x1xf32>, vector<8x1xf32>, vector<8x1xf32>, vector<8x128xi32>)  : i32 {
      %sub3A = vector.broadcast %scan3A_372 : vector<8x1xf32> to vector<8x8192xf32>
      %sub3A_376 = arith.subf %get3A_3, %sub3A : vector<8x8192xf32>
      %sub3A_377 = vector.broadcast %scan3A_373 : vector<8x1xf32> to vector<8x8192xf32>
      %sub3A_378 = arith.subf %get3A_8, %sub3A_377 : vector<8x8192xf32>
      %sub3A_379 = vector.broadcast %scan3A_374 : vector<8x1xf32> to vector<8x8192xf32>
      %sub3A_380 = arith.subf %get3A_13, %sub3A_379 : vector<8x8192xf32>
      %mul3A = arith.mulf %sub3A_376, %sub3A_376 : vector<8x8192xf32>
      %mul3A_381 = arith.mulf %sub3A_380, %sub3A_380 : vector<8x8192xf32>
      %add3A = arith.addf %mul3A, %mul3A_381 : vector<8x8192xf32>
      %mul3A_382 = arith.mulf %sub3A_378, %sub3A_378 : vector<8x8192xf32>
      %add3A_383 = arith.addf %add3A, %mul3A_382 : vector<8x8192xf32>
      %get3A_384 = arith.constant 0 : index
      %get3A_385 = arith.constant 0 : index
      %get3A_386 = vector.load %arg2[%get3A_384, %get3A_385] : memref<8x8192xf32, #tpu.memory_space<vmem>>, vector<8x8192xf32>
      %min3A = arith.minimumf %get3A_386, %add3A_383 : vector<8x8192xf32>
      %swap3A_387 = arith.constant 0 : index
      %swap3A_388 = arith.constant 0 : index
      %swap3A_389 = vector.load %arg2[%swap3A_387, %swap3A_388] : memref<8x8192xf32, #tpu.memory_space<vmem>>, vector<8x8192xf32>
      tpu.vector_store %arg2[%swap3A_387, %swap3A_388], %min3A {strides = array<i32>} : memref<8x8192xf32, #tpu.memory_space<vmem>>, vector<8x8192xf32>,
      %reduce_max3A = arith.constant dense<0xFF800000> : vector<8xf32>
      %reduce_max3A_390 = vector.multi_reduction <maximumf>, %min3A, %reduce_max3A [1] : vector<8x8192xf32> to vector<8xf32>
      %broadcast_in_dim3A_391 = vector.shape_cast %reduce_max3A_390 : vector<8xf32> to vector<8x1xf32>
      %eq3A = vector.broadcast %broadcast_in_dim3A_391 : vector<8x1xf32> to vector<8x8192xf32>
      %eq3A_392 = arith.cmpf oeq, %min3A, %eq3A : vector<8x8192xf32>
      %jit3A = arith.constant 8192 : i32
      %broadcast_in_dim3A_393 = vector.broadcast %jit3A : i32 to vector<8x8192xi32>
      %select_n3A = arith.select %eq3A_392, %iota3A, %broadcast_in_dim3A_393 : vector<8x8192xi1>, vector<8x8192xi32>
      %reduce_min3A = arith.constant dense<2147483647> : vector<8xi32>
      %reduce_min3A_394 = vector.multi_reduction <minsi>, %select_n3A, %reduce_min3A [1] : vector<8x8192xi32> to vector<8xi32>
      %broadcast_in_dim3A_395 = vector.shape_cast %reduce_min3A_394 : vector<8xi32> to vector<8x1xi32>
      %eq3A_396 = vector.broadcast %scan3A_371 : i32 to vector<8x128xi32>
      %eq3A_397 = arith.cmpi eq, %iota3A_14, %eq3A_396 : vector<8x128xi32>
      %broadcast_in_dim3A_398 = vector.shape_cast %broadcast_in_dim3A_395 : vector<8x1xi32> to vector<8x1xi32>
      %broadcast_in_dim3A_399 = vector.broadcast %broadcast_in_dim3A_398 : vector<8x1xi32> to vector<8x128xi32>
      %select_n3A_400 = arith.select %eq3A_397, %broadcast_in_dim3A_399, %scan3A_375 : vector<8x128xi1>, vector<8x128xi32>
      %eq3A_401 = vector.broadcast %broadcast_in_dim3A_395 : vector<8x1xi32> to vector<8x8192xi32>
      %eq3A_402 = arith.cmpi eq, %iota3A, %eq3A_401 : vector<8x8192xi32>
      %jit3A_403 = arith.constant 0xFF800000 : f32
      %broadcast_in_dim3A_404 = vector.broadcast %jit3A_403 : f32 to vector<8x8192xf32>
      %select_n3A_405 = arith.select %eq3A_402, %get3A_3, %broadcast_in_dim3A_404 : vector<8x8192xi1>, vector<8x8192xf32>
      %reduce_max3A_406 = arith.constant dense<0xFF800000> : vector<8xf32>
      %reduce_max3A_407 = vector.multi_reduction <maximumf>, %select_n3A_405, %reduce_max3A_406 [1] : vector<8x8192xf32> to vector<8xf32>
      %broadcast_in_dim3A_408 = vector.shape_cast %reduce_max3A_407 : vector<8xf32> to vector<8x1xf32>
      %jit3A_409 = arith.constant 0xFF800000 : f32
      %broadcast_in_dim3A_410 = vector.broadcast %jit3A_409 : f32 to vector<8x8192xf32>
      %select_n3A_411 = arith.select %eq3A_402, %get3A_8, %broadcast_in_dim3A_410 : vector<8x8192xi1>, vector<8x8192xf32>
      %reduce_max3A_412 = arith.constant dense<0xFF800000> : vector<8xf32>
      %reduce_max3A_413 = vector.multi_reduction <maximumf>, %select_n3A_411, %reduce_max3A_412 [1] : vector<8x8192xf32> to vector<8xf32>
      %broadcast_in_dim3A_414 = vector.shape_cast %reduce_max3A_413 : vector<8xf32> to vector<8x1xf32>
      %jit3A_415 = arith.constant 0xFF800000 : f32
      %broadcast_in_dim3A_416 = vector.broadcast %jit3A_415 : f32 to vector<8x8192xf32>
      %select_n3A_417 = arith.select %eq3A_402, %get3A_13, %broadcast_in_dim3A_416 : vector<8x8192xi1>, vector<8x8192xf32>
      %reduce_max3A_418 = arith.constant dense<0xFF800000> : vector<8xf32>
      %reduce_max3A_419 = vector.multi_reduction <maximumf>, %select_n3A_417, %reduce_max3A_418 [1] : vector<8x8192xf32> to vector<8xf32>
      %broadcast_in_dim3A_420 = vector.shape_cast %reduce_max3A_419 : vector<8xf32> to vector<8x1xf32>
      scf.yield %broadcast_in_dim3A_408, %broadcast_in_dim3A_414, %broadcast_in_dim3A_420, %select_n3A_400 : vector<8x1xf32>, vector<8x1xf32>, vector<8x1xf32>, vector<8x128xi32>
    }
    %scan3A_59 = arith.constant 128 : i32
    %swap3A_60 = arith.constant 0 : index
    %swap3A_61 = arith.constant 384 : index
    %swap3A_62 = vector.load %arg1[%swap3A_60, %swap3A_61] : memref<8x4096xi32, #tpu.memory_space<vmem>>, vector<8x128xi32>
    tpu.vector_store %arg1[%swap3A_60, %swap3A_61], %scan3A_58#3 {strides = array<i32>} : memref<8x4096xi32, #tpu.memory_space<vmem>>, vector<8x128xi32>,
    %broadcast_in_dim3A_63 = arith.constant 0 : i32
    %broadcast_in_dim3A_64 = vector.broadcast %broadcast_in_dim3A_63 : i32 to vector<8x128xi32>
    %scan3A_65 = arith.constant 0 : i32
    %scan3A_66 = arith.constant 128 : i32
    %scan3A_67 = arith.addi %scan3A_65, %scan3A_66 : i32
    %scan3A_68 = arith.constant 1 : i32
    %scan3A_69:4 = scf.for %scan3A_371 = %scan3A_65 to %scan3A_67 step %scan3A_68 iter_args(%scan3A_372 = %scan3A_58#0, %scan3A_373 = %scan3A_58#1, %scan3A_374 = %scan3A_58#2, %scan3A_375 = %broadcast_in_dim3A_64) -> (vector<8x1xf32>, vector<8x1xf32>, vector<8x1xf32>, vector<8x128xi32>)  : i32 {
      %sub3A = vector.broadcast %scan3A_372 : vector<8x1xf32> to vector<8x8192xf32>
      %sub3A_376 = arith.subf %get3A_3, %sub3A : vector<8x8192xf32>
      %sub3A_377 = vector.broadcast %scan3A_373 : vector<8x1xf32> to vector<8x8192xf32>
      %sub3A_378 = arith.subf %get3A_8, %sub3A_377 : vector<8x8192xf32>
      %sub3A_379 = vector.broadcast %scan3A_374 : vector<8x1xf32> to vector<8x8192xf32>
      %sub3A_380 = arith.subf %get3A_13, %sub3A_379 : vector<8x8192xf32>
      %mul3A = arith.mulf %sub3A_376, %sub3A_376 : vector<8x8192xf32>
      %mul3A_381 = arith.mulf %sub3A_380, %sub3A_380 : vector<8x8192xf32>
      %add3A = arith.addf %mul3A, %mul3A_381 : vector<8x8192xf32>
      %mul3A_382 = arith.mulf %sub3A_378, %sub3A_378 : vector<8x8192xf32>
      %add3A_383 = arith.addf %add3A, %mul3A_382 : vector<8x8192xf32>
      %get3A_384 = arith.constant 0 : index
      %get3A_385 = arith.constant 0 : index
      %get3A_386 = vector.load %arg2[%get3A_384, %get3A_385] : memref<8x8192xf32, #tpu.memory_space<vmem>>, vector<8x8192xf32>
      %min3A = arith.minimumf %get3A_386, %add3A_383 : vector<8x8192xf32>
      %swap3A_387 = arith.constant 0 : index
      %swap3A_388 = arith.constant 0 : index
      %swap3A_389 = vector.load %arg2[%swap3A_387, %swap3A_388] : memref<8x8192xf32, #tpu.memory_space<vmem>>, vector<8x8192xf32>
      tpu.vector_store %arg2[%swap3A_387, %swap3A_388], %min3A {strides = array<i32>} : memref<8x8192xf32, #tpu.memory_space<vmem>>, vector<8x8192xf32>,
      %reduce_max3A = arith.constant dense<0xFF800000> : vector<8xf32>
      %reduce_max3A_390 = vector.multi_reduction <maximumf>, %min3A, %reduce_max3A [1] : vector<8x8192xf32> to vector<8xf32>
      %broadcast_in_dim3A_391 = vector.shape_cast %reduce_max3A_390 : vector<8xf32> to vector<8x1xf32>
      %eq3A = vector.broadcast %broadcast_in_dim3A_391 : vector<8x1xf32> to vector<8x8192xf32>
      %eq3A_392 = arith.cmpf oeq, %min3A, %eq3A : vector<8x8192xf32>
      %jit3A = arith.constant 8192 : i32
      %broadcast_in_dim3A_393 = vector.broadcast %jit3A : i32 to vector<8x8192xi32>
      %select_n3A = arith.select %eq3A_392, %iota3A, %broadcast_in_dim3A_393 : vector<8x8192xi1>, vector<8x8192xi32>
      %reduce_min3A = arith.constant dense<2147483647> : vector<8xi32>
      %reduce_min3A_394 = vector.multi_reduction <minsi>, %select_n3A, %reduce_min3A [1] : vector<8x8192xi32> to vector<8xi32>
      %broadcast_in_dim3A_395 = vector.shape_cast %reduce_min3A_394 : vector<8xi32> to vector<8x1xi32>
      %eq3A_396 = vector.broadcast %scan3A_371 : i32 to vector<8x128xi32>
      %eq3A_397 = arith.cmpi eq, %iota3A_14, %eq3A_396 : vector<8x128xi32>
      %broadcast_in_dim3A_398 = vector.shape_cast %broadcast_in_dim3A_395 : vector<8x1xi32> to vector<8x1xi32>
      %broadcast_in_dim3A_399 = vector.broadcast %broadcast_in_dim3A_398 : vector<8x1xi32> to vector<8x128xi32>
      %select_n3A_400 = arith.select %eq3A_397, %broadcast_in_dim3A_399, %scan3A_375 : vector<8x128xi1>, vector<8x128xi32>
      %eq3A_401 = vector.broadcast %broadcast_in_dim3A_395 : vector<8x1xi32> to vector<8x8192xi32>
      %eq3A_402 = arith.cmpi eq, %iota3A, %eq3A_401 : vector<8x8192xi32>
      %jit3A_403 = arith.constant 0xFF800000 : f32
      %broadcast_in_dim3A_404 = vector.broadcast %jit3A_403 : f32 to vector<8x8192xf32>
      %select_n3A_405 = arith.select %eq3A_402, %get3A_3, %broadcast_in_dim3A_404 : vector<8x8192xi1>, vector<8x8192xf32>
      %reduce_max3A_406 = arith.constant dense<0xFF800000> : vector<8xf32>
      %reduce_max3A_407 = vector.multi_reduction <maximumf>, %select_n3A_405, %reduce_max3A_406 [1] : vector<8x8192xf32> to vector<8xf32>
      %broadcast_in_dim3A_408 = vector.shape_cast %reduce_max3A_407 : vector<8xf32> to vector<8x1xf32>
      %jit3A_409 = arith.constant 0xFF800000 : f32
      %broadcast_in_dim3A_410 = vector.broadcast %jit3A_409 : f32 to vector<8x8192xf32>
      %select_n3A_411 = arith.select %eq3A_402, %get3A_8, %broadcast_in_dim3A_410 : vector<8x8192xi1>, vector<8x8192xf32>
      %reduce_max3A_412 = arith.constant dense<0xFF800000> : vector<8xf32>
      %reduce_max3A_413 = vector.multi_reduction <maximumf>, %select_n3A_411, %reduce_max3A_412 [1] : vector<8x8192xf32> to vector<8xf32>
      %broadcast_in_dim3A_414 = vector.shape_cast %reduce_max3A_413 : vector<8xf32> to vector<8x1xf32>
      %jit3A_415 = arith.constant 0xFF800000 : f32
      %broadcast_in_dim3A_416 = vector.broadcast %jit3A_415 : f32 to vector<8x8192xf32>
      %select_n3A_417 = arith.select %eq3A_402, %get3A_13, %broadcast_in_dim3A_416 : vector<8x8192xi1>, vector<8x8192xf32>
      %reduce_max3A_418 = arith.constant dense<0xFF800000> : vector<8xf32>
      %reduce_max3A_419 = vector.multi_reduction <maximumf>, %select_n3A_417, %reduce_max3A_418 [1] : vector<8x8192xf32> to vector<8xf32>
      %broadcast_in_dim3A_420 = vector.shape_cast %reduce_max3A_419 : vector<8xf32> to vector<8x1xf32>
      scf.yield %broadcast_in_dim3A_408, %broadcast_in_dim3A_414, %broadcast_in_dim3A_420, %select_n3A_400 : vector<8x1xf32>, vector<8x1xf32>, vector<8x1xf32>, vector<8x128xi32>
    }
    %scan3A_70 = arith.constant 128 : i32
    %swap3A_71 = arith.constant 0 : index
    %swap3A_72 = arith.constant 512 : index
    %swap3A_73 = vector.load %arg1[%swap3A_71, %swap3A_72] : memref<8x4096xi32, #tpu.memory_space<vmem>>, vector<8x128xi32>
    tpu.vector_store %arg1[%swap3A_71, %swap3A_72], %scan3A_69#3 {strides = array<i32>} : memref<8x4096xi32, #tpu.memory_space<vmem>>, vector<8x128xi32>,
    %broadcast_in_dim3A_74 = arith.constant 0 : i32
    %broadcast_in_dim3A_75 = vector.broadcast %broadcast_in_dim3A_74 : i32 to vector<8x128xi32>
    %scan3A_76 = arith.constant 0 : i32
    %scan3A_77 = arith.constant 128 : i32
    %scan3A_78 = arith.addi %scan3A_76, %scan3A_77 : i32
    %scan3A_79 = arith.constant 1 : i32
    %scan3A_80:4 = scf.for %scan3A_371 = %scan3A_76 to %scan3A_78 step %scan3A_79 iter_args(%scan3A_372 = %scan3A_69#0, %scan3A_373 = %scan3A_69#1, %scan3A_374 = %scan3A_69#2, %scan3A_375 = %broadcast_in_dim3A_75) -> (vector<8x1xf32>, vector<8x1xf32>, vector<8x1xf32>, vector<8x128xi32>)  : i32 {
      %sub3A = vector.broadcast %scan3A_372 : vector<8x1xf32> to vector<8x8192xf32>
      %sub3A_376 = arith.subf %get3A_3, %sub3A : vector<8x8192xf32>
      %sub3A_377 = vector.broadcast %scan3A_373 : vector<8x1xf32> to vector<8x8192xf32>
      %sub3A_378 = arith.subf %get3A_8, %sub3A_377 : vector<8x8192xf32>
      %sub3A_379 = vector.broadcast %scan3A_374 : vector<8x1xf32> to vector<8x8192xf32>
      %sub3A_380 = arith.subf %get3A_13, %sub3A_379 : vector<8x8192xf32>
      %mul3A = arith.mulf %sub3A_376, %sub3A_376 : vector<8x8192xf32>
      %mul3A_381 = arith.mulf %sub3A_380, %sub3A_380 : vector<8x8192xf32>
      %add3A = arith.addf %mul3A, %mul3A_381 : vector<8x8192xf32>
      %mul3A_382 = arith.mulf %sub3A_378, %sub3A_378 : vector<8x8192xf32>
      %add3A_383 = arith.addf %add3A, %mul3A_382 : vector<8x8192xf32>
      %get3A_384 = arith.constant 0 : index
      %get3A_385 = arith.constant 0 : index
      %get3A_386 = vector.load %arg2[%get3A_384, %get3A_385] : memref<8x8192xf32, #tpu.memory_space<vmem>>, vector<8x8192xf32>
      %min3A = arith.minimumf %get3A_386, %add3A_383 : vector<8x8192xf32>
      %swap3A_387 = arith.constant 0 : index
      %swap3A_388 = arith.constant 0 : index
      %swap3A_389 = vector.load %arg2[%swap3A_387, %swap3A_388] : memref<8x8192xf32, #tpu.memory_space<vmem>>, vector<8x8192xf32>
      tpu.vector_store %arg2[%swap3A_387, %swap3A_388], %min3A {strides = array<i32>} : memref<8x8192xf32, #tpu.memory_space<vmem>>, vector<8x8192xf32>,
      %reduce_max3A = arith.constant dense<0xFF800000> : vector<8xf32>
      %reduce_max3A_390 = vector.multi_reduction <maximumf>, %min3A, %reduce_max3A [1] : vector<8x8192xf32> to vector<8xf32>
      %broadcast_in_dim3A_391 = vector.shape_cast %reduce_max3A_390 : vector<8xf32> to vector<8x1xf32>
      %eq3A = vector.broadcast %broadcast_in_dim3A_391 : vector<8x1xf32> to vector<8x8192xf32>
      %eq3A_392 = arith.cmpf oeq, %min3A, %eq3A : vector<8x8192xf32>
      %jit3A = arith.constant 8192 : i32
      %broadcast_in_dim3A_393 = vector.broadcast %jit3A : i32 to vector<8x8192xi32>
      %select_n3A = arith.select %eq3A_392, %iota3A, %broadcast_in_dim3A_393 : vector<8x8192xi1>, vector<8x8192xi32>
      %reduce_min3A = arith.constant dense<2147483647> : vector<8xi32>
      %reduce_min3A_394 = vector.multi_reduction <minsi>, %select_n3A, %reduce_min3A [1] : vector<8x8192xi32> to vector<8xi32>
      %broadcast_in_dim3A_395 = vector.shape_cast %reduce_min3A_394 : vector<8xi32> to vector<8x1xi32>
      %eq3A_396 = vector.broadcast %scan3A_371 : i32 to vector<8x128xi32>
      %eq3A_397 = arith.cmpi eq, %iota3A_14, %eq3A_396 : vector<8x128xi32>
      %broadcast_in_dim3A_398 = vector.shape_cast %broadcast_in_dim3A_395 : vector<8x1xi32> to vector<8x1xi32>
      %broadcast_in_dim3A_399 = vector.broadcast %broadcast_in_dim3A_398 : vector<8x1xi32> to vector<8x128xi32>
      %select_n3A_400 = arith.select %eq3A_397, %broadcast_in_dim3A_399, %scan3A_375 : vector<8x128xi1>, vector<8x128xi32>
      %eq3A_401 = vector.broadcast %broadcast_in_dim3A_395 : vector<8x1xi32> to vector<8x8192xi32>
      %eq3A_402 = arith.cmpi eq, %iota3A, %eq3A_401 : vector<8x8192xi32>
      %jit3A_403 = arith.constant 0xFF800000 : f32
      %broadcast_in_dim3A_404 = vector.broadcast %jit3A_403 : f32 to vector<8x8192xf32>
      %select_n3A_405 = arith.select %eq3A_402, %get3A_3, %broadcast_in_dim3A_404 : vector<8x8192xi1>, vector<8x8192xf32>
      %reduce_max3A_406 = arith.constant dense<0xFF800000> : vector<8xf32>
      %reduce_max3A_407 = vector.multi_reduction <maximumf>, %select_n3A_405, %reduce_max3A_406 [1] : vector<8x8192xf32> to vector<8xf32>
      %broadcast_in_dim3A_408 = vector.shape_cast %reduce_max3A_407 : vector<8xf32> to vector<8x1xf32>
      %jit3A_409 = arith.constant 0xFF800000 : f32
      %broadcast_in_dim3A_410 = vector.broadcast %jit3A_409 : f32 to vector<8x8192xf32>
      %select_n3A_411 = arith.select %eq3A_402, %get3A_8, %broadcast_in_dim3A_410 : vector<8x8192xi1>, vector<8x8192xf32>
      %reduce_max3A_412 = arith.constant dense<0xFF800000> : vector<8xf32>
      %reduce_max3A_413 = vector.multi_reduction <maximumf>, %select_n3A_411, %reduce_max3A_412 [1] : vector<8x8192xf32> to vector<8xf32>
      %broadcast_in_dim3A_414 = vector.shape_cast %reduce_max3A_413 : vector<8xf32> to vector<8x1xf32>
      %jit3A_415 = arith.constant 0xFF800000 : f32
      %broadcast_in_dim3A_416 = vector.broadcast %jit3A_415 : f32 to vector<8x8192xf32>
      %select_n3A_417 = arith.select %eq3A_402, %get3A_13, %broadcast_in_dim3A_416 : vector<8x8192xi1>, vector<8x8192xf32>
      %reduce_max3A_418 = arith.constant dense<0xFF800000> : vector<8xf32>
      %reduce_max3A_419 = vector.multi_reduction <maximumf>, %select_n3A_417, %reduce_max3A_418 [1] : vector<8x8192xf32> to vector<8xf32>
      %broadcast_in_dim3A_420 = vector.shape_cast %reduce_max3A_419 : vector<8xf32> to vector<8x1xf32>
      scf.yield %broadcast_in_dim3A_408, %broadcast_in_dim3A_414, %broadcast_in_dim3A_420, %select_n3A_400 : vector<8x1xf32>, vector<8x1xf32>, vector<8x1xf32>, vector<8x128xi32>
    }
    %scan3A_81 = arith.constant 128 : i32
    %swap3A_82 = arith.constant 0 : index
    %swap3A_83 = arith.constant 640 : index
    %swap3A_84 = vector.load %arg1[%swap3A_82, %swap3A_83] : memref<8x4096xi32, #tpu.memory_space<vmem>>, vector<8x128xi32>
    tpu.vector_store %arg1[%swap3A_82, %swap3A_83], %scan3A_80#3 {strides = array<i32>} : memref<8x4096xi32, #tpu.memory_space<vmem>>, vector<8x128xi32>,
    %broadcast_in_dim3A_85 = arith.constant 0 : i32
    %broadcast_in_dim3A_86 = vector.broadcast %broadcast_in_dim3A_85 : i32 to vector<8x128xi32>
    %scan3A_87 = arith.constant 0 : i32
    %scan3A_88 = arith.constant 128 : i32
    %scan3A_89 = arith.addi %scan3A_87, %scan3A_88 : i32
    %scan3A_90 = arith.constant 1 : i32
    %scan3A_91:4 = scf.for %scan3A_371 = %scan3A_87 to %scan3A_89 step %scan3A_90 iter_args(%scan3A_372 = %scan3A_80#0, %scan3A_373 = %scan3A_80#1, %scan3A_374 = %scan3A_80#2, %scan3A_375 = %broadcast_in_dim3A_86) -> (vector<8x1xf32>, vector<8x1xf32>, vector<8x1xf32>, vector<8x128xi32>)  : i32 {
      %sub3A = vector.broadcast %scan3A_372 : vector<8x1xf32> to vector<8x8192xf32>
      %sub3A_376 = arith.subf %get3A_3, %sub3A : vector<8x8192xf32>
      %sub3A_377 = vector.broadcast %scan3A_373 : vector<8x1xf32> to vector<8x8192xf32>
      %sub3A_378 = arith.subf %get3A_8, %sub3A_377 : vector<8x8192xf32>
      %sub3A_379 = vector.broadcast %scan3A_374 : vector<8x1xf32> to vector<8x8192xf32>
      %sub3A_380 = arith.subf %get3A_13, %sub3A_379 : vector<8x8192xf32>
      %mul3A = arith.mulf %sub3A_376, %sub3A_376 : vector<8x8192xf32>
      %mul3A_381 = arith.mulf %sub3A_380, %sub3A_380 : vector<8x8192xf32>
      %add3A = arith.addf %mul3A, %mul3A_381 : vector<8x8192xf32>
      %mul3A_382 = arith.mulf %sub3A_378, %sub3A_378 : vector<8x8192xf32>
      %add3A_383 = arith.addf %add3A, %mul3A_382 : vector<8x8192xf32>
      %get3A_384 = arith.constant 0 : index
      %get3A_385 = arith.constant 0 : index
      %get3A_386 = vector.load %arg2[%get3A_384, %get3A_385] : memref<8x8192xf32, #tpu.memory_space<vmem>>, vector<8x8192xf32>
      %min3A = arith.minimumf %get3A_386, %add3A_383 : vector<8x8192xf32>
      %swap3A_387 = arith.constant 0 : index
      %swap3A_388 = arith.constant 0 : index
      %swap3A_389 = vector.load %arg2[%swap3A_387, %swap3A_388] : memref<8x8192xf32, #tpu.memory_space<vmem>>, vector<8x8192xf32>
      tpu.vector_store %arg2[%swap3A_387, %swap3A_388], %min3A {strides = array<i32>} : memref<8x8192xf32, #tpu.memory_space<vmem>>, vector<8x8192xf32>,
      %reduce_max3A = arith.constant dense<0xFF800000> : vector<8xf32>
      %reduce_max3A_390 = vector.multi_reduction <maximumf>, %min3A, %reduce_max3A [1] : vector<8x8192xf32> to vector<8xf32>
      %broadcast_in_dim3A_391 = vector.shape_cast %reduce_max3A_390 : vector<8xf32> to vector<8x1xf32>
      %eq3A = vector.broadcast %broadcast_in_dim3A_391 : vector<8x1xf32> to vector<8x8192xf32>
      %eq3A_392 = arith.cmpf oeq, %min3A, %eq3A : vector<8x8192xf32>
      %jit3A = arith.constant 8192 : i32
      %broadcast_in_dim3A_393 = vector.broadcast %jit3A : i32 to vector<8x8192xi32>
      %select_n3A = arith.select %eq3A_392, %iota3A, %broadcast_in_dim3A_393 : vector<8x8192xi1>, vector<8x8192xi32>
      %reduce_min3A = arith.constant dense<2147483647> : vector<8xi32>
      %reduce_min3A_394 = vector.multi_reduction <minsi>, %select_n3A, %reduce_min3A [1] : vector<8x8192xi32> to vector<8xi32>
      %broadcast_in_dim3A_395 = vector.shape_cast %reduce_min3A_394 : vector<8xi32> to vector<8x1xi32>
      %eq3A_396 = vector.broadcast %scan3A_371 : i32 to vector<8x128xi32>
      %eq3A_397 = arith.cmpi eq, %iota3A_14, %eq3A_396 : vector<8x128xi32>
      %broadcast_in_dim3A_398 = vector.shape_cast %broadcast_in_dim3A_395 : vector<8x1xi32> to vector<8x1xi32>
      %broadcast_in_dim3A_399 = vector.broadcast %broadcast_in_dim3A_398 : vector<8x1xi32> to vector<8x128xi32>
      %select_n3A_400 = arith.select %eq3A_397, %broadcast_in_dim3A_399, %scan3A_375 : vector<8x128xi1>, vector<8x128xi32>
      %eq3A_401 = vector.broadcast %broadcast_in_dim3A_395 : vector<8x1xi32> to vector<8x8192xi32>
      %eq3A_402 = arith.cmpi eq, %iota3A, %eq3A_401 : vector<8x8192xi32>
      %jit3A_403 = arith.constant 0xFF800000 : f32
      %broadcast_in_dim3A_404 = vector.broadcast %jit3A_403 : f32 to vector<8x8192xf32>
      %select_n3A_405 = arith.select %eq3A_402, %get3A_3, %broadcast_in_dim3A_404 : vector<8x8192xi1>, vector<8x8192xf32>
      %reduce_max3A_406 = arith.constant dense<0xFF800000> : vector<8xf32>
      %reduce_max3A_407 = vector.multi_reduction <maximumf>, %select_n3A_405, %reduce_max3A_406 [1] : vector<8x8192xf32> to vector<8xf32>
      %broadcast_in_dim3A_408 = vector.shape_cast %reduce_max3A_407 : vector<8xf32> to vector<8x1xf32>
      %jit3A_409 = arith.constant 0xFF800000 : f32
      %broadcast_in_dim3A_410 = vector.broadcast %jit3A_409 : f32 to vector<8x8192xf32>
      %select_n3A_411 = arith.select %eq3A_402, %get3A_8, %broadcast_in_dim3A_410 : vector<8x8192xi1>, vector<8x8192xf32>
      %reduce_max3A_412 = arith.constant dense<0xFF800000> : vector<8xf32>
      %reduce_max3A_413 = vector.multi_reduction <maximumf>, %select_n3A_411, %reduce_max3A_412 [1] : vector<8x8192xf32> to vector<8xf32>
      %broadcast_in_dim3A_414 = vector.shape_cast %reduce_max3A_413 : vector<8xf32> to vector<8x1xf32>
      %jit3A_415 = arith.constant 0xFF800000 : f32
      %broadcast_in_dim3A_416 = vector.broadcast %jit3A_415 : f32 to vector<8x8192xf32>
      %select_n3A_417 = arith.select %eq3A_402, %get3A_13, %broadcast_in_dim3A_416 : vector<8x8192xi1>, vector<8x8192xf32>
      %reduce_max3A_418 = arith.constant dense<0xFF800000> : vector<8xf32>
      %reduce_max3A_419 = vector.multi_reduction <maximumf>, %select_n3A_417, %reduce_max3A_418 [1] : vector<8x8192xf32> to vector<8xf32>
      %broadcast_in_dim3A_420 = vector.shape_cast %reduce_max3A_419 : vector<8xf32> to vector<8x1xf32>
      scf.yield %broadcast_in_dim3A_408, %broadcast_in_dim3A_414, %broadcast_in_dim3A_420, %select_n3A_400 : vector<8x1xf32>, vector<8x1xf32>, vector<8x1xf32>, vector<8x128xi32>
    }
    %scan3A_92 = arith.constant 128 : i32
    %swap3A_93 = arith.constant 0 : index
    %swap3A_94 = arith.constant 768 : index
    %swap3A_95 = vector.load %arg1[%swap3A_93, %swap3A_94] : memref<8x4096xi32, #tpu.memory_space<vmem>>, vector<8x128xi32>
    tpu.vector_store %arg1[%swap3A_93, %swap3A_94], %scan3A_91#3 {strides = array<i32>} : memref<8x4096xi32, #tpu.memory_space<vmem>>, vector<8x128xi32>,
    %broadcast_in_dim3A_96 = arith.constant 0 : i32
    %broadcast_in_dim3A_97 = vector.broadcast %broadcast_in_dim3A_96 : i32 to vector<8x128xi32>
    %scan3A_98 = arith.constant 0 : i32
    %scan3A_99 = arith.constant 128 : i32
    %scan3A_100 = arith.addi %scan3A_98, %scan3A_99 : i32
    %scan3A_101 = arith.constant 1 : i32
    %scan3A_102:4 = scf.for %scan3A_371 = %scan3A_98 to %scan3A_100 step %scan3A_101 iter_args(%scan3A_372 = %scan3A_91#0, %scan3A_373 = %scan3A_91#1, %scan3A_374 = %scan3A_91#2, %scan3A_375 = %broadcast_in_dim3A_97) -> (vector<8x1xf32>, vector<8x1xf32>, vector<8x1xf32>, vector<8x128xi32>)  : i32 {
      %sub3A = vector.broadcast %scan3A_372 : vector<8x1xf32> to vector<8x8192xf32>
      %sub3A_376 = arith.subf %get3A_3, %sub3A : vector<8x8192xf32>
      %sub3A_377 = vector.broadcast %scan3A_373 : vector<8x1xf32> to vector<8x8192xf32>
      %sub3A_378 = arith.subf %get3A_8, %sub3A_377 : vector<8x8192xf32>
      %sub3A_379 = vector.broadcast %scan3A_374 : vector<8x1xf32> to vector<8x8192xf32>
      %sub3A_380 = arith.subf %get3A_13, %sub3A_379 : vector<8x8192xf32>
      %mul3A = arith.mulf %sub3A_376, %sub3A_376 : vector<8x8192xf32>
      %mul3A_381 = arith.mulf %sub3A_380, %sub3A_380 : vector<8x8192xf32>
      %add3A = arith.addf %mul3A, %mul3A_381 : vector<8x8192xf32>
      %mul3A_382 = arith.mulf %sub3A_378, %sub3A_378 : vector<8x8192xf32>
      %add3A_383 = arith.addf %add3A, %mul3A_382 : vector<8x8192xf32>
      %get3A_384 = arith.constant 0 : index
      %get3A_385 = arith.constant 0 : index
      %get3A_386 = vector.load %arg2[%get3A_384, %get3A_385] : memref<8x8192xf32, #tpu.memory_space<vmem>>, vector<8x8192xf32>
      %min3A = arith.minimumf %get3A_386, %add3A_383 : vector<8x8192xf32>
      %swap3A_387 = arith.constant 0 : index
      %swap3A_388 = arith.constant 0 : index
      %swap3A_389 = vector.load %arg2[%swap3A_387, %swap3A_388] : memref<8x8192xf32, #tpu.memory_space<vmem>>, vector<8x8192xf32>
      tpu.vector_store %arg2[%swap3A_387, %swap3A_388], %min3A {strides = array<i32>} : memref<8x8192xf32, #tpu.memory_space<vmem>>, vector<8x8192xf32>,
      %reduce_max3A = arith.constant dense<0xFF800000> : vector<8xf32>
      %reduce_max3A_390 = vector.multi_reduction <maximumf>, %min3A, %reduce_max3A [1] : vector<8x8192xf32> to vector<8xf32>
      %broadcast_in_dim3A_391 = vector.shape_cast %reduce_max3A_390 : vector<8xf32> to vector<8x1xf32>
      %eq3A = vector.broadcast %broadcast_in_dim3A_391 : vector<8x1xf32> to vector<8x8192xf32>
      %eq3A_392 = arith.cmpf oeq, %min3A, %eq3A : vector<8x8192xf32>
      %jit3A = arith.constant 8192 : i32
      %broadcast_in_dim3A_393 = vector.broadcast %jit3A : i32 to vector<8x8192xi32>
      %select_n3A = arith.select %eq3A_392, %iota3A, %broadcast_in_dim3A_393 : vector<8x8192xi1>, vector<8x8192xi32>
      %reduce_min3A = arith.constant dense<2147483647> : vector<8xi32>
      %reduce_min3A_394 = vector.multi_reduction <minsi>, %select_n3A, %reduce_min3A [1] : vector<8x8192xi32> to vector<8xi32>
      %broadcast_in_dim3A_395 = vector.shape_cast %reduce_min3A_394 : vector<8xi32> to vector<8x1xi32>
      %eq3A_396 = vector.broadcast %scan3A_371 : i32 to vector<8x128xi32>
      %eq3A_397 = arith.cmpi eq, %iota3A_14, %eq3A_396 : vector<8x128xi32>
      %broadcast_in_dim3A_398 = vector.shape_cast %broadcast_in_dim3A_395 : vector<8x1xi32> to vector<8x1xi32>
      %broadcast_in_dim3A_399 = vector.broadcast %broadcast_in_dim3A_398 : vector<8x1xi32> to vector<8x128xi32>
      %select_n3A_400 = arith.select %eq3A_397, %broadcast_in_dim3A_399, %scan3A_375 : vector<8x128xi1>, vector<8x128xi32>
      %eq3A_401 = vector.broadcast %broadcast_in_dim3A_395 : vector<8x1xi32> to vector<8x8192xi32>
      %eq3A_402 = arith.cmpi eq, %iota3A, %eq3A_401 : vector<8x8192xi32>
      %jit3A_403 = arith.constant 0xFF800000 : f32
      %broadcast_in_dim3A_404 = vector.broadcast %jit3A_403 : f32 to vector<8x8192xf32>
      %select_n3A_405 = arith.select %eq3A_402, %get3A_3, %broadcast_in_dim3A_404 : vector<8x8192xi1>, vector<8x8192xf32>
      %reduce_max3A_406 = arith.constant dense<0xFF800000> : vector<8xf32>
      %reduce_max3A_407 = vector.multi_reduction <maximumf>, %select_n3A_405, %reduce_max3A_406 [1] : vector<8x8192xf32> to vector<8xf32>
      %broadcast_in_dim3A_408 = vector.shape_cast %reduce_max3A_407 : vector<8xf32> to vector<8x1xf32>
      %jit3A_409 = arith.constant 0xFF800000 : f32
      %broadcast_in_dim3A_410 = vector.broadcast %jit3A_409 : f32 to vector<8x8192xf32>
      %select_n3A_411 = arith.select %eq3A_402, %get3A_8, %broadcast_in_dim3A_410 : vector<8x8192xi1>, vector<8x8192xf32>
      %reduce_max3A_412 = arith.constant dense<0xFF800000> : vector<8xf32>
      %reduce_max3A_413 = vector.multi_reduction <maximumf>, %select_n3A_411, %reduce_max3A_412 [1] : vector<8x8192xf32> to vector<8xf32>
      %broadcast_in_dim3A_414 = vector.shape_cast %reduce_max3A_413 : vector<8xf32> to vector<8x1xf32>
      %jit3A_415 = arith.constant 0xFF800000 : f32
      %broadcast_in_dim3A_416 = vector.broadcast %jit3A_415 : f32 to vector<8x8192xf32>
      %select_n3A_417 = arith.select %eq3A_402, %get3A_13, %broadcast_in_dim3A_416 : vector<8x8192xi1>, vector<8x8192xf32>
      %reduce_max3A_418 = arith.constant dense<0xFF800000> : vector<8xf32>
      %reduce_max3A_419 = vector.multi_reduction <maximumf>, %select_n3A_417, %reduce_max3A_418 [1] : vector<8x8192xf32> to vector<8xf32>
      %broadcast_in_dim3A_420 = vector.shape_cast %reduce_max3A_419 : vector<8xf32> to vector<8x1xf32>
      scf.yield %broadcast_in_dim3A_408, %broadcast_in_dim3A_414, %broadcast_in_dim3A_420, %select_n3A_400 : vector<8x1xf32>, vector<8x1xf32>, vector<8x1xf32>, vector<8x128xi32>
    }
    %scan3A_103 = arith.constant 128 : i32
    %swap3A_104 = arith.constant 0 : index
    %swap3A_105 = arith.constant 896 : index
    %swap3A_106 = vector.load %arg1[%swap3A_104, %swap3A_105] : memref<8x4096xi32, #tpu.memory_space<vmem>>, vector<8x128xi32>
    tpu.vector_store %arg1[%swap3A_104, %swap3A_105], %scan3A_102#3 {strides = array<i32>} : memref<8x4096xi32, #tpu.memory_space<vmem>>, vector<8x128xi32>,
    %broadcast_in_dim3A_107 = arith.constant 0 : i32
    %broadcast_in_dim3A_108 = vector.broadcast %broadcast_in_dim3A_107 : i32 to vector<8x128xi32>
    %scan3A_109 = arith.constant 0 : i32
    %scan3A_110 = arith.constant 128 : i32
    %scan3A_111 = arith.addi %scan3A_109, %scan3A_110 : i32
    %scan3A_112 = arith.constant 1 : i32
    %scan3A_113:4 = scf.for %scan3A_371 = %scan3A_109 to %scan3A_111 step %scan3A_112 iter_args(%scan3A_372 = %scan3A_102#0, %scan3A_373 = %scan3A_102#1, %scan3A_374 = %scan3A_102#2, %scan3A_375 = %broadcast_in_dim3A_108) -> (vector<8x1xf32>, vector<8x1xf32>, vector<8x1xf32>, vector<8x128xi32>)  : i32 {
      %sub3A = vector.broadcast %scan3A_372 : vector<8x1xf32> to vector<8x8192xf32>
      %sub3A_376 = arith.subf %get3A_3, %sub3A : vector<8x8192xf32>
      %sub3A_377 = vector.broadcast %scan3A_373 : vector<8x1xf32> to vector<8x8192xf32>
      %sub3A_378 = arith.subf %get3A_8, %sub3A_377 : vector<8x8192xf32>
      %sub3A_379 = vector.broadcast %scan3A_374 : vector<8x1xf32> to vector<8x8192xf32>
      %sub3A_380 = arith.subf %get3A_13, %sub3A_379 : vector<8x8192xf32>
      %mul3A = arith.mulf %sub3A_376, %sub3A_376 : vector<8x8192xf32>
      %mul3A_381 = arith.mulf %sub3A_380, %sub3A_380 : vector<8x8192xf32>
      %add3A = arith.addf %mul3A, %mul3A_381 : vector<8x8192xf32>
      %mul3A_382 = arith.mulf %sub3A_378, %sub3A_378 : vector<8x8192xf32>
      %add3A_383 = arith.addf %add3A, %mul3A_382 : vector<8x8192xf32>
      %get3A_384 = arith.constant 0 : index
      %get3A_385 = arith.constant 0 : index
      %get3A_386 = vector.load %arg2[%get3A_384, %get3A_385] : memref<8x8192xf32, #tpu.memory_space<vmem>>, vector<8x8192xf32>
      %min3A = arith.minimumf %get3A_386, %add3A_383 : vector<8x8192xf32>
      %swap3A_387 = arith.constant 0 : index
      %swap3A_388 = arith.constant 0 : index
      %swap3A_389 = vector.load %arg2[%swap3A_387, %swap3A_388] : memref<8x8192xf32, #tpu.memory_space<vmem>>, vector<8x8192xf32>
      tpu.vector_store %arg2[%swap3A_387, %swap3A_388], %min3A {strides = array<i32>} : memref<8x8192xf32, #tpu.memory_space<vmem>>, vector<8x8192xf32>,
      %reduce_max3A = arith.constant dense<0xFF800000> : vector<8xf32>
      %reduce_max3A_390 = vector.multi_reduction <maximumf>, %min3A, %reduce_max3A [1] : vector<8x8192xf32> to vector<8xf32>
      %broadcast_in_dim3A_391 = vector.shape_cast %reduce_max3A_390 : vector<8xf32> to vector<8x1xf32>
      %eq3A = vector.broadcast %broadcast_in_dim3A_391 : vector<8x1xf32> to vector<8x8192xf32>
      %eq3A_392 = arith.cmpf oeq, %min3A, %eq3A : vector<8x8192xf32>
      %jit3A = arith.constant 8192 : i32
      %broadcast_in_dim3A_393 = vector.broadcast %jit3A : i32 to vector<8x8192xi32>
      %select_n3A = arith.select %eq3A_392, %iota3A, %broadcast_in_dim3A_393 : vector<8x8192xi1>, vector<8x8192xi32>
      %reduce_min3A = arith.constant dense<2147483647> : vector<8xi32>
      %reduce_min3A_394 = vector.multi_reduction <minsi>, %select_n3A, %reduce_min3A [1] : vector<8x8192xi32> to vector<8xi32>
      %broadcast_in_dim3A_395 = vector.shape_cast %reduce_min3A_394 : vector<8xi32> to vector<8x1xi32>
      %eq3A_396 = vector.broadcast %scan3A_371 : i32 to vector<8x128xi32>
      %eq3A_397 = arith.cmpi eq, %iota3A_14, %eq3A_396 : vector<8x128xi32>
      %broadcast_in_dim3A_398 = vector.shape_cast %broadcast_in_dim3A_395 : vector<8x1xi32> to vector<8x1xi32>
      %broadcast_in_dim3A_399 = vector.broadcast %broadcast_in_dim3A_398 : vector<8x1xi32> to vector<8x128xi32>
      %select_n3A_400 = arith.select %eq3A_397, %broadcast_in_dim3A_399, %scan3A_375 : vector<8x128xi1>, vector<8x128xi32>
      %eq3A_401 = vector.broadcast %broadcast_in_dim3A_395 : vector<8x1xi32> to vector<8x8192xi32>
      %eq3A_402 = arith.cmpi eq, %iota3A, %eq3A_401 : vector<8x8192xi32>
      %jit3A_403 = arith.constant 0xFF800000 : f32
      %broadcast_in_dim3A_404 = vector.broadcast %jit3A_403 : f32 to vector<8x8192xf32>
      %select_n3A_405 = arith.select %eq3A_402, %get3A_3, %broadcast_in_dim3A_404 : vector<8x8192xi1>, vector<8x8192xf32>
      %reduce_max3A_406 = arith.constant dense<0xFF800000> : vector<8xf32>
      %reduce_max3A_407 = vector.multi_reduction <maximumf>, %select_n3A_405, %reduce_max3A_406 [1] : vector<8x8192xf32> to vector<8xf32>
      %broadcast_in_dim3A_408 = vector.shape_cast %reduce_max3A_407 : vector<8xf32> to vector<8x1xf32>
      %jit3A_409 = arith.constant 0xFF800000 : f32
      %broadcast_in_dim3A_410 = vector.broadcast %jit3A_409 : f32 to vector<8x8192xf32>
      %select_n3A_411 = arith.select %eq3A_402, %get3A_8, %broadcast_in_dim3A_410 : vector<8x8192xi1>, vector<8x8192xf32>
      %reduce_max3A_412 = arith.constant dense<0xFF800000> : vector<8xf32>
      %reduce_max3A_413 = vector.multi_reduction <maximumf>, %select_n3A_411, %reduce_max3A_412 [1] : vector<8x8192xf32> to vector<8xf32>
      %broadcast_in_dim3A_414 = vector.shape_cast %reduce_max3A_413 : vector<8xf32> to vector<8x1xf32>
      %jit3A_415 = arith.constant 0xFF800000 : f32
      %broadcast_in_dim3A_416 = vector.broadcast %jit3A_415 : f32 to vector<8x8192xf32>
      %select_n3A_417 = arith.select %eq3A_402, %get3A_13, %broadcast_in_dim3A_416 : vector<8x8192xi1>, vector<8x8192xf32>
      %reduce_max3A_418 = arith.constant dense<0xFF800000> : vector<8xf32>
      %reduce_max3A_419 = vector.multi_reduction <maximumf>, %select_n3A_417, %reduce_max3A_418 [1] : vector<8x8192xf32> to vector<8xf32>
      %broadcast_in_dim3A_420 = vector.shape_cast %reduce_max3A_419 : vector<8xf32> to vector<8x1xf32>
      scf.yield %broadcast_in_dim3A_408, %broadcast_in_dim3A_414, %broadcast_in_dim3A_420, %select_n3A_400 : vector<8x1xf32>, vector<8x1xf32>, vector<8x1xf32>, vector<8x128xi32>
    }
    %scan3A_114 = arith.constant 128 : i32
    %swap3A_115 = arith.constant 0 : index
    %swap3A_116 = arith.constant 1024 : index
    %swap3A_117 = vector.load %arg1[%swap3A_115, %swap3A_116] : memref<8x4096xi32, #tpu.memory_space<vmem>>, vector<8x128xi32>
    tpu.vector_store %arg1[%swap3A_115, %swap3A_116], %scan3A_113#3 {strides = array<i32>} : memref<8x4096xi32, #tpu.memory_space<vmem>>, vector<8x128xi32>,
    %broadcast_in_dim3A_118 = arith.constant 0 : i32
    %broadcast_in_dim3A_119 = vector.broadcast %broadcast_in_dim3A_118 : i32 to vector<8x128xi32>
    %scan3A_120 = arith.constant 0 : i32
    %scan3A_121 = arith.constant 128 : i32
    %scan3A_122 = arith.addi %scan3A_120, %scan3A_121 : i32
    %scan3A_123 = arith.constant 1 : i32
    %scan3A_124:4 = scf.for %scan3A_371 = %scan3A_120 to %scan3A_122 step %scan3A_123 iter_args(%scan3A_372 = %scan3A_113#0, %scan3A_373 = %scan3A_113#1, %scan3A_374 = %scan3A_113#2, %scan3A_375 = %broadcast_in_dim3A_119) -> (vector<8x1xf32>, vector<8x1xf32>, vector<8x1xf32>, vector<8x128xi32>)  : i32 {
      %sub3A = vector.broadcast %scan3A_372 : vector<8x1xf32> to vector<8x8192xf32>
      %sub3A_376 = arith.subf %get3A_3, %sub3A : vector<8x8192xf32>
      %sub3A_377 = vector.broadcast %scan3A_373 : vector<8x1xf32> to vector<8x8192xf32>
      %sub3A_378 = arith.subf %get3A_8, %sub3A_377 : vector<8x8192xf32>
      %sub3A_379 = vector.broadcast %scan3A_374 : vector<8x1xf32> to vector<8x8192xf32>
      %sub3A_380 = arith.subf %get3A_13, %sub3A_379 : vector<8x8192xf32>
      %mul3A = arith.mulf %sub3A_376, %sub3A_376 : vector<8x8192xf32>
      %mul3A_381 = arith.mulf %sub3A_380, %sub3A_380 : vector<8x8192xf32>
      %add3A = arith.addf %mul3A, %mul3A_381 : vector<8x8192xf32>
      %mul3A_382 = arith.mulf %sub3A_378, %sub3A_378 : vector<8x8192xf32>
      %add3A_383 = arith.addf %add3A, %mul3A_382 : vector<8x8192xf32>
      %get3A_384 = arith.constant 0 : index
      %get3A_385 = arith.constant 0 : index
      %get3A_386 = vector.load %arg2[%get3A_384, %get3A_385] : memref<8x8192xf32, #tpu.memory_space<vmem>>, vector<8x8192xf32>
      %min3A = arith.minimumf %get3A_386, %add3A_383 : vector<8x8192xf32>
      %swap3A_387 = arith.constant 0 : index
      %swap3A_388 = arith.constant 0 : index
      %swap3A_389 = vector.load %arg2[%swap3A_387, %swap3A_388] : memref<8x8192xf32, #tpu.memory_space<vmem>>, vector<8x8192xf32>
      tpu.vector_store %arg2[%swap3A_387, %swap3A_388], %min3A {strides = array<i32>} : memref<8x8192xf32, #tpu.memory_space<vmem>>, vector<8x8192xf32>,
      %reduce_max3A = arith.constant dense<0xFF800000> : vector<8xf32>
      %reduce_max3A_390 = vector.multi_reduction <maximumf>, %min3A, %reduce_max3A [1] : vector<8x8192xf32> to vector<8xf32>
      %broadcast_in_dim3A_391 = vector.shape_cast %reduce_max3A_390 : vector<8xf32> to vector<8x1xf32>
      %eq3A = vector.broadcast %broadcast_in_dim3A_391 : vector<8x1xf32> to vector<8x8192xf32>
      %eq3A_392 = arith.cmpf oeq, %min3A, %eq3A : vector<8x8192xf32>
      %jit3A = arith.constant 8192 : i32
      %broadcast_in_dim3A_393 = vector.broadcast %jit3A : i32 to vector<8x8192xi32>
      %select_n3A = arith.select %eq3A_392, %iota3A, %broadcast_in_dim3A_393 : vector<8x8192xi1>, vector<8x8192xi32>
      %reduce_min3A = arith.constant dense<2147483647> : vector<8xi32>
      %reduce_min3A_394 = vector.multi_reduction <minsi>, %select_n3A, %reduce_min3A [1] : vector<8x8192xi32> to vector<8xi32>
      %broadcast_in_dim3A_395 = vector.shape_cast %reduce_min3A_394 : vector<8xi32> to vector<8x1xi32>
      %eq3A_396 = vector.broadcast %scan3A_371 : i32 to vector<8x128xi32>
      %eq3A_397 = arith.cmpi eq, %iota3A_14, %eq3A_396 : vector<8x128xi32>
      %broadcast_in_dim3A_398 = vector.shape_cast %broadcast_in_dim3A_395 : vector<8x1xi32> to vector<8x1xi32>
      %broadcast_in_dim3A_399 = vector.broadcast %broadcast_in_dim3A_398 : vector<8x1xi32> to vector<8x128xi32>
      %select_n3A_400 = arith.select %eq3A_397, %broadcast_in_dim3A_399, %scan3A_375 : vector<8x128xi1>, vector<8x128xi32>
      %eq3A_401 = vector.broadcast %broadcast_in_dim3A_395 : vector<8x1xi32> to vector<8x8192xi32>
      %eq3A_402 = arith.cmpi eq, %iota3A, %eq3A_401 : vector<8x8192xi32>
      %jit3A_403 = arith.constant 0xFF800000 : f32
      %broadcast_in_dim3A_404 = vector.broadcast %jit3A_403 : f32 to vector<8x8192xf32>
      %select_n3A_405 = arith.select %eq3A_402, %get3A_3, %broadcast_in_dim3A_404 : vector<8x8192xi1>, vector<8x8192xf32>
      %reduce_max3A_406 = arith.constant dense<0xFF800000> : vector<8xf32>
      %reduce_max3A_407 = vector.multi_reduction <maximumf>, %select_n3A_405, %reduce_max3A_406 [1] : vector<8x8192xf32> to vector<8xf32>
      %broadcast_in_dim3A_408 = vector.shape_cast %reduce_max3A_407 : vector<8xf32> to vector<8x1xf32>
      %jit3A_409 = arith.constant 0xFF800000 : f32
      %broadcast_in_dim3A_410 = vector.broadcast %jit3A_409 : f32 to vector<8x8192xf32>
      %select_n3A_411 = arith.select %eq3A_402, %get3A_8, %broadcast_in_dim3A_410 : vector<8x8192xi1>, vector<8x8192xf32>
      %reduce_max3A_412 = arith.constant dense<0xFF800000> : vector<8xf32>
      %reduce_max3A_413 = vector.multi_reduction <maximumf>, %select_n3A_411, %reduce_max3A_412 [1] : vector<8x8192xf32> to vector<8xf32>
      %broadcast_in_dim3A_414 = vector.shape_cast %reduce_max3A_413 : vector<8xf32> to vector<8x1xf32>
      %jit3A_415 = arith.constant 0xFF800000 : f32
      %broadcast_in_dim3A_416 = vector.broadcast %jit3A_415 : f32 to vector<8x8192xf32>
      %select_n3A_417 = arith.select %eq3A_402, %get3A_13, %broadcast_in_dim3A_416 : vector<8x8192xi1>, vector<8x8192xf32>
      %reduce_max3A_418 = arith.constant dense<0xFF800000> : vector<8xf32>
      %reduce_max3A_419 = vector.multi_reduction <maximumf>, %select_n3A_417, %reduce_max3A_418 [1] : vector<8x8192xf32> to vector<8xf32>
      %broadcast_in_dim3A_420 = vector.shape_cast %reduce_max3A_419 : vector<8xf32> to vector<8x1xf32>
      scf.yield %broadcast_in_dim3A_408, %broadcast_in_dim3A_414, %broadcast_in_dim3A_420, %select_n3A_400 : vector<8x1xf32>, vector<8x1xf32>, vector<8x1xf32>, vector<8x128xi32>
    }
    %scan3A_125 = arith.constant 128 : i32
    %swap3A_126 = arith.constant 0 : index
    %swap3A_127 = arith.constant 1152 : index
    %swap3A_128 = vector.load %arg1[%swap3A_126, %swap3A_127] : memref<8x4096xi32, #tpu.memory_space<vmem>>, vector<8x128xi32>
    tpu.vector_store %arg1[%swap3A_126, %swap3A_127], %scan3A_124#3 {strides = array<i32>} : memref<8x4096xi32, #tpu.memory_space<vmem>>, vector<8x128xi32>,
    %broadcast_in_dim3A_129 = arith.constant 0 : i32
    %broadcast_in_dim3A_130 = vector.broadcast %broadcast_in_dim3A_129 : i32 to vector<8x128xi32>
    %scan3A_131 = arith.constant 0 : i32
    %scan3A_132 = arith.constant 128 : i32
    %scan3A_133 = arith.addi %scan3A_131, %scan3A_132 : i32
    %scan3A_134 = arith.constant 1 : i32
    %scan3A_135:4 = scf.for %scan3A_371 = %scan3A_131 to %scan3A_133 step %scan3A_134 iter_args(%scan3A_372 = %scan3A_124#0, %scan3A_373 = %scan3A_124#1, %scan3A_374 = %scan3A_124#2, %scan3A_375 = %broadcast_in_dim3A_130) -> (vector<8x1xf32>, vector<8x1xf32>, vector<8x1xf32>, vector<8x128xi32>)  : i32 {
      %sub3A = vector.broadcast %scan3A_372 : vector<8x1xf32> to vector<8x8192xf32>
      %sub3A_376 = arith.subf %get3A_3, %sub3A : vector<8x8192xf32>
      %sub3A_377 = vector.broadcast %scan3A_373 : vector<8x1xf32> to vector<8x8192xf32>
      %sub3A_378 = arith.subf %get3A_8, %sub3A_377 : vector<8x8192xf32>
      %sub3A_379 = vector.broadcast %scan3A_374 : vector<8x1xf32> to vector<8x8192xf32>
      %sub3A_380 = arith.subf %get3A_13, %sub3A_379 : vector<8x8192xf32>
      %mul3A = arith.mulf %sub3A_376, %sub3A_376 : vector<8x8192xf32>
      %mul3A_381 = arith.mulf %sub3A_380, %sub3A_380 : vector<8x8192xf32>
      %add3A = arith.addf %mul3A, %mul3A_381 : vector<8x8192xf32>
      %mul3A_382 = arith.mulf %sub3A_378, %sub3A_378 : vector<8x8192xf32>
      %add3A_383 = arith.addf %add3A, %mul3A_382 : vector<8x8192xf32>
      %get3A_384 = arith.constant 0 : index
      %get3A_385 = arith.constant 0 : index
      %get3A_386 = vector.load %arg2[%get3A_384, %get3A_385] : memref<8x8192xf32, #tpu.memory_space<vmem>>, vector<8x8192xf32>
      %min3A = arith.minimumf %get3A_386, %add3A_383 : vector<8x8192xf32>
      %swap3A_387 = arith.constant 0 : index
      %swap3A_388 = arith.constant 0 : index
      %swap3A_389 = vector.load %arg2[%swap3A_387, %swap3A_388] : memref<8x8192xf32, #tpu.memory_space<vmem>>, vector<8x8192xf32>
      tpu.vector_store %arg2[%swap3A_387, %swap3A_388], %min3A {strides = array<i32>} : memref<8x8192xf32, #tpu.memory_space<vmem>>, vector<8x8192xf32>,
      %reduce_max3A = arith.constant dense<0xFF800000> : vector<8xf32>
      %reduce_max3A_390 = vector.multi_reduction <maximumf>, %min3A, %reduce_max3A [1] : vector<8x8192xf32> to vector<8xf32>
      %broadcast_in_dim3A_391 = vector.shape_cast %reduce_max3A_390 : vector<8xf32> to vector<8x1xf32>
      %eq3A = vector.broadcast %broadcast_in_dim3A_391 : vector<8x1xf32> to vector<8x8192xf32>
      %eq3A_392 = arith.cmpf oeq, %min3A, %eq3A : vector<8x8192xf32>
      %jit3A = arith.constant 8192 : i32
      %broadcast_in_dim3A_393 = vector.broadcast %jit3A : i32 to vector<8x8192xi32>
      %select_n3A = arith.select %eq3A_392, %iota3A, %broadcast_in_dim3A_393 : vector<8x8192xi1>, vector<8x8192xi32>
      %reduce_min3A = arith.constant dense<2147483647> : vector<8xi32>
      %reduce_min3A_394 = vector.multi_reduction <minsi>, %select_n3A, %reduce_min3A [1] : vector<8x8192xi32> to vector<8xi32>
      %broadcast_in_dim3A_395 = vector.shape_cast %reduce_min3A_394 : vector<8xi32> to vector<8x1xi32>
      %eq3A_396 = vector.broadcast %scan3A_371 : i32 to vector<8x128xi32>
      %eq3A_397 = arith.cmpi eq, %iota3A_14, %eq3A_396 : vector<8x128xi32>
      %broadcast_in_dim3A_398 = vector.shape_cast %broadcast_in_dim3A_395 : vector<8x1xi32> to vector<8x1xi32>
      %broadcast_in_dim3A_399 = vector.broadcast %broadcast_in_dim3A_398 : vector<8x1xi32> to vector<8x128xi32>
      %select_n3A_400 = arith.select %eq3A_397, %broadcast_in_dim3A_399, %scan3A_375 : vector<8x128xi1>, vector<8x128xi32>
      %eq3A_401 = vector.broadcast %broadcast_in_dim3A_395 : vector<8x1xi32> to vector<8x8192xi32>
      %eq3A_402 = arith.cmpi eq, %iota3A, %eq3A_401 : vector<8x8192xi32>
      %jit3A_403 = arith.constant 0xFF800000 : f32
      %broadcast_in_dim3A_404 = vector.broadcast %jit3A_403 : f32 to vector<8x8192xf32>
      %select_n3A_405 = arith.select %eq3A_402, %get3A_3, %broadcast_in_dim3A_404 : vector<8x8192xi1>, vector<8x8192xf32>
      %reduce_max3A_406 = arith.constant dense<0xFF800000> : vector<8xf32>
      %reduce_max3A_407 = vector.multi_reduction <maximumf>, %select_n3A_405, %reduce_max3A_406 [1] : vector<8x8192xf32> to vector<8xf32>
      %broadcast_in_dim3A_408 = vector.shape_cast %reduce_max3A_407 : vector<8xf32> to vector<8x1xf32>
      %jit3A_409 = arith.constant 0xFF800000 : f32
      %broadcast_in_dim3A_410 = vector.broadcast %jit3A_409 : f32 to vector<8x8192xf32>
      %select_n3A_411 = arith.select %eq3A_402, %get3A_8, %broadcast_in_dim3A_410 : vector<8x8192xi1>, vector<8x8192xf32>
      %reduce_max3A_412 = arith.constant dense<0xFF800000> : vector<8xf32>
      %reduce_max3A_413 = vector.multi_reduction <maximumf>, %select_n3A_411, %reduce_max3A_412 [1] : vector<8x8192xf32> to vector<8xf32>
      %broadcast_in_dim3A_414 = vector.shape_cast %reduce_max3A_413 : vector<8xf32> to vector<8x1xf32>
      %jit3A_415 = arith.constant 0xFF800000 : f32
      %broadcast_in_dim3A_416 = vector.broadcast %jit3A_415 : f32 to vector<8x8192xf32>
      %select_n3A_417 = arith.select %eq3A_402, %get3A_13, %broadcast_in_dim3A_416 : vector<8x8192xi1>, vector<8x8192xf32>
      %reduce_max3A_418 = arith.constant dense<0xFF800000> : vector<8xf32>
      %reduce_max3A_419 = vector.multi_reduction <maximumf>, %select_n3A_417, %reduce_max3A_418 [1] : vector<8x8192xf32> to vector<8xf32>
      %broadcast_in_dim3A_420 = vector.shape_cast %reduce_max3A_419 : vector<8xf32> to vector<8x1xf32>
      scf.yield %broadcast_in_dim3A_408, %broadcast_in_dim3A_414, %broadcast_in_dim3A_420, %select_n3A_400 : vector<8x1xf32>, vector<8x1xf32>, vector<8x1xf32>, vector<8x128xi32>
    }
    %scan3A_136 = arith.constant 128 : i32
    %swap3A_137 = arith.constant 0 : index
    %swap3A_138 = arith.constant 1280 : index
    %swap3A_139 = vector.load %arg1[%swap3A_137, %swap3A_138] : memref<8x4096xi32, #tpu.memory_space<vmem>>, vector<8x128xi32>
    tpu.vector_store %arg1[%swap3A_137, %swap3A_138], %scan3A_135#3 {strides = array<i32>} : memref<8x4096xi32, #tpu.memory_space<vmem>>, vector<8x128xi32>,
    %broadcast_in_dim3A_140 = arith.constant 0 : i32
    %broadcast_in_dim3A_141 = vector.broadcast %broadcast_in_dim3A_140 : i32 to vector<8x128xi32>
    %scan3A_142 = arith.constant 0 : i32
    %scan3A_143 = arith.constant 128 : i32
    %scan3A_144 = arith.addi %scan3A_142, %scan3A_143 : i32
    %scan3A_145 = arith.constant 1 : i32
    %scan3A_146:4 = scf.for %scan3A_371 = %scan3A_142 to %scan3A_144 step %scan3A_145 iter_args(%scan3A_372 = %scan3A_135#0, %scan3A_373 = %scan3A_135#1, %scan3A_374 = %scan3A_135#2, %scan3A_375 = %broadcast_in_dim3A_141) -> (vector<8x1xf32>, vector<8x1xf32>, vector<8x1xf32>, vector<8x128xi32>)  : i32 {
      %sub3A = vector.broadcast %scan3A_372 : vector<8x1xf32> to vector<8x8192xf32>
      %sub3A_376 = arith.subf %get3A_3, %sub3A : vector<8x8192xf32>
      %sub3A_377 = vector.broadcast %scan3A_373 : vector<8x1xf32> to vector<8x8192xf32>
      %sub3A_378 = arith.subf %get3A_8, %sub3A_377 : vector<8x8192xf32>
      %sub3A_379 = vector.broadcast %scan3A_374 : vector<8x1xf32> to vector<8x8192xf32>
      %sub3A_380 = arith.subf %get3A_13, %sub3A_379 : vector<8x8192xf32>
      %mul3A = arith.mulf %sub3A_376, %sub3A_376 : vector<8x8192xf32>
      %mul3A_381 = arith.mulf %sub3A_380, %sub3A_380 : vector<8x8192xf32>
      %add3A = arith.addf %mul3A, %mul3A_381 : vector<8x8192xf32>
      %mul3A_382 = arith.mulf %sub3A_378, %sub3A_378 : vector<8x8192xf32>
      %add3A_383 = arith.addf %add3A, %mul3A_382 : vector<8x8192xf32>
      %get3A_384 = arith.constant 0 : index
      %get3A_385 = arith.constant 0 : index
      %get3A_386 = vector.load %arg2[%get3A_384, %get3A_385] : memref<8x8192xf32, #tpu.memory_space<vmem>>, vector<8x8192xf32>
      %min3A = arith.minimumf %get3A_386, %add3A_383 : vector<8x8192xf32>
      %swap3A_387 = arith.constant 0 : index
      %swap3A_388 = arith.constant 0 : index
      %swap3A_389 = vector.load %arg2[%swap3A_387, %swap3A_388] : memref<8x8192xf32, #tpu.memory_space<vmem>>, vector<8x8192xf32>
      tpu.vector_store %arg2[%swap3A_387, %swap3A_388], %min3A {strides = array<i32>} : memref<8x8192xf32, #tpu.memory_space<vmem>>, vector<8x8192xf32>,
      %reduce_max3A = arith.constant dense<0xFF800000> : vector<8xf32>
      %reduce_max3A_390 = vector.multi_reduction <maximumf>, %min3A, %reduce_max3A [1] : vector<8x8192xf32> to vector<8xf32>
      %broadcast_in_dim3A_391 = vector.shape_cast %reduce_max3A_390 : vector<8xf32> to vector<8x1xf32>
      %eq3A = vector.broadcast %broadcast_in_dim3A_391 : vector<8x1xf32> to vector<8x8192xf32>
      %eq3A_392 = arith.cmpf oeq, %min3A, %eq3A : vector<8x8192xf32>
      %jit3A = arith.constant 8192 : i32
      %broadcast_in_dim3A_393 = vector.broadcast %jit3A : i32 to vector<8x8192xi32>
      %select_n3A = arith.select %eq3A_392, %iota3A, %broadcast_in_dim3A_393 : vector<8x8192xi1>, vector<8x8192xi32>
      %reduce_min3A = arith.constant dense<2147483647> : vector<8xi32>
      %reduce_min3A_394 = vector.multi_reduction <minsi>, %select_n3A, %reduce_min3A [1] : vector<8x8192xi32> to vector<8xi32>
      %broadcast_in_dim3A_395 = vector.shape_cast %reduce_min3A_394 : vector<8xi32> to vector<8x1xi32>
      %eq3A_396 = vector.broadcast %scan3A_371 : i32 to vector<8x128xi32>
      %eq3A_397 = arith.cmpi eq, %iota3A_14, %eq3A_396 : vector<8x128xi32>
      %broadcast_in_dim3A_398 = vector.shape_cast %broadcast_in_dim3A_395 : vector<8x1xi32> to vector<8x1xi32>
      %broadcast_in_dim3A_399 = vector.broadcast %broadcast_in_dim3A_398 : vector<8x1xi32> to vector<8x128xi32>
      %select_n3A_400 = arith.select %eq3A_397, %broadcast_in_dim3A_399, %scan3A_375 : vector<8x128xi1>, vector<8x128xi32>
      %eq3A_401 = vector.broadcast %broadcast_in_dim3A_395 : vector<8x1xi32> to vector<8x8192xi32>
      %eq3A_402 = arith.cmpi eq, %iota3A, %eq3A_401 : vector<8x8192xi32>
      %jit3A_403 = arith.constant 0xFF800000 : f32
      %broadcast_in_dim3A_404 = vector.broadcast %jit3A_403 : f32 to vector<8x8192xf32>
      %select_n3A_405 = arith.select %eq3A_402, %get3A_3, %broadcast_in_dim3A_404 : vector<8x8192xi1>, vector<8x8192xf32>
      %reduce_max3A_406 = arith.constant dense<0xFF800000> : vector<8xf32>
      %reduce_max3A_407 = vector.multi_reduction <maximumf>, %select_n3A_405, %reduce_max3A_406 [1] : vector<8x8192xf32> to vector<8xf32>
      %broadcast_in_dim3A_408 = vector.shape_cast %reduce_max3A_407 : vector<8xf32> to vector<8x1xf32>
      %jit3A_409 = arith.constant 0xFF800000 : f32
      %broadcast_in_dim3A_410 = vector.broadcast %jit3A_409 : f32 to vector<8x8192xf32>
      %select_n3A_411 = arith.select %eq3A_402, %get3A_8, %broadcast_in_dim3A_410 : vector<8x8192xi1>, vector<8x8192xf32>
      %reduce_max3A_412 = arith.constant dense<0xFF800000> : vector<8xf32>
      %reduce_max3A_413 = vector.multi_reduction <maximumf>, %select_n3A_411, %reduce_max3A_412 [1] : vector<8x8192xf32> to vector<8xf32>
      %broadcast_in_dim3A_414 = vector.shape_cast %reduce_max3A_413 : vector<8xf32> to vector<8x1xf32>
      %jit3A_415 = arith.constant 0xFF800000 : f32
      %broadcast_in_dim3A_416 = vector.broadcast %jit3A_415 : f32 to vector<8x8192xf32>
      %select_n3A_417 = arith.select %eq3A_402, %get3A_13, %broadcast_in_dim3A_416 : vector<8x8192xi1>, vector<8x8192xf32>
      %reduce_max3A_418 = arith.constant dense<0xFF800000> : vector<8xf32>
      %reduce_max3A_419 = vector.multi_reduction <maximumf>, %select_n3A_417, %reduce_max3A_418 [1] : vector<8x8192xf32> to vector<8xf32>
      %broadcast_in_dim3A_420 = vector.shape_cast %reduce_max3A_419 : vector<8xf32> to vector<8x1xf32>
      scf.yield %broadcast_in_dim3A_408, %broadcast_in_dim3A_414, %broadcast_in_dim3A_420, %select_n3A_400 : vector<8x1xf32>, vector<8x1xf32>, vector<8x1xf32>, vector<8x128xi32>
    }
    %scan3A_147 = arith.constant 128 : i32
    %swap3A_148 = arith.constant 0 : index
    %swap3A_149 = arith.constant 1408 : index
    %swap3A_150 = vector.load %arg1[%swap3A_148, %swap3A_149] : memref<8x4096xi32, #tpu.memory_space<vmem>>, vector<8x128xi32>
    tpu.vector_store %arg1[%swap3A_148, %swap3A_149], %scan3A_146#3 {strides = array<i32>} : memref<8x4096xi32, #tpu.memory_space<vmem>>, vector<8x128xi32>,
    %broadcast_in_dim3A_151 = arith.constant 0 : i32
    %broadcast_in_dim3A_152 = vector.broadcast %broadcast_in_dim3A_151 : i32 to vector<8x128xi32>
    %scan3A_153 = arith.constant 0 : i32
    %scan3A_154 = arith.constant 128 : i32
    %scan3A_155 = arith.addi %scan3A_153, %scan3A_154 : i32
    %scan3A_156 = arith.constant 1 : i32
    %scan3A_157:4 = scf.for %scan3A_371 = %scan3A_153 to %scan3A_155 step %scan3A_156 iter_args(%scan3A_372 = %scan3A_146#0, %scan3A_373 = %scan3A_146#1, %scan3A_374 = %scan3A_146#2, %scan3A_375 = %broadcast_in_dim3A_152) -> (vector<8x1xf32>, vector<8x1xf32>, vector<8x1xf32>, vector<8x128xi32>)  : i32 {
      %sub3A = vector.broadcast %scan3A_372 : vector<8x1xf32> to vector<8x8192xf32>
      %sub3A_376 = arith.subf %get3A_3, %sub3A : vector<8x8192xf32>
      %sub3A_377 = vector.broadcast %scan3A_373 : vector<8x1xf32> to vector<8x8192xf32>
      %sub3A_378 = arith.subf %get3A_8, %sub3A_377 : vector<8x8192xf32>
      %sub3A_379 = vector.broadcast %scan3A_374 : vector<8x1xf32> to vector<8x8192xf32>
      %sub3A_380 = arith.subf %get3A_13, %sub3A_379 : vector<8x8192xf32>
      %mul3A = arith.mulf %sub3A_376, %sub3A_376 : vector<8x8192xf32>
      %mul3A_381 = arith.mulf %sub3A_380, %sub3A_380 : vector<8x8192xf32>
      %add3A = arith.addf %mul3A, %mul3A_381 : vector<8x8192xf32>
      %mul3A_382 = arith.mulf %sub3A_378, %sub3A_378 : vector<8x8192xf32>
      %add3A_383 = arith.addf %add3A, %mul3A_382 : vector<8x8192xf32>
      %get3A_384 = arith.constant 0 : index
      %get3A_385 = arith.constant 0 : index
      %get3A_386 = vector.load %arg2[%get3A_384, %get3A_385] : memref<8x8192xf32, #tpu.memory_space<vmem>>, vector<8x8192xf32>
      %min3A = arith.minimumf %get3A_386, %add3A_383 : vector<8x8192xf32>
      %swap3A_387 = arith.constant 0 : index
      %swap3A_388 = arith.constant 0 : index
      %swap3A_389 = vector.load %arg2[%swap3A_387, %swap3A_388] : memref<8x8192xf32, #tpu.memory_space<vmem>>, vector<8x8192xf32>
      tpu.vector_store %arg2[%swap3A_387, %swap3A_388], %min3A {strides = array<i32>} : memref<8x8192xf32, #tpu.memory_space<vmem>>, vector<8x8192xf32>,
      %reduce_max3A = arith.constant dense<0xFF800000> : vector<8xf32>
      %reduce_max3A_390 = vector.multi_reduction <maximumf>, %min3A, %reduce_max3A [1] : vector<8x8192xf32> to vector<8xf32>
      %broadcast_in_dim3A_391 = vector.shape_cast %reduce_max3A_390 : vector<8xf32> to vector<8x1xf32>
      %eq3A = vector.broadcast %broadcast_in_dim3A_391 : vector<8x1xf32> to vector<8x8192xf32>
      %eq3A_392 = arith.cmpf oeq, %min3A, %eq3A : vector<8x8192xf32>
      %jit3A = arith.constant 8192 : i32
      %broadcast_in_dim3A_393 = vector.broadcast %jit3A : i32 to vector<8x8192xi32>
      %select_n3A = arith.select %eq3A_392, %iota3A, %broadcast_in_dim3A_393 : vector<8x8192xi1>, vector<8x8192xi32>
      %reduce_min3A = arith.constant dense<2147483647> : vector<8xi32>
      %reduce_min3A_394 = vector.multi_reduction <minsi>, %select_n3A, %reduce_min3A [1] : vector<8x8192xi32> to vector<8xi32>
      %broadcast_in_dim3A_395 = vector.shape_cast %reduce_min3A_394 : vector<8xi32> to vector<8x1xi32>
      %eq3A_396 = vector.broadcast %scan3A_371 : i32 to vector<8x128xi32>
      %eq3A_397 = arith.cmpi eq, %iota3A_14, %eq3A_396 : vector<8x128xi32>
      %broadcast_in_dim3A_398 = vector.shape_cast %broadcast_in_dim3A_395 : vector<8x1xi32> to vector<8x1xi32>
      %broadcast_in_dim3A_399 = vector.broadcast %broadcast_in_dim3A_398 : vector<8x1xi32> to vector<8x128xi32>
      %select_n3A_400 = arith.select %eq3A_397, %broadcast_in_dim3A_399, %scan3A_375 : vector<8x128xi1>, vector<8x128xi32>
      %eq3A_401 = vector.broadcast %broadcast_in_dim3A_395 : vector<8x1xi32> to vector<8x8192xi32>
      %eq3A_402 = arith.cmpi eq, %iota3A, %eq3A_401 : vector<8x8192xi32>
      %jit3A_403 = arith.constant 0xFF800000 : f32
      %broadcast_in_dim3A_404 = vector.broadcast %jit3A_403 : f32 to vector<8x8192xf32>
      %select_n3A_405 = arith.select %eq3A_402, %get3A_3, %broadcast_in_dim3A_404 : vector<8x8192xi1>, vector<8x8192xf32>
      %reduce_max3A_406 = arith.constant dense<0xFF800000> : vector<8xf32>
      %reduce_max3A_407 = vector.multi_reduction <maximumf>, %select_n3A_405, %reduce_max3A_406 [1] : vector<8x8192xf32> to vector<8xf32>
      %broadcast_in_dim3A_408 = vector.shape_cast %reduce_max3A_407 : vector<8xf32> to vector<8x1xf32>
      %jit3A_409 = arith.constant 0xFF800000 : f32
      %broadcast_in_dim3A_410 = vector.broadcast %jit3A_409 : f32 to vector<8x8192xf32>
      %select_n3A_411 = arith.select %eq3A_402, %get3A_8, %broadcast_in_dim3A_410 : vector<8x8192xi1>, vector<8x8192xf32>
      %reduce_max3A_412 = arith.constant dense<0xFF800000> : vector<8xf32>
      %reduce_max3A_413 = vector.multi_reduction <maximumf>, %select_n3A_411, %reduce_max3A_412 [1] : vector<8x8192xf32> to vector<8xf32>
      %broadcast_in_dim3A_414 = vector.shape_cast %reduce_max3A_413 : vector<8xf32> to vector<8x1xf32>
      %jit3A_415 = arith.constant 0xFF800000 : f32
      %broadcast_in_dim3A_416 = vector.broadcast %jit3A_415 : f32 to vector<8x8192xf32>
      %select_n3A_417 = arith.select %eq3A_402, %get3A_13, %broadcast_in_dim3A_416 : vector<8x8192xi1>, vector<8x8192xf32>
      %reduce_max3A_418 = arith.constant dense<0xFF800000> : vector<8xf32>
      %reduce_max3A_419 = vector.multi_reduction <maximumf>, %select_n3A_417, %reduce_max3A_418 [1] : vector<8x8192xf32> to vector<8xf32>
      %broadcast_in_dim3A_420 = vector.shape_cast %reduce_max3A_419 : vector<8xf32> to vector<8x1xf32>
      scf.yield %broadcast_in_dim3A_408, %broadcast_in_dim3A_414, %broadcast_in_dim3A_420, %select_n3A_400 : vector<8x1xf32>, vector<8x1xf32>, vector<8x1xf32>, vector<8x128xi32>
    }
    %scan3A_158 = arith.constant 128 : i32
    %swap3A_159 = arith.constant 0 : index
    %swap3A_160 = arith.constant 1536 : index
    %swap3A_161 = vector.load %arg1[%swap3A_159, %swap3A_160] : memref<8x4096xi32, #tpu.memory_space<vmem>>, vector<8x128xi32>
    tpu.vector_store %arg1[%swap3A_159, %swap3A_160], %scan3A_157#3 {strides = array<i32>} : memref<8x4096xi32, #tpu.memory_space<vmem>>, vector<8x128xi32>,
    %broadcast_in_dim3A_162 = arith.constant 0 : i32
    %broadcast_in_dim3A_163 = vector.broadcast %broadcast_in_dim3A_162 : i32 to vector<8x128xi32>
    %scan3A_164 = arith.constant 0 : i32
    %scan3A_165 = arith.constant 128 : i32
    %scan3A_166 = arith.addi %scan3A_164, %scan3A_165 : i32
    %scan3A_167 = arith.constant 1 : i32
    %scan3A_168:4 = scf.for %scan3A_371 = %scan3A_164 to %scan3A_166 step %scan3A_167 iter_args(%scan3A_372 = %scan3A_157#0, %scan3A_373 = %scan3A_157#1, %scan3A_374 = %scan3A_157#2, %scan3A_375 = %broadcast_in_dim3A_163) -> (vector<8x1xf32>, vector<8x1xf32>, vector<8x1xf32>, vector<8x128xi32>)  : i32 {
      %sub3A = vector.broadcast %scan3A_372 : vector<8x1xf32> to vector<8x8192xf32>
      %sub3A_376 = arith.subf %get3A_3, %sub3A : vector<8x8192xf32>
      %sub3A_377 = vector.broadcast %scan3A_373 : vector<8x1xf32> to vector<8x8192xf32>
      %sub3A_378 = arith.subf %get3A_8, %sub3A_377 : vector<8x8192xf32>
      %sub3A_379 = vector.broadcast %scan3A_374 : vector<8x1xf32> to vector<8x8192xf32>
      %sub3A_380 = arith.subf %get3A_13, %sub3A_379 : vector<8x8192xf32>
      %mul3A = arith.mulf %sub3A_376, %sub3A_376 : vector<8x8192xf32>
      %mul3A_381 = arith.mulf %sub3A_380, %sub3A_380 : vector<8x8192xf32>
      %add3A = arith.addf %mul3A, %mul3A_381 : vector<8x8192xf32>
      %mul3A_382 = arith.mulf %sub3A_378, %sub3A_378 : vector<8x8192xf32>
      %add3A_383 = arith.addf %add3A, %mul3A_382 : vector<8x8192xf32>
      %get3A_384 = arith.constant 0 : index
      %get3A_385 = arith.constant 0 : index
      %get3A_386 = vector.load %arg2[%get3A_384, %get3A_385] : memref<8x8192xf32, #tpu.memory_space<vmem>>, vector<8x8192xf32>
      %min3A = arith.minimumf %get3A_386, %add3A_383 : vector<8x8192xf32>
      %swap3A_387 = arith.constant 0 : index
      %swap3A_388 = arith.constant 0 : index
      %swap3A_389 = vector.load %arg2[%swap3A_387, %swap3A_388] : memref<8x8192xf32, #tpu.memory_space<vmem>>, vector<8x8192xf32>
      tpu.vector_store %arg2[%swap3A_387, %swap3A_388], %min3A {strides = array<i32>} : memref<8x8192xf32, #tpu.memory_space<vmem>>, vector<8x8192xf32>,
      %reduce_max3A = arith.constant dense<0xFF800000> : vector<8xf32>
      %reduce_max3A_390 = vector.multi_reduction <maximumf>, %min3A, %reduce_max3A [1] : vector<8x8192xf32> to vector<8xf32>
      %broadcast_in_dim3A_391 = vector.shape_cast %reduce_max3A_390 : vector<8xf32> to vector<8x1xf32>
      %eq3A = vector.broadcast %broadcast_in_dim3A_391 : vector<8x1xf32> to vector<8x8192xf32>
      %eq3A_392 = arith.cmpf oeq, %min3A, %eq3A : vector<8x8192xf32>
      %jit3A = arith.constant 8192 : i32
      %broadcast_in_dim3A_393 = vector.broadcast %jit3A : i32 to vector<8x8192xi32>
      %select_n3A = arith.select %eq3A_392, %iota3A, %broadcast_in_dim3A_393 : vector<8x8192xi1>, vector<8x8192xi32>
      %reduce_min3A = arith.constant dense<2147483647> : vector<8xi32>
      %reduce_min3A_394 = vector.multi_reduction <minsi>, %select_n3A, %reduce_min3A [1] : vector<8x8192xi32> to vector<8xi32>
      %broadcast_in_dim3A_395 = vector.shape_cast %reduce_min3A_394 : vector<8xi32> to vector<8x1xi32>
      %eq3A_396 = vector.broadcast %scan3A_371 : i32 to vector<8x128xi32>
      %eq3A_397 = arith.cmpi eq, %iota3A_14, %eq3A_396 : vector<8x128xi32>
      %broadcast_in_dim3A_398 = vector.shape_cast %broadcast_in_dim3A_395 : vector<8x1xi32> to vector<8x1xi32>
      %broadcast_in_dim3A_399 = vector.broadcast %broadcast_in_dim3A_398 : vector<8x1xi32> to vector<8x128xi32>
      %select_n3A_400 = arith.select %eq3A_397, %broadcast_in_dim3A_399, %scan3A_375 : vector<8x128xi1>, vector<8x128xi32>
      %eq3A_401 = vector.broadcast %broadcast_in_dim3A_395 : vector<8x1xi32> to vector<8x8192xi32>
      %eq3A_402 = arith.cmpi eq, %iota3A, %eq3A_401 : vector<8x8192xi32>
      %jit3A_403 = arith.constant 0xFF800000 : f32
      %broadcast_in_dim3A_404 = vector.broadcast %jit3A_403 : f32 to vector<8x8192xf32>
      %select_n3A_405 = arith.select %eq3A_402, %get3A_3, %broadcast_in_dim3A_404 : vector<8x8192xi1>, vector<8x8192xf32>
      %reduce_max3A_406 = arith.constant dense<0xFF800000> : vector<8xf32>
      %reduce_max3A_407 = vector.multi_reduction <maximumf>, %select_n3A_405, %reduce_max3A_406 [1] : vector<8x8192xf32> to vector<8xf32>
      %broadcast_in_dim3A_408 = vector.shape_cast %reduce_max3A_407 : vector<8xf32> to vector<8x1xf32>
      %jit3A_409 = arith.constant 0xFF800000 : f32
      %broadcast_in_dim3A_410 = vector.broadcast %jit3A_409 : f32 to vector<8x8192xf32>
      %select_n3A_411 = arith.select %eq3A_402, %get3A_8, %broadcast_in_dim3A_410 : vector<8x8192xi1>, vector<8x8192xf32>
      %reduce_max3A_412 = arith.constant dense<0xFF800000> : vector<8xf32>
      %reduce_max3A_413 = vector.multi_reduction <maximumf>, %select_n3A_411, %reduce_max3A_412 [1] : vector<8x8192xf32> to vector<8xf32>
      %broadcast_in_dim3A_414 = vector.shape_cast %reduce_max3A_413 : vector<8xf32> to vector<8x1xf32>
      %jit3A_415 = arith.constant 0xFF800000 : f32
      %broadcast_in_dim3A_416 = vector.broadcast %jit3A_415 : f32 to vector<8x8192xf32>
      %select_n3A_417 = arith.select %eq3A_402, %get3A_13, %broadcast_in_dim3A_416 : vector<8x8192xi1>, vector<8x8192xf32>
      %reduce_max3A_418 = arith.constant dense<0xFF800000> : vector<8xf32>
      %reduce_max3A_419 = vector.multi_reduction <maximumf>, %select_n3A_417, %reduce_max3A_418 [1] : vector<8x8192xf32> to vector<8xf32>
      %broadcast_in_dim3A_420 = vector.shape_cast %reduce_max3A_419 : vector<8xf32> to vector<8x1xf32>
      scf.yield %broadcast_in_dim3A_408, %broadcast_in_dim3A_414, %broadcast_in_dim3A_420, %select_n3A_400 : vector<8x1xf32>, vector<8x1xf32>, vector<8x1xf32>, vector<8x128xi32>
    }
    %scan3A_169 = arith.constant 128 : i32
    %swap3A_170 = arith.constant 0 : index
    %swap3A_171 = arith.constant 1664 : index
    %swap3A_172 = vector.load %arg1[%swap3A_170, %swap3A_171] : memref<8x4096xi32, #tpu.memory_space<vmem>>, vector<8x128xi32>
    tpu.vector_store %arg1[%swap3A_170, %swap3A_171], %scan3A_168#3 {strides = array<i32>} : memref<8x4096xi32, #tpu.memory_space<vmem>>, vector<8x128xi32>,
    %broadcast_in_dim3A_173 = arith.constant 0 : i32
    %broadcast_in_dim3A_174 = vector.broadcast %broadcast_in_dim3A_173 : i32 to vector<8x128xi32>
    %scan3A_175 = arith.constant 0 : i32
    %scan3A_176 = arith.constant 128 : i32
    %scan3A_177 = arith.addi %scan3A_175, %scan3A_176 : i32
    %scan3A_178 = arith.constant 1 : i32
    %scan3A_179:4 = scf.for %scan3A_371 = %scan3A_175 to %scan3A_177 step %scan3A_178 iter_args(%scan3A_372 = %scan3A_168#0, %scan3A_373 = %scan3A_168#1, %scan3A_374 = %scan3A_168#2, %scan3A_375 = %broadcast_in_dim3A_174) -> (vector<8x1xf32>, vector<8x1xf32>, vector<8x1xf32>, vector<8x128xi32>)  : i32 {
      %sub3A = vector.broadcast %scan3A_372 : vector<8x1xf32> to vector<8x8192xf32>
      %sub3A_376 = arith.subf %get3A_3, %sub3A : vector<8x8192xf32>
      %sub3A_377 = vector.broadcast %scan3A_373 : vector<8x1xf32> to vector<8x8192xf32>
      %sub3A_378 = arith.subf %get3A_8, %sub3A_377 : vector<8x8192xf32>
      %sub3A_379 = vector.broadcast %scan3A_374 : vector<8x1xf32> to vector<8x8192xf32>
      %sub3A_380 = arith.subf %get3A_13, %sub3A_379 : vector<8x8192xf32>
      %mul3A = arith.mulf %sub3A_376, %sub3A_376 : vector<8x8192xf32>
      %mul3A_381 = arith.mulf %sub3A_380, %sub3A_380 : vector<8x8192xf32>
      %add3A = arith.addf %mul3A, %mul3A_381 : vector<8x8192xf32>
      %mul3A_382 = arith.mulf %sub3A_378, %sub3A_378 : vector<8x8192xf32>
      %add3A_383 = arith.addf %add3A, %mul3A_382 : vector<8x8192xf32>
      %get3A_384 = arith.constant 0 : index
      %get3A_385 = arith.constant 0 : index
      %get3A_386 = vector.load %arg2[%get3A_384, %get3A_385] : memref<8x8192xf32, #tpu.memory_space<vmem>>, vector<8x8192xf32>
      %min3A = arith.minimumf %get3A_386, %add3A_383 : vector<8x8192xf32>
      %swap3A_387 = arith.constant 0 : index
      %swap3A_388 = arith.constant 0 : index
      %swap3A_389 = vector.load %arg2[%swap3A_387, %swap3A_388] : memref<8x8192xf32, #tpu.memory_space<vmem>>, vector<8x8192xf32>
      tpu.vector_store %arg2[%swap3A_387, %swap3A_388], %min3A {strides = array<i32>} : memref<8x8192xf32, #tpu.memory_space<vmem>>, vector<8x8192xf32>,
      %reduce_max3A = arith.constant dense<0xFF800000> : vector<8xf32>
      %reduce_max3A_390 = vector.multi_reduction <maximumf>, %min3A, %reduce_max3A [1] : vector<8x8192xf32> to vector<8xf32>
      %broadcast_in_dim3A_391 = vector.shape_cast %reduce_max3A_390 : vector<8xf32> to vector<8x1xf32>
      %eq3A = vector.broadcast %broadcast_in_dim3A_391 : vector<8x1xf32> to vector<8x8192xf32>
      %eq3A_392 = arith.cmpf oeq, %min3A, %eq3A : vector<8x8192xf32>
      %jit3A = arith.constant 8192 : i32
      %broadcast_in_dim3A_393 = vector.broadcast %jit3A : i32 to vector<8x8192xi32>
      %select_n3A = arith.select %eq3A_392, %iota3A, %broadcast_in_dim3A_393 : vector<8x8192xi1>, vector<8x8192xi32>
      %reduce_min3A = arith.constant dense<2147483647> : vector<8xi32>
      %reduce_min3A_394 = vector.multi_reduction <minsi>, %select_n3A, %reduce_min3A [1] : vector<8x8192xi32> to vector<8xi32>
      %broadcast_in_dim3A_395 = vector.shape_cast %reduce_min3A_394 : vector<8xi32> to vector<8x1xi32>
      %eq3A_396 = vector.broadcast %scan3A_371 : i32 to vector<8x128xi32>
      %eq3A_397 = arith.cmpi eq, %iota3A_14, %eq3A_396 : vector<8x128xi32>
      %broadcast_in_dim3A_398 = vector.shape_cast %broadcast_in_dim3A_395 : vector<8x1xi32> to vector<8x1xi32>
      %broadcast_in_dim3A_399 = vector.broadcast %broadcast_in_dim3A_398 : vector<8x1xi32> to vector<8x128xi32>
      %select_n3A_400 = arith.select %eq3A_397, %broadcast_in_dim3A_399, %scan3A_375 : vector<8x128xi1>, vector<8x128xi32>
      %eq3A_401 = vector.broadcast %broadcast_in_dim3A_395 : vector<8x1xi32> to vector<8x8192xi32>
      %eq3A_402 = arith.cmpi eq, %iota3A, %eq3A_401 : vector<8x8192xi32>
      %jit3A_403 = arith.constant 0xFF800000 : f32
      %broadcast_in_dim3A_404 = vector.broadcast %jit3A_403 : f32 to vector<8x8192xf32>
      %select_n3A_405 = arith.select %eq3A_402, %get3A_3, %broadcast_in_dim3A_404 : vector<8x8192xi1>, vector<8x8192xf32>
      %reduce_max3A_406 = arith.constant dense<0xFF800000> : vector<8xf32>
      %reduce_max3A_407 = vector.multi_reduction <maximumf>, %select_n3A_405, %reduce_max3A_406 [1] : vector<8x8192xf32> to vector<8xf32>
      %broadcast_in_dim3A_408 = vector.shape_cast %reduce_max3A_407 : vector<8xf32> to vector<8x1xf32>
      %jit3A_409 = arith.constant 0xFF800000 : f32
      %broadcast_in_dim3A_410 = vector.broadcast %jit3A_409 : f32 to vector<8x8192xf32>
      %select_n3A_411 = arith.select %eq3A_402, %get3A_8, %broadcast_in_dim3A_410 : vector<8x8192xi1>, vector<8x8192xf32>
      %reduce_max3A_412 = arith.constant dense<0xFF800000> : vector<8xf32>
      %reduce_max3A_413 = vector.multi_reduction <maximumf>, %select_n3A_411, %reduce_max3A_412 [1] : vector<8x8192xf32> to vector<8xf32>
      %broadcast_in_dim3A_414 = vector.shape_cast %reduce_max3A_413 : vector<8xf32> to vector<8x1xf32>
      %jit3A_415 = arith.constant 0xFF800000 : f32
      %broadcast_in_dim3A_416 = vector.broadcast %jit3A_415 : f32 to vector<8x8192xf32>
      %select_n3A_417 = arith.select %eq3A_402, %get3A_13, %broadcast_in_dim3A_416 : vector<8x8192xi1>, vector<8x8192xf32>
      %reduce_max3A_418 = arith.constant dense<0xFF800000> : vector<8xf32>
      %reduce_max3A_419 = vector.multi_reduction <maximumf>, %select_n3A_417, %reduce_max3A_418 [1] : vector<8x8192xf32> to vector<8xf32>
      %broadcast_in_dim3A_420 = vector.shape_cast %reduce_max3A_419 : vector<8xf32> to vector<8x1xf32>
      scf.yield %broadcast_in_dim3A_408, %broadcast_in_dim3A_414, %broadcast_in_dim3A_420, %select_n3A_400 : vector<8x1xf32>, vector<8x1xf32>, vector<8x1xf32>, vector<8x128xi32>
    }
    %scan3A_180 = arith.constant 128 : i32
    %swap3A_181 = arith.constant 0 : index
    %swap3A_182 = arith.constant 1792 : index
    %swap3A_183 = vector.load %arg1[%swap3A_181, %swap3A_182] : memref<8x4096xi32, #tpu.memory_space<vmem>>, vector<8x128xi32>
    tpu.vector_store %arg1[%swap3A_181, %swap3A_182], %scan3A_179#3 {strides = array<i32>} : memref<8x4096xi32, #tpu.memory_space<vmem>>, vector<8x128xi32>,
    %broadcast_in_dim3A_184 = arith.constant 0 : i32
    %broadcast_in_dim3A_185 = vector.broadcast %broadcast_in_dim3A_184 : i32 to vector<8x128xi32>
    %scan3A_186 = arith.constant 0 : i32
    %scan3A_187 = arith.constant 128 : i32
    %scan3A_188 = arith.addi %scan3A_186, %scan3A_187 : i32
    %scan3A_189 = arith.constant 1 : i32
    %scan3A_190:4 = scf.for %scan3A_371 = %scan3A_186 to %scan3A_188 step %scan3A_189 iter_args(%scan3A_372 = %scan3A_179#0, %scan3A_373 = %scan3A_179#1, %scan3A_374 = %scan3A_179#2, %scan3A_375 = %broadcast_in_dim3A_185) -> (vector<8x1xf32>, vector<8x1xf32>, vector<8x1xf32>, vector<8x128xi32>)  : i32 {
      %sub3A = vector.broadcast %scan3A_372 : vector<8x1xf32> to vector<8x8192xf32>
      %sub3A_376 = arith.subf %get3A_3, %sub3A : vector<8x8192xf32>
      %sub3A_377 = vector.broadcast %scan3A_373 : vector<8x1xf32> to vector<8x8192xf32>
      %sub3A_378 = arith.subf %get3A_8, %sub3A_377 : vector<8x8192xf32>
      %sub3A_379 = vector.broadcast %scan3A_374 : vector<8x1xf32> to vector<8x8192xf32>
      %sub3A_380 = arith.subf %get3A_13, %sub3A_379 : vector<8x8192xf32>
      %mul3A = arith.mulf %sub3A_376, %sub3A_376 : vector<8x8192xf32>
      %mul3A_381 = arith.mulf %sub3A_380, %sub3A_380 : vector<8x8192xf32>
      %add3A = arith.addf %mul3A, %mul3A_381 : vector<8x8192xf32>
      %mul3A_382 = arith.mulf %sub3A_378, %sub3A_378 : vector<8x8192xf32>
      %add3A_383 = arith.addf %add3A, %mul3A_382 : vector<8x8192xf32>
      %get3A_384 = arith.constant 0 : index
      %get3A_385 = arith.constant 0 : index
      %get3A_386 = vector.load %arg2[%get3A_384, %get3A_385] : memref<8x8192xf32, #tpu.memory_space<vmem>>, vector<8x8192xf32>
      %min3A = arith.minimumf %get3A_386, %add3A_383 : vector<8x8192xf32>
      %swap3A_387 = arith.constant 0 : index
      %swap3A_388 = arith.constant 0 : index
      %swap3A_389 = vector.load %arg2[%swap3A_387, %swap3A_388] : memref<8x8192xf32, #tpu.memory_space<vmem>>, vector<8x8192xf32>
      tpu.vector_store %arg2[%swap3A_387, %swap3A_388], %min3A {strides = array<i32>} : memref<8x8192xf32, #tpu.memory_space<vmem>>, vector<8x8192xf32>,
      %reduce_max3A = arith.constant dense<0xFF800000> : vector<8xf32>
      %reduce_max3A_390 = vector.multi_reduction <maximumf>, %min3A, %reduce_max3A [1] : vector<8x8192xf32> to vector<8xf32>
      %broadcast_in_dim3A_391 = vector.shape_cast %reduce_max3A_390 : vector<8xf32> to vector<8x1xf32>
      %eq3A = vector.broadcast %broadcast_in_dim3A_391 : vector<8x1xf32> to vector<8x8192xf32>
      %eq3A_392 = arith.cmpf oeq, %min3A, %eq3A : vector<8x8192xf32>
      %jit3A = arith.constant 8192 : i32
      %broadcast_in_dim3A_393 = vector.broadcast %jit3A : i32 to vector<8x8192xi32>
      %select_n3A = arith.select %eq3A_392, %iota3A, %broadcast_in_dim3A_393 : vector<8x8192xi1>, vector<8x8192xi32>
      %reduce_min3A = arith.constant dense<2147483647> : vector<8xi32>
      %reduce_min3A_394 = vector.multi_reduction <minsi>, %select_n3A, %reduce_min3A [1] : vector<8x8192xi32> to vector<8xi32>
      %broadcast_in_dim3A_395 = vector.shape_cast %reduce_min3A_394 : vector<8xi32> to vector<8x1xi32>
      %eq3A_396 = vector.broadcast %scan3A_371 : i32 to vector<8x128xi32>
      %eq3A_397 = arith.cmpi eq, %iota3A_14, %eq3A_396 : vector<8x128xi32>
      %broadcast_in_dim3A_398 = vector.shape_cast %broadcast_in_dim3A_395 : vector<8x1xi32> to vector<8x1xi32>
      %broadcast_in_dim3A_399 = vector.broadcast %broadcast_in_dim3A_398 : vector<8x1xi32> to vector<8x128xi32>
      %select_n3A_400 = arith.select %eq3A_397, %broadcast_in_dim3A_399, %scan3A_375 : vector<8x128xi1>, vector<8x128xi32>
      %eq3A_401 = vector.broadcast %broadcast_in_dim3A_395 : vector<8x1xi32> to vector<8x8192xi32>
      %eq3A_402 = arith.cmpi eq, %iota3A, %eq3A_401 : vector<8x8192xi32>
      %jit3A_403 = arith.constant 0xFF800000 : f32
      %broadcast_in_dim3A_404 = vector.broadcast %jit3A_403 : f32 to vector<8x8192xf32>
      %select_n3A_405 = arith.select %eq3A_402, %get3A_3, %broadcast_in_dim3A_404 : vector<8x8192xi1>, vector<8x8192xf32>
      %reduce_max3A_406 = arith.constant dense<0xFF800000> : vector<8xf32>
      %reduce_max3A_407 = vector.multi_reduction <maximumf>, %select_n3A_405, %reduce_max3A_406 [1] : vector<8x8192xf32> to vector<8xf32>
      %broadcast_in_dim3A_408 = vector.shape_cast %reduce_max3A_407 : vector<8xf32> to vector<8x1xf32>
      %jit3A_409 = arith.constant 0xFF800000 : f32
      %broadcast_in_dim3A_410 = vector.broadcast %jit3A_409 : f32 to vector<8x8192xf32>
      %select_n3A_411 = arith.select %eq3A_402, %get3A_8, %broadcast_in_dim3A_410 : vector<8x8192xi1>, vector<8x8192xf32>
      %reduce_max3A_412 = arith.constant dense<0xFF800000> : vector<8xf32>
      %reduce_max3A_413 = vector.multi_reduction <maximumf>, %select_n3A_411, %reduce_max3A_412 [1] : vector<8x8192xf32> to vector<8xf32>
      %broadcast_in_dim3A_414 = vector.shape_cast %reduce_max3A_413 : vector<8xf32> to vector<8x1xf32>
      %jit3A_415 = arith.constant 0xFF800000 : f32
      %broadcast_in_dim3A_416 = vector.broadcast %jit3A_415 : f32 to vector<8x8192xf32>
      %select_n3A_417 = arith.select %eq3A_402, %get3A_13, %broadcast_in_dim3A_416 : vector<8x8192xi1>, vector<8x8192xf32>
      %reduce_max3A_418 = arith.constant dense<0xFF800000> : vector<8xf32>
      %reduce_max3A_419 = vector.multi_reduction <maximumf>, %select_n3A_417, %reduce_max3A_418 [1] : vector<8x8192xf32> to vector<8xf32>
      %broadcast_in_dim3A_420 = vector.shape_cast %reduce_max3A_419 : vector<8xf32> to vector<8x1xf32>
      scf.yield %broadcast_in_dim3A_408, %broadcast_in_dim3A_414, %broadcast_in_dim3A_420, %select_n3A_400 : vector<8x1xf32>, vector<8x1xf32>, vector<8x1xf32>, vector<8x128xi32>
    }
    %scan3A_191 = arith.constant 128 : i32
    %swap3A_192 = arith.constant 0 : index
    %swap3A_193 = arith.constant 1920 : index
    %swap3A_194 = vector.load %arg1[%swap3A_192, %swap3A_193] : memref<8x4096xi32, #tpu.memory_space<vmem>>, vector<8x128xi32>
    tpu.vector_store %arg1[%swap3A_192, %swap3A_193], %scan3A_190#3 {strides = array<i32>} : memref<8x4096xi32, #tpu.memory_space<vmem>>, vector<8x128xi32>,
    %broadcast_in_dim3A_195 = arith.constant 0 : i32
    %broadcast_in_dim3A_196 = vector.broadcast %broadcast_in_dim3A_195 : i32 to vector<8x128xi32>
    %scan3A_197 = arith.constant 0 : i32
    %scan3A_198 = arith.constant 128 : i32
    %scan3A_199 = arith.addi %scan3A_197, %scan3A_198 : i32
    %scan3A_200 = arith.constant 1 : i32
    %scan3A_201:4 = scf.for %scan3A_371 = %scan3A_197 to %scan3A_199 step %scan3A_200 iter_args(%scan3A_372 = %scan3A_190#0, %scan3A_373 = %scan3A_190#1, %scan3A_374 = %scan3A_190#2, %scan3A_375 = %broadcast_in_dim3A_196) -> (vector<8x1xf32>, vector<8x1xf32>, vector<8x1xf32>, vector<8x128xi32>)  : i32 {
      %sub3A = vector.broadcast %scan3A_372 : vector<8x1xf32> to vector<8x8192xf32>
      %sub3A_376 = arith.subf %get3A_3, %sub3A : vector<8x8192xf32>
      %sub3A_377 = vector.broadcast %scan3A_373 : vector<8x1xf32> to vector<8x8192xf32>
      %sub3A_378 = arith.subf %get3A_8, %sub3A_377 : vector<8x8192xf32>
      %sub3A_379 = vector.broadcast %scan3A_374 : vector<8x1xf32> to vector<8x8192xf32>
      %sub3A_380 = arith.subf %get3A_13, %sub3A_379 : vector<8x8192xf32>
      %mul3A = arith.mulf %sub3A_376, %sub3A_376 : vector<8x8192xf32>
      %mul3A_381 = arith.mulf %sub3A_380, %sub3A_380 : vector<8x8192xf32>
      %add3A = arith.addf %mul3A, %mul3A_381 : vector<8x8192xf32>
      %mul3A_382 = arith.mulf %sub3A_378, %sub3A_378 : vector<8x8192xf32>
      %add3A_383 = arith.addf %add3A, %mul3A_382 : vector<8x8192xf32>
      %get3A_384 = arith.constant 0 : index
      %get3A_385 = arith.constant 0 : index
      %get3A_386 = vector.load %arg2[%get3A_384, %get3A_385] : memref<8x8192xf32, #tpu.memory_space<vmem>>, vector<8x8192xf32>
      %min3A = arith.minimumf %get3A_386, %add3A_383 : vector<8x8192xf32>
      %swap3A_387 = arith.constant 0 : index
      %swap3A_388 = arith.constant 0 : index
      %swap3A_389 = vector.load %arg2[%swap3A_387, %swap3A_388] : memref<8x8192xf32, #tpu.memory_space<vmem>>, vector<8x8192xf32>
      tpu.vector_store %arg2[%swap3A_387, %swap3A_388], %min3A {strides = array<i32>} : memref<8x8192xf32, #tpu.memory_space<vmem>>, vector<8x8192xf32>,
      %reduce_max3A = arith.constant dense<0xFF800000> : vector<8xf32>
      %reduce_max3A_390 = vector.multi_reduction <maximumf>, %min3A, %reduce_max3A [1] : vector<8x8192xf32> to vector<8xf32>
      %broadcast_in_dim3A_391 = vector.shape_cast %reduce_max3A_390 : vector<8xf32> to vector<8x1xf32>
      %eq3A = vector.broadcast %broadcast_in_dim3A_391 : vector<8x1xf32> to vector<8x8192xf32>
      %eq3A_392 = arith.cmpf oeq, %min3A, %eq3A : vector<8x8192xf32>
      %jit3A = arith.constant 8192 : i32
      %broadcast_in_dim3A_393 = vector.broadcast %jit3A : i32 to vector<8x8192xi32>
      %select_n3A = arith.select %eq3A_392, %iota3A, %broadcast_in_dim3A_393 : vector<8x8192xi1>, vector<8x8192xi32>
      %reduce_min3A = arith.constant dense<2147483647> : vector<8xi32>
      %reduce_min3A_394 = vector.multi_reduction <minsi>, %select_n3A, %reduce_min3A [1] : vector<8x8192xi32> to vector<8xi32>
      %broadcast_in_dim3A_395 = vector.shape_cast %reduce_min3A_394 : vector<8xi32> to vector<8x1xi32>
      %eq3A_396 = vector.broadcast %scan3A_371 : i32 to vector<8x128xi32>
      %eq3A_397 = arith.cmpi eq, %iota3A_14, %eq3A_396 : vector<8x128xi32>
      %broadcast_in_dim3A_398 = vector.shape_cast %broadcast_in_dim3A_395 : vector<8x1xi32> to vector<8x1xi32>
      %broadcast_in_dim3A_399 = vector.broadcast %broadcast_in_dim3A_398 : vector<8x1xi32> to vector<8x128xi32>
      %select_n3A_400 = arith.select %eq3A_397, %broadcast_in_dim3A_399, %scan3A_375 : vector<8x128xi1>, vector<8x128xi32>
      %eq3A_401 = vector.broadcast %broadcast_in_dim3A_395 : vector<8x1xi32> to vector<8x8192xi32>
      %eq3A_402 = arith.cmpi eq, %iota3A, %eq3A_401 : vector<8x8192xi32>
      %jit3A_403 = arith.constant 0xFF800000 : f32
      %broadcast_in_dim3A_404 = vector.broadcast %jit3A_403 : f32 to vector<8x8192xf32>
      %select_n3A_405 = arith.select %eq3A_402, %get3A_3, %broadcast_in_dim3A_404 : vector<8x8192xi1>, vector<8x8192xf32>
      %reduce_max3A_406 = arith.constant dense<0xFF800000> : vector<8xf32>
      %reduce_max3A_407 = vector.multi_reduction <maximumf>, %select_n3A_405, %reduce_max3A_406 [1] : vector<8x8192xf32> to vector<8xf32>
      %broadcast_in_dim3A_408 = vector.shape_cast %reduce_max3A_407 : vector<8xf32> to vector<8x1xf32>
      %jit3A_409 = arith.constant 0xFF800000 : f32
      %broadcast_in_dim3A_410 = vector.broadcast %jit3A_409 : f32 to vector<8x8192xf32>
      %select_n3A_411 = arith.select %eq3A_402, %get3A_8, %broadcast_in_dim3A_410 : vector<8x8192xi1>, vector<8x8192xf32>
      %reduce_max3A_412 = arith.constant dense<0xFF800000> : vector<8xf32>
      %reduce_max3A_413 = vector.multi_reduction <maximumf>, %select_n3A_411, %reduce_max3A_412 [1] : vector<8x8192xf32> to vector<8xf32>
      %broadcast_in_dim3A_414 = vector.shape_cast %reduce_max3A_413 : vector<8xf32> to vector<8x1xf32>
      %jit3A_415 = arith.constant 0xFF800000 : f32
      %broadcast_in_dim3A_416 = vector.broadcast %jit3A_415 : f32 to vector<8x8192xf32>
      %select_n3A_417 = arith.select %eq3A_402, %get3A_13, %broadcast_in_dim3A_416 : vector<8x8192xi1>, vector<8x8192xf32>
      %reduce_max3A_418 = arith.constant dense<0xFF800000> : vector<8xf32>
      %reduce_max3A_419 = vector.multi_reduction <maximumf>, %select_n3A_417, %reduce_max3A_418 [1] : vector<8x8192xf32> to vector<8xf32>
      %broadcast_in_dim3A_420 = vector.shape_cast %reduce_max3A_419 : vector<8xf32> to vector<8x1xf32>
      scf.yield %broadcast_in_dim3A_408, %broadcast_in_dim3A_414, %broadcast_in_dim3A_420, %select_n3A_400 : vector<8x1xf32>, vector<8x1xf32>, vector<8x1xf32>, vector<8x128xi32>
    }
    %scan3A_202 = arith.constant 128 : i32
    %swap3A_203 = arith.constant 0 : index
    %swap3A_204 = arith.constant 2048 : index
    %swap3A_205 = vector.load %arg1[%swap3A_203, %swap3A_204] : memref<8x4096xi32, #tpu.memory_space<vmem>>, vector<8x128xi32>
    tpu.vector_store %arg1[%swap3A_203, %swap3A_204], %scan3A_201#3 {strides = array<i32>} : memref<8x4096xi32, #tpu.memory_space<vmem>>, vector<8x128xi32>,
    %broadcast_in_dim3A_206 = arith.constant 0 : i32
    %broadcast_in_dim3A_207 = vector.broadcast %broadcast_in_dim3A_206 : i32 to vector<8x128xi32>
    %scan3A_208 = arith.constant 0 : i32
    %scan3A_209 = arith.constant 128 : i32
    %scan3A_210 = arith.addi %scan3A_208, %scan3A_209 : i32
    %scan3A_211 = arith.constant 1 : i32
    %scan3A_212:4 = scf.for %scan3A_371 = %scan3A_208 to %scan3A_210 step %scan3A_211 iter_args(%scan3A_372 = %scan3A_201#0, %scan3A_373 = %scan3A_201#1, %scan3A_374 = %scan3A_201#2, %scan3A_375 = %broadcast_in_dim3A_207) -> (vector<8x1xf32>, vector<8x1xf32>, vector<8x1xf32>, vector<8x128xi32>)  : i32 {
      %sub3A = vector.broadcast %scan3A_372 : vector<8x1xf32> to vector<8x8192xf32>
      %sub3A_376 = arith.subf %get3A_3, %sub3A : vector<8x8192xf32>
      %sub3A_377 = vector.broadcast %scan3A_373 : vector<8x1xf32> to vector<8x8192xf32>
      %sub3A_378 = arith.subf %get3A_8, %sub3A_377 : vector<8x8192xf32>
      %sub3A_379 = vector.broadcast %scan3A_374 : vector<8x1xf32> to vector<8x8192xf32>
      %sub3A_380 = arith.subf %get3A_13, %sub3A_379 : vector<8x8192xf32>
      %mul3A = arith.mulf %sub3A_376, %sub3A_376 : vector<8x8192xf32>
      %mul3A_381 = arith.mulf %sub3A_380, %sub3A_380 : vector<8x8192xf32>
      %add3A = arith.addf %mul3A, %mul3A_381 : vector<8x8192xf32>
      %mul3A_382 = arith.mulf %sub3A_378, %sub3A_378 : vector<8x8192xf32>
      %add3A_383 = arith.addf %add3A, %mul3A_382 : vector<8x8192xf32>
      %get3A_384 = arith.constant 0 : index
      %get3A_385 = arith.constant 0 : index
      %get3A_386 = vector.load %arg2[%get3A_384, %get3A_385] : memref<8x8192xf32, #tpu.memory_space<vmem>>, vector<8x8192xf32>
      %min3A = arith.minimumf %get3A_386, %add3A_383 : vector<8x8192xf32>
      %swap3A_387 = arith.constant 0 : index
      %swap3A_388 = arith.constant 0 : index
      %swap3A_389 = vector.load %arg2[%swap3A_387, %swap3A_388] : memref<8x8192xf32, #tpu.memory_space<vmem>>, vector<8x8192xf32>
      tpu.vector_store %arg2[%swap3A_387, %swap3A_388], %min3A {strides = array<i32>} : memref<8x8192xf32, #tpu.memory_space<vmem>>, vector<8x8192xf32>,
      %reduce_max3A = arith.constant dense<0xFF800000> : vector<8xf32>
      %reduce_max3A_390 = vector.multi_reduction <maximumf>, %min3A, %reduce_max3A [1] : vector<8x8192xf32> to vector<8xf32>
      %broadcast_in_dim3A_391 = vector.shape_cast %reduce_max3A_390 : vector<8xf32> to vector<8x1xf32>
      %eq3A = vector.broadcast %broadcast_in_dim3A_391 : vector<8x1xf32> to vector<8x8192xf32>
      %eq3A_392 = arith.cmpf oeq, %min3A, %eq3A : vector<8x8192xf32>
      %jit3A = arith.constant 8192 : i32
      %broadcast_in_dim3A_393 = vector.broadcast %jit3A : i32 to vector<8x8192xi32>
      %select_n3A = arith.select %eq3A_392, %iota3A, %broadcast_in_dim3A_393 : vector<8x8192xi1>, vector<8x8192xi32>
      %reduce_min3A = arith.constant dense<2147483647> : vector<8xi32>
      %reduce_min3A_394 = vector.multi_reduction <minsi>, %select_n3A, %reduce_min3A [1] : vector<8x8192xi32> to vector<8xi32>
      %broadcast_in_dim3A_395 = vector.shape_cast %reduce_min3A_394 : vector<8xi32> to vector<8x1xi32>
      %eq3A_396 = vector.broadcast %scan3A_371 : i32 to vector<8x128xi32>
      %eq3A_397 = arith.cmpi eq, %iota3A_14, %eq3A_396 : vector<8x128xi32>
      %broadcast_in_dim3A_398 = vector.shape_cast %broadcast_in_dim3A_395 : vector<8x1xi32> to vector<8x1xi32>
      %broadcast_in_dim3A_399 = vector.broadcast %broadcast_in_dim3A_398 : vector<8x1xi32> to vector<8x128xi32>
      %select_n3A_400 = arith.select %eq3A_397, %broadcast_in_dim3A_399, %scan3A_375 : vector<8x128xi1>, vector<8x128xi32>
      %eq3A_401 = vector.broadcast %broadcast_in_dim3A_395 : vector<8x1xi32> to vector<8x8192xi32>
      %eq3A_402 = arith.cmpi eq, %iota3A, %eq3A_401 : vector<8x8192xi32>
      %jit3A_403 = arith.constant 0xFF800000 : f32
      %broadcast_in_dim3A_404 = vector.broadcast %jit3A_403 : f32 to vector<8x8192xf32>
      %select_n3A_405 = arith.select %eq3A_402, %get3A_3, %broadcast_in_dim3A_404 : vector<8x8192xi1>, vector<8x8192xf32>
      %reduce_max3A_406 = arith.constant dense<0xFF800000> : vector<8xf32>
      %reduce_max3A_407 = vector.multi_reduction <maximumf>, %select_n3A_405, %reduce_max3A_406 [1] : vector<8x8192xf32> to vector<8xf32>
      %broadcast_in_dim3A_408 = vector.shape_cast %reduce_max3A_407 : vector<8xf32> to vector<8x1xf32>
      %jit3A_409 = arith.constant 0xFF800000 : f32
      %broadcast_in_dim3A_410 = vector.broadcast %jit3A_409 : f32 to vector<8x8192xf32>
      %select_n3A_411 = arith.select %eq3A_402, %get3A_8, %broadcast_in_dim3A_410 : vector<8x8192xi1>, vector<8x8192xf32>
      %reduce_max3A_412 = arith.constant dense<0xFF800000> : vector<8xf32>
      %reduce_max3A_413 = vector.multi_reduction <maximumf>, %select_n3A_411, %reduce_max3A_412 [1] : vector<8x8192xf32> to vector<8xf32>
      %broadcast_in_dim3A_414 = vector.shape_cast %reduce_max3A_413 : vector<8xf32> to vector<8x1xf32>
      %jit3A_415 = arith.constant 0xFF800000 : f32
      %broadcast_in_dim3A_416 = vector.broadcast %jit3A_415 : f32 to vector<8x8192xf32>
      %select_n3A_417 = arith.select %eq3A_402, %get3A_13, %broadcast_in_dim3A_416 : vector<8x8192xi1>, vector<8x8192xf32>
      %reduce_max3A_418 = arith.constant dense<0xFF800000> : vector<8xf32>
      %reduce_max3A_419 = vector.multi_reduction <maximumf>, %select_n3A_417, %reduce_max3A_418 [1] : vector<8x8192xf32> to vector<8xf32>
      %broadcast_in_dim3A_420 = vector.shape_cast %reduce_max3A_419 : vector<8xf32> to vector<8x1xf32>
      scf.yield %broadcast_in_dim3A_408, %broadcast_in_dim3A_414, %broadcast_in_dim3A_420, %select_n3A_400 : vector<8x1xf32>, vector<8x1xf32>, vector<8x1xf32>, vector<8x128xi32>
    }
    %scan3A_213 = arith.constant 128 : i32
    %swap3A_214 = arith.constant 0 : index
    %swap3A_215 = arith.constant 2176 : index
    %swap3A_216 = vector.load %arg1[%swap3A_214, %swap3A_215] : memref<8x4096xi32, #tpu.memory_space<vmem>>, vector<8x128xi32>
    tpu.vector_store %arg1[%swap3A_214, %swap3A_215], %scan3A_212#3 {strides = array<i32>} : memref<8x4096xi32, #tpu.memory_space<vmem>>, vector<8x128xi32>,
    %broadcast_in_dim3A_217 = arith.constant 0 : i32
    %broadcast_in_dim3A_218 = vector.broadcast %broadcast_in_dim3A_217 : i32 to vector<8x128xi32>
    %scan3A_219 = arith.constant 0 : i32
    %scan3A_220 = arith.constant 128 : i32
    %scan3A_221 = arith.addi %scan3A_219, %scan3A_220 : i32
    %scan3A_222 = arith.constant 1 : i32
    %scan3A_223:4 = scf.for %scan3A_371 = %scan3A_219 to %scan3A_221 step %scan3A_222 iter_args(%scan3A_372 = %scan3A_212#0, %scan3A_373 = %scan3A_212#1, %scan3A_374 = %scan3A_212#2, %scan3A_375 = %broadcast_in_dim3A_218) -> (vector<8x1xf32>, vector<8x1xf32>, vector<8x1xf32>, vector<8x128xi32>)  : i32 {
      %sub3A = vector.broadcast %scan3A_372 : vector<8x1xf32> to vector<8x8192xf32>
      %sub3A_376 = arith.subf %get3A_3, %sub3A : vector<8x8192xf32>
      %sub3A_377 = vector.broadcast %scan3A_373 : vector<8x1xf32> to vector<8x8192xf32>
      %sub3A_378 = arith.subf %get3A_8, %sub3A_377 : vector<8x8192xf32>
      %sub3A_379 = vector.broadcast %scan3A_374 : vector<8x1xf32> to vector<8x8192xf32>
      %sub3A_380 = arith.subf %get3A_13, %sub3A_379 : vector<8x8192xf32>
      %mul3A = arith.mulf %sub3A_376, %sub3A_376 : vector<8x8192xf32>
      %mul3A_381 = arith.mulf %sub3A_380, %sub3A_380 : vector<8x8192xf32>
      %add3A = arith.addf %mul3A, %mul3A_381 : vector<8x8192xf32>
      %mul3A_382 = arith.mulf %sub3A_378, %sub3A_378 : vector<8x8192xf32>
      %add3A_383 = arith.addf %add3A, %mul3A_382 : vector<8x8192xf32>
      %get3A_384 = arith.constant 0 : index
      %get3A_385 = arith.constant 0 : index
      %get3A_386 = vector.load %arg2[%get3A_384, %get3A_385] : memref<8x8192xf32, #tpu.memory_space<vmem>>, vector<8x8192xf32>
      %min3A = arith.minimumf %get3A_386, %add3A_383 : vector<8x8192xf32>
      %swap3A_387 = arith.constant 0 : index
      %swap3A_388 = arith.constant 0 : index
      %swap3A_389 = vector.load %arg2[%swap3A_387, %swap3A_388] : memref<8x8192xf32, #tpu.memory_space<vmem>>, vector<8x8192xf32>
      tpu.vector_store %arg2[%swap3A_387, %swap3A_388], %min3A {strides = array<i32>} : memref<8x8192xf32, #tpu.memory_space<vmem>>, vector<8x8192xf32>,
      %reduce_max3A = arith.constant dense<0xFF800000> : vector<8xf32>
      %reduce_max3A_390 = vector.multi_reduction <maximumf>, %min3A, %reduce_max3A [1] : vector<8x8192xf32> to vector<8xf32>
      %broadcast_in_dim3A_391 = vector.shape_cast %reduce_max3A_390 : vector<8xf32> to vector<8x1xf32>
      %eq3A = vector.broadcast %broadcast_in_dim3A_391 : vector<8x1xf32> to vector<8x8192xf32>
      %eq3A_392 = arith.cmpf oeq, %min3A, %eq3A : vector<8x8192xf32>
      %jit3A = arith.constant 8192 : i32
      %broadcast_in_dim3A_393 = vector.broadcast %jit3A : i32 to vector<8x8192xi32>
      %select_n3A = arith.select %eq3A_392, %iota3A, %broadcast_in_dim3A_393 : vector<8x8192xi1>, vector<8x8192xi32>
      %reduce_min3A = arith.constant dense<2147483647> : vector<8xi32>
      %reduce_min3A_394 = vector.multi_reduction <minsi>, %select_n3A, %reduce_min3A [1] : vector<8x8192xi32> to vector<8xi32>
      %broadcast_in_dim3A_395 = vector.shape_cast %reduce_min3A_394 : vector<8xi32> to vector<8x1xi32>
      %eq3A_396 = vector.broadcast %scan3A_371 : i32 to vector<8x128xi32>
      %eq3A_397 = arith.cmpi eq, %iota3A_14, %eq3A_396 : vector<8x128xi32>
      %broadcast_in_dim3A_398 = vector.shape_cast %broadcast_in_dim3A_395 : vector<8x1xi32> to vector<8x1xi32>
      %broadcast_in_dim3A_399 = vector.broadcast %broadcast_in_dim3A_398 : vector<8x1xi32> to vector<8x128xi32>
      %select_n3A_400 = arith.select %eq3A_397, %broadcast_in_dim3A_399, %scan3A_375 : vector<8x128xi1>, vector<8x128xi32>
      %eq3A_401 = vector.broadcast %broadcast_in_dim3A_395 : vector<8x1xi32> to vector<8x8192xi32>
      %eq3A_402 = arith.cmpi eq, %iota3A, %eq3A_401 : vector<8x8192xi32>
      %jit3A_403 = arith.constant 0xFF800000 : f32
      %broadcast_in_dim3A_404 = vector.broadcast %jit3A_403 : f32 to vector<8x8192xf32>
      %select_n3A_405 = arith.select %eq3A_402, %get3A_3, %broadcast_in_dim3A_404 : vector<8x8192xi1>, vector<8x8192xf32>
      %reduce_max3A_406 = arith.constant dense<0xFF800000> : vector<8xf32>
      %reduce_max3A_407 = vector.multi_reduction <maximumf>, %select_n3A_405, %reduce_max3A_406 [1] : vector<8x8192xf32> to vector<8xf32>
      %broadcast_in_dim3A_408 = vector.shape_cast %reduce_max3A_407 : vector<8xf32> to vector<8x1xf32>
      %jit3A_409 = arith.constant 0xFF800000 : f32
      %broadcast_in_dim3A_410 = vector.broadcast %jit3A_409 : f32 to vector<8x8192xf32>
      %select_n3A_411 = arith.select %eq3A_402, %get3A_8, %broadcast_in_dim3A_410 : vector<8x8192xi1>, vector<8x8192xf32>
      %reduce_max3A_412 = arith.constant dense<0xFF800000> : vector<8xf32>
      %reduce_max3A_413 = vector.multi_reduction <maximumf>, %select_n3A_411, %reduce_max3A_412 [1] : vector<8x8192xf32> to vector<8xf32>
      %broadcast_in_dim3A_414 = vector.shape_cast %reduce_max3A_413 : vector<8xf32> to vector<8x1xf32>
      %jit3A_415 = arith.constant 0xFF800000 : f32
      %broadcast_in_dim3A_416 = vector.broadcast %jit3A_415 : f32 to vector<8x8192xf32>
      %select_n3A_417 = arith.select %eq3A_402, %get3A_13, %broadcast_in_dim3A_416 : vector<8x8192xi1>, vector<8x8192xf32>
      %reduce_max3A_418 = arith.constant dense<0xFF800000> : vector<8xf32>
      %reduce_max3A_419 = vector.multi_reduction <maximumf>, %select_n3A_417, %reduce_max3A_418 [1] : vector<8x8192xf32> to vector<8xf32>
      %broadcast_in_dim3A_420 = vector.shape_cast %reduce_max3A_419 : vector<8xf32> to vector<8x1xf32>
      scf.yield %broadcast_in_dim3A_408, %broadcast_in_dim3A_414, %broadcast_in_dim3A_420, %select_n3A_400 : vector<8x1xf32>, vector<8x1xf32>, vector<8x1xf32>, vector<8x128xi32>
    }
    %scan3A_224 = arith.constant 128 : i32
    %swap3A_225 = arith.constant 0 : index
    %swap3A_226 = arith.constant 2304 : index
    %swap3A_227 = vector.load %arg1[%swap3A_225, %swap3A_226] : memref<8x4096xi32, #tpu.memory_space<vmem>>, vector<8x128xi32>
    tpu.vector_store %arg1[%swap3A_225, %swap3A_226], %scan3A_223#3 {strides = array<i32>} : memref<8x4096xi32, #tpu.memory_space<vmem>>, vector<8x128xi32>,
    %broadcast_in_dim3A_228 = arith.constant 0 : i32
    %broadcast_in_dim3A_229 = vector.broadcast %broadcast_in_dim3A_228 : i32 to vector<8x128xi32>
    %scan3A_230 = arith.constant 0 : i32
    %scan3A_231 = arith.constant 128 : i32
    %scan3A_232 = arith.addi %scan3A_230, %scan3A_231 : i32
    %scan3A_233 = arith.constant 1 : i32
    %scan3A_234:4 = scf.for %scan3A_371 = %scan3A_230 to %scan3A_232 step %scan3A_233 iter_args(%scan3A_372 = %scan3A_223#0, %scan3A_373 = %scan3A_223#1, %scan3A_374 = %scan3A_223#2, %scan3A_375 = %broadcast_in_dim3A_229) -> (vector<8x1xf32>, vector<8x1xf32>, vector<8x1xf32>, vector<8x128xi32>)  : i32 {
      %sub3A = vector.broadcast %scan3A_372 : vector<8x1xf32> to vector<8x8192xf32>
      %sub3A_376 = arith.subf %get3A_3, %sub3A : vector<8x8192xf32>
      %sub3A_377 = vector.broadcast %scan3A_373 : vector<8x1xf32> to vector<8x8192xf32>
      %sub3A_378 = arith.subf %get3A_8, %sub3A_377 : vector<8x8192xf32>
      %sub3A_379 = vector.broadcast %scan3A_374 : vector<8x1xf32> to vector<8x8192xf32>
      %sub3A_380 = arith.subf %get3A_13, %sub3A_379 : vector<8x8192xf32>
      %mul3A = arith.mulf %sub3A_376, %sub3A_376 : vector<8x8192xf32>
      %mul3A_381 = arith.mulf %sub3A_380, %sub3A_380 : vector<8x8192xf32>
      %add3A = arith.addf %mul3A, %mul3A_381 : vector<8x8192xf32>
      %mul3A_382 = arith.mulf %sub3A_378, %sub3A_378 : vector<8x8192xf32>
      %add3A_383 = arith.addf %add3A, %mul3A_382 : vector<8x8192xf32>
      %get3A_384 = arith.constant 0 : index
      %get3A_385 = arith.constant 0 : index
      %get3A_386 = vector.load %arg2[%get3A_384, %get3A_385] : memref<8x8192xf32, #tpu.memory_space<vmem>>, vector<8x8192xf32>
      %min3A = arith.minimumf %get3A_386, %add3A_383 : vector<8x8192xf32>
      %swap3A_387 = arith.constant 0 : index
      %swap3A_388 = arith.constant 0 : index
      %swap3A_389 = vector.load %arg2[%swap3A_387, %swap3A_388] : memref<8x8192xf32, #tpu.memory_space<vmem>>, vector<8x8192xf32>
      tpu.vector_store %arg2[%swap3A_387, %swap3A_388], %min3A {strides = array<i32>} : memref<8x8192xf32, #tpu.memory_space<vmem>>, vector<8x8192xf32>,
      %reduce_max3A = arith.constant dense<0xFF800000> : vector<8xf32>
      %reduce_max3A_390 = vector.multi_reduction <maximumf>, %min3A, %reduce_max3A [1] : vector<8x8192xf32> to vector<8xf32>
      %broadcast_in_dim3A_391 = vector.shape_cast %reduce_max3A_390 : vector<8xf32> to vector<8x1xf32>
      %eq3A = vector.broadcast %broadcast_in_dim3A_391 : vector<8x1xf32> to vector<8x8192xf32>
      %eq3A_392 = arith.cmpf oeq, %min3A, %eq3A : vector<8x8192xf32>
      %jit3A = arith.constant 8192 : i32
      %broadcast_in_dim3A_393 = vector.broadcast %jit3A : i32 to vector<8x8192xi32>
      %select_n3A = arith.select %eq3A_392, %iota3A, %broadcast_in_dim3A_393 : vector<8x8192xi1>, vector<8x8192xi32>
      %reduce_min3A = arith.constant dense<2147483647> : vector<8xi32>
      %reduce_min3A_394 = vector.multi_reduction <minsi>, %select_n3A, %reduce_min3A [1] : vector<8x8192xi32> to vector<8xi32>
      %broadcast_in_dim3A_395 = vector.shape_cast %reduce_min3A_394 : vector<8xi32> to vector<8x1xi32>
      %eq3A_396 = vector.broadcast %scan3A_371 : i32 to vector<8x128xi32>
      %eq3A_397 = arith.cmpi eq, %iota3A_14, %eq3A_396 : vector<8x128xi32>
      %broadcast_in_dim3A_398 = vector.shape_cast %broadcast_in_dim3A_395 : vector<8x1xi32> to vector<8x1xi32>
      %broadcast_in_dim3A_399 = vector.broadcast %broadcast_in_dim3A_398 : vector<8x1xi32> to vector<8x128xi32>
      %select_n3A_400 = arith.select %eq3A_397, %broadcast_in_dim3A_399, %scan3A_375 : vector<8x128xi1>, vector<8x128xi32>
      %eq3A_401 = vector.broadcast %broadcast_in_dim3A_395 : vector<8x1xi32> to vector<8x8192xi32>
      %eq3A_402 = arith.cmpi eq, %iota3A, %eq3A_401 : vector<8x8192xi32>
      %jit3A_403 = arith.constant 0xFF800000 : f32
      %broadcast_in_dim3A_404 = vector.broadcast %jit3A_403 : f32 to vector<8x8192xf32>
      %select_n3A_405 = arith.select %eq3A_402, %get3A_3, %broadcast_in_dim3A_404 : vector<8x8192xi1>, vector<8x8192xf32>
      %reduce_max3A_406 = arith.constant dense<0xFF800000> : vector<8xf32>
      %reduce_max3A_407 = vector.multi_reduction <maximumf>, %select_n3A_405, %reduce_max3A_406 [1] : vector<8x8192xf32> to vector<8xf32>
      %broadcast_in_dim3A_408 = vector.shape_cast %reduce_max3A_407 : vector<8xf32> to vector<8x1xf32>
      %jit3A_409 = arith.constant 0xFF800000 : f32
      %broadcast_in_dim3A_410 = vector.broadcast %jit3A_409 : f32 to vector<8x8192xf32>
      %select_n3A_411 = arith.select %eq3A_402, %get3A_8, %broadcast_in_dim3A_410 : vector<8x8192xi1>, vector<8x8192xf32>
      %reduce_max3A_412 = arith.constant dense<0xFF800000> : vector<8xf32>
      %reduce_max3A_413 = vector.multi_reduction <maximumf>, %select_n3A_411, %reduce_max3A_412 [1] : vector<8x8192xf32> to vector<8xf32>
      %broadcast_in_dim3A_414 = vector.shape_cast %reduce_max3A_413 : vector<8xf32> to vector<8x1xf32>
      %jit3A_415 = arith.constant 0xFF800000 : f32
      %broadcast_in_dim3A_416 = vector.broadcast %jit3A_415 : f32 to vector<8x8192xf32>
      %select_n3A_417 = arith.select %eq3A_402, %get3A_13, %broadcast_in_dim3A_416 : vector<8x8192xi1>, vector<8x8192xf32>
      %reduce_max3A_418 = arith.constant dense<0xFF800000> : vector<8xf32>
      %reduce_max3A_419 = vector.multi_reduction <maximumf>, %select_n3A_417, %reduce_max3A_418 [1] : vector<8x8192xf32> to vector<8xf32>
      %broadcast_in_dim3A_420 = vector.shape_cast %reduce_max3A_419 : vector<8xf32> to vector<8x1xf32>
      scf.yield %broadcast_in_dim3A_408, %broadcast_in_dim3A_414, %broadcast_in_dim3A_420, %select_n3A_400 : vector<8x1xf32>, vector<8x1xf32>, vector<8x1xf32>, vector<8x128xi32>
    }
    %scan3A_235 = arith.constant 128 : i32
    %swap3A_236 = arith.constant 0 : index
    %swap3A_237 = arith.constant 2432 : index
    %swap3A_238 = vector.load %arg1[%swap3A_236, %swap3A_237] : memref<8x4096xi32, #tpu.memory_space<vmem>>, vector<8x128xi32>
    tpu.vector_store %arg1[%swap3A_236, %swap3A_237], %scan3A_234#3 {strides = array<i32>} : memref<8x4096xi32, #tpu.memory_space<vmem>>, vector<8x128xi32>,
    %broadcast_in_dim3A_239 = arith.constant 0 : i32
    %broadcast_in_dim3A_240 = vector.broadcast %broadcast_in_dim3A_239 : i32 to vector<8x128xi32>
    %scan3A_241 = arith.constant 0 : i32
    %scan3A_242 = arith.constant 128 : i32
    %scan3A_243 = arith.addi %scan3A_241, %scan3A_242 : i32
    %scan3A_244 = arith.constant 1 : i32
    %scan3A_245:4 = scf.for %scan3A_371 = %scan3A_241 to %scan3A_243 step %scan3A_244 iter_args(%scan3A_372 = %scan3A_234#0, %scan3A_373 = %scan3A_234#1, %scan3A_374 = %scan3A_234#2, %scan3A_375 = %broadcast_in_dim3A_240) -> (vector<8x1xf32>, vector<8x1xf32>, vector<8x1xf32>, vector<8x128xi32>)  : i32 {
      %sub3A = vector.broadcast %scan3A_372 : vector<8x1xf32> to vector<8x8192xf32>
      %sub3A_376 = arith.subf %get3A_3, %sub3A : vector<8x8192xf32>
      %sub3A_377 = vector.broadcast %scan3A_373 : vector<8x1xf32> to vector<8x8192xf32>
      %sub3A_378 = arith.subf %get3A_8, %sub3A_377 : vector<8x8192xf32>
      %sub3A_379 = vector.broadcast %scan3A_374 : vector<8x1xf32> to vector<8x8192xf32>
      %sub3A_380 = arith.subf %get3A_13, %sub3A_379 : vector<8x8192xf32>
      %mul3A = arith.mulf %sub3A_376, %sub3A_376 : vector<8x8192xf32>
      %mul3A_381 = arith.mulf %sub3A_380, %sub3A_380 : vector<8x8192xf32>
      %add3A = arith.addf %mul3A, %mul3A_381 : vector<8x8192xf32>
      %mul3A_382 = arith.mulf %sub3A_378, %sub3A_378 : vector<8x8192xf32>
      %add3A_383 = arith.addf %add3A, %mul3A_382 : vector<8x8192xf32>
      %get3A_384 = arith.constant 0 : index
      %get3A_385 = arith.constant 0 : index
      %get3A_386 = vector.load %arg2[%get3A_384, %get3A_385] : memref<8x8192xf32, #tpu.memory_space<vmem>>, vector<8x8192xf32>
      %min3A = arith.minimumf %get3A_386, %add3A_383 : vector<8x8192xf32>
      %swap3A_387 = arith.constant 0 : index
      %swap3A_388 = arith.constant 0 : index
      %swap3A_389 = vector.load %arg2[%swap3A_387, %swap3A_388] : memref<8x8192xf32, #tpu.memory_space<vmem>>, vector<8x8192xf32>
      tpu.vector_store %arg2[%swap3A_387, %swap3A_388], %min3A {strides = array<i32>} : memref<8x8192xf32, #tpu.memory_space<vmem>>, vector<8x8192xf32>,
      %reduce_max3A = arith.constant dense<0xFF800000> : vector<8xf32>
      %reduce_max3A_390 = vector.multi_reduction <maximumf>, %min3A, %reduce_max3A [1] : vector<8x8192xf32> to vector<8xf32>
      %broadcast_in_dim3A_391 = vector.shape_cast %reduce_max3A_390 : vector<8xf32> to vector<8x1xf32>
      %eq3A = vector.broadcast %broadcast_in_dim3A_391 : vector<8x1xf32> to vector<8x8192xf32>
      %eq3A_392 = arith.cmpf oeq, %min3A, %eq3A : vector<8x8192xf32>
      %jit3A = arith.constant 8192 : i32
      %broadcast_in_dim3A_393 = vector.broadcast %jit3A : i32 to vector<8x8192xi32>
      %select_n3A = arith.select %eq3A_392, %iota3A, %broadcast_in_dim3A_393 : vector<8x8192xi1>, vector<8x8192xi32>
      %reduce_min3A = arith.constant dense<2147483647> : vector<8xi32>
      %reduce_min3A_394 = vector.multi_reduction <minsi>, %select_n3A, %reduce_min3A [1] : vector<8x8192xi32> to vector<8xi32>
      %broadcast_in_dim3A_395 = vector.shape_cast %reduce_min3A_394 : vector<8xi32> to vector<8x1xi32>
      %eq3A_396 = vector.broadcast %scan3A_371 : i32 to vector<8x128xi32>
      %eq3A_397 = arith.cmpi eq, %iota3A_14, %eq3A_396 : vector<8x128xi32>
      %broadcast_in_dim3A_398 = vector.shape_cast %broadcast_in_dim3A_395 : vector<8x1xi32> to vector<8x1xi32>
      %broadcast_in_dim3A_399 = vector.broadcast %broadcast_in_dim3A_398 : vector<8x1xi32> to vector<8x128xi32>
      %select_n3A_400 = arith.select %eq3A_397, %broadcast_in_dim3A_399, %scan3A_375 : vector<8x128xi1>, vector<8x128xi32>
      %eq3A_401 = vector.broadcast %broadcast_in_dim3A_395 : vector<8x1xi32> to vector<8x8192xi32>
      %eq3A_402 = arith.cmpi eq, %iota3A, %eq3A_401 : vector<8x8192xi32>
      %jit3A_403 = arith.constant 0xFF800000 : f32
      %broadcast_in_dim3A_404 = vector.broadcast %jit3A_403 : f32 to vector<8x8192xf32>
      %select_n3A_405 = arith.select %eq3A_402, %get3A_3, %broadcast_in_dim3A_404 : vector<8x8192xi1>, vector<8x8192xf32>
      %reduce_max3A_406 = arith.constant dense<0xFF800000> : vector<8xf32>
      %reduce_max3A_407 = vector.multi_reduction <maximumf>, %select_n3A_405, %reduce_max3A_406 [1] : vector<8x8192xf32> to vector<8xf32>
      %broadcast_in_dim3A_408 = vector.shape_cast %reduce_max3A_407 : vector<8xf32> to vector<8x1xf32>
      %jit3A_409 = arith.constant 0xFF800000 : f32
      %broadcast_in_dim3A_410 = vector.broadcast %jit3A_409 : f32 to vector<8x8192xf32>
      %select_n3A_411 = arith.select %eq3A_402, %get3A_8, %broadcast_in_dim3A_410 : vector<8x8192xi1>, vector<8x8192xf32>
      %reduce_max3A_412 = arith.constant dense<0xFF800000> : vector<8xf32>
      %reduce_max3A_413 = vector.multi_reduction <maximumf>, %select_n3A_411, %reduce_max3A_412 [1] : vector<8x8192xf32> to vector<8xf32>
      %broadcast_in_dim3A_414 = vector.shape_cast %reduce_max3A_413 : vector<8xf32> to vector<8x1xf32>
      %jit3A_415 = arith.constant 0xFF800000 : f32
      %broadcast_in_dim3A_416 = vector.broadcast %jit3A_415 : f32 to vector<8x8192xf32>
      %select_n3A_417 = arith.select %eq3A_402, %get3A_13, %broadcast_in_dim3A_416 : vector<8x8192xi1>, vector<8x8192xf32>
      %reduce_max3A_418 = arith.constant dense<0xFF800000> : vector<8xf32>
      %reduce_max3A_419 = vector.multi_reduction <maximumf>, %select_n3A_417, %reduce_max3A_418 [1] : vector<8x8192xf32> to vector<8xf32>
      %broadcast_in_dim3A_420 = vector.shape_cast %reduce_max3A_419 : vector<8xf32> to vector<8x1xf32>
      scf.yield %broadcast_in_dim3A_408, %broadcast_in_dim3A_414, %broadcast_in_dim3A_420, %select_n3A_400 : vector<8x1xf32>, vector<8x1xf32>, vector<8x1xf32>, vector<8x128xi32>
    }
    %scan3A_246 = arith.constant 128 : i32
    %swap3A_247 = arith.constant 0 : index
    %swap3A_248 = arith.constant 2560 : index
    %swap3A_249 = vector.load %arg1[%swap3A_247, %swap3A_248] : memref<8x4096xi32, #tpu.memory_space<vmem>>, vector<8x128xi32>
    tpu.vector_store %arg1[%swap3A_247, %swap3A_248], %scan3A_245#3 {strides = array<i32>} : memref<8x4096xi32, #tpu.memory_space<vmem>>, vector<8x128xi32>,
    %broadcast_in_dim3A_250 = arith.constant 0 : i32
    %broadcast_in_dim3A_251 = vector.broadcast %broadcast_in_dim3A_250 : i32 to vector<8x128xi32>
    %scan3A_252 = arith.constant 0 : i32
    %scan3A_253 = arith.constant 128 : i32
    %scan3A_254 = arith.addi %scan3A_252, %scan3A_253 : i32
    %scan3A_255 = arith.constant 1 : i32
    %scan3A_256:4 = scf.for %scan3A_371 = %scan3A_252 to %scan3A_254 step %scan3A_255 iter_args(%scan3A_372 = %scan3A_245#0, %scan3A_373 = %scan3A_245#1, %scan3A_374 = %scan3A_245#2, %scan3A_375 = %broadcast_in_dim3A_251) -> (vector<8x1xf32>, vector<8x1xf32>, vector<8x1xf32>, vector<8x128xi32>)  : i32 {
      %sub3A = vector.broadcast %scan3A_372 : vector<8x1xf32> to vector<8x8192xf32>
      %sub3A_376 = arith.subf %get3A_3, %sub3A : vector<8x8192xf32>
      %sub3A_377 = vector.broadcast %scan3A_373 : vector<8x1xf32> to vector<8x8192xf32>
      %sub3A_378 = arith.subf %get3A_8, %sub3A_377 : vector<8x8192xf32>
      %sub3A_379 = vector.broadcast %scan3A_374 : vector<8x1xf32> to vector<8x8192xf32>
      %sub3A_380 = arith.subf %get3A_13, %sub3A_379 : vector<8x8192xf32>
      %mul3A = arith.mulf %sub3A_376, %sub3A_376 : vector<8x8192xf32>
      %mul3A_381 = arith.mulf %sub3A_380, %sub3A_380 : vector<8x8192xf32>
      %add3A = arith.addf %mul3A, %mul3A_381 : vector<8x8192xf32>
      %mul3A_382 = arith.mulf %sub3A_378, %sub3A_378 : vector<8x8192xf32>
      %add3A_383 = arith.addf %add3A, %mul3A_382 : vector<8x8192xf32>
      %get3A_384 = arith.constant 0 : index
      %get3A_385 = arith.constant 0 : index
      %get3A_386 = vector.load %arg2[%get3A_384, %get3A_385] : memref<8x8192xf32, #tpu.memory_space<vmem>>, vector<8x8192xf32>
      %min3A = arith.minimumf %get3A_386, %add3A_383 : vector<8x8192xf32>
      %swap3A_387 = arith.constant 0 : index
      %swap3A_388 = arith.constant 0 : index
      %swap3A_389 = vector.load %arg2[%swap3A_387, %swap3A_388] : memref<8x8192xf32, #tpu.memory_space<vmem>>, vector<8x8192xf32>
      tpu.vector_store %arg2[%swap3A_387, %swap3A_388], %min3A {strides = array<i32>} : memref<8x8192xf32, #tpu.memory_space<vmem>>, vector<8x8192xf32>,
      %reduce_max3A = arith.constant dense<0xFF800000> : vector<8xf32>
      %reduce_max3A_390 = vector.multi_reduction <maximumf>, %min3A, %reduce_max3A [1] : vector<8x8192xf32> to vector<8xf32>
      %broadcast_in_dim3A_391 = vector.shape_cast %reduce_max3A_390 : vector<8xf32> to vector<8x1xf32>
      %eq3A = vector.broadcast %broadcast_in_dim3A_391 : vector<8x1xf32> to vector<8x8192xf32>
      %eq3A_392 = arith.cmpf oeq, %min3A, %eq3A : vector<8x8192xf32>
      %jit3A = arith.constant 8192 : i32
      %broadcast_in_dim3A_393 = vector.broadcast %jit3A : i32 to vector<8x8192xi32>
      %select_n3A = arith.select %eq3A_392, %iota3A, %broadcast_in_dim3A_393 : vector<8x8192xi1>, vector<8x8192xi32>
      %reduce_min3A = arith.constant dense<2147483647> : vector<8xi32>
      %reduce_min3A_394 = vector.multi_reduction <minsi>, %select_n3A, %reduce_min3A [1] : vector<8x8192xi32> to vector<8xi32>
      %broadcast_in_dim3A_395 = vector.shape_cast %reduce_min3A_394 : vector<8xi32> to vector<8x1xi32>
      %eq3A_396 = vector.broadcast %scan3A_371 : i32 to vector<8x128xi32>
      %eq3A_397 = arith.cmpi eq, %iota3A_14, %eq3A_396 : vector<8x128xi32>
      %broadcast_in_dim3A_398 = vector.shape_cast %broadcast_in_dim3A_395 : vector<8x1xi32> to vector<8x1xi32>
      %broadcast_in_dim3A_399 = vector.broadcast %broadcast_in_dim3A_398 : vector<8x1xi32> to vector<8x128xi32>
      %select_n3A_400 = arith.select %eq3A_397, %broadcast_in_dim3A_399, %scan3A_375 : vector<8x128xi1>, vector<8x128xi32>
      %eq3A_401 = vector.broadcast %broadcast_in_dim3A_395 : vector<8x1xi32> to vector<8x8192xi32>
      %eq3A_402 = arith.cmpi eq, %iota3A, %eq3A_401 : vector<8x8192xi32>
      %jit3A_403 = arith.constant 0xFF800000 : f32
      %broadcast_in_dim3A_404 = vector.broadcast %jit3A_403 : f32 to vector<8x8192xf32>
      %select_n3A_405 = arith.select %eq3A_402, %get3A_3, %broadcast_in_dim3A_404 : vector<8x8192xi1>, vector<8x8192xf32>
      %reduce_max3A_406 = arith.constant dense<0xFF800000> : vector<8xf32>
      %reduce_max3A_407 = vector.multi_reduction <maximumf>, %select_n3A_405, %reduce_max3A_406 [1] : vector<8x8192xf32> to vector<8xf32>
      %broadcast_in_dim3A_408 = vector.shape_cast %reduce_max3A_407 : vector<8xf32> to vector<8x1xf32>
      %jit3A_409 = arith.constant 0xFF800000 : f32
      %broadcast_in_dim3A_410 = vector.broadcast %jit3A_409 : f32 to vector<8x8192xf32>
      %select_n3A_411 = arith.select %eq3A_402, %get3A_8, %broadcast_in_dim3A_410 : vector<8x8192xi1>, vector<8x8192xf32>
      %reduce_max3A_412 = arith.constant dense<0xFF800000> : vector<8xf32>
      %reduce_max3A_413 = vector.multi_reduction <maximumf>, %select_n3A_411, %reduce_max3A_412 [1] : vector<8x8192xf32> to vector<8xf32>
      %broadcast_in_dim3A_414 = vector.shape_cast %reduce_max3A_413 : vector<8xf32> to vector<8x1xf32>
      %jit3A_415 = arith.constant 0xFF800000 : f32
      %broadcast_in_dim3A_416 = vector.broadcast %jit3A_415 : f32 to vector<8x8192xf32>
      %select_n3A_417 = arith.select %eq3A_402, %get3A_13, %broadcast_in_dim3A_416 : vector<8x8192xi1>, vector<8x8192xf32>
      %reduce_max3A_418 = arith.constant dense<0xFF800000> : vector<8xf32>
      %reduce_max3A_419 = vector.multi_reduction <maximumf>, %select_n3A_417, %reduce_max3A_418 [1] : vector<8x8192xf32> to vector<8xf32>
      %broadcast_in_dim3A_420 = vector.shape_cast %reduce_max3A_419 : vector<8xf32> to vector<8x1xf32>
      scf.yield %broadcast_in_dim3A_408, %broadcast_in_dim3A_414, %broadcast_in_dim3A_420, %select_n3A_400 : vector<8x1xf32>, vector<8x1xf32>, vector<8x1xf32>, vector<8x128xi32>
    }
    %scan3A_257 = arith.constant 128 : i32
    %swap3A_258 = arith.constant 0 : index
    %swap3A_259 = arith.constant 2688 : index
    %swap3A_260 = vector.load %arg1[%swap3A_258, %swap3A_259] : memref<8x4096xi32, #tpu.memory_space<vmem>>, vector<8x128xi32>
    tpu.vector_store %arg1[%swap3A_258, %swap3A_259], %scan3A_256#3 {strides = array<i32>} : memref<8x4096xi32, #tpu.memory_space<vmem>>, vector<8x128xi32>,
    %broadcast_in_dim3A_261 = arith.constant 0 : i32
    %broadcast_in_dim3A_262 = vector.broadcast %broadcast_in_dim3A_261 : i32 to vector<8x128xi32>
    %scan3A_263 = arith.constant 0 : i32
    %scan3A_264 = arith.constant 128 : i32
    %scan3A_265 = arith.addi %scan3A_263, %scan3A_264 : i32
    %scan3A_266 = arith.constant 1 : i32
    %scan3A_267:4 = scf.for %scan3A_371 = %scan3A_263 to %scan3A_265 step %scan3A_266 iter_args(%scan3A_372 = %scan3A_256#0, %scan3A_373 = %scan3A_256#1, %scan3A_374 = %scan3A_256#2, %scan3A_375 = %broadcast_in_dim3A_262) -> (vector<8x1xf32>, vector<8x1xf32>, vector<8x1xf32>, vector<8x128xi32>)  : i32 {
      %sub3A = vector.broadcast %scan3A_372 : vector<8x1xf32> to vector<8x8192xf32>
      %sub3A_376 = arith.subf %get3A_3, %sub3A : vector<8x8192xf32>
      %sub3A_377 = vector.broadcast %scan3A_373 : vector<8x1xf32> to vector<8x8192xf32>
      %sub3A_378 = arith.subf %get3A_8, %sub3A_377 : vector<8x8192xf32>
      %sub3A_379 = vector.broadcast %scan3A_374 : vector<8x1xf32> to vector<8x8192xf32>
      %sub3A_380 = arith.subf %get3A_13, %sub3A_379 : vector<8x8192xf32>
      %mul3A = arith.mulf %sub3A_376, %sub3A_376 : vector<8x8192xf32>
      %mul3A_381 = arith.mulf %sub3A_380, %sub3A_380 : vector<8x8192xf32>
      %add3A = arith.addf %mul3A, %mul3A_381 : vector<8x8192xf32>
      %mul3A_382 = arith.mulf %sub3A_378, %sub3A_378 : vector<8x8192xf32>
      %add3A_383 = arith.addf %add3A, %mul3A_382 : vector<8x8192xf32>
      %get3A_384 = arith.constant 0 : index
      %get3A_385 = arith.constant 0 : index
      %get3A_386 = vector.load %arg2[%get3A_384, %get3A_385] : memref<8x8192xf32, #tpu.memory_space<vmem>>, vector<8x8192xf32>
      %min3A = arith.minimumf %get3A_386, %add3A_383 : vector<8x8192xf32>
      %swap3A_387 = arith.constant 0 : index
      %swap3A_388 = arith.constant 0 : index
      %swap3A_389 = vector.load %arg2[%swap3A_387, %swap3A_388] : memref<8x8192xf32, #tpu.memory_space<vmem>>, vector<8x8192xf32>
      tpu.vector_store %arg2[%swap3A_387, %swap3A_388], %min3A {strides = array<i32>} : memref<8x8192xf32, #tpu.memory_space<vmem>>, vector<8x8192xf32>,
      %reduce_max3A = arith.constant dense<0xFF800000> : vector<8xf32>
      %reduce_max3A_390 = vector.multi_reduction <maximumf>, %min3A, %reduce_max3A [1] : vector<8x8192xf32> to vector<8xf32>
      %broadcast_in_dim3A_391 = vector.shape_cast %reduce_max3A_390 : vector<8xf32> to vector<8x1xf32>
      %eq3A = vector.broadcast %broadcast_in_dim3A_391 : vector<8x1xf32> to vector<8x8192xf32>
      %eq3A_392 = arith.cmpf oeq, %min3A, %eq3A : vector<8x8192xf32>
      %jit3A = arith.constant 8192 : i32
      %broadcast_in_dim3A_393 = vector.broadcast %jit3A : i32 to vector<8x8192xi32>
      %select_n3A = arith.select %eq3A_392, %iota3A, %broadcast_in_dim3A_393 : vector<8x8192xi1>, vector<8x8192xi32>
      %reduce_min3A = arith.constant dense<2147483647> : vector<8xi32>
      %reduce_min3A_394 = vector.multi_reduction <minsi>, %select_n3A, %reduce_min3A [1] : vector<8x8192xi32> to vector<8xi32>
      %broadcast_in_dim3A_395 = vector.shape_cast %reduce_min3A_394 : vector<8xi32> to vector<8x1xi32>
      %eq3A_396 = vector.broadcast %scan3A_371 : i32 to vector<8x128xi32>
      %eq3A_397 = arith.cmpi eq, %iota3A_14, %eq3A_396 : vector<8x128xi32>
      %broadcast_in_dim3A_398 = vector.shape_cast %broadcast_in_dim3A_395 : vector<8x1xi32> to vector<8x1xi32>
      %broadcast_in_dim3A_399 = vector.broadcast %broadcast_in_dim3A_398 : vector<8x1xi32> to vector<8x128xi32>
      %select_n3A_400 = arith.select %eq3A_397, %broadcast_in_dim3A_399, %scan3A_375 : vector<8x128xi1>, vector<8x128xi32>
      %eq3A_401 = vector.broadcast %broadcast_in_dim3A_395 : vector<8x1xi32> to vector<8x8192xi32>
      %eq3A_402 = arith.cmpi eq, %iota3A, %eq3A_401 : vector<8x8192xi32>
      %jit3A_403 = arith.constant 0xFF800000 : f32
      %broadcast_in_dim3A_404 = vector.broadcast %jit3A_403 : f32 to vector<8x8192xf32>
      %select_n3A_405 = arith.select %eq3A_402, %get3A_3, %broadcast_in_dim3A_404 : vector<8x8192xi1>, vector<8x8192xf32>
      %reduce_max3A_406 = arith.constant dense<0xFF800000> : vector<8xf32>
      %reduce_max3A_407 = vector.multi_reduction <maximumf>, %select_n3A_405, %reduce_max3A_406 [1] : vector<8x8192xf32> to vector<8xf32>
      %broadcast_in_dim3A_408 = vector.shape_cast %reduce_max3A_407 : vector<8xf32> to vector<8x1xf32>
      %jit3A_409 = arith.constant 0xFF800000 : f32
      %broadcast_in_dim3A_410 = vector.broadcast %jit3A_409 : f32 to vector<8x8192xf32>
      %select_n3A_411 = arith.select %eq3A_402, %get3A_8, %broadcast_in_dim3A_410 : vector<8x8192xi1>, vector<8x8192xf32>
      %reduce_max3A_412 = arith.constant dense<0xFF800000> : vector<8xf32>
      %reduce_max3A_413 = vector.multi_reduction <maximumf>, %select_n3A_411, %reduce_max3A_412 [1] : vector<8x8192xf32> to vector<8xf32>
      %broadcast_in_dim3A_414 = vector.shape_cast %reduce_max3A_413 : vector<8xf32> to vector<8x1xf32>
      %jit3A_415 = arith.constant 0xFF800000 : f32
      %broadcast_in_dim3A_416 = vector.broadcast %jit3A_415 : f32 to vector<8x8192xf32>
      %select_n3A_417 = arith.select %eq3A_402, %get3A_13, %broadcast_in_dim3A_416 : vector<8x8192xi1>, vector<8x8192xf32>
      %reduce_max3A_418 = arith.constant dense<0xFF800000> : vector<8xf32>
      %reduce_max3A_419 = vector.multi_reduction <maximumf>, %select_n3A_417, %reduce_max3A_418 [1] : vector<8x8192xf32> to vector<8xf32>
      %broadcast_in_dim3A_420 = vector.shape_cast %reduce_max3A_419 : vector<8xf32> to vector<8x1xf32>
      scf.yield %broadcast_in_dim3A_408, %broadcast_in_dim3A_414, %broadcast_in_dim3A_420, %select_n3A_400 : vector<8x1xf32>, vector<8x1xf32>, vector<8x1xf32>, vector<8x128xi32>
    }
    %scan3A_268 = arith.constant 128 : i32
    %swap3A_269 = arith.constant 0 : index
    %swap3A_270 = arith.constant 2816 : index
    %swap3A_271 = vector.load %arg1[%swap3A_269, %swap3A_270] : memref<8x4096xi32, #tpu.memory_space<vmem>>, vector<8x128xi32>
    tpu.vector_store %arg1[%swap3A_269, %swap3A_270], %scan3A_267#3 {strides = array<i32>} : memref<8x4096xi32, #tpu.memory_space<vmem>>, vector<8x128xi32>,
    %broadcast_in_dim3A_272 = arith.constant 0 : i32
    %broadcast_in_dim3A_273 = vector.broadcast %broadcast_in_dim3A_272 : i32 to vector<8x128xi32>
    %scan3A_274 = arith.constant 0 : i32
    %scan3A_275 = arith.constant 128 : i32
    %scan3A_276 = arith.addi %scan3A_274, %scan3A_275 : i32
    %scan3A_277 = arith.constant 1 : i32
    %scan3A_278:4 = scf.for %scan3A_371 = %scan3A_274 to %scan3A_276 step %scan3A_277 iter_args(%scan3A_372 = %scan3A_267#0, %scan3A_373 = %scan3A_267#1, %scan3A_374 = %scan3A_267#2, %scan3A_375 = %broadcast_in_dim3A_273) -> (vector<8x1xf32>, vector<8x1xf32>, vector<8x1xf32>, vector<8x128xi32>)  : i32 {
      %sub3A = vector.broadcast %scan3A_372 : vector<8x1xf32> to vector<8x8192xf32>
      %sub3A_376 = arith.subf %get3A_3, %sub3A : vector<8x8192xf32>
      %sub3A_377 = vector.broadcast %scan3A_373 : vector<8x1xf32> to vector<8x8192xf32>
      %sub3A_378 = arith.subf %get3A_8, %sub3A_377 : vector<8x8192xf32>
      %sub3A_379 = vector.broadcast %scan3A_374 : vector<8x1xf32> to vector<8x8192xf32>
      %sub3A_380 = arith.subf %get3A_13, %sub3A_379 : vector<8x8192xf32>
      %mul3A = arith.mulf %sub3A_376, %sub3A_376 : vector<8x8192xf32>
      %mul3A_381 = arith.mulf %sub3A_380, %sub3A_380 : vector<8x8192xf32>
      %add3A = arith.addf %mul3A, %mul3A_381 : vector<8x8192xf32>
      %mul3A_382 = arith.mulf %sub3A_378, %sub3A_378 : vector<8x8192xf32>
      %add3A_383 = arith.addf %add3A, %mul3A_382 : vector<8x8192xf32>
      %get3A_384 = arith.constant 0 : index
      %get3A_385 = arith.constant 0 : index
      %get3A_386 = vector.load %arg2[%get3A_384, %get3A_385] : memref<8x8192xf32, #tpu.memory_space<vmem>>, vector<8x8192xf32>
      %min3A = arith.minimumf %get3A_386, %add3A_383 : vector<8x8192xf32>
      %swap3A_387 = arith.constant 0 : index
      %swap3A_388 = arith.constant 0 : index
      %swap3A_389 = vector.load %arg2[%swap3A_387, %swap3A_388] : memref<8x8192xf32, #tpu.memory_space<vmem>>, vector<8x8192xf32>
      tpu.vector_store %arg2[%swap3A_387, %swap3A_388], %min3A {strides = array<i32>} : memref<8x8192xf32, #tpu.memory_space<vmem>>, vector<8x8192xf32>,
      %reduce_max3A = arith.constant dense<0xFF800000> : vector<8xf32>
      %reduce_max3A_390 = vector.multi_reduction <maximumf>, %min3A, %reduce_max3A [1] : vector<8x8192xf32> to vector<8xf32>
      %broadcast_in_dim3A_391 = vector.shape_cast %reduce_max3A_390 : vector<8xf32> to vector<8x1xf32>
      %eq3A = vector.broadcast %broadcast_in_dim3A_391 : vector<8x1xf32> to vector<8x8192xf32>
      %eq3A_392 = arith.cmpf oeq, %min3A, %eq3A : vector<8x8192xf32>
      %jit3A = arith.constant 8192 : i32
      %broadcast_in_dim3A_393 = vector.broadcast %jit3A : i32 to vector<8x8192xi32>
      %select_n3A = arith.select %eq3A_392, %iota3A, %broadcast_in_dim3A_393 : vector<8x8192xi1>, vector<8x8192xi32>
      %reduce_min3A = arith.constant dense<2147483647> : vector<8xi32>
      %reduce_min3A_394 = vector.multi_reduction <minsi>, %select_n3A, %reduce_min3A [1] : vector<8x8192xi32> to vector<8xi32>
      %broadcast_in_dim3A_395 = vector.shape_cast %reduce_min3A_394 : vector<8xi32> to vector<8x1xi32>
      %eq3A_396 = vector.broadcast %scan3A_371 : i32 to vector<8x128xi32>
      %eq3A_397 = arith.cmpi eq, %iota3A_14, %eq3A_396 : vector<8x128xi32>
      %broadcast_in_dim3A_398 = vector.shape_cast %broadcast_in_dim3A_395 : vector<8x1xi32> to vector<8x1xi32>
      %broadcast_in_dim3A_399 = vector.broadcast %broadcast_in_dim3A_398 : vector<8x1xi32> to vector<8x128xi32>
      %select_n3A_400 = arith.select %eq3A_397, %broadcast_in_dim3A_399, %scan3A_375 : vector<8x128xi1>, vector<8x128xi32>
      %eq3A_401 = vector.broadcast %broadcast_in_dim3A_395 : vector<8x1xi32> to vector<8x8192xi32>
      %eq3A_402 = arith.cmpi eq, %iota3A, %eq3A_401 : vector<8x8192xi32>
      %jit3A_403 = arith.constant 0xFF800000 : f32
      %broadcast_in_dim3A_404 = vector.broadcast %jit3A_403 : f32 to vector<8x8192xf32>
      %select_n3A_405 = arith.select %eq3A_402, %get3A_3, %broadcast_in_dim3A_404 : vector<8x8192xi1>, vector<8x8192xf32>
      %reduce_max3A_406 = arith.constant dense<0xFF800000> : vector<8xf32>
      %reduce_max3A_407 = vector.multi_reduction <maximumf>, %select_n3A_405, %reduce_max3A_406 [1] : vector<8x8192xf32> to vector<8xf32>
      %broadcast_in_dim3A_408 = vector.shape_cast %reduce_max3A_407 : vector<8xf32> to vector<8x1xf32>
      %jit3A_409 = arith.constant 0xFF800000 : f32
      %broadcast_in_dim3A_410 = vector.broadcast %jit3A_409 : f32 to vector<8x8192xf32>
      %select_n3A_411 = arith.select %eq3A_402, %get3A_8, %broadcast_in_dim3A_410 : vector<8x8192xi1>, vector<8x8192xf32>
      %reduce_max3A_412 = arith.constant dense<0xFF800000> : vector<8xf32>
      %reduce_max3A_413 = vector.multi_reduction <maximumf>, %select_n3A_411, %reduce_max3A_412 [1] : vector<8x8192xf32> to vector<8xf32>
      %broadcast_in_dim3A_414 = vector.shape_cast %reduce_max3A_413 : vector<8xf32> to vector<8x1xf32>
      %jit3A_415 = arith.constant 0xFF800000 : f32
      %broadcast_in_dim3A_416 = vector.broadcast %jit3A_415 : f32 to vector<8x8192xf32>
      %select_n3A_417 = arith.select %eq3A_402, %get3A_13, %broadcast_in_dim3A_416 : vector<8x8192xi1>, vector<8x8192xf32>
      %reduce_max3A_418 = arith.constant dense<0xFF800000> : vector<8xf32>
      %reduce_max3A_419 = vector.multi_reduction <maximumf>, %select_n3A_417, %reduce_max3A_418 [1] : vector<8x8192xf32> to vector<8xf32>
      %broadcast_in_dim3A_420 = vector.shape_cast %reduce_max3A_419 : vector<8xf32> to vector<8x1xf32>
      scf.yield %broadcast_in_dim3A_408, %broadcast_in_dim3A_414, %broadcast_in_dim3A_420, %select_n3A_400 : vector<8x1xf32>, vector<8x1xf32>, vector<8x1xf32>, vector<8x128xi32>
    }
    %scan3A_279 = arith.constant 128 : i32
    %swap3A_280 = arith.constant 0 : index
    %swap3A_281 = arith.constant 2944 : index
    %swap3A_282 = vector.load %arg1[%swap3A_280, %swap3A_281] : memref<8x4096xi32, #tpu.memory_space<vmem>>, vector<8x128xi32>
    tpu.vector_store %arg1[%swap3A_280, %swap3A_281], %scan3A_278#3 {strides = array<i32>} : memref<8x4096xi32, #tpu.memory_space<vmem>>, vector<8x128xi32>,
    %broadcast_in_dim3A_283 = arith.constant 0 : i32
    %broadcast_in_dim3A_284 = vector.broadcast %broadcast_in_dim3A_283 : i32 to vector<8x128xi32>
    %scan3A_285 = arith.constant 0 : i32
    %scan3A_286 = arith.constant 128 : i32
    %scan3A_287 = arith.addi %scan3A_285, %scan3A_286 : i32
    %scan3A_288 = arith.constant 1 : i32
    %scan3A_289:4 = scf.for %scan3A_371 = %scan3A_285 to %scan3A_287 step %scan3A_288 iter_args(%scan3A_372 = %scan3A_278#0, %scan3A_373 = %scan3A_278#1, %scan3A_374 = %scan3A_278#2, %scan3A_375 = %broadcast_in_dim3A_284) -> (vector<8x1xf32>, vector<8x1xf32>, vector<8x1xf32>, vector<8x128xi32>)  : i32 {
      %sub3A = vector.broadcast %scan3A_372 : vector<8x1xf32> to vector<8x8192xf32>
      %sub3A_376 = arith.subf %get3A_3, %sub3A : vector<8x8192xf32>
      %sub3A_377 = vector.broadcast %scan3A_373 : vector<8x1xf32> to vector<8x8192xf32>
      %sub3A_378 = arith.subf %get3A_8, %sub3A_377 : vector<8x8192xf32>
      %sub3A_379 = vector.broadcast %scan3A_374 : vector<8x1xf32> to vector<8x8192xf32>
      %sub3A_380 = arith.subf %get3A_13, %sub3A_379 : vector<8x8192xf32>
      %mul3A = arith.mulf %sub3A_376, %sub3A_376 : vector<8x8192xf32>
      %mul3A_381 = arith.mulf %sub3A_380, %sub3A_380 : vector<8x8192xf32>
      %add3A = arith.addf %mul3A, %mul3A_381 : vector<8x8192xf32>
      %mul3A_382 = arith.mulf %sub3A_378, %sub3A_378 : vector<8x8192xf32>
      %add3A_383 = arith.addf %add3A, %mul3A_382 : vector<8x8192xf32>
      %get3A_384 = arith.constant 0 : index
      %get3A_385 = arith.constant 0 : index
      %get3A_386 = vector.load %arg2[%get3A_384, %get3A_385] : memref<8x8192xf32, #tpu.memory_space<vmem>>, vector<8x8192xf32>
      %min3A = arith.minimumf %get3A_386, %add3A_383 : vector<8x8192xf32>
      %swap3A_387 = arith.constant 0 : index
      %swap3A_388 = arith.constant 0 : index
      %swap3A_389 = vector.load %arg2[%swap3A_387, %swap3A_388] : memref<8x8192xf32, #tpu.memory_space<vmem>>, vector<8x8192xf32>
      tpu.vector_store %arg2[%swap3A_387, %swap3A_388], %min3A {strides = array<i32>} : memref<8x8192xf32, #tpu.memory_space<vmem>>, vector<8x8192xf32>,
      %reduce_max3A = arith.constant dense<0xFF800000> : vector<8xf32>
      %reduce_max3A_390 = vector.multi_reduction <maximumf>, %min3A, %reduce_max3A [1] : vector<8x8192xf32> to vector<8xf32>
      %broadcast_in_dim3A_391 = vector.shape_cast %reduce_max3A_390 : vector<8xf32> to vector<8x1xf32>
      %eq3A = vector.broadcast %broadcast_in_dim3A_391 : vector<8x1xf32> to vector<8x8192xf32>
      %eq3A_392 = arith.cmpf oeq, %min3A, %eq3A : vector<8x8192xf32>
      %jit3A = arith.constant 8192 : i32
      %broadcast_in_dim3A_393 = vector.broadcast %jit3A : i32 to vector<8x8192xi32>
      %select_n3A = arith.select %eq3A_392, %iota3A, %broadcast_in_dim3A_393 : vector<8x8192xi1>, vector<8x8192xi32>
      %reduce_min3A = arith.constant dense<2147483647> : vector<8xi32>
      %reduce_min3A_394 = vector.multi_reduction <minsi>, %select_n3A, %reduce_min3A [1] : vector<8x8192xi32> to vector<8xi32>
      %broadcast_in_dim3A_395 = vector.shape_cast %reduce_min3A_394 : vector<8xi32> to vector<8x1xi32>
      %eq3A_396 = vector.broadcast %scan3A_371 : i32 to vector<8x128xi32>
      %eq3A_397 = arith.cmpi eq, %iota3A_14, %eq3A_396 : vector<8x128xi32>
      %broadcast_in_dim3A_398 = vector.shape_cast %broadcast_in_dim3A_395 : vector<8x1xi32> to vector<8x1xi32>
      %broadcast_in_dim3A_399 = vector.broadcast %broadcast_in_dim3A_398 : vector<8x1xi32> to vector<8x128xi32>
      %select_n3A_400 = arith.select %eq3A_397, %broadcast_in_dim3A_399, %scan3A_375 : vector<8x128xi1>, vector<8x128xi32>
      %eq3A_401 = vector.broadcast %broadcast_in_dim3A_395 : vector<8x1xi32> to vector<8x8192xi32>
      %eq3A_402 = arith.cmpi eq, %iota3A, %eq3A_401 : vector<8x8192xi32>
      %jit3A_403 = arith.constant 0xFF800000 : f32
      %broadcast_in_dim3A_404 = vector.broadcast %jit3A_403 : f32 to vector<8x8192xf32>
      %select_n3A_405 = arith.select %eq3A_402, %get3A_3, %broadcast_in_dim3A_404 : vector<8x8192xi1>, vector<8x8192xf32>
      %reduce_max3A_406 = arith.constant dense<0xFF800000> : vector<8xf32>
      %reduce_max3A_407 = vector.multi_reduction <maximumf>, %select_n3A_405, %reduce_max3A_406 [1] : vector<8x8192xf32> to vector<8xf32>
      %broadcast_in_dim3A_408 = vector.shape_cast %reduce_max3A_407 : vector<8xf32> to vector<8x1xf32>
      %jit3A_409 = arith.constant 0xFF800000 : f32
      %broadcast_in_dim3A_410 = vector.broadcast %jit3A_409 : f32 to vector<8x8192xf32>
      %select_n3A_411 = arith.select %eq3A_402, %get3A_8, %broadcast_in_dim3A_410 : vector<8x8192xi1>, vector<8x8192xf32>
      %reduce_max3A_412 = arith.constant dense<0xFF800000> : vector<8xf32>
      %reduce_max3A_413 = vector.multi_reduction <maximumf>, %select_n3A_411, %reduce_max3A_412 [1] : vector<8x8192xf32> to vector<8xf32>
      %broadcast_in_dim3A_414 = vector.shape_cast %reduce_max3A_413 : vector<8xf32> to vector<8x1xf32>
      %jit3A_415 = arith.constant 0xFF800000 : f32
      %broadcast_in_dim3A_416 = vector.broadcast %jit3A_415 : f32 to vector<8x8192xf32>
      %select_n3A_417 = arith.select %eq3A_402, %get3A_13, %broadcast_in_dim3A_416 : vector<8x8192xi1>, vector<8x8192xf32>
      %reduce_max3A_418 = arith.constant dense<0xFF800000> : vector<8xf32>
      %reduce_max3A_419 = vector.multi_reduction <maximumf>, %select_n3A_417, %reduce_max3A_418 [1] : vector<8x8192xf32> to vector<8xf32>
      %broadcast_in_dim3A_420 = vector.shape_cast %reduce_max3A_419 : vector<8xf32> to vector<8x1xf32>
      scf.yield %broadcast_in_dim3A_408, %broadcast_in_dim3A_414, %broadcast_in_dim3A_420, %select_n3A_400 : vector<8x1xf32>, vector<8x1xf32>, vector<8x1xf32>, vector<8x128xi32>
    }
    %scan3A_290 = arith.constant 128 : i32
    %swap3A_291 = arith.constant 0 : index
    %swap3A_292 = arith.constant 3072 : index
    %swap3A_293 = vector.load %arg1[%swap3A_291, %swap3A_292] : memref<8x4096xi32, #tpu.memory_space<vmem>>, vector<8x128xi32>
    tpu.vector_store %arg1[%swap3A_291, %swap3A_292], %scan3A_289#3 {strides = array<i32>} : memref<8x4096xi32, #tpu.memory_space<vmem>>, vector<8x128xi32>,
    %broadcast_in_dim3A_294 = arith.constant 0 : i32
    %broadcast_in_dim3A_295 = vector.broadcast %broadcast_in_dim3A_294 : i32 to vector<8x128xi32>
    %scan3A_296 = arith.constant 0 : i32
    %scan3A_297 = arith.constant 128 : i32
    %scan3A_298 = arith.addi %scan3A_296, %scan3A_297 : i32
    %scan3A_299 = arith.constant 1 : i32
    %scan3A_300:4 = scf.for %scan3A_371 = %scan3A_296 to %scan3A_298 step %scan3A_299 iter_args(%scan3A_372 = %scan3A_289#0, %scan3A_373 = %scan3A_289#1, %scan3A_374 = %scan3A_289#2, %scan3A_375 = %broadcast_in_dim3A_295) -> (vector<8x1xf32>, vector<8x1xf32>, vector<8x1xf32>, vector<8x128xi32>)  : i32 {
      %sub3A = vector.broadcast %scan3A_372 : vector<8x1xf32> to vector<8x8192xf32>
      %sub3A_376 = arith.subf %get3A_3, %sub3A : vector<8x8192xf32>
      %sub3A_377 = vector.broadcast %scan3A_373 : vector<8x1xf32> to vector<8x8192xf32>
      %sub3A_378 = arith.subf %get3A_8, %sub3A_377 : vector<8x8192xf32>
      %sub3A_379 = vector.broadcast %scan3A_374 : vector<8x1xf32> to vector<8x8192xf32>
      %sub3A_380 = arith.subf %get3A_13, %sub3A_379 : vector<8x8192xf32>
      %mul3A = arith.mulf %sub3A_376, %sub3A_376 : vector<8x8192xf32>
      %mul3A_381 = arith.mulf %sub3A_380, %sub3A_380 : vector<8x8192xf32>
      %add3A = arith.addf %mul3A, %mul3A_381 : vector<8x8192xf32>
      %mul3A_382 = arith.mulf %sub3A_378, %sub3A_378 : vector<8x8192xf32>
      %add3A_383 = arith.addf %add3A, %mul3A_382 : vector<8x8192xf32>
      %get3A_384 = arith.constant 0 : index
      %get3A_385 = arith.constant 0 : index
      %get3A_386 = vector.load %arg2[%get3A_384, %get3A_385] : memref<8x8192xf32, #tpu.memory_space<vmem>>, vector<8x8192xf32>
      %min3A = arith.minimumf %get3A_386, %add3A_383 : vector<8x8192xf32>
      %swap3A_387 = arith.constant 0 : index
      %swap3A_388 = arith.constant 0 : index
      %swap3A_389 = vector.load %arg2[%swap3A_387, %swap3A_388] : memref<8x8192xf32, #tpu.memory_space<vmem>>, vector<8x8192xf32>
      tpu.vector_store %arg2[%swap3A_387, %swap3A_388], %min3A {strides = array<i32>} : memref<8x8192xf32, #tpu.memory_space<vmem>>, vector<8x8192xf32>,
      %reduce_max3A = arith.constant dense<0xFF800000> : vector<8xf32>
      %reduce_max3A_390 = vector.multi_reduction <maximumf>, %min3A, %reduce_max3A [1] : vector<8x8192xf32> to vector<8xf32>
      %broadcast_in_dim3A_391 = vector.shape_cast %reduce_max3A_390 : vector<8xf32> to vector<8x1xf32>
      %eq3A = vector.broadcast %broadcast_in_dim3A_391 : vector<8x1xf32> to vector<8x8192xf32>
      %eq3A_392 = arith.cmpf oeq, %min3A, %eq3A : vector<8x8192xf32>
      %jit3A = arith.constant 8192 : i32
      %broadcast_in_dim3A_393 = vector.broadcast %jit3A : i32 to vector<8x8192xi32>
      %select_n3A = arith.select %eq3A_392, %iota3A, %broadcast_in_dim3A_393 : vector<8x8192xi1>, vector<8x8192xi32>
      %reduce_min3A = arith.constant dense<2147483647> : vector<8xi32>
      %reduce_min3A_394 = vector.multi_reduction <minsi>, %select_n3A, %reduce_min3A [1] : vector<8x8192xi32> to vector<8xi32>
      %broadcast_in_dim3A_395 = vector.shape_cast %reduce_min3A_394 : vector<8xi32> to vector<8x1xi32>
      %eq3A_396 = vector.broadcast %scan3A_371 : i32 to vector<8x128xi32>
      %eq3A_397 = arith.cmpi eq, %iota3A_14, %eq3A_396 : vector<8x128xi32>
      %broadcast_in_dim3A_398 = vector.shape_cast %broadcast_in_dim3A_395 : vector<8x1xi32> to vector<8x1xi32>
      %broadcast_in_dim3A_399 = vector.broadcast %broadcast_in_dim3A_398 : vector<8x1xi32> to vector<8x128xi32>
      %select_n3A_400 = arith.select %eq3A_397, %broadcast_in_dim3A_399, %scan3A_375 : vector<8x128xi1>, vector<8x128xi32>
      %eq3A_401 = vector.broadcast %broadcast_in_dim3A_395 : vector<8x1xi32> to vector<8x8192xi32>
      %eq3A_402 = arith.cmpi eq, %iota3A, %eq3A_401 : vector<8x8192xi32>
      %jit3A_403 = arith.constant 0xFF800000 : f32
      %broadcast_in_dim3A_404 = vector.broadcast %jit3A_403 : f32 to vector<8x8192xf32>
      %select_n3A_405 = arith.select %eq3A_402, %get3A_3, %broadcast_in_dim3A_404 : vector<8x8192xi1>, vector<8x8192xf32>
      %reduce_max3A_406 = arith.constant dense<0xFF800000> : vector<8xf32>
      %reduce_max3A_407 = vector.multi_reduction <maximumf>, %select_n3A_405, %reduce_max3A_406 [1] : vector<8x8192xf32> to vector<8xf32>
      %broadcast_in_dim3A_408 = vector.shape_cast %reduce_max3A_407 : vector<8xf32> to vector<8x1xf32>
      %jit3A_409 = arith.constant 0xFF800000 : f32
      %broadcast_in_dim3A_410 = vector.broadcast %jit3A_409 : f32 to vector<8x8192xf32>
      %select_n3A_411 = arith.select %eq3A_402, %get3A_8, %broadcast_in_dim3A_410 : vector<8x8192xi1>, vector<8x8192xf32>
      %reduce_max3A_412 = arith.constant dense<0xFF800000> : vector<8xf32>
      %reduce_max3A_413 = vector.multi_reduction <maximumf>, %select_n3A_411, %reduce_max3A_412 [1] : vector<8x8192xf32> to vector<8xf32>
      %broadcast_in_dim3A_414 = vector.shape_cast %reduce_max3A_413 : vector<8xf32> to vector<8x1xf32>
      %jit3A_415 = arith.constant 0xFF800000 : f32
      %broadcast_in_dim3A_416 = vector.broadcast %jit3A_415 : f32 to vector<8x8192xf32>
      %select_n3A_417 = arith.select %eq3A_402, %get3A_13, %broadcast_in_dim3A_416 : vector<8x8192xi1>, vector<8x8192xf32>
      %reduce_max3A_418 = arith.constant dense<0xFF800000> : vector<8xf32>
      %reduce_max3A_419 = vector.multi_reduction <maximumf>, %select_n3A_417, %reduce_max3A_418 [1] : vector<8x8192xf32> to vector<8xf32>
      %broadcast_in_dim3A_420 = vector.shape_cast %reduce_max3A_419 : vector<8xf32> to vector<8x1xf32>
      scf.yield %broadcast_in_dim3A_408, %broadcast_in_dim3A_414, %broadcast_in_dim3A_420, %select_n3A_400 : vector<8x1xf32>, vector<8x1xf32>, vector<8x1xf32>, vector<8x128xi32>
    }
    %scan3A_301 = arith.constant 128 : i32
    %swap3A_302 = arith.constant 0 : index
    %swap3A_303 = arith.constant 3200 : index
    %swap3A_304 = vector.load %arg1[%swap3A_302, %swap3A_303] : memref<8x4096xi32, #tpu.memory_space<vmem>>, vector<8x128xi32>
    tpu.vector_store %arg1[%swap3A_302, %swap3A_303], %scan3A_300#3 {strides = array<i32>} : memref<8x4096xi32, #tpu.memory_space<vmem>>, vector<8x128xi32>,
    %broadcast_in_dim3A_305 = arith.constant 0 : i32
    %broadcast_in_dim3A_306 = vector.broadcast %broadcast_in_dim3A_305 : i32 to vector<8x128xi32>
    %scan3A_307 = arith.constant 0 : i32
    %scan3A_308 = arith.constant 128 : i32
    %scan3A_309 = arith.addi %scan3A_307, %scan3A_308 : i32
    %scan3A_310 = arith.constant 1 : i32
    %scan3A_311:4 = scf.for %scan3A_371 = %scan3A_307 to %scan3A_309 step %scan3A_310 iter_args(%scan3A_372 = %scan3A_300#0, %scan3A_373 = %scan3A_300#1, %scan3A_374 = %scan3A_300#2, %scan3A_375 = %broadcast_in_dim3A_306) -> (vector<8x1xf32>, vector<8x1xf32>, vector<8x1xf32>, vector<8x128xi32>)  : i32 {
      %sub3A = vector.broadcast %scan3A_372 : vector<8x1xf32> to vector<8x8192xf32>
      %sub3A_376 = arith.subf %get3A_3, %sub3A : vector<8x8192xf32>
      %sub3A_377 = vector.broadcast %scan3A_373 : vector<8x1xf32> to vector<8x8192xf32>
      %sub3A_378 = arith.subf %get3A_8, %sub3A_377 : vector<8x8192xf32>
      %sub3A_379 = vector.broadcast %scan3A_374 : vector<8x1xf32> to vector<8x8192xf32>
      %sub3A_380 = arith.subf %get3A_13, %sub3A_379 : vector<8x8192xf32>
      %mul3A = arith.mulf %sub3A_376, %sub3A_376 : vector<8x8192xf32>
      %mul3A_381 = arith.mulf %sub3A_380, %sub3A_380 : vector<8x8192xf32>
      %add3A = arith.addf %mul3A, %mul3A_381 : vector<8x8192xf32>
      %mul3A_382 = arith.mulf %sub3A_378, %sub3A_378 : vector<8x8192xf32>
      %add3A_383 = arith.addf %add3A, %mul3A_382 : vector<8x8192xf32>
      %get3A_384 = arith.constant 0 : index
      %get3A_385 = arith.constant 0 : index
      %get3A_386 = vector.load %arg2[%get3A_384, %get3A_385] : memref<8x8192xf32, #tpu.memory_space<vmem>>, vector<8x8192xf32>
      %min3A = arith.minimumf %get3A_386, %add3A_383 : vector<8x8192xf32>
      %swap3A_387 = arith.constant 0 : index
      %swap3A_388 = arith.constant 0 : index
      %swap3A_389 = vector.load %arg2[%swap3A_387, %swap3A_388] : memref<8x8192xf32, #tpu.memory_space<vmem>>, vector<8x8192xf32>
      tpu.vector_store %arg2[%swap3A_387, %swap3A_388], %min3A {strides = array<i32>} : memref<8x8192xf32, #tpu.memory_space<vmem>>, vector<8x8192xf32>,
      %reduce_max3A = arith.constant dense<0xFF800000> : vector<8xf32>
      %reduce_max3A_390 = vector.multi_reduction <maximumf>, %min3A, %reduce_max3A [1] : vector<8x8192xf32> to vector<8xf32>
      %broadcast_in_dim3A_391 = vector.shape_cast %reduce_max3A_390 : vector<8xf32> to vector<8x1xf32>
      %eq3A = vector.broadcast %broadcast_in_dim3A_391 : vector<8x1xf32> to vector<8x8192xf32>
      %eq3A_392 = arith.cmpf oeq, %min3A, %eq3A : vector<8x8192xf32>
      %jit3A = arith.constant 8192 : i32
      %broadcast_in_dim3A_393 = vector.broadcast %jit3A : i32 to vector<8x8192xi32>
      %select_n3A = arith.select %eq3A_392, %iota3A, %broadcast_in_dim3A_393 : vector<8x8192xi1>, vector<8x8192xi32>
      %reduce_min3A = arith.constant dense<2147483647> : vector<8xi32>
      %reduce_min3A_394 = vector.multi_reduction <minsi>, %select_n3A, %reduce_min3A [1] : vector<8x8192xi32> to vector<8xi32>
      %broadcast_in_dim3A_395 = vector.shape_cast %reduce_min3A_394 : vector<8xi32> to vector<8x1xi32>
      %eq3A_396 = vector.broadcast %scan3A_371 : i32 to vector<8x128xi32>
      %eq3A_397 = arith.cmpi eq, %iota3A_14, %eq3A_396 : vector<8x128xi32>
      %broadcast_in_dim3A_398 = vector.shape_cast %broadcast_in_dim3A_395 : vector<8x1xi32> to vector<8x1xi32>
      %broadcast_in_dim3A_399 = vector.broadcast %broadcast_in_dim3A_398 : vector<8x1xi32> to vector<8x128xi32>
      %select_n3A_400 = arith.select %eq3A_397, %broadcast_in_dim3A_399, %scan3A_375 : vector<8x128xi1>, vector<8x128xi32>
      %eq3A_401 = vector.broadcast %broadcast_in_dim3A_395 : vector<8x1xi32> to vector<8x8192xi32>
      %eq3A_402 = arith.cmpi eq, %iota3A, %eq3A_401 : vector<8x8192xi32>
      %jit3A_403 = arith.constant 0xFF800000 : f32
      %broadcast_in_dim3A_404 = vector.broadcast %jit3A_403 : f32 to vector<8x8192xf32>
      %select_n3A_405 = arith.select %eq3A_402, %get3A_3, %broadcast_in_dim3A_404 : vector<8x8192xi1>, vector<8x8192xf32>
      %reduce_max3A_406 = arith.constant dense<0xFF800000> : vector<8xf32>
      %reduce_max3A_407 = vector.multi_reduction <maximumf>, %select_n3A_405, %reduce_max3A_406 [1] : vector<8x8192xf32> to vector<8xf32>
      %broadcast_in_dim3A_408 = vector.shape_cast %reduce_max3A_407 : vector<8xf32> to vector<8x1xf32>
      %jit3A_409 = arith.constant 0xFF800000 : f32
      %broadcast_in_dim3A_410 = vector.broadcast %jit3A_409 : f32 to vector<8x8192xf32>
      %select_n3A_411 = arith.select %eq3A_402, %get3A_8, %broadcast_in_dim3A_410 : vector<8x8192xi1>, vector<8x8192xf32>
      %reduce_max3A_412 = arith.constant dense<0xFF800000> : vector<8xf32>
      %reduce_max3A_413 = vector.multi_reduction <maximumf>, %select_n3A_411, %reduce_max3A_412 [1] : vector<8x8192xf32> to vector<8xf32>
      %broadcast_in_dim3A_414 = vector.shape_cast %reduce_max3A_413 : vector<8xf32> to vector<8x1xf32>
      %jit3A_415 = arith.constant 0xFF800000 : f32
      %broadcast_in_dim3A_416 = vector.broadcast %jit3A_415 : f32 to vector<8x8192xf32>
      %select_n3A_417 = arith.select %eq3A_402, %get3A_13, %broadcast_in_dim3A_416 : vector<8x8192xi1>, vector<8x8192xf32>
      %reduce_max3A_418 = arith.constant dense<0xFF800000> : vector<8xf32>
      %reduce_max3A_419 = vector.multi_reduction <maximumf>, %select_n3A_417, %reduce_max3A_418 [1] : vector<8x8192xf32> to vector<8xf32>
      %broadcast_in_dim3A_420 = vector.shape_cast %reduce_max3A_419 : vector<8xf32> to vector<8x1xf32>
      scf.yield %broadcast_in_dim3A_408, %broadcast_in_dim3A_414, %broadcast_in_dim3A_420, %select_n3A_400 : vector<8x1xf32>, vector<8x1xf32>, vector<8x1xf32>, vector<8x128xi32>
    }
    %scan3A_312 = arith.constant 128 : i32
    %swap3A_313 = arith.constant 0 : index
    %swap3A_314 = arith.constant 3328 : index
    %swap3A_315 = vector.load %arg1[%swap3A_313, %swap3A_314] : memref<8x4096xi32, #tpu.memory_space<vmem>>, vector<8x128xi32>
    tpu.vector_store %arg1[%swap3A_313, %swap3A_314], %scan3A_311#3 {strides = array<i32>} : memref<8x4096xi32, #tpu.memory_space<vmem>>, vector<8x128xi32>,
    %broadcast_in_dim3A_316 = arith.constant 0 : i32
    %broadcast_in_dim3A_317 = vector.broadcast %broadcast_in_dim3A_316 : i32 to vector<8x128xi32>
    %scan3A_318 = arith.constant 0 : i32
    %scan3A_319 = arith.constant 128 : i32
    %scan3A_320 = arith.addi %scan3A_318, %scan3A_319 : i32
    %scan3A_321 = arith.constant 1 : i32
    %scan3A_322:4 = scf.for %scan3A_371 = %scan3A_318 to %scan3A_320 step %scan3A_321 iter_args(%scan3A_372 = %scan3A_311#0, %scan3A_373 = %scan3A_311#1, %scan3A_374 = %scan3A_311#2, %scan3A_375 = %broadcast_in_dim3A_317) -> (vector<8x1xf32>, vector<8x1xf32>, vector<8x1xf32>, vector<8x128xi32>)  : i32 {
      %sub3A = vector.broadcast %scan3A_372 : vector<8x1xf32> to vector<8x8192xf32>
      %sub3A_376 = arith.subf %get3A_3, %sub3A : vector<8x8192xf32>
      %sub3A_377 = vector.broadcast %scan3A_373 : vector<8x1xf32> to vector<8x8192xf32>
      %sub3A_378 = arith.subf %get3A_8, %sub3A_377 : vector<8x8192xf32>
      %sub3A_379 = vector.broadcast %scan3A_374 : vector<8x1xf32> to vector<8x8192xf32>
      %sub3A_380 = arith.subf %get3A_13, %sub3A_379 : vector<8x8192xf32>
      %mul3A = arith.mulf %sub3A_376, %sub3A_376 : vector<8x8192xf32>
      %mul3A_381 = arith.mulf %sub3A_380, %sub3A_380 : vector<8x8192xf32>
      %add3A = arith.addf %mul3A, %mul3A_381 : vector<8x8192xf32>
      %mul3A_382 = arith.mulf %sub3A_378, %sub3A_378 : vector<8x8192xf32>
      %add3A_383 = arith.addf %add3A, %mul3A_382 : vector<8x8192xf32>
      %get3A_384 = arith.constant 0 : index
      %get3A_385 = arith.constant 0 : index
      %get3A_386 = vector.load %arg2[%get3A_384, %get3A_385] : memref<8x8192xf32, #tpu.memory_space<vmem>>, vector<8x8192xf32>
      %min3A = arith.minimumf %get3A_386, %add3A_383 : vector<8x8192xf32>
      %swap3A_387 = arith.constant 0 : index
      %swap3A_388 = arith.constant 0 : index
      %swap3A_389 = vector.load %arg2[%swap3A_387, %swap3A_388] : memref<8x8192xf32, #tpu.memory_space<vmem>>, vector<8x8192xf32>
      tpu.vector_store %arg2[%swap3A_387, %swap3A_388], %min3A {strides = array<i32>} : memref<8x8192xf32, #tpu.memory_space<vmem>>, vector<8x8192xf32>,
      %reduce_max3A = arith.constant dense<0xFF800000> : vector<8xf32>
      %reduce_max3A_390 = vector.multi_reduction <maximumf>, %min3A, %reduce_max3A [1] : vector<8x8192xf32> to vector<8xf32>
      %broadcast_in_dim3A_391 = vector.shape_cast %reduce_max3A_390 : vector<8xf32> to vector<8x1xf32>
      %eq3A = vector.broadcast %broadcast_in_dim3A_391 : vector<8x1xf32> to vector<8x8192xf32>
      %eq3A_392 = arith.cmpf oeq, %min3A, %eq3A : vector<8x8192xf32>
      %jit3A = arith.constant 8192 : i32
      %broadcast_in_dim3A_393 = vector.broadcast %jit3A : i32 to vector<8x8192xi32>
      %select_n3A = arith.select %eq3A_392, %iota3A, %broadcast_in_dim3A_393 : vector<8x8192xi1>, vector<8x8192xi32>
      %reduce_min3A = arith.constant dense<2147483647> : vector<8xi32>
      %reduce_min3A_394 = vector.multi_reduction <minsi>, %select_n3A, %reduce_min3A [1] : vector<8x8192xi32> to vector<8xi32>
      %broadcast_in_dim3A_395 = vector.shape_cast %reduce_min3A_394 : vector<8xi32> to vector<8x1xi32>
      %eq3A_396 = vector.broadcast %scan3A_371 : i32 to vector<8x128xi32>
      %eq3A_397 = arith.cmpi eq, %iota3A_14, %eq3A_396 : vector<8x128xi32>
      %broadcast_in_dim3A_398 = vector.shape_cast %broadcast_in_dim3A_395 : vector<8x1xi32> to vector<8x1xi32>
      %broadcast_in_dim3A_399 = vector.broadcast %broadcast_in_dim3A_398 : vector<8x1xi32> to vector<8x128xi32>
      %select_n3A_400 = arith.select %eq3A_397, %broadcast_in_dim3A_399, %scan3A_375 : vector<8x128xi1>, vector<8x128xi32>
      %eq3A_401 = vector.broadcast %broadcast_in_dim3A_395 : vector<8x1xi32> to vector<8x8192xi32>
      %eq3A_402 = arith.cmpi eq, %iota3A, %eq3A_401 : vector<8x8192xi32>
      %jit3A_403 = arith.constant 0xFF800000 : f32
      %broadcast_in_dim3A_404 = vector.broadcast %jit3A_403 : f32 to vector<8x8192xf32>
      %select_n3A_405 = arith.select %eq3A_402, %get3A_3, %broadcast_in_dim3A_404 : vector<8x8192xi1>, vector<8x8192xf32>
      %reduce_max3A_406 = arith.constant dense<0xFF800000> : vector<8xf32>
      %reduce_max3A_407 = vector.multi_reduction <maximumf>, %select_n3A_405, %reduce_max3A_406 [1] : vector<8x8192xf32> to vector<8xf32>
      %broadcast_in_dim3A_408 = vector.shape_cast %reduce_max3A_407 : vector<8xf32> to vector<8x1xf32>
      %jit3A_409 = arith.constant 0xFF800000 : f32
      %broadcast_in_dim3A_410 = vector.broadcast %jit3A_409 : f32 to vector<8x8192xf32>
      %select_n3A_411 = arith.select %eq3A_402, %get3A_8, %broadcast_in_dim3A_410 : vector<8x8192xi1>, vector<8x8192xf32>
      %reduce_max3A_412 = arith.constant dense<0xFF800000> : vector<8xf32>
      %reduce_max3A_413 = vector.multi_reduction <maximumf>, %select_n3A_411, %reduce_max3A_412 [1] : vector<8x8192xf32> to vector<8xf32>
      %broadcast_in_dim3A_414 = vector.shape_cast %reduce_max3A_413 : vector<8xf32> to vector<8x1xf32>
      %jit3A_415 = arith.constant 0xFF800000 : f32
      %broadcast_in_dim3A_416 = vector.broadcast %jit3A_415 : f32 to vector<8x8192xf32>
      %select_n3A_417 = arith.select %eq3A_402, %get3A_13, %broadcast_in_dim3A_416 : vector<8x8192xi1>, vector<8x8192xf32>
      %reduce_max3A_418 = arith.constant dense<0xFF800000> : vector<8xf32>
      %reduce_max3A_419 = vector.multi_reduction <maximumf>, %select_n3A_417, %reduce_max3A_418 [1] : vector<8x8192xf32> to vector<8xf32>
      %broadcast_in_dim3A_420 = vector.shape_cast %reduce_max3A_419 : vector<8xf32> to vector<8x1xf32>
      scf.yield %broadcast_in_dim3A_408, %broadcast_in_dim3A_414, %broadcast_in_dim3A_420, %select_n3A_400 : vector<8x1xf32>, vector<8x1xf32>, vector<8x1xf32>, vector<8x128xi32>
    }
    %scan3A_323 = arith.constant 128 : i32
    %swap3A_324 = arith.constant 0 : index
    %swap3A_325 = arith.constant 3456 : index
    %swap3A_326 = vector.load %arg1[%swap3A_324, %swap3A_325] : memref<8x4096xi32, #tpu.memory_space<vmem>>, vector<8x128xi32>
    tpu.vector_store %arg1[%swap3A_324, %swap3A_325], %scan3A_322#3 {strides = array<i32>} : memref<8x4096xi32, #tpu.memory_space<vmem>>, vector<8x128xi32>,
    %broadcast_in_dim3A_327 = arith.constant 0 : i32
    %broadcast_in_dim3A_328 = vector.broadcast %broadcast_in_dim3A_327 : i32 to vector<8x128xi32>
    %scan3A_329 = arith.constant 0 : i32
    %scan3A_330 = arith.constant 128 : i32
    %scan3A_331 = arith.addi %scan3A_329, %scan3A_330 : i32
    %scan3A_332 = arith.constant 1 : i32
    %scan3A_333:4 = scf.for %scan3A_371 = %scan3A_329 to %scan3A_331 step %scan3A_332 iter_args(%scan3A_372 = %scan3A_322#0, %scan3A_373 = %scan3A_322#1, %scan3A_374 = %scan3A_322#2, %scan3A_375 = %broadcast_in_dim3A_328) -> (vector<8x1xf32>, vector<8x1xf32>, vector<8x1xf32>, vector<8x128xi32>)  : i32 {
      %sub3A = vector.broadcast %scan3A_372 : vector<8x1xf32> to vector<8x8192xf32>
      %sub3A_376 = arith.subf %get3A_3, %sub3A : vector<8x8192xf32>
      %sub3A_377 = vector.broadcast %scan3A_373 : vector<8x1xf32> to vector<8x8192xf32>
      %sub3A_378 = arith.subf %get3A_8, %sub3A_377 : vector<8x8192xf32>
      %sub3A_379 = vector.broadcast %scan3A_374 : vector<8x1xf32> to vector<8x8192xf32>
      %sub3A_380 = arith.subf %get3A_13, %sub3A_379 : vector<8x8192xf32>
      %mul3A = arith.mulf %sub3A_376, %sub3A_376 : vector<8x8192xf32>
      %mul3A_381 = arith.mulf %sub3A_380, %sub3A_380 : vector<8x8192xf32>
      %add3A = arith.addf %mul3A, %mul3A_381 : vector<8x8192xf32>
      %mul3A_382 = arith.mulf %sub3A_378, %sub3A_378 : vector<8x8192xf32>
      %add3A_383 = arith.addf %add3A, %mul3A_382 : vector<8x8192xf32>
      %get3A_384 = arith.constant 0 : index
      %get3A_385 = arith.constant 0 : index
      %get3A_386 = vector.load %arg2[%get3A_384, %get3A_385] : memref<8x8192xf32, #tpu.memory_space<vmem>>, vector<8x8192xf32>
      %min3A = arith.minimumf %get3A_386, %add3A_383 : vector<8x8192xf32>
      %swap3A_387 = arith.constant 0 : index
      %swap3A_388 = arith.constant 0 : index
      %swap3A_389 = vector.load %arg2[%swap3A_387, %swap3A_388] : memref<8x8192xf32, #tpu.memory_space<vmem>>, vector<8x8192xf32>
      tpu.vector_store %arg2[%swap3A_387, %swap3A_388], %min3A {strides = array<i32>} : memref<8x8192xf32, #tpu.memory_space<vmem>>, vector<8x8192xf32>,
      %reduce_max3A = arith.constant dense<0xFF800000> : vector<8xf32>
      %reduce_max3A_390 = vector.multi_reduction <maximumf>, %min3A, %reduce_max3A [1] : vector<8x8192xf32> to vector<8xf32>
      %broadcast_in_dim3A_391 = vector.shape_cast %reduce_max3A_390 : vector<8xf32> to vector<8x1xf32>
      %eq3A = vector.broadcast %broadcast_in_dim3A_391 : vector<8x1xf32> to vector<8x8192xf32>
      %eq3A_392 = arith.cmpf oeq, %min3A, %eq3A : vector<8x8192xf32>
      %jit3A = arith.constant 8192 : i32
      %broadcast_in_dim3A_393 = vector.broadcast %jit3A : i32 to vector<8x8192xi32>
      %select_n3A = arith.select %eq3A_392, %iota3A, %broadcast_in_dim3A_393 : vector<8x8192xi1>, vector<8x8192xi32>
      %reduce_min3A = arith.constant dense<2147483647> : vector<8xi32>
      %reduce_min3A_394 = vector.multi_reduction <minsi>, %select_n3A, %reduce_min3A [1] : vector<8x8192xi32> to vector<8xi32>
      %broadcast_in_dim3A_395 = vector.shape_cast %reduce_min3A_394 : vector<8xi32> to vector<8x1xi32>
      %eq3A_396 = vector.broadcast %scan3A_371 : i32 to vector<8x128xi32>
      %eq3A_397 = arith.cmpi eq, %iota3A_14, %eq3A_396 : vector<8x128xi32>
      %broadcast_in_dim3A_398 = vector.shape_cast %broadcast_in_dim3A_395 : vector<8x1xi32> to vector<8x1xi32>
      %broadcast_in_dim3A_399 = vector.broadcast %broadcast_in_dim3A_398 : vector<8x1xi32> to vector<8x128xi32>
      %select_n3A_400 = arith.select %eq3A_397, %broadcast_in_dim3A_399, %scan3A_375 : vector<8x128xi1>, vector<8x128xi32>
      %eq3A_401 = vector.broadcast %broadcast_in_dim3A_395 : vector<8x1xi32> to vector<8x8192xi32>
      %eq3A_402 = arith.cmpi eq, %iota3A, %eq3A_401 : vector<8x8192xi32>
      %jit3A_403 = arith.constant 0xFF800000 : f32
      %broadcast_in_dim3A_404 = vector.broadcast %jit3A_403 : f32 to vector<8x8192xf32>
      %select_n3A_405 = arith.select %eq3A_402, %get3A_3, %broadcast_in_dim3A_404 : vector<8x8192xi1>, vector<8x8192xf32>
      %reduce_max3A_406 = arith.constant dense<0xFF800000> : vector<8xf32>
      %reduce_max3A_407 = vector.multi_reduction <maximumf>, %select_n3A_405, %reduce_max3A_406 [1] : vector<8x8192xf32> to vector<8xf32>
      %broadcast_in_dim3A_408 = vector.shape_cast %reduce_max3A_407 : vector<8xf32> to vector<8x1xf32>
      %jit3A_409 = arith.constant 0xFF800000 : f32
      %broadcast_in_dim3A_410 = vector.broadcast %jit3A_409 : f32 to vector<8x8192xf32>
      %select_n3A_411 = arith.select %eq3A_402, %get3A_8, %broadcast_in_dim3A_410 : vector<8x8192xi1>, vector<8x8192xf32>
      %reduce_max3A_412 = arith.constant dense<0xFF800000> : vector<8xf32>
      %reduce_max3A_413 = vector.multi_reduction <maximumf>, %select_n3A_411, %reduce_max3A_412 [1] : vector<8x8192xf32> to vector<8xf32>
      %broadcast_in_dim3A_414 = vector.shape_cast %reduce_max3A_413 : vector<8xf32> to vector<8x1xf32>
      %jit3A_415 = arith.constant 0xFF800000 : f32
      %broadcast_in_dim3A_416 = vector.broadcast %jit3A_415 : f32 to vector<8x8192xf32>
      %select_n3A_417 = arith.select %eq3A_402, %get3A_13, %broadcast_in_dim3A_416 : vector<8x8192xi1>, vector<8x8192xf32>
      %reduce_max3A_418 = arith.constant dense<0xFF800000> : vector<8xf32>
      %reduce_max3A_419 = vector.multi_reduction <maximumf>, %select_n3A_417, %reduce_max3A_418 [1] : vector<8x8192xf32> to vector<8xf32>
      %broadcast_in_dim3A_420 = vector.shape_cast %reduce_max3A_419 : vector<8xf32> to vector<8x1xf32>
      scf.yield %broadcast_in_dim3A_408, %broadcast_in_dim3A_414, %broadcast_in_dim3A_420, %select_n3A_400 : vector<8x1xf32>, vector<8x1xf32>, vector<8x1xf32>, vector<8x128xi32>
    }
    %scan3A_334 = arith.constant 128 : i32
    %swap3A_335 = arith.constant 0 : index
    %swap3A_336 = arith.constant 3584 : index
    %swap3A_337 = vector.load %arg1[%swap3A_335, %swap3A_336] : memref<8x4096xi32, #tpu.memory_space<vmem>>, vector<8x128xi32>
    tpu.vector_store %arg1[%swap3A_335, %swap3A_336], %scan3A_333#3 {strides = array<i32>} : memref<8x4096xi32, #tpu.memory_space<vmem>>, vector<8x128xi32>,
    %broadcast_in_dim3A_338 = arith.constant 0 : i32
    %broadcast_in_dim3A_339 = vector.broadcast %broadcast_in_dim3A_338 : i32 to vector<8x128xi32>
    %scan3A_340 = arith.constant 0 : i32
    %scan3A_341 = arith.constant 128 : i32
    %scan3A_342 = arith.addi %scan3A_340, %scan3A_341 : i32
    %scan3A_343 = arith.constant 1 : i32
    %scan3A_344:4 = scf.for %scan3A_371 = %scan3A_340 to %scan3A_342 step %scan3A_343 iter_args(%scan3A_372 = %scan3A_333#0, %scan3A_373 = %scan3A_333#1, %scan3A_374 = %scan3A_333#2, %scan3A_375 = %broadcast_in_dim3A_339) -> (vector<8x1xf32>, vector<8x1xf32>, vector<8x1xf32>, vector<8x128xi32>)  : i32 {
      %sub3A = vector.broadcast %scan3A_372 : vector<8x1xf32> to vector<8x8192xf32>
      %sub3A_376 = arith.subf %get3A_3, %sub3A : vector<8x8192xf32>
      %sub3A_377 = vector.broadcast %scan3A_373 : vector<8x1xf32> to vector<8x8192xf32>
      %sub3A_378 = arith.subf %get3A_8, %sub3A_377 : vector<8x8192xf32>
      %sub3A_379 = vector.broadcast %scan3A_374 : vector<8x1xf32> to vector<8x8192xf32>
      %sub3A_380 = arith.subf %get3A_13, %sub3A_379 : vector<8x8192xf32>
      %mul3A = arith.mulf %sub3A_376, %sub3A_376 : vector<8x8192xf32>
      %mul3A_381 = arith.mulf %sub3A_380, %sub3A_380 : vector<8x8192xf32>
      %add3A = arith.addf %mul3A, %mul3A_381 : vector<8x8192xf32>
      %mul3A_382 = arith.mulf %sub3A_378, %sub3A_378 : vector<8x8192xf32>
      %add3A_383 = arith.addf %add3A, %mul3A_382 : vector<8x8192xf32>
      %get3A_384 = arith.constant 0 : index
      %get3A_385 = arith.constant 0 : index
      %get3A_386 = vector.load %arg2[%get3A_384, %get3A_385] : memref<8x8192xf32, #tpu.memory_space<vmem>>, vector<8x8192xf32>
      %min3A = arith.minimumf %get3A_386, %add3A_383 : vector<8x8192xf32>
      %swap3A_387 = arith.constant 0 : index
      %swap3A_388 = arith.constant 0 : index
      %swap3A_389 = vector.load %arg2[%swap3A_387, %swap3A_388] : memref<8x8192xf32, #tpu.memory_space<vmem>>, vector<8x8192xf32>
      tpu.vector_store %arg2[%swap3A_387, %swap3A_388], %min3A {strides = array<i32>} : memref<8x8192xf32, #tpu.memory_space<vmem>>, vector<8x8192xf32>,
      %reduce_max3A = arith.constant dense<0xFF800000> : vector<8xf32>
      %reduce_max3A_390 = vector.multi_reduction <maximumf>, %min3A, %reduce_max3A [1] : vector<8x8192xf32> to vector<8xf32>
      %broadcast_in_dim3A_391 = vector.shape_cast %reduce_max3A_390 : vector<8xf32> to vector<8x1xf32>
      %eq3A = vector.broadcast %broadcast_in_dim3A_391 : vector<8x1xf32> to vector<8x8192xf32>
      %eq3A_392 = arith.cmpf oeq, %min3A, %eq3A : vector<8x8192xf32>
      %jit3A = arith.constant 8192 : i32
      %broadcast_in_dim3A_393 = vector.broadcast %jit3A : i32 to vector<8x8192xi32>
      %select_n3A = arith.select %eq3A_392, %iota3A, %broadcast_in_dim3A_393 : vector<8x8192xi1>, vector<8x8192xi32>
      %reduce_min3A = arith.constant dense<2147483647> : vector<8xi32>
      %reduce_min3A_394 = vector.multi_reduction <minsi>, %select_n3A, %reduce_min3A [1] : vector<8x8192xi32> to vector<8xi32>
      %broadcast_in_dim3A_395 = vector.shape_cast %reduce_min3A_394 : vector<8xi32> to vector<8x1xi32>
      %eq3A_396 = vector.broadcast %scan3A_371 : i32 to vector<8x128xi32>
      %eq3A_397 = arith.cmpi eq, %iota3A_14, %eq3A_396 : vector<8x128xi32>
      %broadcast_in_dim3A_398 = vector.shape_cast %broadcast_in_dim3A_395 : vector<8x1xi32> to vector<8x1xi32>
      %broadcast_in_dim3A_399 = vector.broadcast %broadcast_in_dim3A_398 : vector<8x1xi32> to vector<8x128xi32>
      %select_n3A_400 = arith.select %eq3A_397, %broadcast_in_dim3A_399, %scan3A_375 : vector<8x128xi1>, vector<8x128xi32>
      %eq3A_401 = vector.broadcast %broadcast_in_dim3A_395 : vector<8x1xi32> to vector<8x8192xi32>
      %eq3A_402 = arith.cmpi eq, %iota3A, %eq3A_401 : vector<8x8192xi32>
      %jit3A_403 = arith.constant 0xFF800000 : f32
      %broadcast_in_dim3A_404 = vector.broadcast %jit3A_403 : f32 to vector<8x8192xf32>
      %select_n3A_405 = arith.select %eq3A_402, %get3A_3, %broadcast_in_dim3A_404 : vector<8x8192xi1>, vector<8x8192xf32>
      %reduce_max3A_406 = arith.constant dense<0xFF800000> : vector<8xf32>
      %reduce_max3A_407 = vector.multi_reduction <maximumf>, %select_n3A_405, %reduce_max3A_406 [1] : vector<8x8192xf32> to vector<8xf32>
      %broadcast_in_dim3A_408 = vector.shape_cast %reduce_max3A_407 : vector<8xf32> to vector<8x1xf32>
      %jit3A_409 = arith.constant 0xFF800000 : f32
      %broadcast_in_dim3A_410 = vector.broadcast %jit3A_409 : f32 to vector<8x8192xf32>
      %select_n3A_411 = arith.select %eq3A_402, %get3A_8, %broadcast_in_dim3A_410 : vector<8x8192xi1>, vector<8x8192xf32>
      %reduce_max3A_412 = arith.constant dense<0xFF800000> : vector<8xf32>
      %reduce_max3A_413 = vector.multi_reduction <maximumf>, %select_n3A_411, %reduce_max3A_412 [1] : vector<8x8192xf32> to vector<8xf32>
      %broadcast_in_dim3A_414 = vector.shape_cast %reduce_max3A_413 : vector<8xf32> to vector<8x1xf32>
      %jit3A_415 = arith.constant 0xFF800000 : f32
      %broadcast_in_dim3A_416 = vector.broadcast %jit3A_415 : f32 to vector<8x8192xf32>
      %select_n3A_417 = arith.select %eq3A_402, %get3A_13, %broadcast_in_dim3A_416 : vector<8x8192xi1>, vector<8x8192xf32>
      %reduce_max3A_418 = arith.constant dense<0xFF800000> : vector<8xf32>
      %reduce_max3A_419 = vector.multi_reduction <maximumf>, %select_n3A_417, %reduce_max3A_418 [1] : vector<8x8192xf32> to vector<8xf32>
      %broadcast_in_dim3A_420 = vector.shape_cast %reduce_max3A_419 : vector<8xf32> to vector<8x1xf32>
      scf.yield %broadcast_in_dim3A_408, %broadcast_in_dim3A_414, %broadcast_in_dim3A_420, %select_n3A_400 : vector<8x1xf32>, vector<8x1xf32>, vector<8x1xf32>, vector<8x128xi32>
    }
    %scan3A_345 = arith.constant 128 : i32
    %swap3A_346 = arith.constant 0 : index
    %swap3A_347 = arith.constant 3712 : index
    %swap3A_348 = vector.load %arg1[%swap3A_346, %swap3A_347] : memref<8x4096xi32, #tpu.memory_space<vmem>>, vector<8x128xi32>
    tpu.vector_store %arg1[%swap3A_346, %swap3A_347], %scan3A_344#3 {strides = array<i32>} : memref<8x4096xi32, #tpu.memory_space<vmem>>, vector<8x128xi32>,
    %broadcast_in_dim3A_349 = arith.constant 0 : i32
    %broadcast_in_dim3A_350 = vector.broadcast %broadcast_in_dim3A_349 : i32 to vector<8x128xi32>
    %scan3A_351 = arith.constant 0 : i32
    %scan3A_352 = arith.constant 128 : i32
    %scan3A_353 = arith.addi %scan3A_351, %scan3A_352 : i32
    %scan3A_354 = arith.constant 1 : i32
    %scan3A_355:4 = scf.for %scan3A_371 = %scan3A_351 to %scan3A_353 step %scan3A_354 iter_args(%scan3A_372 = %scan3A_344#0, %scan3A_373 = %scan3A_344#1, %scan3A_374 = %scan3A_344#2, %scan3A_375 = %broadcast_in_dim3A_350) -> (vector<8x1xf32>, vector<8x1xf32>, vector<8x1xf32>, vector<8x128xi32>)  : i32 {
      %sub3A = vector.broadcast %scan3A_372 : vector<8x1xf32> to vector<8x8192xf32>
      %sub3A_376 = arith.subf %get3A_3, %sub3A : vector<8x8192xf32>
      %sub3A_377 = vector.broadcast %scan3A_373 : vector<8x1xf32> to vector<8x8192xf32>
      %sub3A_378 = arith.subf %get3A_8, %sub3A_377 : vector<8x8192xf32>
      %sub3A_379 = vector.broadcast %scan3A_374 : vector<8x1xf32> to vector<8x8192xf32>
      %sub3A_380 = arith.subf %get3A_13, %sub3A_379 : vector<8x8192xf32>
      %mul3A = arith.mulf %sub3A_376, %sub3A_376 : vector<8x8192xf32>
      %mul3A_381 = arith.mulf %sub3A_380, %sub3A_380 : vector<8x8192xf32>
      %add3A = arith.addf %mul3A, %mul3A_381 : vector<8x8192xf32>
      %mul3A_382 = arith.mulf %sub3A_378, %sub3A_378 : vector<8x8192xf32>
      %add3A_383 = arith.addf %add3A, %mul3A_382 : vector<8x8192xf32>
      %get3A_384 = arith.constant 0 : index
      %get3A_385 = arith.constant 0 : index
      %get3A_386 = vector.load %arg2[%get3A_384, %get3A_385] : memref<8x8192xf32, #tpu.memory_space<vmem>>, vector<8x8192xf32>
      %min3A = arith.minimumf %get3A_386, %add3A_383 : vector<8x8192xf32>
      %swap3A_387 = arith.constant 0 : index
      %swap3A_388 = arith.constant 0 : index
      %swap3A_389 = vector.load %arg2[%swap3A_387, %swap3A_388] : memref<8x8192xf32, #tpu.memory_space<vmem>>, vector<8x8192xf32>
      tpu.vector_store %arg2[%swap3A_387, %swap3A_388], %min3A {strides = array<i32>} : memref<8x8192xf32, #tpu.memory_space<vmem>>, vector<8x8192xf32>,
      %reduce_max3A = arith.constant dense<0xFF800000> : vector<8xf32>
      %reduce_max3A_390 = vector.multi_reduction <maximumf>, %min3A, %reduce_max3A [1] : vector<8x8192xf32> to vector<8xf32>
      %broadcast_in_dim3A_391 = vector.shape_cast %reduce_max3A_390 : vector<8xf32> to vector<8x1xf32>
      %eq3A = vector.broadcast %broadcast_in_dim3A_391 : vector<8x1xf32> to vector<8x8192xf32>
      %eq3A_392 = arith.cmpf oeq, %min3A, %eq3A : vector<8x8192xf32>
      %jit3A = arith.constant 8192 : i32
      %broadcast_in_dim3A_393 = vector.broadcast %jit3A : i32 to vector<8x8192xi32>
      %select_n3A = arith.select %eq3A_392, %iota3A, %broadcast_in_dim3A_393 : vector<8x8192xi1>, vector<8x8192xi32>
      %reduce_min3A = arith.constant dense<2147483647> : vector<8xi32>
      %reduce_min3A_394 = vector.multi_reduction <minsi>, %select_n3A, %reduce_min3A [1] : vector<8x8192xi32> to vector<8xi32>
      %broadcast_in_dim3A_395 = vector.shape_cast %reduce_min3A_394 : vector<8xi32> to vector<8x1xi32>
      %eq3A_396 = vector.broadcast %scan3A_371 : i32 to vector<8x128xi32>
      %eq3A_397 = arith.cmpi eq, %iota3A_14, %eq3A_396 : vector<8x128xi32>
      %broadcast_in_dim3A_398 = vector.shape_cast %broadcast_in_dim3A_395 : vector<8x1xi32> to vector<8x1xi32>
      %broadcast_in_dim3A_399 = vector.broadcast %broadcast_in_dim3A_398 : vector<8x1xi32> to vector<8x128xi32>
      %select_n3A_400 = arith.select %eq3A_397, %broadcast_in_dim3A_399, %scan3A_375 : vector<8x128xi1>, vector<8x128xi32>
      %eq3A_401 = vector.broadcast %broadcast_in_dim3A_395 : vector<8x1xi32> to vector<8x8192xi32>
      %eq3A_402 = arith.cmpi eq, %iota3A, %eq3A_401 : vector<8x8192xi32>
      %jit3A_403 = arith.constant 0xFF800000 : f32
      %broadcast_in_dim3A_404 = vector.broadcast %jit3A_403 : f32 to vector<8x8192xf32>
      %select_n3A_405 = arith.select %eq3A_402, %get3A_3, %broadcast_in_dim3A_404 : vector<8x8192xi1>, vector<8x8192xf32>
      %reduce_max3A_406 = arith.constant dense<0xFF800000> : vector<8xf32>
      %reduce_max3A_407 = vector.multi_reduction <maximumf>, %select_n3A_405, %reduce_max3A_406 [1] : vector<8x8192xf32> to vector<8xf32>
      %broadcast_in_dim3A_408 = vector.shape_cast %reduce_max3A_407 : vector<8xf32> to vector<8x1xf32>
      %jit3A_409 = arith.constant 0xFF800000 : f32
      %broadcast_in_dim3A_410 = vector.broadcast %jit3A_409 : f32 to vector<8x8192xf32>
      %select_n3A_411 = arith.select %eq3A_402, %get3A_8, %broadcast_in_dim3A_410 : vector<8x8192xi1>, vector<8x8192xf32>
      %reduce_max3A_412 = arith.constant dense<0xFF800000> : vector<8xf32>
      %reduce_max3A_413 = vector.multi_reduction <maximumf>, %select_n3A_411, %reduce_max3A_412 [1] : vector<8x8192xf32> to vector<8xf32>
      %broadcast_in_dim3A_414 = vector.shape_cast %reduce_max3A_413 : vector<8xf32> to vector<8x1xf32>
      %jit3A_415 = arith.constant 0xFF800000 : f32
      %broadcast_in_dim3A_416 = vector.broadcast %jit3A_415 : f32 to vector<8x8192xf32>
      %select_n3A_417 = arith.select %eq3A_402, %get3A_13, %broadcast_in_dim3A_416 : vector<8x8192xi1>, vector<8x8192xf32>
      %reduce_max3A_418 = arith.constant dense<0xFF800000> : vector<8xf32>
      %reduce_max3A_419 = vector.multi_reduction <maximumf>, %select_n3A_417, %reduce_max3A_418 [1] : vector<8x8192xf32> to vector<8xf32>
      %broadcast_in_dim3A_420 = vector.shape_cast %reduce_max3A_419 : vector<8xf32> to vector<8x1xf32>
      scf.yield %broadcast_in_dim3A_408, %broadcast_in_dim3A_414, %broadcast_in_dim3A_420, %select_n3A_400 : vector<8x1xf32>, vector<8x1xf32>, vector<8x1xf32>, vector<8x128xi32>
    }
    %scan3A_356 = arith.constant 128 : i32
    %swap3A_357 = arith.constant 0 : index
    %swap3A_358 = arith.constant 3840 : index
    %swap3A_359 = vector.load %arg1[%swap3A_357, %swap3A_358] : memref<8x4096xi32, #tpu.memory_space<vmem>>, vector<8x128xi32>
    tpu.vector_store %arg1[%swap3A_357, %swap3A_358], %scan3A_355#3 {strides = array<i32>} : memref<8x4096xi32, #tpu.memory_space<vmem>>, vector<8x128xi32>,
    %broadcast_in_dim3A_360 = arith.constant 0 : i32
    %broadcast_in_dim3A_361 = vector.broadcast %broadcast_in_dim3A_360 : i32 to vector<8x128xi32>
    %scan3A_362 = arith.constant 0 : i32
    %scan3A_363 = arith.constant 128 : i32
    %scan3A_364 = arith.addi %scan3A_362, %scan3A_363 : i32
    %scan3A_365 = arith.constant 1 : i32
    %scan3A_366:4 = scf.for %scan3A_371 = %scan3A_362 to %scan3A_364 step %scan3A_365 iter_args(%scan3A_372 = %scan3A_355#0, %scan3A_373 = %scan3A_355#1, %scan3A_374 = %scan3A_355#2, %scan3A_375 = %broadcast_in_dim3A_361) -> (vector<8x1xf32>, vector<8x1xf32>, vector<8x1xf32>, vector<8x128xi32>)  : i32 {
      %sub3A = vector.broadcast %scan3A_372 : vector<8x1xf32> to vector<8x8192xf32>
      %sub3A_376 = arith.subf %get3A_3, %sub3A : vector<8x8192xf32>
      %sub3A_377 = vector.broadcast %scan3A_373 : vector<8x1xf32> to vector<8x8192xf32>
      %sub3A_378 = arith.subf %get3A_8, %sub3A_377 : vector<8x8192xf32>
      %sub3A_379 = vector.broadcast %scan3A_374 : vector<8x1xf32> to vector<8x8192xf32>
      %sub3A_380 = arith.subf %get3A_13, %sub3A_379 : vector<8x8192xf32>
      %mul3A = arith.mulf %sub3A_376, %sub3A_376 : vector<8x8192xf32>
      %mul3A_381 = arith.mulf %sub3A_380, %sub3A_380 : vector<8x8192xf32>
      %add3A = arith.addf %mul3A, %mul3A_381 : vector<8x8192xf32>
      %mul3A_382 = arith.mulf %sub3A_378, %sub3A_378 : vector<8x8192xf32>
      %add3A_383 = arith.addf %add3A, %mul3A_382 : vector<8x8192xf32>
      %get3A_384 = arith.constant 0 : index
      %get3A_385 = arith.constant 0 : index
      %get3A_386 = vector.load %arg2[%get3A_384, %get3A_385] : memref<8x8192xf32, #tpu.memory_space<vmem>>, vector<8x8192xf32>
      %min3A = arith.minimumf %get3A_386, %add3A_383 : vector<8x8192xf32>
      %swap3A_387 = arith.constant 0 : index
      %swap3A_388 = arith.constant 0 : index
      %swap3A_389 = vector.load %arg2[%swap3A_387, %swap3A_388] : memref<8x8192xf32, #tpu.memory_space<vmem>>, vector<8x8192xf32>
      tpu.vector_store %arg2[%swap3A_387, %swap3A_388], %min3A {strides = array<i32>} : memref<8x8192xf32, #tpu.memory_space<vmem>>, vector<8x8192xf32>,
      %reduce_max3A = arith.constant dense<0xFF800000> : vector<8xf32>
      %reduce_max3A_390 = vector.multi_reduction <maximumf>, %min3A, %reduce_max3A [1] : vector<8x8192xf32> to vector<8xf32>
      %broadcast_in_dim3A_391 = vector.shape_cast %reduce_max3A_390 : vector<8xf32> to vector<8x1xf32>
      %eq3A = vector.broadcast %broadcast_in_dim3A_391 : vector<8x1xf32> to vector<8x8192xf32>
      %eq3A_392 = arith.cmpf oeq, %min3A, %eq3A : vector<8x8192xf32>
      %jit3A = arith.constant 8192 : i32
      %broadcast_in_dim3A_393 = vector.broadcast %jit3A : i32 to vector<8x8192xi32>
      %select_n3A = arith.select %eq3A_392, %iota3A, %broadcast_in_dim3A_393 : vector<8x8192xi1>, vector<8x8192xi32>
      %reduce_min3A = arith.constant dense<2147483647> : vector<8xi32>
      %reduce_min3A_394 = vector.multi_reduction <minsi>, %select_n3A, %reduce_min3A [1] : vector<8x8192xi32> to vector<8xi32>
      %broadcast_in_dim3A_395 = vector.shape_cast %reduce_min3A_394 : vector<8xi32> to vector<8x1xi32>
      %eq3A_396 = vector.broadcast %scan3A_371 : i32 to vector<8x128xi32>
      %eq3A_397 = arith.cmpi eq, %iota3A_14, %eq3A_396 : vector<8x128xi32>
      %broadcast_in_dim3A_398 = vector.shape_cast %broadcast_in_dim3A_395 : vector<8x1xi32> to vector<8x1xi32>
      %broadcast_in_dim3A_399 = vector.broadcast %broadcast_in_dim3A_398 : vector<8x1xi32> to vector<8x128xi32>
      %select_n3A_400 = arith.select %eq3A_397, %broadcast_in_dim3A_399, %scan3A_375 : vector<8x128xi1>, vector<8x128xi32>
      %eq3A_401 = vector.broadcast %broadcast_in_dim3A_395 : vector<8x1xi32> to vector<8x8192xi32>
      %eq3A_402 = arith.cmpi eq, %iota3A, %eq3A_401 : vector<8x8192xi32>
      %jit3A_403 = arith.constant 0xFF800000 : f32
      %broadcast_in_dim3A_404 = vector.broadcast %jit3A_403 : f32 to vector<8x8192xf32>
      %select_n3A_405 = arith.select %eq3A_402, %get3A_3, %broadcast_in_dim3A_404 : vector<8x8192xi1>, vector<8x8192xf32>
      %reduce_max3A_406 = arith.constant dense<0xFF800000> : vector<8xf32>
      %reduce_max3A_407 = vector.multi_reduction <maximumf>, %select_n3A_405, %reduce_max3A_406 [1] : vector<8x8192xf32> to vector<8xf32>
      %broadcast_in_dim3A_408 = vector.shape_cast %reduce_max3A_407 : vector<8xf32> to vector<8x1xf32>
      %jit3A_409 = arith.constant 0xFF800000 : f32
      %broadcast_in_dim3A_410 = vector.broadcast %jit3A_409 : f32 to vector<8x8192xf32>
      %select_n3A_411 = arith.select %eq3A_402, %get3A_8, %broadcast_in_dim3A_410 : vector<8x8192xi1>, vector<8x8192xf32>
      %reduce_max3A_412 = arith.constant dense<0xFF800000> : vector<8xf32>
      %reduce_max3A_413 = vector.multi_reduction <maximumf>, %select_n3A_411, %reduce_max3A_412 [1] : vector<8x8192xf32> to vector<8xf32>
      %broadcast_in_dim3A_414 = vector.shape_cast %reduce_max3A_413 : vector<8xf32> to vector<8x1xf32>
      %jit3A_415 = arith.constant 0xFF800000 : f32
      %broadcast_in_dim3A_416 = vector.broadcast %jit3A_415 : f32 to vector<8x8192xf32>
      %select_n3A_417 = arith.select %eq3A_402, %get3A_13, %broadcast_in_dim3A_416 : vector<8x8192xi1>, vector<8x8192xf32>
      %reduce_max3A_418 = arith.constant dense<0xFF800000> : vector<8xf32>
      %reduce_max3A_419 = vector.multi_reduction <maximumf>, %select_n3A_417, %reduce_max3A_418 [1] : vector<8x8192xf32> to vector<8xf32>
      %broadcast_in_dim3A_420 = vector.shape_cast %reduce_max3A_419 : vector<8xf32> to vector<8x1xf32>
      scf.yield %broadcast_in_dim3A_408, %broadcast_in_dim3A_414, %broadcast_in_dim3A_420, %select_n3A_400 : vector<8x1xf32>, vector<8x1xf32>, vector<8x1xf32>, vector<8x128xi32>
    }
    %scan3A_367 = arith.constant 128 : i32
    %swap3A_368 = arith.constant 0 : index
    %swap3A_369 = arith.constant 3968 : index
    %swap3A_370 = vector.load %arg1[%swap3A_368, %swap3A_369] : memref<8x4096xi32, #tpu.memory_space<vmem>>, vector<8x128xi32>
    tpu.vector_store %arg1[%swap3A_368, %swap3A_369], %scan3A_366#3 {strides = array<i32>} : memref<8x4096xi32, #tpu.memory_space<vmem>>, vector<8x128xi32>,
    return
  }
}

module attributes {stable_mosaic.version = 14 : i64} {
  func.func @_conv_body(%arg0: i32, %arg1: i32, %arg2: memref<64x64xf32, #tpu.memory_space<vmem>>, %arg3: memref<64x1xf32, #tpu.memory_space<vmem>>, %arg4: memref<1x64x512xf32, #tpu.memory_space<vmem>>, %arg5: memref<1x512x128xf32, #tpu.memory_space<vmem>>) attributes {dimension_semantics = [#tpu.dimension_semantics<arbitrary>, #tpu.dimension_semantics<arbitrary>], iteration_bounds = array<i64: 8, 16>, scalar_prefetch = 0 : i64, scratch_operands = 0 : i64, tpu.core_type = #tpu.core_type<tc>, window_params = [{pipeline_mode = #tpu.pipeline_mode<synchronous>, transform_indices = @transform_0, window_bounds = array<i64: 64, 64>}, {pipeline_mode = #tpu.pipeline_mode<synchronous>, transform_indices = @transform_1, window_bounds = array<i64: 64, 1>}, {transform_indices = @transform_2, window_bounds = array<i64: 1, 64, 512>}, {transform_indices = @transform_3, window_bounds = array<i64: 1, 512, 128>}]} {
    %get3A = arith.constant 0 : index
    %get3A_0 = arith.constant 0 : index
    %get3A_1 = vector.load %arg2[%get3A, %get3A_0] : memref<64x64xf32, #tpu.memory_space<vmem>>, vector<64x64xf32>
    %get3A_2 = arith.constant 0 : index
    %get3A_3 = arith.constant 0 : index
    %get3A_4 = arith.constant 0 : index
    %get3A_5 = vector.load %arg4[%get3A_2, %get3A_3, %get3A_4] : memref<1x64x512xf32, #tpu.memory_space<vmem>>, vector<1x64x512xf32>
    %get3A_6 = vector.shape_cast %get3A_5 : vector<1x64x512xf32> to vector<64x512xf32>
    %dot_general3A = arith.constant dense<0.000000e+00> : vector<64x512xf32>
    %dot_general3A_7 = tpu.matmul %get3A_1, %get3A_6, %dot_general3A {dimension_numbers = #tpu.dot_dimension_numbers<[1], [0], [0], [1], [0, 0, 1, 1], [], []>, transpose_lhs_hint = false} : vector<64x64xf32>, vector<64x512xf32>, vector<64x512xf32> -> vector<64x512xf32>
    %get3A_8 = arith.constant 0 : index
    %get3A_9 = arith.constant 0 : index
    %get3A_10 = vector.load %arg3[%get3A_8, %get3A_9] : memref<64x1xf32, #tpu.memory_space<vmem>>, vector<64x1xf32>
    %add3A = vector.broadcast %get3A_10 : vector<64x1xf32> to vector<64x512xf32>
    %add3A_11 = arith.addf %dot_general3A_7, %add3A : vector<64x512xf32>
    %max3A = arith.constant 0.000000e+00 : f32
    %max3A_12 = vector.broadcast %max3A : f32 to vector<64x512xf32>
    %max3A_13 = arith.maximumf %add3A_11, %max3A_12 : vector<64x512xf32>
    %transpose3A = tpu.transpose %max3A_13, [1, 0] : vector<64x512xf32> -> vector<512x64xf32>
    %broadcast_in_dim3A = arith.constant 0.000000e+00 : f32
    %broadcast_in_dim3A_14 = vector.broadcast %broadcast_in_dim3A : f32 to vector<512x64xf32>
    %concatenate3A = tpu.concatenate %transpose3A, %broadcast_in_dim3A_14 in 1 : vector<512x64xf32>, vector<512x64xf32> -> vector<512x128xf32>
    %swap3A = arith.constant 0 : index
    %swap3A_15 = arith.constant 0 : index
    %swap3A_16 = arith.constant 0 : index
    %swap3A_17 = vector.load %arg5[%swap3A, %swap3A_15, %swap3A_16] : memref<1x512x128xf32, #tpu.memory_space<vmem>>, vector<1x512x128xf32>
    %swap3A_18 = vector.shape_cast %swap3A_17 : vector<1x512x128xf32> to vector<512x128xf32>
    %swap3A_19 = vector.shape_cast %concatenate3A : vector<512x128xf32> to vector<1x512x128xf32>
    tpu.vector_store %arg5[%swap3A, %swap3A_15, %swap3A_16], %swap3A_19 {strides = array<i32>} : memref<1x512x128xf32, #tpu.memory_space<vmem>>, vector<1x512x128xf32>,
    return
  }
  func.func @transform_0(%arg0: i32, %arg1: i32) -> (i32, i32) {
    %c0_i32 = arith.constant 0 : i32
    %c0_i32_0 = arith.constant 0 : i32
    %c0_i32_1 = arith.constant 0 : i32
    return %c0_i32, %c0_i32_0 : i32, i32
  }
  func.func @transform_1(%arg0: i32, %arg1: i32) -> (i32, i32) {
    %c0_i32 = arith.constant 0 : i32
    %c0_i32_0 = arith.constant 0 : i32
    %c0_i32_1 = arith.constant 0 : i32
    return %c0_i32, %c0_i32_0 : i32, i32
  }
  func.func @transform_2(%arg0: i32, %arg1: i32) -> (i32, i32, i32) {
    %c0_i32 = arith.constant 0 : i32
    %c0_i32_0 = arith.constant 0 : i32
    return %arg0, %c0_i32, %arg1 : i32, i32, i32
  }
  func.func @transform_3(%arg0: i32, %arg1: i32) -> (i32, i32, i32) {
    %c0_i32 = arith.constant 0 : i32
    %c0_i32_0 = arith.constant 0 : i32
    return %arg0, %arg1, %c0_i32 : i32, i32, i32
  }
}

module attributes {stable_mosaic.version = 14 : i64} {
  func.func @_knn_body(%arg0: i32, %arg1: i32, %arg2: memref<1x128x3xf32, #tpu.memory_space<vmem>>, %arg3: memref<1x3x8192xf32, #tpu.memory_space<vmem>>, %arg4: memref<1x128x16xi32, #tpu.memory_space<vmem>>) attributes {dimension_semantics = [#tpu.dimension_semantics<arbitrary>, #tpu.dimension_semantics<arbitrary>], iteration_bounds = array<i64: 8, 32>, scalar_prefetch = 0 : i64, scratch_operands = 0 : i64, tpu.core_type = #tpu.core_type<tc>, window_params = [{transform_indices = @transform_0, window_bounds = array<i64: 1, 128, 3>}, {transform_indices = @transform_1, window_bounds = array<i64: 1, 3, 8192>}, {transform_indices = @transform_2, window_bounds = array<i64: 1, 128, 16>}]} {
    %get3A = arith.constant 0 : index
    %get3A_0 = arith.constant 0 : index
    %get3A_1 = arith.constant 0 : index
    %get3A_2 = vector.load %arg2[%get3A, %get3A_0, %get3A_1] : memref<1x128x3xf32, #tpu.memory_space<vmem>>, vector<1x128x3xf32>
    %get3A_3 = vector.shape_cast %get3A_2 : vector<1x128x3xf32> to vector<128x3xf32>
    %get3A_4 = arith.constant 0 : index
    %get3A_5 = arith.constant 0 : index
    %get3A_6 = arith.constant 0 : index
    %get3A_7 = vector.load %arg3[%get3A_4, %get3A_5, %get3A_6] : memref<1x3x8192xf32, #tpu.memory_space<vmem>>, vector<1x3x8192xf32>
    %get3A_8 = vector.shape_cast %get3A_7 : vector<1x3x8192xf32> to vector<3x8192xf32>
    %slice3A = vector.extract_strided_slice %get3A_3 {offsets = [0, 0], sizes = [128, 1], strides = [1, 1]} : vector<128x3xf32> to vector<128x1xf32>
    %slice3A_9 = vector.extract_strided_slice %get3A_3 {offsets = [0, 1], sizes = [128, 1], strides = [1, 1]} : vector<128x3xf32> to vector<128x1xf32>
    %slice3A_10 = vector.extract_strided_slice %get3A_3 {offsets = [0, 2], sizes = [128, 1], strides = [1, 1]} : vector<128x3xf32> to vector<128x1xf32>
    %mul3A = arith.mulf %slice3A, %slice3A : vector<128x1xf32>
    %mul3A_11 = arith.mulf %slice3A_10, %slice3A_10 : vector<128x1xf32>
    %add3A = arith.addf %mul3A, %mul3A_11 : vector<128x1xf32>
    %mul3A_12 = arith.mulf %slice3A_9, %slice3A_9 : vector<128x1xf32>
    %add3A_13 = arith.addf %add3A, %mul3A_12 : vector<128x1xf32>
    %slice3A_14 = vector.extract_strided_slice %get3A_8 {offsets = [0, 0], sizes = [1, 8192], strides = [1, 1]} : vector<3x8192xf32> to vector<1x8192xf32>
    %slice3A_15 = vector.extract_strided_slice %get3A_8 {offsets = [1, 0], sizes = [1, 8192], strides = [1, 1]} : vector<3x8192xf32> to vector<1x8192xf32>
    %slice3A_16 = vector.extract_strided_slice %get3A_8 {offsets = [2, 0], sizes = [1, 8192], strides = [1, 1]} : vector<3x8192xf32> to vector<1x8192xf32>
    %mul3A_17 = arith.mulf %slice3A_14, %slice3A_14 : vector<1x8192xf32>
    %mul3A_18 = arith.mulf %slice3A_16, %slice3A_16 : vector<1x8192xf32>
    %add3A_19 = arith.addf %mul3A_17, %mul3A_18 : vector<1x8192xf32>
    %mul3A_20 = arith.mulf %slice3A_15, %slice3A_15 : vector<1x8192xf32>
    %add3A_21 = arith.addf %add3A_19, %mul3A_20 : vector<1x8192xf32>
    %dot_general3A = arith.constant dense<0.000000e+00> : vector<128x8192xf32>
    %dot_general3A_22 = tpu.matmul %get3A_3, %get3A_8, %dot_general3A {dimension_numbers = #tpu.dot_dimension_numbers<[1], [0], [0], [1], [0, 0, 1, 1], [], []>, transpose_lhs_hint = false} : vector<128x3xf32>, vector<3x8192xf32>, vector<128x8192xf32> -> vector<128x8192xf32>
    %add3A_23 = vector.broadcast %add3A_13 : vector<128x1xf32> to vector<128x8192xf32>
    %add3A_24 = vector.broadcast %add3A_21 : vector<1x8192xf32> to vector<128x8192xf32>
    %add3A_25 = arith.addf %add3A_23, %add3A_24 : vector<128x8192xf32>
    %mul3A_26 = arith.constant 2.000000e+00 : f32
    %mul3A_27 = vector.broadcast %mul3A_26 : f32 to vector<128x8192xf32>
    %mul3A_28 = arith.mulf %mul3A_27, %dot_general3A_22 : vector<128x8192xf32>
    %sub3A = arith.subf %add3A_25, %mul3A_28 : vector<128x8192xf32>
    %iota3A = tpu.iota {dimensions = array<i32: 1>} : vector<128x8192xi32>
    %iota3A_29 = tpu.iota {dimensions = array<i32: 1>} : vector<128x16xi32>
    %broadcast_in_dim3A = arith.constant 0 : i32
    %broadcast_in_dim3A_30 = vector.broadcast %broadcast_in_dim3A : i32 to vector<128x16xi32>
    %reduce_min3A = arith.constant dense<0x7F800000> : vector<128xf32>
    %reduce_min3A_31 = vector.multi_reduction <minimumf>, %sub3A, %reduce_min3A [1] : vector<128x8192xf32> to vector<128xf32>
    %broadcast_in_dim3A_32 = vector.shape_cast %reduce_min3A_31 : vector<128xf32> to vector<128x1xf32>
    %eq3A = vector.broadcast %broadcast_in_dim3A_32 : vector<128x1xf32> to vector<128x8192xf32>
    %eq3A_33 = arith.cmpf oeq, %sub3A, %eq3A : vector<128x8192xf32>
    %jit3A = arith.constant 8192 : i32
    %broadcast_in_dim3A_34 = vector.broadcast %jit3A : i32 to vector<128x8192xi32>
    %select_n3A = arith.select %eq3A_33, %iota3A, %broadcast_in_dim3A_34 : vector<128x8192xi1>, vector<128x8192xi32>
    %reduce_min3A_35 = arith.constant dense<2147483647> : vector<128xi32>
    %reduce_min3A_36 = vector.multi_reduction <minsi>, %select_n3A, %reduce_min3A_35 [1] : vector<128x8192xi32> to vector<128xi32>
    %broadcast_in_dim3A_37 = vector.shape_cast %reduce_min3A_36 : vector<128xi32> to vector<128x1xi32>
    %eq3A_38 = arith.constant 0 : i32
    %eq3A_39 = vector.broadcast %eq3A_38 : i32 to vector<128x16xi32>
    %eq3A_40 = arith.cmpi eq, %iota3A_29, %eq3A_39 : vector<128x16xi32>
    %broadcast_in_dim3A_41 = vector.shape_cast %broadcast_in_dim3A_37 : vector<128x1xi32> to vector<128x1xi32>
    %broadcast_in_dim3A_42 = vector.broadcast %broadcast_in_dim3A_41 : vector<128x1xi32> to vector<128x16xi32>
    %select_n3A_43 = arith.select %eq3A_40, %broadcast_in_dim3A_42, %broadcast_in_dim3A_30 : vector<128x16xi1>, vector<128x16xi32>
    %eq3A_44 = vector.broadcast %broadcast_in_dim3A_37 : vector<128x1xi32> to vector<128x8192xi32>
    %eq3A_45 = arith.cmpi eq, %iota3A, %eq3A_44 : vector<128x8192xi32>
    %jit3A_46 = arith.constant 0x7F800000 : f32
    %broadcast_in_dim3A_47 = vector.broadcast %jit3A_46 : f32 to vector<128x8192xf32>
    %select_n3A_48 = arith.select %eq3A_45, %broadcast_in_dim3A_47, %sub3A : vector<128x8192xi1>, vector<128x8192xf32>
    %reduce_min3A_49 = arith.constant dense<0x7F800000> : vector<128xf32>
    %reduce_min3A_50 = vector.multi_reduction <minimumf>, %select_n3A_48, %reduce_min3A_49 [1] : vector<128x8192xf32> to vector<128xf32>
    %broadcast_in_dim3A_51 = vector.shape_cast %reduce_min3A_50 : vector<128xf32> to vector<128x1xf32>
    %eq3A_52 = vector.broadcast %broadcast_in_dim3A_51 : vector<128x1xf32> to vector<128x8192xf32>
    %eq3A_53 = arith.cmpf oeq, %select_n3A_48, %eq3A_52 : vector<128x8192xf32>
    %jit3A_54 = arith.constant 8192 : i32
    %broadcast_in_dim3A_55 = vector.broadcast %jit3A_54 : i32 to vector<128x8192xi32>
    %select_n3A_56 = arith.select %eq3A_53, %iota3A, %broadcast_in_dim3A_55 : vector<128x8192xi1>, vector<128x8192xi32>
    %reduce_min3A_57 = arith.constant dense<2147483647> : vector<128xi32>
    %reduce_min3A_58 = vector.multi_reduction <minsi>, %select_n3A_56, %reduce_min3A_57 [1] : vector<128x8192xi32> to vector<128xi32>
    %broadcast_in_dim3A_59 = vector.shape_cast %reduce_min3A_58 : vector<128xi32> to vector<128x1xi32>
    %eq3A_60 = arith.constant 1 : i32
    %eq3A_61 = vector.broadcast %eq3A_60 : i32 to vector<128x16xi32>
    %eq3A_62 = arith.cmpi eq, %iota3A_29, %eq3A_61 : vector<128x16xi32>
    %broadcast_in_dim3A_63 = vector.shape_cast %broadcast_in_dim3A_59 : vector<128x1xi32> to vector<128x1xi32>
    %broadcast_in_dim3A_64 = vector.broadcast %broadcast_in_dim3A_63 : vector<128x1xi32> to vector<128x16xi32>
    %select_n3A_65 = arith.select %eq3A_62, %broadcast_in_dim3A_64, %select_n3A_43 : vector<128x16xi1>, vector<128x16xi32>
    %eq3A_66 = vector.broadcast %broadcast_in_dim3A_59 : vector<128x1xi32> to vector<128x8192xi32>
    %eq3A_67 = arith.cmpi eq, %iota3A, %eq3A_66 : vector<128x8192xi32>
    %jit3A_68 = arith.constant 0x7F800000 : f32
    %broadcast_in_dim3A_69 = vector.broadcast %jit3A_68 : f32 to vector<128x8192xf32>
    %select_n3A_70 = arith.select %eq3A_67, %broadcast_in_dim3A_69, %select_n3A_48 : vector<128x8192xi1>, vector<128x8192xf32>
    %reduce_min3A_71 = arith.constant dense<0x7F800000> : vector<128xf32>
    %reduce_min3A_72 = vector.multi_reduction <minimumf>, %select_n3A_70, %reduce_min3A_71 [1] : vector<128x8192xf32> to vector<128xf32>
    %broadcast_in_dim3A_73 = vector.shape_cast %reduce_min3A_72 : vector<128xf32> to vector<128x1xf32>
    %eq3A_74 = vector.broadcast %broadcast_in_dim3A_73 : vector<128x1xf32> to vector<128x8192xf32>
    %eq3A_75 = arith.cmpf oeq, %select_n3A_70, %eq3A_74 : vector<128x8192xf32>
    %jit3A_76 = arith.constant 8192 : i32
    %broadcast_in_dim3A_77 = vector.broadcast %jit3A_76 : i32 to vector<128x8192xi32>
    %select_n3A_78 = arith.select %eq3A_75, %iota3A, %broadcast_in_dim3A_77 : vector<128x8192xi1>, vector<128x8192xi32>
    %reduce_min3A_79 = arith.constant dense<2147483647> : vector<128xi32>
    %reduce_min3A_80 = vector.multi_reduction <minsi>, %select_n3A_78, %reduce_min3A_79 [1] : vector<128x8192xi32> to vector<128xi32>
    %broadcast_in_dim3A_81 = vector.shape_cast %reduce_min3A_80 : vector<128xi32> to vector<128x1xi32>
    %eq3A_82 = arith.constant 2 : i32
    %eq3A_83 = vector.broadcast %eq3A_82 : i32 to vector<128x16xi32>
    %eq3A_84 = arith.cmpi eq, %iota3A_29, %eq3A_83 : vector<128x16xi32>
    %broadcast_in_dim3A_85 = vector.shape_cast %broadcast_in_dim3A_81 : vector<128x1xi32> to vector<128x1xi32>
    %broadcast_in_dim3A_86 = vector.broadcast %broadcast_in_dim3A_85 : vector<128x1xi32> to vector<128x16xi32>
    %select_n3A_87 = arith.select %eq3A_84, %broadcast_in_dim3A_86, %select_n3A_65 : vector<128x16xi1>, vector<128x16xi32>
    %eq3A_88 = vector.broadcast %broadcast_in_dim3A_81 : vector<128x1xi32> to vector<128x8192xi32>
    %eq3A_89 = arith.cmpi eq, %iota3A, %eq3A_88 : vector<128x8192xi32>
    %jit3A_90 = arith.constant 0x7F800000 : f32
    %broadcast_in_dim3A_91 = vector.broadcast %jit3A_90 : f32 to vector<128x8192xf32>
    %select_n3A_92 = arith.select %eq3A_89, %broadcast_in_dim3A_91, %select_n3A_70 : vector<128x8192xi1>, vector<128x8192xf32>
    %reduce_min3A_93 = arith.constant dense<0x7F800000> : vector<128xf32>
    %reduce_min3A_94 = vector.multi_reduction <minimumf>, %select_n3A_92, %reduce_min3A_93 [1] : vector<128x8192xf32> to vector<128xf32>
    %broadcast_in_dim3A_95 = vector.shape_cast %reduce_min3A_94 : vector<128xf32> to vector<128x1xf32>
    %eq3A_96 = vector.broadcast %broadcast_in_dim3A_95 : vector<128x1xf32> to vector<128x8192xf32>
    %eq3A_97 = arith.cmpf oeq, %select_n3A_92, %eq3A_96 : vector<128x8192xf32>
    %jit3A_98 = arith.constant 8192 : i32
    %broadcast_in_dim3A_99 = vector.broadcast %jit3A_98 : i32 to vector<128x8192xi32>
    %select_n3A_100 = arith.select %eq3A_97, %iota3A, %broadcast_in_dim3A_99 : vector<128x8192xi1>, vector<128x8192xi32>
    %reduce_min3A_101 = arith.constant dense<2147483647> : vector<128xi32>
    %reduce_min3A_102 = vector.multi_reduction <minsi>, %select_n3A_100, %reduce_min3A_101 [1] : vector<128x8192xi32> to vector<128xi32>
    %broadcast_in_dim3A_103 = vector.shape_cast %reduce_min3A_102 : vector<128xi32> to vector<128x1xi32>
    %eq3A_104 = arith.constant 3 : i32
    %eq3A_105 = vector.broadcast %eq3A_104 : i32 to vector<128x16xi32>
    %eq3A_106 = arith.cmpi eq, %iota3A_29, %eq3A_105 : vector<128x16xi32>
    %broadcast_in_dim3A_107 = vector.shape_cast %broadcast_in_dim3A_103 : vector<128x1xi32> to vector<128x1xi32>
    %broadcast_in_dim3A_108 = vector.broadcast %broadcast_in_dim3A_107 : vector<128x1xi32> to vector<128x16xi32>
    %select_n3A_109 = arith.select %eq3A_106, %broadcast_in_dim3A_108, %select_n3A_87 : vector<128x16xi1>, vector<128x16xi32>
    %eq3A_110 = vector.broadcast %broadcast_in_dim3A_103 : vector<128x1xi32> to vector<128x8192xi32>
    %eq3A_111 = arith.cmpi eq, %iota3A, %eq3A_110 : vector<128x8192xi32>
    %jit3A_112 = arith.constant 0x7F800000 : f32
    %broadcast_in_dim3A_113 = vector.broadcast %jit3A_112 : f32 to vector<128x8192xf32>
    %select_n3A_114 = arith.select %eq3A_111, %broadcast_in_dim3A_113, %select_n3A_92 : vector<128x8192xi1>, vector<128x8192xf32>
    %reduce_min3A_115 = arith.constant dense<0x7F800000> : vector<128xf32>
    %reduce_min3A_116 = vector.multi_reduction <minimumf>, %select_n3A_114, %reduce_min3A_115 [1] : vector<128x8192xf32> to vector<128xf32>
    %broadcast_in_dim3A_117 = vector.shape_cast %reduce_min3A_116 : vector<128xf32> to vector<128x1xf32>
    %eq3A_118 = vector.broadcast %broadcast_in_dim3A_117 : vector<128x1xf32> to vector<128x8192xf32>
    %eq3A_119 = arith.cmpf oeq, %select_n3A_114, %eq3A_118 : vector<128x8192xf32>
    %jit3A_120 = arith.constant 8192 : i32
    %broadcast_in_dim3A_121 = vector.broadcast %jit3A_120 : i32 to vector<128x8192xi32>
    %select_n3A_122 = arith.select %eq3A_119, %iota3A, %broadcast_in_dim3A_121 : vector<128x8192xi1>, vector<128x8192xi32>
    %reduce_min3A_123 = arith.constant dense<2147483647> : vector<128xi32>
    %reduce_min3A_124 = vector.multi_reduction <minsi>, %select_n3A_122, %reduce_min3A_123 [1] : vector<128x8192xi32> to vector<128xi32>
    %broadcast_in_dim3A_125 = vector.shape_cast %reduce_min3A_124 : vector<128xi32> to vector<128x1xi32>
    %eq3A_126 = arith.constant 4 : i32
    %eq3A_127 = vector.broadcast %eq3A_126 : i32 to vector<128x16xi32>
    %eq3A_128 = arith.cmpi eq, %iota3A_29, %eq3A_127 : vector<128x16xi32>
    %broadcast_in_dim3A_129 = vector.shape_cast %broadcast_in_dim3A_125 : vector<128x1xi32> to vector<128x1xi32>
    %broadcast_in_dim3A_130 = vector.broadcast %broadcast_in_dim3A_129 : vector<128x1xi32> to vector<128x16xi32>
    %select_n3A_131 = arith.select %eq3A_128, %broadcast_in_dim3A_130, %select_n3A_109 : vector<128x16xi1>, vector<128x16xi32>
    %eq3A_132 = vector.broadcast %broadcast_in_dim3A_125 : vector<128x1xi32> to vector<128x8192xi32>
    %eq3A_133 = arith.cmpi eq, %iota3A, %eq3A_132 : vector<128x8192xi32>
    %jit3A_134 = arith.constant 0x7F800000 : f32
    %broadcast_in_dim3A_135 = vector.broadcast %jit3A_134 : f32 to vector<128x8192xf32>
    %select_n3A_136 = arith.select %eq3A_133, %broadcast_in_dim3A_135, %select_n3A_114 : vector<128x8192xi1>, vector<128x8192xf32>
    %reduce_min3A_137 = arith.constant dense<0x7F800000> : vector<128xf32>
    %reduce_min3A_138 = vector.multi_reduction <minimumf>, %select_n3A_136, %reduce_min3A_137 [1] : vector<128x8192xf32> to vector<128xf32>
    %broadcast_in_dim3A_139 = vector.shape_cast %reduce_min3A_138 : vector<128xf32> to vector<128x1xf32>
    %eq3A_140 = vector.broadcast %broadcast_in_dim3A_139 : vector<128x1xf32> to vector<128x8192xf32>
    %eq3A_141 = arith.cmpf oeq, %select_n3A_136, %eq3A_140 : vector<128x8192xf32>
    %jit3A_142 = arith.constant 8192 : i32
    %broadcast_in_dim3A_143 = vector.broadcast %jit3A_142 : i32 to vector<128x8192xi32>
    %select_n3A_144 = arith.select %eq3A_141, %iota3A, %broadcast_in_dim3A_143 : vector<128x8192xi1>, vector<128x8192xi32>
    %reduce_min3A_145 = arith.constant dense<2147483647> : vector<128xi32>
    %reduce_min3A_146 = vector.multi_reduction <minsi>, %select_n3A_144, %reduce_min3A_145 [1] : vector<128x8192xi32> to vector<128xi32>
    %broadcast_in_dim3A_147 = vector.shape_cast %reduce_min3A_146 : vector<128xi32> to vector<128x1xi32>
    %eq3A_148 = arith.constant 5 : i32
    %eq3A_149 = vector.broadcast %eq3A_148 : i32 to vector<128x16xi32>
    %eq3A_150 = arith.cmpi eq, %iota3A_29, %eq3A_149 : vector<128x16xi32>
    %broadcast_in_dim3A_151 = vector.shape_cast %broadcast_in_dim3A_147 : vector<128x1xi32> to vector<128x1xi32>
    %broadcast_in_dim3A_152 = vector.broadcast %broadcast_in_dim3A_151 : vector<128x1xi32> to vector<128x16xi32>
    %select_n3A_153 = arith.select %eq3A_150, %broadcast_in_dim3A_152, %select_n3A_131 : vector<128x16xi1>, vector<128x16xi32>
    %eq3A_154 = vector.broadcast %broadcast_in_dim3A_147 : vector<128x1xi32> to vector<128x8192xi32>
    %eq3A_155 = arith.cmpi eq, %iota3A, %eq3A_154 : vector<128x8192xi32>
    %jit3A_156 = arith.constant 0x7F800000 : f32
    %broadcast_in_dim3A_157 = vector.broadcast %jit3A_156 : f32 to vector<128x8192xf32>
    %select_n3A_158 = arith.select %eq3A_155, %broadcast_in_dim3A_157, %select_n3A_136 : vector<128x8192xi1>, vector<128x8192xf32>
    %reduce_min3A_159 = arith.constant dense<0x7F800000> : vector<128xf32>
    %reduce_min3A_160 = vector.multi_reduction <minimumf>, %select_n3A_158, %reduce_min3A_159 [1] : vector<128x8192xf32> to vector<128xf32>
    %broadcast_in_dim3A_161 = vector.shape_cast %reduce_min3A_160 : vector<128xf32> to vector<128x1xf32>
    %eq3A_162 = vector.broadcast %broadcast_in_dim3A_161 : vector<128x1xf32> to vector<128x8192xf32>
    %eq3A_163 = arith.cmpf oeq, %select_n3A_158, %eq3A_162 : vector<128x8192xf32>
    %jit3A_164 = arith.constant 8192 : i32
    %broadcast_in_dim3A_165 = vector.broadcast %jit3A_164 : i32 to vector<128x8192xi32>
    %select_n3A_166 = arith.select %eq3A_163, %iota3A, %broadcast_in_dim3A_165 : vector<128x8192xi1>, vector<128x8192xi32>
    %reduce_min3A_167 = arith.constant dense<2147483647> : vector<128xi32>
    %reduce_min3A_168 = vector.multi_reduction <minsi>, %select_n3A_166, %reduce_min3A_167 [1] : vector<128x8192xi32> to vector<128xi32>
    %broadcast_in_dim3A_169 = vector.shape_cast %reduce_min3A_168 : vector<128xi32> to vector<128x1xi32>
    %eq3A_170 = arith.constant 6 : i32
    %eq3A_171 = vector.broadcast %eq3A_170 : i32 to vector<128x16xi32>
    %eq3A_172 = arith.cmpi eq, %iota3A_29, %eq3A_171 : vector<128x16xi32>
    %broadcast_in_dim3A_173 = vector.shape_cast %broadcast_in_dim3A_169 : vector<128x1xi32> to vector<128x1xi32>
    %broadcast_in_dim3A_174 = vector.broadcast %broadcast_in_dim3A_173 : vector<128x1xi32> to vector<128x16xi32>
    %select_n3A_175 = arith.select %eq3A_172, %broadcast_in_dim3A_174, %select_n3A_153 : vector<128x16xi1>, vector<128x16xi32>
    %eq3A_176 = vector.broadcast %broadcast_in_dim3A_169 : vector<128x1xi32> to vector<128x8192xi32>
    %eq3A_177 = arith.cmpi eq, %iota3A, %eq3A_176 : vector<128x8192xi32>
    %jit3A_178 = arith.constant 0x7F800000 : f32
    %broadcast_in_dim3A_179 = vector.broadcast %jit3A_178 : f32 to vector<128x8192xf32>
    %select_n3A_180 = arith.select %eq3A_177, %broadcast_in_dim3A_179, %select_n3A_158 : vector<128x8192xi1>, vector<128x8192xf32>
    %reduce_min3A_181 = arith.constant dense<0x7F800000> : vector<128xf32>
    %reduce_min3A_182 = vector.multi_reduction <minimumf>, %select_n3A_180, %reduce_min3A_181 [1] : vector<128x8192xf32> to vector<128xf32>
    %broadcast_in_dim3A_183 = vector.shape_cast %reduce_min3A_182 : vector<128xf32> to vector<128x1xf32>
    %eq3A_184 = vector.broadcast %broadcast_in_dim3A_183 : vector<128x1xf32> to vector<128x8192xf32>
    %eq3A_185 = arith.cmpf oeq, %select_n3A_180, %eq3A_184 : vector<128x8192xf32>
    %jit3A_186 = arith.constant 8192 : i32
    %broadcast_in_dim3A_187 = vector.broadcast %jit3A_186 : i32 to vector<128x8192xi32>
    %select_n3A_188 = arith.select %eq3A_185, %iota3A, %broadcast_in_dim3A_187 : vector<128x8192xi1>, vector<128x8192xi32>
    %reduce_min3A_189 = arith.constant dense<2147483647> : vector<128xi32>
    %reduce_min3A_190 = vector.multi_reduction <minsi>, %select_n3A_188, %reduce_min3A_189 [1] : vector<128x8192xi32> to vector<128xi32>
    %broadcast_in_dim3A_191 = vector.shape_cast %reduce_min3A_190 : vector<128xi32> to vector<128x1xi32>
    %eq3A_192 = arith.constant 7 : i32
    %eq3A_193 = vector.broadcast %eq3A_192 : i32 to vector<128x16xi32>
    %eq3A_194 = arith.cmpi eq, %iota3A_29, %eq3A_193 : vector<128x16xi32>
    %broadcast_in_dim3A_195 = vector.shape_cast %broadcast_in_dim3A_191 : vector<128x1xi32> to vector<128x1xi32>
    %broadcast_in_dim3A_196 = vector.broadcast %broadcast_in_dim3A_195 : vector<128x1xi32> to vector<128x16xi32>
    %select_n3A_197 = arith.select %eq3A_194, %broadcast_in_dim3A_196, %select_n3A_175 : vector<128x16xi1>, vector<128x16xi32>
    %eq3A_198 = vector.broadcast %broadcast_in_dim3A_191 : vector<128x1xi32> to vector<128x8192xi32>
    %eq3A_199 = arith.cmpi eq, %iota3A, %eq3A_198 : vector<128x8192xi32>
    %jit3A_200 = arith.constant 0x7F800000 : f32
    %broadcast_in_dim3A_201 = vector.broadcast %jit3A_200 : f32 to vector<128x8192xf32>
    %select_n3A_202 = arith.select %eq3A_199, %broadcast_in_dim3A_201, %select_n3A_180 : vector<128x8192xi1>, vector<128x8192xf32>
    %reduce_min3A_203 = arith.constant dense<0x7F800000> : vector<128xf32>
    %reduce_min3A_204 = vector.multi_reduction <minimumf>, %select_n3A_202, %reduce_min3A_203 [1] : vector<128x8192xf32> to vector<128xf32>
    %broadcast_in_dim3A_205 = vector.shape_cast %reduce_min3A_204 : vector<128xf32> to vector<128x1xf32>
    %eq3A_206 = vector.broadcast %broadcast_in_dim3A_205 : vector<128x1xf32> to vector<128x8192xf32>
    %eq3A_207 = arith.cmpf oeq, %select_n3A_202, %eq3A_206 : vector<128x8192xf32>
    %jit3A_208 = arith.constant 8192 : i32
    %broadcast_in_dim3A_209 = vector.broadcast %jit3A_208 : i32 to vector<128x8192xi32>
    %select_n3A_210 = arith.select %eq3A_207, %iota3A, %broadcast_in_dim3A_209 : vector<128x8192xi1>, vector<128x8192xi32>
    %reduce_min3A_211 = arith.constant dense<2147483647> : vector<128xi32>
    %reduce_min3A_212 = vector.multi_reduction <minsi>, %select_n3A_210, %reduce_min3A_211 [1] : vector<128x8192xi32> to vector<128xi32>
    %broadcast_in_dim3A_213 = vector.shape_cast %reduce_min3A_212 : vector<128xi32> to vector<128x1xi32>
    %eq3A_214 = arith.constant 8 : i32
    %eq3A_215 = vector.broadcast %eq3A_214 : i32 to vector<128x16xi32>
    %eq3A_216 = arith.cmpi eq, %iota3A_29, %eq3A_215 : vector<128x16xi32>
    %broadcast_in_dim3A_217 = vector.shape_cast %broadcast_in_dim3A_213 : vector<128x1xi32> to vector<128x1xi32>
    %broadcast_in_dim3A_218 = vector.broadcast %broadcast_in_dim3A_217 : vector<128x1xi32> to vector<128x16xi32>
    %select_n3A_219 = arith.select %eq3A_216, %broadcast_in_dim3A_218, %select_n3A_197 : vector<128x16xi1>, vector<128x16xi32>
    %eq3A_220 = vector.broadcast %broadcast_in_dim3A_213 : vector<128x1xi32> to vector<128x8192xi32>
    %eq3A_221 = arith.cmpi eq, %iota3A, %eq3A_220 : vector<128x8192xi32>
    %jit3A_222 = arith.constant 0x7F800000 : f32
    %broadcast_in_dim3A_223 = vector.broadcast %jit3A_222 : f32 to vector<128x8192xf32>
    %select_n3A_224 = arith.select %eq3A_221, %broadcast_in_dim3A_223, %select_n3A_202 : vector<128x8192xi1>, vector<128x8192xf32>
    %reduce_min3A_225 = arith.constant dense<0x7F800000> : vector<128xf32>
    %reduce_min3A_226 = vector.multi_reduction <minimumf>, %select_n3A_224, %reduce_min3A_225 [1] : vector<128x8192xf32> to vector<128xf32>
    %broadcast_in_dim3A_227 = vector.shape_cast %reduce_min3A_226 : vector<128xf32> to vector<128x1xf32>
    %eq3A_228 = vector.broadcast %broadcast_in_dim3A_227 : vector<128x1xf32> to vector<128x8192xf32>
    %eq3A_229 = arith.cmpf oeq, %select_n3A_224, %eq3A_228 : vector<128x8192xf32>
    %jit3A_230 = arith.constant 8192 : i32
    %broadcast_in_dim3A_231 = vector.broadcast %jit3A_230 : i32 to vector<128x8192xi32>
    %select_n3A_232 = arith.select %eq3A_229, %iota3A, %broadcast_in_dim3A_231 : vector<128x8192xi1>, vector<128x8192xi32>
    %reduce_min3A_233 = arith.constant dense<2147483647> : vector<128xi32>
    %reduce_min3A_234 = vector.multi_reduction <minsi>, %select_n3A_232, %reduce_min3A_233 [1] : vector<128x8192xi32> to vector<128xi32>
    %broadcast_in_dim3A_235 = vector.shape_cast %reduce_min3A_234 : vector<128xi32> to vector<128x1xi32>
    %eq3A_236 = arith.constant 9 : i32
    %eq3A_237 = vector.broadcast %eq3A_236 : i32 to vector<128x16xi32>
    %eq3A_238 = arith.cmpi eq, %iota3A_29, %eq3A_237 : vector<128x16xi32>
    %broadcast_in_dim3A_239 = vector.shape_cast %broadcast_in_dim3A_235 : vector<128x1xi32> to vector<128x1xi32>
    %broadcast_in_dim3A_240 = vector.broadcast %broadcast_in_dim3A_239 : vector<128x1xi32> to vector<128x16xi32>
    %select_n3A_241 = arith.select %eq3A_238, %broadcast_in_dim3A_240, %select_n3A_219 : vector<128x16xi1>, vector<128x16xi32>
    %eq3A_242 = vector.broadcast %broadcast_in_dim3A_235 : vector<128x1xi32> to vector<128x8192xi32>
    %eq3A_243 = arith.cmpi eq, %iota3A, %eq3A_242 : vector<128x8192xi32>
    %jit3A_244 = arith.constant 0x7F800000 : f32
    %broadcast_in_dim3A_245 = vector.broadcast %jit3A_244 : f32 to vector<128x8192xf32>
    %select_n3A_246 = arith.select %eq3A_243, %broadcast_in_dim3A_245, %select_n3A_224 : vector<128x8192xi1>, vector<128x8192xf32>
    %reduce_min3A_247 = arith.constant dense<0x7F800000> : vector<128xf32>
    %reduce_min3A_248 = vector.multi_reduction <minimumf>, %select_n3A_246, %reduce_min3A_247 [1] : vector<128x8192xf32> to vector<128xf32>
    %broadcast_in_dim3A_249 = vector.shape_cast %reduce_min3A_248 : vector<128xf32> to vector<128x1xf32>
    %eq3A_250 = vector.broadcast %broadcast_in_dim3A_249 : vector<128x1xf32> to vector<128x8192xf32>
    %eq3A_251 = arith.cmpf oeq, %select_n3A_246, %eq3A_250 : vector<128x8192xf32>
    %jit3A_252 = arith.constant 8192 : i32
    %broadcast_in_dim3A_253 = vector.broadcast %jit3A_252 : i32 to vector<128x8192xi32>
    %select_n3A_254 = arith.select %eq3A_251, %iota3A, %broadcast_in_dim3A_253 : vector<128x8192xi1>, vector<128x8192xi32>
    %reduce_min3A_255 = arith.constant dense<2147483647> : vector<128xi32>
    %reduce_min3A_256 = vector.multi_reduction <minsi>, %select_n3A_254, %reduce_min3A_255 [1] : vector<128x8192xi32> to vector<128xi32>
    %broadcast_in_dim3A_257 = vector.shape_cast %reduce_min3A_256 : vector<128xi32> to vector<128x1xi32>
    %eq3A_258 = arith.constant 10 : i32
    %eq3A_259 = vector.broadcast %eq3A_258 : i32 to vector<128x16xi32>
    %eq3A_260 = arith.cmpi eq, %iota3A_29, %eq3A_259 : vector<128x16xi32>
    %broadcast_in_dim3A_261 = vector.shape_cast %broadcast_in_dim3A_257 : vector<128x1xi32> to vector<128x1xi32>
    %broadcast_in_dim3A_262 = vector.broadcast %broadcast_in_dim3A_261 : vector<128x1xi32> to vector<128x16xi32>
    %select_n3A_263 = arith.select %eq3A_260, %broadcast_in_dim3A_262, %select_n3A_241 : vector<128x16xi1>, vector<128x16xi32>
    %eq3A_264 = vector.broadcast %broadcast_in_dim3A_257 : vector<128x1xi32> to vector<128x8192xi32>
    %eq3A_265 = arith.cmpi eq, %iota3A, %eq3A_264 : vector<128x8192xi32>
    %jit3A_266 = arith.constant 0x7F800000 : f32
    %broadcast_in_dim3A_267 = vector.broadcast %jit3A_266 : f32 to vector<128x8192xf32>
    %select_n3A_268 = arith.select %eq3A_265, %broadcast_in_dim3A_267, %select_n3A_246 : vector<128x8192xi1>, vector<128x8192xf32>
    %reduce_min3A_269 = arith.constant dense<0x7F800000> : vector<128xf32>
    %reduce_min3A_270 = vector.multi_reduction <minimumf>, %select_n3A_268, %reduce_min3A_269 [1] : vector<128x8192xf32> to vector<128xf32>
    %broadcast_in_dim3A_271 = vector.shape_cast %reduce_min3A_270 : vector<128xf32> to vector<128x1xf32>
    %eq3A_272 = vector.broadcast %broadcast_in_dim3A_271 : vector<128x1xf32> to vector<128x8192xf32>
    %eq3A_273 = arith.cmpf oeq, %select_n3A_268, %eq3A_272 : vector<128x8192xf32>
    %jit3A_274 = arith.constant 8192 : i32
    %broadcast_in_dim3A_275 = vector.broadcast %jit3A_274 : i32 to vector<128x8192xi32>
    %select_n3A_276 = arith.select %eq3A_273, %iota3A, %broadcast_in_dim3A_275 : vector<128x8192xi1>, vector<128x8192xi32>
    %reduce_min3A_277 = arith.constant dense<2147483647> : vector<128xi32>
    %reduce_min3A_278 = vector.multi_reduction <minsi>, %select_n3A_276, %reduce_min3A_277 [1] : vector<128x8192xi32> to vector<128xi32>
    %broadcast_in_dim3A_279 = vector.shape_cast %reduce_min3A_278 : vector<128xi32> to vector<128x1xi32>
    %eq3A_280 = arith.constant 11 : i32
    %eq3A_281 = vector.broadcast %eq3A_280 : i32 to vector<128x16xi32>
    %eq3A_282 = arith.cmpi eq, %iota3A_29, %eq3A_281 : vector<128x16xi32>
    %broadcast_in_dim3A_283 = vector.shape_cast %broadcast_in_dim3A_279 : vector<128x1xi32> to vector<128x1xi32>
    %broadcast_in_dim3A_284 = vector.broadcast %broadcast_in_dim3A_283 : vector<128x1xi32> to vector<128x16xi32>
    %select_n3A_285 = arith.select %eq3A_282, %broadcast_in_dim3A_284, %select_n3A_263 : vector<128x16xi1>, vector<128x16xi32>
    %eq3A_286 = vector.broadcast %broadcast_in_dim3A_279 : vector<128x1xi32> to vector<128x8192xi32>
    %eq3A_287 = arith.cmpi eq, %iota3A, %eq3A_286 : vector<128x8192xi32>
    %jit3A_288 = arith.constant 0x7F800000 : f32
    %broadcast_in_dim3A_289 = vector.broadcast %jit3A_288 : f32 to vector<128x8192xf32>
    %select_n3A_290 = arith.select %eq3A_287, %broadcast_in_dim3A_289, %select_n3A_268 : vector<128x8192xi1>, vector<128x8192xf32>
    %reduce_min3A_291 = arith.constant dense<0x7F800000> : vector<128xf32>
    %reduce_min3A_292 = vector.multi_reduction <minimumf>, %select_n3A_290, %reduce_min3A_291 [1] : vector<128x8192xf32> to vector<128xf32>
    %broadcast_in_dim3A_293 = vector.shape_cast %reduce_min3A_292 : vector<128xf32> to vector<128x1xf32>
    %eq3A_294 = vector.broadcast %broadcast_in_dim3A_293 : vector<128x1xf32> to vector<128x8192xf32>
    %eq3A_295 = arith.cmpf oeq, %select_n3A_290, %eq3A_294 : vector<128x8192xf32>
    %jit3A_296 = arith.constant 8192 : i32
    %broadcast_in_dim3A_297 = vector.broadcast %jit3A_296 : i32 to vector<128x8192xi32>
    %select_n3A_298 = arith.select %eq3A_295, %iota3A, %broadcast_in_dim3A_297 : vector<128x8192xi1>, vector<128x8192xi32>
    %reduce_min3A_299 = arith.constant dense<2147483647> : vector<128xi32>
    %reduce_min3A_300 = vector.multi_reduction <minsi>, %select_n3A_298, %reduce_min3A_299 [1] : vector<128x8192xi32> to vector<128xi32>
    %broadcast_in_dim3A_301 = vector.shape_cast %reduce_min3A_300 : vector<128xi32> to vector<128x1xi32>
    %eq3A_302 = arith.constant 12 : i32
    %eq3A_303 = vector.broadcast %eq3A_302 : i32 to vector<128x16xi32>
    %eq3A_304 = arith.cmpi eq, %iota3A_29, %eq3A_303 : vector<128x16xi32>
    %broadcast_in_dim3A_305 = vector.shape_cast %broadcast_in_dim3A_301 : vector<128x1xi32> to vector<128x1xi32>
    %broadcast_in_dim3A_306 = vector.broadcast %broadcast_in_dim3A_305 : vector<128x1xi32> to vector<128x16xi32>
    %select_n3A_307 = arith.select %eq3A_304, %broadcast_in_dim3A_306, %select_n3A_285 : vector<128x16xi1>, vector<128x16xi32>
    %eq3A_308 = vector.broadcast %broadcast_in_dim3A_301 : vector<128x1xi32> to vector<128x8192xi32>
    %eq3A_309 = arith.cmpi eq, %iota3A, %eq3A_308 : vector<128x8192xi32>
    %jit3A_310 = arith.constant 0x7F800000 : f32
    %broadcast_in_dim3A_311 = vector.broadcast %jit3A_310 : f32 to vector<128x8192xf32>
    %select_n3A_312 = arith.select %eq3A_309, %broadcast_in_dim3A_311, %select_n3A_290 : vector<128x8192xi1>, vector<128x8192xf32>
    %reduce_min3A_313 = arith.constant dense<0x7F800000> : vector<128xf32>
    %reduce_min3A_314 = vector.multi_reduction <minimumf>, %select_n3A_312, %reduce_min3A_313 [1] : vector<128x8192xf32> to vector<128xf32>
    %broadcast_in_dim3A_315 = vector.shape_cast %reduce_min3A_314 : vector<128xf32> to vector<128x1xf32>
    %eq3A_316 = vector.broadcast %broadcast_in_dim3A_315 : vector<128x1xf32> to vector<128x8192xf32>
    %eq3A_317 = arith.cmpf oeq, %select_n3A_312, %eq3A_316 : vector<128x8192xf32>
    %jit3A_318 = arith.constant 8192 : i32
    %broadcast_in_dim3A_319 = vector.broadcast %jit3A_318 : i32 to vector<128x8192xi32>
    %select_n3A_320 = arith.select %eq3A_317, %iota3A, %broadcast_in_dim3A_319 : vector<128x8192xi1>, vector<128x8192xi32>
    %reduce_min3A_321 = arith.constant dense<2147483647> : vector<128xi32>
    %reduce_min3A_322 = vector.multi_reduction <minsi>, %select_n3A_320, %reduce_min3A_321 [1] : vector<128x8192xi32> to vector<128xi32>
    %broadcast_in_dim3A_323 = vector.shape_cast %reduce_min3A_322 : vector<128xi32> to vector<128x1xi32>
    %eq3A_324 = arith.constant 13 : i32
    %eq3A_325 = vector.broadcast %eq3A_324 : i32 to vector<128x16xi32>
    %eq3A_326 = arith.cmpi eq, %iota3A_29, %eq3A_325 : vector<128x16xi32>
    %broadcast_in_dim3A_327 = vector.shape_cast %broadcast_in_dim3A_323 : vector<128x1xi32> to vector<128x1xi32>
    %broadcast_in_dim3A_328 = vector.broadcast %broadcast_in_dim3A_327 : vector<128x1xi32> to vector<128x16xi32>
    %select_n3A_329 = arith.select %eq3A_326, %broadcast_in_dim3A_328, %select_n3A_307 : vector<128x16xi1>, vector<128x16xi32>
    %eq3A_330 = vector.broadcast %broadcast_in_dim3A_323 : vector<128x1xi32> to vector<128x8192xi32>
    %eq3A_331 = arith.cmpi eq, %iota3A, %eq3A_330 : vector<128x8192xi32>
    %jit3A_332 = arith.constant 0x7F800000 : f32
    %broadcast_in_dim3A_333 = vector.broadcast %jit3A_332 : f32 to vector<128x8192xf32>
    %select_n3A_334 = arith.select %eq3A_331, %broadcast_in_dim3A_333, %select_n3A_312 : vector<128x8192xi1>, vector<128x8192xf32>
    %reduce_min3A_335 = arith.constant dense<0x7F800000> : vector<128xf32>
    %reduce_min3A_336 = vector.multi_reduction <minimumf>, %select_n3A_334, %reduce_min3A_335 [1] : vector<128x8192xf32> to vector<128xf32>
    %broadcast_in_dim3A_337 = vector.shape_cast %reduce_min3A_336 : vector<128xf32> to vector<128x1xf32>
    %eq3A_338 = vector.broadcast %broadcast_in_dim3A_337 : vector<128x1xf32> to vector<128x8192xf32>
    %eq3A_339 = arith.cmpf oeq, %select_n3A_334, %eq3A_338 : vector<128x8192xf32>
    %jit3A_340 = arith.constant 8192 : i32
    %broadcast_in_dim3A_341 = vector.broadcast %jit3A_340 : i32 to vector<128x8192xi32>
    %select_n3A_342 = arith.select %eq3A_339, %iota3A, %broadcast_in_dim3A_341 : vector<128x8192xi1>, vector<128x8192xi32>
    %reduce_min3A_343 = arith.constant dense<2147483647> : vector<128xi32>
    %reduce_min3A_344 = vector.multi_reduction <minsi>, %select_n3A_342, %reduce_min3A_343 [1] : vector<128x8192xi32> to vector<128xi32>
    %broadcast_in_dim3A_345 = vector.shape_cast %reduce_min3A_344 : vector<128xi32> to vector<128x1xi32>
    %eq3A_346 = arith.constant 14 : i32
    %eq3A_347 = vector.broadcast %eq3A_346 : i32 to vector<128x16xi32>
    %eq3A_348 = arith.cmpi eq, %iota3A_29, %eq3A_347 : vector<128x16xi32>
    %broadcast_in_dim3A_349 = vector.shape_cast %broadcast_in_dim3A_345 : vector<128x1xi32> to vector<128x1xi32>
    %broadcast_in_dim3A_350 = vector.broadcast %broadcast_in_dim3A_349 : vector<128x1xi32> to vector<128x16xi32>
    %select_n3A_351 = arith.select %eq3A_348, %broadcast_in_dim3A_350, %select_n3A_329 : vector<128x16xi1>, vector<128x16xi32>
    %eq3A_352 = vector.broadcast %broadcast_in_dim3A_345 : vector<128x1xi32> to vector<128x8192xi32>
    %eq3A_353 = arith.cmpi eq, %iota3A, %eq3A_352 : vector<128x8192xi32>
    %jit3A_354 = arith.constant 0x7F800000 : f32
    %broadcast_in_dim3A_355 = vector.broadcast %jit3A_354 : f32 to vector<128x8192xf32>
    %select_n3A_356 = arith.select %eq3A_353, %broadcast_in_dim3A_355, %select_n3A_334 : vector<128x8192xi1>, vector<128x8192xf32>
    %reduce_min3A_357 = arith.constant dense<0x7F800000> : vector<128xf32>
    %reduce_min3A_358 = vector.multi_reduction <minimumf>, %select_n3A_356, %reduce_min3A_357 [1] : vector<128x8192xf32> to vector<128xf32>
    %broadcast_in_dim3A_359 = vector.shape_cast %reduce_min3A_358 : vector<128xf32> to vector<128x1xf32>
    %eq3A_360 = vector.broadcast %broadcast_in_dim3A_359 : vector<128x1xf32> to vector<128x8192xf32>
    %eq3A_361 = arith.cmpf oeq, %select_n3A_356, %eq3A_360 : vector<128x8192xf32>
    %jit3A_362 = arith.constant 8192 : i32
    %broadcast_in_dim3A_363 = vector.broadcast %jit3A_362 : i32 to vector<128x8192xi32>
    %select_n3A_364 = arith.select %eq3A_361, %iota3A, %broadcast_in_dim3A_363 : vector<128x8192xi1>, vector<128x8192xi32>
    %reduce_min3A_365 = arith.constant dense<2147483647> : vector<128xi32>
    %reduce_min3A_366 = vector.multi_reduction <minsi>, %select_n3A_364, %reduce_min3A_365 [1] : vector<128x8192xi32> to vector<128xi32>
    %broadcast_in_dim3A_367 = vector.shape_cast %reduce_min3A_366 : vector<128xi32> to vector<128x1xi32>
    %eq3A_368 = arith.constant 15 : i32
    %eq3A_369 = vector.broadcast %eq3A_368 : i32 to vector<128x16xi32>
    %eq3A_370 = arith.cmpi eq, %iota3A_29, %eq3A_369 : vector<128x16xi32>
    %broadcast_in_dim3A_371 = vector.shape_cast %broadcast_in_dim3A_367 : vector<128x1xi32> to vector<128x1xi32>
    %broadcast_in_dim3A_372 = vector.broadcast %broadcast_in_dim3A_371 : vector<128x1xi32> to vector<128x16xi32>
    %select_n3A_373 = arith.select %eq3A_370, %broadcast_in_dim3A_372, %select_n3A_351 : vector<128x16xi1>, vector<128x16xi32>
    %swap3A = arith.constant 0 : index
    %swap3A_374 = arith.constant 0 : index
    %swap3A_375 = arith.constant 0 : index
    %swap3A_376 = vector.load %arg4[%swap3A, %swap3A_374, %swap3A_375] : memref<1x128x16xi32, #tpu.memory_space<vmem>>, vector<1x128x16xi32>
    %swap3A_377 = vector.shape_cast %swap3A_376 : vector<1x128x16xi32> to vector<128x16xi32>
    %swap3A_378 = vector.shape_cast %select_n3A_373 : vector<128x16xi32> to vector<1x128x16xi32>
    tpu.vector_store %arg4[%swap3A, %swap3A_374, %swap3A_375], %swap3A_378 {strides = array<i32>} : memref<1x128x16xi32, #tpu.memory_space<vmem>>, vector<1x128x16xi32>,
    return
  }
  func.func @transform_0(%arg0: i32, %arg1: i32) -> (i32, i32, i32) {
    %c0_i32 = arith.constant 0 : i32
    %c0_i32_0 = arith.constant 0 : i32
    return %arg0, %arg1, %c0_i32 : i32, i32, i32
  }
  func.func @transform_1(%arg0: i32, %arg1: i32) -> (i32, i32, i32) {
    %c0_i32 = arith.constant 0 : i32
    %c0_i32_0 = arith.constant 0 : i32
    %c0_i32_1 = arith.constant 0 : i32
    return %arg0, %c0_i32, %c0_i32_0 : i32, i32, i32
  }
  func.func @transform_2(%arg0: i32, %arg1: i32) -> (i32, i32, i32) {
    %c0_i32 = arith.constant 0 : i32
    %c0_i32_0 = arith.constant 0 : i32
    return %arg0, %arg1, %c0_i32 : i32, i32, i32
  }
}

</mosaic_0001>

<sc_bundles>
// kernel: gather_offload_async_start
scs
__scs_entry_jumppad:
0x0: {  	(pc) =	sbr.rel $0x88, $3  }
0x1: {  	(tag) =	ssettag $0x0;
	lr =	simm.s32 $0x1  }
0x2: {  	[smem:$0x3F9D] =	sst lr;
	_ =	strace $0xD0000000  }
0x3: {  	_ = 	snop  }
0x4: {  	_ = 	snop  }
0x5: {  	_ = 	snop  }
0x6: {  	_ = 	snop  }
0x7: {  	_ = 	snop  }
__scs_overlays_trampoline_lowered:
0x8: {  	[smem:$0x3FAC] =	sst s0  }
0x9: {  	[smem:$0x3FAD] =	sst s1  }
0xa: {  	[smem:$0x3FAE] =	sst s2  }
0xb: {  	[smem:$0x3FAF] =	sst s3  }
0xc: {  	[smem:$0x3FB0] =	sst s4  }
0xd: {  	[smem:$0x3FB1] =	sst s5  }
0xe: {  	[smem:$0x3FB2] =	sst s6  }
0xf: {  	[smem:$0x3FB3] =	sst s7  }
0x10: {  	[smem:$0x3FB4] =	sst s8  }
0x11: {  	[smem:$0x3FB5] =	sst s9;
	s0 =	simm.s32 @!p0 $0x0  }
0x12: {  	s1 =	sld [smem:$0x3F9B];
	s0 =	simm.s32 @p0 $0x1  }
0x13: {  	[smem:$0x3FB6] =	sst s0;
	s0 =	simm.s32 @!p1 $0x0  }
0x14: {  	s2 =	sld [smem:$0x3F9A];
	s0 =	simm.s32 @p1 $0x1  }
0x15: {  	[smem:$0x3FB7] =	sst s0;
	s0 =	simm.s32 @!p2 $0x0  }
0x16: {  	s3 =	sld [smem:$0x3FDB];
	s0 =	simm.s32 @p2 $0x1  }
0x17: {  	s4 =	simm.s32 $0x1BF5;
	[smem:$0x3FB9] =	sst s0  }
0x18: {  	s0 =	sld [smem:$0x3F9C];
	_ =	swait.ge [sflag:s4], $0x0  }
0x19: {  	s7 =	sld [smem:$0x3F9D]  }
0x1a: {  	s8 =	sadd.s32 $0xFFFFE003, lr  }
0x1b: {  	s9 =	sadd.s32 $0xFFFFFEF7, lr;
	s5 =	simm.s32 $0xFFFFFFFF;
	p2 =	slt.u32 s8, $0xFFFFF086  }
0x1c: {  	p1 =	slt.u32 s9, $0xF7A;
	s5 =	simm.s32 @!p2 $0x0  }
0x1d: {  	s5 =	simm.s32 @p1 $0x1;
	p0 =	seq.s32 s7, s2  }
0x1e: {  	s7 =	smul.u32 @!p0 $0xF7A, s2;
	p2 =	seq.s32 @!p0 s5, $0x0  }
0x1f: {  	s9 =	smul.u32 $0xF7A, s1;
	s8 =	simm.s32 @!p0 $0x1BF5;
	p2 =	por !p2, p0  }
0x20: {  	[sflag:s8] =	ssyncset.s32 @!p0 $0xFFFFF086;
	s6 =	sadd.s32 @!p0 s3, s7;
	s7 =	simm.s32 @!p0 $0x108  }
0x21: {  	s3 =	sadd.s32 s3, s9;
	s6 =	sadd.s32 @!p0 $0x88, s6;
	s7 =	simm.s32 @p2 $0x1082  }
0x22: {  	[simem:s7], [sflag:s8] =	dma.local @!p0 [hbm:s6], $0xF7A  }
0x23: {  	s9 =	sor.u32 $0xD0000000, s2;
	s6 =	simm.s32 $0x108;
	_ =	swait.ge @!p0 [sflag:s8], $0x0  }
0x24: {  	s3 =	sadd.s32 $0x88, s3;
	s6 =	simm.s32 @!p1 $0x1082;
	[sflag:s4] =	ssyncset.s32 $0xFFFFF086  }
0x25: {  	[simem:s6], [sflag:s4] =	dma.local [hbm:s3], $0xF7A  }
0x26: {  	[smem:$0x3F9D] =	sst s1;
	(tag) =	ssettag s2;
	_ =	strace s9  }
0x27: {  	s1 =	sld [smem:$0x3FAD]  }
0x28: {  	s2 =	sld [smem:$0x3FAE]  }
0x29: {  	s4 =	sld [smem:$0x3FB0]  }
0x2a: {  	p0 =	seq.s32 s5, $0x0;
	s5 =	sld [smem:$0x3FB1]  }
0x2b: {  	s6 =	sld [smem:$0x3FB2]  }
0x2c: {  	s7 =	sld [smem:$0x3FB3]  }
0x2d: {  	s3 =	simm.s32 $0x108;
	s8 =	sld [smem:$0x3FB4]  }
0x2e: {  	s3 =	simm.s32 @!p0 $0x1082;
	s9 =	sld [smem:$0x3FB5]  }
0x2f: {  	lr =	sadd.s32 s0, s3;
	s0 =	sld [smem:$0x3FAC]  }
0x30: {  	s3 =	sld [smem:$0x3FAF]  }
0x31: {  	[smem:$0x3FB8] =	sst s10  }
0x32: {  	s10 =	sld [smem:$0x3FB6];
	_ =	sdelay $0x3  }
0x33: {  	p0 =	seq.s32 s10, $0x1;
	s10 =	sld [smem:$0x3FB8];
	_ =	sdelay $0x3  }
0x34: {  	[smem:$0x3FB8] =	sst s10  }
0x35: {  	s10 =	sld [smem:$0x3FB7];
	_ =	sdelay $0x3  }
0x36: {  	p1 =	seq.s32 s10, $0x1;
	s10 =	sld [smem:$0x3FB8];
	_ =	sdelay $0x3  }
0x37: {  	[smem:$0x3FB8] =	sst s10  }
0x38: {  	s10 =	sld [smem:$0x3FB9]  }
0x39: {  	_ = 	snop;
	(pc) =	sbr.ind lr, $3  }
0x3a: {  	_ = 	snop  }
0x3b: {  	_ = 	snop  }
0x3c: {  	p2 =	seq.s32 s10, $0x1;
	s10 =	sld [smem:$0x3FB8]  }
0x3d: {  	_ =	shalt  }
0x3e: {  	_ =	shalt  }
0x3f: {  	_ =	shalt  }
0x40: {  	_ =	shalt  }
0x41: {  	_ =	shalt  }
0x42: {  	_ =	shalt  }
0x43: {  	_ =	shalt  }
0x44: {  	_ =	shalt  }
0x45: {  	_ =	shalt  }
0x46: {  	_ =	shalt  }
0x47: {  	_ =	shalt  }
0x48: {  	_ =	shalt  }
0x49: {  	_ =	shalt  }
0x4a: {  	_ =	shalt  }
0x4b: {  	_ =	shalt  }
0x4c: {  	_ =	shalt  }
0x4d: {  	_ =	shalt  }
0x4e: {  	_ =	shalt  }
0x4f: {  	_ =	shalt  }
0x50: {  	_ =	shalt  }
0x51: {  	_ =	shalt  }
0x52: {  	_ =	shalt  }
0x53: {  	_ =	shalt  }
0x54: {  	_ =	shalt  }
0x55: {  	_ =	shalt  }
0x56: {  	_ =	shalt  }
0x57: {  	_ =	shalt  }
0x58: {  	_ =	shalt  }
0x59: {  	_ =	shalt  }
0x5a: {  	_ =	shalt  }
0x5b: {  	_ =	shalt  }
0x5c: {  	_ =	shalt  }
0x5d: {  	_ =	shalt  }
0x5e: {  	_ =	shalt  }
0x5f: {  	_ =	shalt  }
0x60: {  	_ =	shalt  }
0x61: {  	_ =	shalt  }
0x62: {  	_ =	shalt  }
0x63: {  	_ =	shalt  }
0x64: {  	_ =	shalt  }
0x65: {  	_ =	shalt  }
0x66: {  	_ =	shalt  }
0x67: {  	_ =	shalt  }
0x68: {  	_ =	shalt  }
0x69: {  	_ =	shalt  }
0x6a: {  	_ =	shalt  }
0x6b: {  	_ =	shalt  }
0x6c: {  	_ =	shalt  }
0x6d: {  	_ =	shalt  }
0x6e: {  	_ =	shalt  }
0x6f: {  	_ =	shalt  }
0x70: {  	_ =	shalt  }
0x71: {  	_ =	shalt  }
0x72: {  	_ =	shalt  }
0x73: {  	_ =	shalt  }
0x74: {  	_ =	shalt  }
0x75: {  	_ =	shalt  }
0x76: {  	_ =	shalt  }
0x77: {  	_ =	shalt  }
0x78: {  	_ =	shalt  }
0x79: {  	_ =	shalt  }
0x7a: {  	_ =	shalt  }
0x7b: {  	_ =	shalt  }
0x7c: {  	_ =	shalt  }
0x7d: {  	_ =	shalt  }
0x7e: {  	_ =	shalt  }
0x7f: {  	_ =	shalt  }
0x80: {  	_ =	shalt  }
0x81: {  	_ =	shalt  }
0x82: {  	_ =	shalt  }
0x83: {  	_ =	shalt  }
0x84: {  	_ =	shalt  }
0x85: {  	_ =	shalt  }
0x86: {  	_ =	shalt  }
0x87: {  	_ =	shalt  }
.Lfunc_end0:
.L_simem_size_0:
called_computation_lowered:
.L_overlay_start_0:
0x88: {  	s2 =	sld [smem:$0x3FD9]  }
0x89: {  	s3 =	sld [smem:$0x3FFE];
	_ =	sdelay $0x1  }
0x8a: {  	s1 =	srdreg.scid  }
0x8b: {  	s0 =	sand.u32 $0x1, s1  }
0x8c: {  	s14 =	sshll.u32 s0, $0xA;
	s2 =	sadd.s32 s3, s2  }
0x8d: {  	s2 =	sadd.s32 s2, s14  }
0x8e: {  	[smem:$0x3FC4] =	sst s2  }
0x8f: {  	_ = 	snop  }
0x90: {  	s2 =	sld [smem:$0x3FD0];
	_ =	sdelay $0x2  }
0x91: {  	s15 =	simm.s32 $0xB;
	s4 =	simm.s32 $0x10  }
0x92: {  	[smem:s4], [sflag:s15] =	dma.local [hbm:s2], $0x1  }
0x93: {  	_ =	swait.eq [sflag:s15], $0x1  }
0x94: {  	[sflag:s15] =	ssyncset.done $0x0  }
0x95: {  	[sflag:s15] =	ssyncadd.s32 $0xFFFFFFFF  }
0x96: {  	s16 =	sld [smem:$0x10];
	(tm) =	ssettm $0x1  }
0x97: {  	s17 =	sld [smem:$0x3FFB];
	_ =	sdelay $0x3  }
0x98: {  	_ =	strace s17  }
0x99: {  	s3 =	sld [smem:$0x3FFC];
	_ =	sdelay $0x3  }
0x9a: {  	_ =	strace s3  }
0x9b: {  	s3 =	sld [smem:$0x3FFD];
	_ =	sdelay $0x3  }
0x9c: {  	_ =	strace s3  }
0x9d: {  	_ =	strace $0x8FFFFFFF  }
0x9e: {  	s18 =	sld [smem:$0x3FDB];
	_ =	sdelay $0x1  }
0x9f: {  	s19 =	simm.s32 $_scs_section_size  }
0xa0: {  	s5 =	simm.s32 $_size__tile_overlayer_lowered;
	s6 =	simm.s32 $_tile_overlayer_lowered  }
0xa1: {  	s22 =	simm.s32 $0x1BFF;
	s21 =	sshll.u32 s6, $0x1;
	s3 =	sadd.s32 s19, s18  }
0xa2: {  	s7 =	simm.s32 $0x0;
	s20 =	sshll.u32 s5, $0x1;
	s5 =	sadd.s32 s21, s3  }
0xa3: {  	[timem:s7], [sflag:s22] =	dma.local [hbm:s5], s20  }
0xa4: {  	_ =	swait.ge [sflag:s22], s20  }
0xa5: {  	s4 =	ssub.s32 $0x0, s20;
	[sflag:s22] =	ssyncset.done $0x0  }
0xa6: {  	[sflag:s22] =	ssyncadd.s32 s4;
	_ =	sdelay $0x1  }
0xa7: {  	s23 =	simm.s32 $0x1B8B  }
0xa8: {  	_ =	swait.ge [sflag:s23], $0x1  }
0xa9: {  	[sflag:s23] =	ssyncset.done $0x0  }
0xaa: {  	s25 =	simm.s32 $0x1B8E;
	s24 =	sld [smem:$0x3FFE];
	[sflag:s23] =	ssyncadd.s32 $0xFFFFFFFF  }
0xab: {  	s26 =	simm.s32 $execute0_lowered;
	[smem:$0x3FD2] =	sst s25  }
0xac: {  	s5 =	sshll.u32 s26, $0x1;
	_ =	strace $0x80000046;
	[dreg:$0x1] =	wrdreg $0xFFFFFFFF  }
0xad: {  	s28 =	simm.s32 $_size_execute0_lowered;
	s3 =	sadd.s32 s3, s5;
	[dreg:$0x0] =	wrdreg $0x0  }
0xae: {  	s5 =	sshll.u32 s28, $0x1;
	[dreg:$0x2] =	wrdreg s3  }
0xaf: {  	[dreg:$0x3] =	wrdreg s5  }
0xb0: {  	[dreg:$0x4] =	wrdreg $0xC0  }
0xb1: {  	_ =	task [dreg:s7], $0x5FFFF  }
0xb2: {  	[dreg:$0x1] =	wrdreg $0xFFFFFFFF  }
0xb3: {  	[dreg:$0x0] =	wrdreg $0x60  }
0xb4: {  	[dreg:$0x2] =	wrdreg s24  }
0xb5: {  	[dreg:$0x3] =	wrdreg s16  }
0xb6: {  	[dreg:$0x4] =	wrdreg $0x9  }
0xb7: {  	_ =	task.clear_ibuf [dreg:s7], $0x5FFFF;
	_ =	strace $0x90000046  }
0xb8: {  	s29 =	simm.s32 $0x9;
	_ =	strace $0x80000048  }
0xb9: {  	_ =	swait.ge [sflag:s29], $0x1  }
0xba: {  	[sflag:s29] =	ssyncadd.s32 $0xFFFFFFFF  }
0xbb: {  	_ =	strace $0x90000048  }
0xbc: {  	_ =	sfence  }
0xbd: {  	s30 =	sld [smem:$0x0];
	_ =	sdelay $0x2  }
0xbe: {  	s31 =	sshll.u32 s1, $0xD;
	s1 =	sshrl.u32 s1, $0x2  }
0xbf: {  	s3 =	sand.u32 $0x4000, s31;
	s1 =	sadd.s32 s1, s30  }
0xc0: {  	s0 =	sor.u32 s3, s0;
	s1 =	sshll.u32 s1, $0x11  }
0xc1: {  	s0 =	sor.u32 s1, s0  }
0xc2: {  	s0 =	sadd.s32 $0x8F2B, s0  }
0xc3: {  	[sflag:s0] =	ssyncadd.remote.s32 $0x1  }
0xc4: {  	_ =	sfence.sel $0xFFFF  }
0xc5: {  	[dreg:$0x0] =	wrdreg $0xFFFFFFFF;
	(pc) =	sbr.abs _section_cstart, $3  }
0xc6: {  	[dreg:$0x1] =	wrdreg $0xFFFFFFFF  }
0xc7: {  	_ =	task.clear_ibuf [dreg:s7], $0x2FFFF;
	_ =	strace $0x9FFFFFFF  }
0xc8: {  	(tm) =	ssettm $0x7FFFFFFF  }
0xc9: {  	_ =	shalt  }
tec
execute0_lowered:
.L_overlay_start_1:
0x0: {  	(tag) =	ssettag $0x1  }
0x1: {  	s7 =	rddreg [dreg:$0x0]  }
0x2: {  	s2 =	rddreg [dreg:$0x1]  }
0x3: {  	s0 =	rddreg [dreg:$0x2]  }
0x4: {  	s1 =	srdreg.scid;
	_ =	strace $0x80000047;
	s4 =	simm.s32 $0x1  }
0x5: {  	s9 =	simm.s32 $0x3;
	s11 =	simm.s32 $0x0;
	s5 =	sshll.u32 s1, $0x4  }
.Ltmp0:
0x6: {  	s1 =	stileid.u32;
	s5 =	sand.u32 $0x10, s5;
	(pc) =	sbr.rel .LBB2_1-.Ltmp0, $4  }
0x7: {  	p0 =	por $0x0, $0x0;
	s3 =	sadd.s32 $0x3A00, s7;
	s6 =	sor.u32 s1, s5  }
0x8: {  	[sflag:s4] =	ssyncpa.u1 $0x0;
	s5 =	simm.s32 $0x2;
	s6 =	sshll.u32 s6, $0xA  }
0x9: {  	s7 =	sadd.s32 $0x203E00, s7;
	[sflag:s5] =	ssyncpa.u1 $0x0;
	s8 =	sadd.s32 $0x400, s6  }
0xa: {  	vm0 =	vmmov $0xff;
	vm1 =	vcmask $0x3F20;
	[sflag:s9] =	ssyncpa.u1 $0x0;
	s10 =	smov.u32 s6;
	s9 =	simm.s32 $0x0  }
.LBB2_7:
0xb: {  	p1 =	slt.u32 s9, $0x2;
	s11 =	sadd.s32 $0x100, s10  }
0xc: {  	s13 =	smov.u32 s6;
	s9 =	sadd.s32 $0x1, s9;
	p2 =	slt.s32 s11, s8  }
0xd: {  	s13 =	smov.u32 @p2 s11;
	p2 =	sne.s32 s9, $0x6  }
.Ltmp1:
0xe: {  	_ = 	snop;
	(pc) =	sbr.rel @!p2 .LBB2_8-.Ltmp1, $4  }
0xf: {  	s12 =	simm.s32 @!p1 $0x3  }
0x10: {  	_ =	swait.ge @!p1 [sflag:s12], $0x8000  }
0x11: {  	p0 =	por !p0, !p0;
	[sflag:s12] =	ssyncset.done @!p1 $0x0  }
0x12: {  	s11 =	smov.u32 s10;
	s10 =	smov.u32 s13;
	[sflag:s12] =	ssyncadd.s32 @!p1 $0xFFFF8000  }
.LBB2_1:
0x13: {  	p1 =	sgt.u32 s9, $0x3  }
0x14: {  	s12 =	sxor.u32 @!p1 $0xFFFFFFFF, s9  }
0x15: {  	s13 =	sshrl.u32 @!p1 s10, $0x3;
	s12 =	sshll.u32 @!p1 s12, $0x8  }
0x16: {  	s14 =	sand.u32 @!p1 $0x7, s10;
	s13 =	sadd.s32 @!p1 s2, s13;
	s12 =	sand.u32 @!p1 $0x100, s12  }
0x17: {  	[tilespmem:s12], [sflag:$0x2] =	stream.linear.gather @!p1 [hbm4b:s13+s14], $0x100, $0x38;
	[tilespmem:$0x10200] =	vst v63  }
0x18: {  	p1 =	seq.s32 s9, $0x0  }
0x19: {  	p2 =	seq.s32 @!p1 s9, $0x5  }
0x1a: {  	p1 =	por p1, p2  }
.Ltmp2:
0x1b: {  	_ = 	snop;
	(pc) =	sbr.rel @p1 .LBB2_7-.Ltmp2, $1  }
0x1c: {  	_ =	sdelay $0x3  }
0x1d: {  	s12 =	simm.s32 $0x1  }
0x1e: {  	_ =	swait.ge [sflag:s5], $0x100;
	s12 =	simm.s32 @!p0 $0x0  }
0x1f: {  	[sflag:s5] =	ssyncset.done $0x0;
	s14 =	sshll.u32 s12, $0x8  }
0x20: {  	[sflag:s5] =	ssyncadd.s32 $0xFFFFFF00;
	s13 =	sadd.s32 $0x0, s14  }
0x21: {  	v0 =	vld.msk [tilespmem:s13+$0x0 ss:$0x1], $0xffff;
	_ =	sdelay $0x4  }
0x22: {  	v1 =	vshll.u32 v0, $0x4  }
0x23: {  	vm2 =	veq.s32 v0, $0x80000000;
	v0 =	vshll.u32 v0, $0x14;
	v1 =	vand.u32 $0xFFF80, v1  }
0x24: {  	v0 =	vand.u32 $0x700000, v0;
	v1 =	vsel vm2, $0xFFFFFF80, v1  }
0x25: {  	v0 =	vsel vm2, $0xFFF00000, v0;
	v2 =	vand.u32 $0xFFFFFC00, v1  }
0x26: {  	v1 =	vand.u32 $0x380, v1;
	v0 =	vadd.s32 v0, v2  }
0x27: {  	v0 =	vor.u32 v1, v0  }
0x28: {  	v0 =	vshrl.u32 v0, $0x3;
	_ =	sdelay $0x2  }
0x29: {  	s12 =	sshll.u32 s12, $0xF  }
0x2a: {  	s12 =	sor.u32 $0x200, s12  }
0x2b: {  	[tilespmem:s12], [sflag:$0x1] =	stream.indirect_vreg.gather [hbm:s3], $0x80, v0, vm0, $0x38;
	[tilespmem:$0x10200] =	vst v63  }
0x2c: {  	s15 =	sadd.s32 $0x10, s14;
	s13 =	sadd.s32 $0x400, s12  }
0x2d: {  	[tilespmem:s13], [sflag:$0x1] =	stream.indirect_vreg.gather [hbm:s3], $0x80, v0, vm1, $0x38;
	[tilespmem:$0x10200] =	vst v63  }
0x2e: {  	s16 =	simm.s32 $0x80;
	v0 =	vld.msk [tilespmem:s15+$0x0 ss:$0x1], $0xffff;
	s15 =	smov.u32 s12  }
.LBB2_3:
0x2f: {  	p1 =	sne.s32 s16, $0x3C0;
	_ =	sdelay $0x4  }
0x30: {  	v1 =	vshll.u32 v0, $0x4  }
0x31: {  	vm2 =	veq.s32 v0, $0x80000000;
	v0 =	vshll.u32 v0, $0x14;
	v1 =	vand.u32 $0xFFF80, v1  }
0x32: {  	v0 =	vand.u32 $0x700000, v0;
	v1 =	vsel vm2, $0xFFFFFF80, v1  }
0x33: {  	v0 =	vsel vm2, $0xFFF00000, v0;
	v2 =	vand.u32 $0xFFFFFC00, v1  }
0x34: {  	v1 =	vand.u32 $0x380, v1;
	v0 =	vadd.s32 v0, v2  }
0x35: {  	v0 =	vor.u32 v1, v0  }
0x36: {  	v0 =	vshrl.u32 v0, $0x3;
	_ =	sdelay $0x3  }
.Ltmp3:
0x37: {  	s17 =	sshra.s32 s16, $0x2;
	s15 =	sadd.s32 $0x800, s15;
	(pc) =	sbr.rel @p1 .LBB2_3-.Ltmp3, $4  }
0x38: {  	[tilespmem:s15], [sflag:$0x1] =	stream.indirect_vreg.gather [hbm:s3], $0x80, v0, vm0, $0x38;
	[tilespmem:$0x10200] =	vst v63  }
0x39: {  	s17 =	sadd.s32 s17, s14;
	s18 =	sadd.s32 $0x400, s15  }
0x3a: {  	[tilespmem:s18], [sflag:$0x1] =	stream.indirect_vreg.gather [hbm:s3], $0x80, v0, vm1, $0x38;
	[tilespmem:$0x10200] =	vst v63  }
0x3b: {  	s16 =	sadd.s32 $0x40, s16;
	v0 =	vld.msk [tilespmem:s17+$0x0 ss:$0x1], $0xffff  }
0x3c: {  	_ =	sdelay $0x3  }
0x3d: {  	v1 =	vshll.u32 v0, $0x4  }
0x3e: {  	vm2 =	veq.s32 v0, $0x80000000;
	v63 =	vshll.u32 v0, $0x14;
	v1 =	vand.u32 $0xFFF80, v1  }
0x3f: {  	v0 =	vand.u32 $0x700000, v63;
	v1 =	vsel vm2, $0xFFFFFF80, v1  }
0x40: {  	v0 =	vsel vm2, $0xFFF00000, v0;
	v2 =	vand.u32 $0xFFFFFC00, v1  }
0x41: {  	v1 =	vand.u32 $0x380, v1;
	v0 =	vadd.s32 v0, v2  }
0x42: {  	v0 =	vor.u32 v1, v0  }
0x43: {  	v0 =	vshrl.u32 v0, $0x3;
	_ =	sdelay $0x3  }
0x44: {  	s14 =	sadd.s32 $0x800, s15  }
0x45: {  	[tilespmem:s14], [sflag:$0x1] =	stream.indirect_vreg.gather [hbm:s3], $0x80, v0, vm0, $0x38;
	[tilespmem:$0x10200] =	vst v63  }
0x46: {  	s14 =	sadd.s32 $0x400, s14  }
0x47: {  	[tilespmem:s14], [sflag:$0x1] =	stream.indirect_vreg.gather [hbm:s3], $0x80, v0, vm1, $0x38;
	[tilespmem:$0x10200] =	vst v63  }
0x48: {  	s11 =	sshll.u32 s11, $0x4;
	_ =	swait.ge [sflag:s4], $0x8000  }
0x49: {  	s11 =	sadd.s32 s11, s7;
	[sflag:s4] =	ssyncset.done $0x0  }
0x4a: {  	s15 =	sadd.s32 $0x0, s11;
	s14 =	simm.s32 $0x80;
	[sflag:s4] =	ssyncadd.s32 $0xFFFF8000  }
.LBB2_5:
0x4b: {  	[hbm:s15] =	stream.linear.scatter [tilespmem:s12], [sflag:$0x3], $0x400, $0x38;
	[tilespmem:$0x10200] =	vst v63  }
0x4c: {  	s15 =	smov.u32 s14;
	s12 =	smov.u32 s13;
	p1 =	sne.s32 s14, $0xF80  }
.Ltmp4:
0x4d: {  	s14 =	sadd.s32 $0x80, s14;
	(pc) =	sbr.rel @p1 .LBB2_5-.Ltmp4, $2  }
0x4e: {  	_ =	sdelay $0x2  }
0x4f: {  	s13 =	sadd.s32 $0x400, s13;
	s15 =	sadd.s32 s15, s11  }
.Ltmp5:
0x50: {  	(pc) =	sbr.rel .LBB2_7-.Ltmp5, $2  }
0x51: {  	_ =	sdelay $0x2  }
0x52: {  	[hbm:s15] =	stream.linear.scatter [tilespmem:s12], [sflag:$0x3], $0x400, $0x38;
	[tilespmem:$0x10200] =	vst v63  }
.LBB2_8:
0x53: {  	_ =	sfence.sel $0x180000  }
0x54: {  	s2 =	simm.s32 $0x2;
	[bflag:$0x0] =	sbarrier.arrive $0xFFFF  }
0x55: {  	s30 =	simm.s32 $0x3;
	[sflag:s2] =	ssyncpa.u1 $0x1  }
0x56: {  	s31 =	simm.s32 $0x1;
	[sflag:s30] =	ssyncpa.u1 $0x1  }
0x57: {  	[sflag:s31] =	ssyncpa.u1 $0x1  }
0x58: {  	p0 =	sne.s32 s1, $0x0;
	_ =	strace $0x90000047  }
0x59: {  	s0 =	sadd.s32 @!p0 $0x100000, s0;
	[bflag:$0x2] =	sbarrier.arrive $0xFFFF  }
0x5a: {  	[sflag:s0] =	ssyncadd.tile.s32 @!p0 $0x1;
	_ =	shalt  }
.Lfunc_end2:
_tile_overlayer_lowered:
.L_overlay_start_2:
0x5b: {  	(tag) =	ssettag $0x2  }
0x5c: {  	s0 =	rddreg [dreg:$0x0];
	s2 =	stileid.u32  }
0x5d: {  	s1 =	rddreg [dreg:$0x1];
	p0 =	sne.s32 s2, $0x0  }
0x5e: {  	s3 =	rddreg [dreg:$0x2];
	[bflag:$0x3] =	sbarrier.arrive $0xFFFF;
	s2 =	simm.s32 @!p0 $0x1C01  }
0x5f: {  	[timem:s3], [sflag:s2] =	dma.local @!p0 [hbm:s0], s1  }
0x60: {  	s0 =	simm.s32 @!p0 $0x1  }
0x61: {  	_ =	swait.ge @!p0 [sflag:s0], s1  }
0x62: {  	s1 =	ssub.s32 @!p0 $0x0, s1;
	[sflag:s0] =	ssyncset.done @!p0 $0x0  }
0x63: {  	[sflag:s0] =	ssyncadd.s32 @!p0 s1  }
0x64: {  	[bflag:$0x3] =	sbarrier.arrive $0xFFFF  }
0x65: {  	_ =	shalt  }

// kernel: kernel.10.cloned.1.call-start
scs
__scs_entry_jumppad:
0x0: {  	(pc) =	sbr.rel $0x88, $3  }
0x1: {  	(tag) =	ssettag $0x0;
	lr =	simm.s32 $0x1  }
0x2: {  	[smem:$0x3F9D] =	sst lr;
	_ =	strace $0xD0000000  }
0x3: {  	_ = 	snop  }
0x4: {  	_ = 	snop  }
0x5: {  	_ = 	snop  }
0x6: {  	_ = 	snop  }
0x7: {  	_ = 	snop  }
__scs_overlays_trampoline_lowered:
0x8: {  	[smem:$0x3FAC] =	sst s0  }
0x9: {  	[smem:$0x3FAD] =	sst s1  }
0xa: {  	[smem:$0x3FAE] =	sst s2  }
0xb: {  	[smem:$0x3FAF] =	sst s3  }
0xc: {  	[smem:$0x3FB0] =	sst s4  }
0xd: {  	[smem:$0x3FB1] =	sst s5  }
0xe: {  	[smem:$0x3FB2] =	sst s6  }
0xf: {  	[smem:$0x3FB3] =	sst s7  }
0x10: {  	[smem:$0x3FB4] =	sst s8  }
0x11: {  	[smem:$0x3FB5] =	sst s9;
	s0 =	simm.s32 @!p0 $0x0  }
0x12: {  	s1 =	sld [smem:$0x3F9B];
	s0 =	simm.s32 @p0 $0x1  }
0x13: {  	[smem:$0x3FB6] =	sst s0;
	s0 =	simm.s32 @!p1 $0x0  }
0x14: {  	s2 =	sld [smem:$0x3F9A];
	s0 =	simm.s32 @p1 $0x1  }
0x15: {  	[smem:$0x3FB7] =	sst s0;
	s0 =	simm.s32 @!p2 $0x0  }
0x16: {  	s3 =	sld [smem:$0x3FDB];
	s0 =	simm.s32 @p2 $0x1  }
0x17: {  	s4 =	simm.s32 $0x1BF5;
	[smem:$0x3FB9] =	sst s0  }
0x18: {  	s0 =	sld [smem:$0x3F9C];
	_ =	swait.ge [sflag:s4], $0x0  }
0x19: {  	s7 =	sld [smem:$0x3F9D]  }
0x1a: {  	s8 =	sadd.s32 $0xFFFFE003, lr  }
0x1b: {  	s9 =	sadd.s32 $0xFFFFFEF7, lr;
	s5 =	simm.s32 $0xFFFFFFFF;
	p2 =	slt.u32 s8, $0xFFFFF086  }
0x1c: {  	p1 =	slt.u32 s9, $0xF7A;
	s5 =	simm.s32 @!p2 $0x0  }
0x1d: {  	s5 =	simm.s32 @p1 $0x1;
	p0 =	seq.s32 s7, s2  }
0x1e: {  	s7 =	smul.u32 @!p0 $0xF7A, s2;
	p2 =	seq.s32 @!p0 s5, $0x0  }
0x1f: {  	s9 =	smul.u32 $0xF7A, s1;
	s8 =	simm.s32 @!p0 $0x1BF5;
	p2 =	por !p2, p0  }
0x20: {  	[sflag:s8] =	ssyncset.s32 @!p0 $0xFFFFF086;
	s6 =	sadd.s32 @!p0 s3, s7;
	s7 =	simm.s32 @!p0 $0x108  }
0x21: {  	s3 =	sadd.s32 s3, s9;
	s6 =	sadd.s32 @!p0 $0x88, s6;
	s7 =	simm.s32 @p2 $0x1082  }
0x22: {  	[simem:s7], [sflag:s8] =	dma.local @!p0 [hbm:s6], $0xF7A  }
0x23: {  	s9 =	sor.u32 $0xD0000000, s2;
	s6 =	simm.s32 $0x108;
	_ =	swait.ge @!p0 [sflag:s8], $0x0  }
0x24: {  	s3 =	sadd.s32 $0x88, s3;
	s6 =	simm.s32 @!p1 $0x1082;
	[sflag:s4] =	ssyncset.s32 $0xFFFFF086  }
0x25: {  	[simem:s6], [sflag:s4] =	dma.local [hbm:s3], $0xF7A  }
0x26: {  	[smem:$0x3F9D] =	sst s1;
	(tag) =	ssettag s2;
	_ =	strace s9  }
0x27: {  	s1 =	sld [smem:$0x3FAD]  }
0x28: {  	s2 =	sld [smem:$0x3FAE]  }
0x29: {  	s4 =	sld [smem:$0x3FB0]  }
0x2a: {  	p0 =	seq.s32 s5, $0x0;
	s5 =	sld [smem:$0x3FB1]  }
0x2b: {  	s6 =	sld [smem:$0x3FB2]  }
0x2c: {  	s7 =	sld [smem:$0x3FB3]  }
0x2d: {  	s3 =	simm.s32 $0x108;
	s8 =	sld [smem:$0x3FB4]  }
0x2e: {  	s3 =	simm.s32 @!p0 $0x1082;
	s9 =	sld [smem:$0x3FB5]  }
0x2f: {  	lr =	sadd.s32 s0, s3;
	s0 =	sld [smem:$0x3FAC]  }
0x30: {  	s3 =	sld [smem:$0x3FAF]  }
0x31: {  	[smem:$0x3FB8] =	sst s10  }
0x32: {  	s10 =	sld [smem:$0x3FB6];
	_ =	sdelay $0x3  }
0x33: {  	p0 =	seq.s32 s10, $0x1;
	s10 =	sld [smem:$0x3FB8];
	_ =	sdelay $0x3  }
0x34: {  	[smem:$0x3FB8] =	sst s10  }
0x35: {  	s10 =	sld [smem:$0x3FB7];
	_ =	sdelay $0x3  }
0x36: {  	p1 =	seq.s32 s10, $0x1;
	s10 =	sld [smem:$0x3FB8];
	_ =	sdelay $0x3  }
0x37: {  	[smem:$0x3FB8] =	sst s10  }
0x38: {  	s10 =	sld [smem:$0x3FB9]  }
0x39: {  	_ = 	snop;
	(pc) =	sbr.ind lr, $3  }
0x3a: {  	_ = 	snop  }
0x3b: {  	_ = 	snop  }
0x3c: {  	p2 =	seq.s32 s10, $0x1;
	s10 =	sld [smem:$0x3FB8]  }
0x3d: {  	_ =	shalt  }
0x3e: {  	_ =	shalt  }
0x3f: {  	_ =	shalt  }
0x40: {  	_ =	shalt  }
0x41: {  	_ =	shalt  }
0x42: {  	_ =	shalt  }
0x43: {  	_ =	shalt  }
0x44: {  	_ =	shalt  }
0x45: {  	_ =	shalt  }
0x46: {  	_ =	shalt  }
0x47: {  	_ =	shalt  }
0x48: {  	_ =	shalt  }
0x49: {  	_ =	shalt  }
0x4a: {  	_ =	shalt  }
0x4b: {  	_ =	shalt  }
0x4c: {  	_ =	shalt  }
0x4d: {  	_ =	shalt  }
0x4e: {  	_ =	shalt  }
0x4f: {  	_ =	shalt  }
0x50: {  	_ =	shalt  }
0x51: {  	_ =	shalt  }
0x52: {  	_ =	shalt  }
0x53: {  	_ =	shalt  }
0x54: {  	_ =	shalt  }
0x55: {  	_ =	shalt  }
0x56: {  	_ =	shalt  }
0x57: {  	_ =	shalt  }
0x58: {  	_ =	shalt  }
0x59: {  	_ =	shalt  }
0x5a: {  	_ =	shalt  }
0x5b: {  	_ =	shalt  }
0x5c: {  	_ =	shalt  }
0x5d: {  	_ =	shalt  }
0x5e: {  	_ =	shalt  }
0x5f: {  	_ =	shalt  }
0x60: {  	_ =	shalt  }
0x61: {  	_ =	shalt  }
0x62: {  	_ =	shalt  }
0x63: {  	_ =	shalt  }
0x64: {  	_ =	shalt  }
0x65: {  	_ =	shalt  }
0x66: {  	_ =	shalt  }
0x67: {  	_ =	shalt  }
0x68: {  	_ =	shalt  }
0x69: {  	_ =	shalt  }
0x6a: {  	_ =	shalt  }
0x6b: {  	_ =	shalt  }
0x6c: {  	_ =	shalt  }
0x6d: {  	_ =	shalt  }
0x6e: {  	_ =	shalt  }
0x6f: {  	_ =	shalt  }
0x70: {  	_ =	shalt  }
0x71: {  	_ =	shalt  }
0x72: {  	_ =	shalt  }
0x73: {  	_ =	shalt  }
0x74: {  	_ =	shalt  }
0x75: {  	_ =	shalt  }
0x76: {  	_ =	shalt  }
0x77: {  	_ =	shalt  }
0x78: {  	_ =	shalt  }
0x79: {  	_ =	shalt  }
0x7a: {  	_ =	shalt  }
0x7b: {  	_ =	shalt  }
0x7c: {  	_ =	shalt  }
0x7d: {  	_ =	shalt  }
0x7e: {  	_ =	shalt  }
0x7f: {  	_ =	shalt  }
0x80: {  	_ =	shalt  }
0x81: {  	_ =	shalt  }
0x82: {  	_ =	shalt  }
0x83: {  	_ =	shalt  }
0x84: {  	_ =	shalt  }
0x85: {  	_ =	shalt  }
0x86: {  	_ =	shalt  }
0x87: {  	_ =	shalt  }
.Lfunc_end0:
.L_simem_size_0:
called_computation.2_lowered:
.L_overlay_start_0:
0x88: {  	s2 =	sld [smem:$0x3FD9]  }
0x89: {  	s3 =	sld [smem:$0x3FFE];
	_ =	sdelay $0x1  }
0x8a: {  	s1 =	srdreg.scid  }
0x8b: {  	s0 =	sand.u32 $0x1, s1  }
0x8c: {  	s14 =	sshll.u32 s0, $0xA;
	s2 =	sadd.s32 s3, s2  }
0x8d: {  	s2 =	sadd.s32 s2, s14  }
0x8e: {  	[smem:$0x3FC4] =	sst s2  }
0x8f: {  	_ = 	snop  }
0x90: {  	s2 =	sld [smem:$0x3FD0];
	_ =	sdelay $0x2  }
0x91: {  	s15 =	simm.s32 $0xB;
	s4 =	simm.s32 $0x10  }
0x92: {  	[smem:s4], [sflag:s15] =	dma.local [hbm:s2], $0x1  }
0x93: {  	_ =	swait.eq [sflag:s15], $0x1  }
0x94: {  	[sflag:s15] =	ssyncset.done $0x0  }
0x95: {  	[sflag:s15] =	ssyncadd.s32 $0xFFFFFFFF  }
0x96: {  	s16 =	sld [smem:$0x11];
	(tm) =	ssettm $0x1  }
0x97: {  	s17 =	sld [smem:$0x3FFB];
	_ =	sdelay $0x3  }
0x98: {  	_ =	strace s17  }
0x99: {  	s3 =	sld [smem:$0x3FFC];
	_ =	sdelay $0x3  }
0x9a: {  	_ =	strace s3  }
0x9b: {  	s3 =	sld [smem:$0x3FFD];
	_ =	sdelay $0x3  }
0x9c: {  	_ =	strace s3  }
0x9d: {  	_ =	strace $0x8FFFFFFF  }
0x9e: {  	s18 =	sld [smem:$0x3FDB];
	_ =	sdelay $0x1  }
0x9f: {  	s19 =	simm.s32 $_scs_section_size  }
0xa0: {  	s5 =	simm.s32 $_size__tile_overlayer_lowered;
	s6 =	simm.s32 $_tile_overlayer_lowered  }
0xa1: {  	s22 =	simm.s32 $0x1BFF;
	s21 =	sshll.u32 s6, $0x1;
	s3 =	sadd.s32 s19, s18  }
0xa2: {  	s7 =	simm.s32 $0x0;
	s20 =	sshll.u32 s5, $0x1;
	s5 =	sadd.s32 s21, s3  }
0xa3: {  	[timem:s7], [sflag:s22] =	dma.local [hbm:s5], s20  }
0xa4: {  	_ =	swait.ge [sflag:s22], s20  }
0xa5: {  	s4 =	ssub.s32 $0x0, s20;
	[sflag:s22] =	ssyncset.done $0x0  }
0xa6: {  	[sflag:s22] =	ssyncadd.s32 s4;
	_ =	sdelay $0x1  }
0xa7: {  	s23 =	simm.s32 $0x1B8B  }
0xa8: {  	_ =	swait.ge [sflag:s23], $0x1  }
0xa9: {  	[sflag:s23] =	ssyncset.done $0x0  }
0xaa: {  	s25 =	simm.s32 $0x1B8E;
	s24 =	sld [smem:$0x3FFE];
	[sflag:s23] =	ssyncadd.s32 $0xFFFFFFFF  }
0xab: {  	s26 =	simm.s32 $execute0_lowered;
	[smem:$0x3FD2] =	sst s25  }
0xac: {  	s5 =	sshll.u32 s26, $0x1;
	_ =	strace $0x80000049;
	[dreg:$0x1] =	wrdreg $0xFFFFFFFF  }
0xad: {  	s28 =	simm.s32 $_size_execute0_lowered;
	s3 =	sadd.s32 s3, s5;
	[dreg:$0x0] =	wrdreg $0x0  }
0xae: {  	s5 =	sshll.u32 s28, $0x1;
	[dreg:$0x2] =	wrdreg s3  }
0xaf: {  	[dreg:$0x3] =	wrdreg s5  }
0xb0: {  	[dreg:$0x4] =	wrdreg $0xC0  }
0xb1: {  	_ =	task [dreg:s7], $0x5FFFF  }
0xb2: {  	[dreg:$0x1] =	wrdreg $0xFFFFFFFF  }
0xb3: {  	[dreg:$0x0] =	wrdreg $0x60  }
0xb4: {  	[dreg:$0x2] =	wrdreg s24  }
0xb5: {  	[dreg:$0x3] =	wrdreg s16  }
0xb6: {  	[dreg:$0x4] =	wrdreg $0xA  }
0xb7: {  	_ =	task.clear_ibuf [dreg:s7], $0x5FFFF;
	_ =	strace $0x90000049  }
0xb8: {  	s29 =	simm.s32 $0xA;
	_ =	strace $0x8000004B  }
0xb9: {  	_ =	swait.ge [sflag:s29], $0x1  }
0xba: {  	[sflag:s29] =	ssyncadd.s32 $0xFFFFFFFF  }
0xbb: {  	_ =	strace $0x9000004B  }
0xbc: {  	_ =	sfence  }
0xbd: {  	s30 =	sld [smem:$0x0];
	_ =	sdelay $0x2  }
0xbe: {  	s31 =	sshll.u32 s1, $0xD;
	s1 =	sshrl.u32 s1, $0x2  }
0xbf: {  	s3 =	sand.u32 $0x4000, s31;
	s1 =	sadd.s32 s1, s30  }
0xc0: {  	s0 =	sor.u32 s3, s0;
	s1 =	sshll.u32 s1, $0x11  }
0xc1: {  	s0 =	sor.u32 s1, s0  }
0xc2: {  	s0 =	sadd.s32 $0x8F2B, s0  }
0xc3: {  	[sflag:s0] =	ssyncadd.remote.s32 $0x1  }
0xc4: {  	_ =	sfence.sel $0xFFFF  }
0xc5: {  	[dreg:$0x0] =	wrdreg $0xFFFFFFFF;
	(pc) =	sbr.abs _section_cstart, $3  }
0xc6: {  	[dreg:$0x1] =	wrdreg $0xFFFFFFFF  }
0xc7: {  	_ =	task.clear_ibuf [dreg:s7], $0x2FFFF;
	_ =	strace $0x9FFFFFFF  }
0xc8: {  	(tm) =	ssettm $0x7FFFFFFF  }
0xc9: {  	_ =	shalt  }
tec
execute0_lowered:
.L_overlay_start_1:
0x0: {  	(tag) =	ssettag $0x1  }
0x1: {  	s4 =	rddreg [dreg:$0x0]  }
0x2: {  	s5 =	rddreg [dreg:$0x1]  }
0x3: {  	s0 =	rddreg [dreg:$0x2];
	s2 =	simm.s32 $0x0;
	s3 =	srdreg.scid  }
0x4: {  	s1 =	stileid.u32;
	s10 =	simm.s32 $0x1;
	s11 =	simm.s32 $0x10800  }
0x5: {  	s12 =	simm.s32 $0x0;
	[smem:$0x7FF] =	sst s2;
	s3 =	sand.u32 $0x1, s3  }
0x6: {  	s6 =	sshll.u32 s1, $0xE;
	s7 =	sshll.u32 s3, $0xD;
	s8 =	ssub.s32 $0x2, s3  }
0x7: {  	_ =	strace $0x8000004A;
	s6 =	sor.u32 s7, s6;
	s31 =	sshrl.u32 s8, $0x1  }
0x8: {  	s3 =	sadd.s32 $0x103E00, s4;
	s9 =	sadd.s32 s6, s4;
	s7 =	ssub.s32 s8, s31  }
0x9: {  	s4 =	sadd.s32 s5, s6;
	s8 =	simm.s32 $0x2;
	s5 =	sadd.s32 $0x83A00, s9  }
0xa: {  	vm0 =	vmmov $0xffff;
	s6 =	sadd.s32 $0x84A00, s9;
	s7 =	smax.u32 s7, $0x1;
	s9 =	simm.s32 $0x10000  }
.LBB2_1:
0xb: {  	[tilespmem:s2], [sflag:$0x2] =	stream.linear.gather [hbm4b:s4+s2], $0x10000, $0x38;
	[tilespmem:$0x18800] =	vst v63  }
0xc: {  	_ =	swait.ge [sflag:s8], $0x10000  }
0xd: {  	[sflag:s8] =	ssyncset.done $0x0  }
0xe: {  	s14 =	simm.s32 $0x0;
	[sflag:s8] =	ssyncadd.s32 $0xFFFF0000  }
0xf: {  	v0 =	vld [tilespmem:s14+$0x0];
	_ =	sdelay $0x7  }
0x10: {  	[tilespmem:s9], [sflag:$0x1] =	stream.indirect_vreg.gather [hbm4b:s3+s2], $0x80, v0, vm0, $0xb8;
	[tilespmem:$0x18800] =	vst v63  }
0x11: {  	_ =	swait.ge [sflag:s10], $0x800  }
0x12: {  	[sflag:s10] =	ssyncset.done $0x0  }
0x13: {  	[sflag:s10] =	ssyncadd.s32 $0xFFFFF800  }
0x14: {  	v0 =	vld [tilespmem:$0x10000]  }
0x15: {  	v1 =	vld [tilespmem:$0x10080]  }
0x16: {  	v2 =	vld [tilespmem:$0x10100]  }
0x17: {  	v3 =	vld [tilespmem:$0x10180]  }
0x18: {  	v4 =	vld [tilespmem:$0x10200]  }
0x19: {  	v5 =	vld [tilespmem:$0x10280]  }
0x1a: {  	v0 =	vmax.f32 v0, v1;
	v1 =	vld [tilespmem:$0x10300]  }
0x1b: {  	v0 =	vmax.f32 v0, v2;
	v2 =	vld [tilespmem:$0x10380]  }
0x1c: {  	v0 =	vmax.f32 v0, v3;
	v3 =	vld [tilespmem:$0x10400]  }
0x1d: {  	v0 =	vmax.f32 v0, v4;
	v4 =	vld [tilespmem:$0x10480]  }
0x1e: {  	v0 =	vmax.f32 v0, v5;
	v5 =	vld [tilespmem:$0x10500]  }
0x1f: {  	v0 =	vmax.f32 v0, v1;
	v1 =	vld [tilespmem:$0x10580]  }
0x20: {  	v0 =	vmax.f32 v0, v2;
	v2 =	vld [tilespmem:$0x10600]  }
0x21: {  	v0 =	vmax.f32 v0, v3;
	v3 =	vld [tilespmem:$0x10680]  }
0x22: {  	v0 =	vmax.f32 v0, v4;
	v4 =	vld [tilespmem:$0x10700]  }
0x23: {  	v0 =	vmax.f32 v0, v5;
	v5 =	vld [tilespmem:$0x10780]  }
0x24: {  	v0 =	vmax.f32 v0, v1  }
0x25: {  	v0 =	vmax.f32 v0, v2  }
0x26: {  	v0 =	vmax.f32 v0, v3  }
0x27: {  	v0 =	vmax.f32 v0, v4  }
0x28: {  	v0 =	vmax.f32 v0, v5  }
0x29: {  	[tilespmem:s14+$0x10800] =	vst v0  }
0x2a: {  	v0 =	vld [tilespmem:$0x10010]  }
0x2b: {  	v3 =	vld [tilespmem:$0x10090]  }
0x2c: {  	v1 =	vld [tilespmem:$0x10110]  }
0x2d: {  	s15 =	simm.s32 $0x400;
	s13 =	simm.s32 $0x80;
	v2 =	vld [tilespmem:$0x10190]  }
.LBB2_2:
0x2e: {  	p0 =	sne.s32 s15, $0x1FE00;
	v4 =	vld [tilespmem:$0x10210];
	s16 =	smov.u32 s15;
	s15 =	sadd.s32 $0x200, s15  }
0x2f: {  	v5 =	vld [tilespmem:$0x10290]  }
0x30: {  	v0 =	vmax.f32 v0, v3;
	v3 =	vld [tilespmem:$0x10310]  }
0x31: {  	v0 =	vmax.f32 v0, v1;
	v1 =	vld [tilespmem:$0x10390]  }
0x32: {  	v0 =	vmax.f32 v0, v2;
	v2 =	vld [tilespmem:$0x10410]  }
0x33: {  	v0 =	vmax.f32 v0, v4;
	v4 =	vld [tilespmem:$0x10490]  }
0x34: {  	v0 =	vmax.f32 v0, v5;
	v5 =	vld [tilespmem:$0x10510]  }
0x35: {  	v0 =	vmax.f32 v0, v3;
	v3 =	vld [tilespmem:$0x10590]  }
0x36: {  	v0 =	vmax.f32 v0, v1;
	v1 =	vld [tilespmem:$0x10610]  }
0x37: {  	v0 =	vmax.f32 v0, v2;
	v2 =	vld [tilespmem:$0x10690]  }
0x38: {  	v0 =	vmax.f32 v0, v4;
	v4 =	vld [tilespmem:$0x10710]  }
0x39: {  	v0 =	vmax.f32 v0, v5;
	v5 =	vld [tilespmem:$0x10790]  }
0x3a: {  	v0 =	vmax.f32 v0, v3  }
0x3b: {  	v0 =	vmax.f32 v0, v1  }
0x3c: {  	v0 =	vmax.f32 v0, v2  }
0x3d: {  	v0 =	vmax.f32 v0, v4  }
0x3e: {  	v0 =	vmax.f32 v0, v5  }
0x3f: {  	[tilespmem:s14+$0x10810] =	vst v0  }
0x40: {  	v0 =	vld [tilespmem:$0x10020]  }
0x41: {  	v1 =	vld [tilespmem:$0x100A0]  }
0x42: {  	v2 =	vld [tilespmem:$0x10120]  }
0x43: {  	v3 =	vld [tilespmem:$0x101A0]  }
0x44: {  	v4 =	vld [tilespmem:$0x10220]  }
0x45: {  	v5 =	vld [tilespmem:$0x102A0]  }
0x46: {  	v0 =	vmax.f32 v0, v1;
	v1 =	vld [tilespmem:$0x10320]  }
0x47: {  	v0 =	vmax.f32 v0, v2;
	v2 =	vld [tilespmem:$0x103A0]  }
0x48: {  	v0 =	vmax.f32 v0, v3;
	v3 =	vld [tilespmem:$0x10420]  }
0x49: {  	v0 =	vmax.f32 v0, v4;
	v4 =	vld [tilespmem:$0x104A0]  }
0x4a: {  	v0 =	vmax.f32 v0, v5;
	v5 =	vld [tilespmem:$0x10520]  }
0x4b: {  	v0 =	vmax.f32 v0, v1;
	v1 =	vld [tilespmem:$0x105A0]  }
0x4c: {  	v0 =	vmax.f32 v0, v2;
	v2 =	vld [tilespmem:$0x10620]  }
0x4d: {  	v0 =	vmax.f32 v0, v3;
	v3 =	vld [tilespmem:$0x106A0]  }
0x4e: {  	v0 =	vmax.f32 v0, v4;
	v4 =	vld [tilespmem:$0x10720]  }
0x4f: {  	v0 =	vmax.f32 v0, v5;
	v5 =	vld [tilespmem:$0x107A0]  }
0x50: {  	v0 =	vmax.f32 v0, v1  }
0x51: {  	v0 =	vmax.f32 v0, v2  }
0x52: {  	v0 =	vmax.f32 v0, v3  }
0x53: {  	v0 =	vmax.f32 v0, v4  }
0x54: {  	v0 =	vmax.f32 v0, v5  }
0x55: {  	v1 =	vld [tilespmem:s13+$0x0];
	[tilespmem:s14+$0x10820] =	vst v0  }
0x56: {  	v0 =	vld [tilespmem:$0x10030]  }
0x57: {  	v2 =	vld [tilespmem:$0x100B0]  }
0x58: {  	v3 =	vld [tilespmem:$0x10130]  }
0x59: {  	v4 =	vld [tilespmem:$0x101B0]  }
0x5a: {  	v5 =	vld [tilespmem:$0x10230]  }
0x5b: {  	v6 =	vld [tilespmem:$0x102B0]  }
0x5c: {  	v0 =	vmax.f32 v0, v2;
	v2 =	vld [tilespmem:$0x10330]  }
0x5d: {  	v0 =	vmax.f32 v0, v3;
	v3 =	vld [tilespmem:$0x103B0]  }
0x5e: {  	v0 =	vmax.f32 v0, v4;
	v4 =	vld [tilespmem:$0x10430]  }
0x5f: {  	v0 =	vmax.f32 v0, v5;
	v5 =	vld [tilespmem:$0x104B0]  }
0x60: {  	v0 =	vmax.f32 v0, v6;
	v6 =	vld [tilespmem:$0x10530]  }
0x61: {  	v0 =	vmax.f32 v0, v2;
	v2 =	vld [tilespmem:$0x105B0]  }
0x62: {  	v0 =	vmax.f32 v0, v3;
	v3 =	vld [tilespmem:$0x10630]  }
0x63: {  	v0 =	vmax.f32 v0, v4;
	v4 =	vld [tilespmem:$0x106B0]  }
0x64: {  	v0 =	vmax.f32 v0, v5;
	v5 =	vld [tilespmem:$0x10730]  }
0x65: {  	v0 =	vmax.f32 v0, v6;
	v6 =	vld [tilespmem:$0x107B0]  }
0x66: {  	v0 =	vmax.f32 v0, v2  }
0x67: {  	v0 =	vmax.f32 v0, v3  }
0x68: {  	v0 =	vmax.f32 v0, v4  }
0x69: {  	v0 =	vmax.f32 v0, v5  }
0x6a: {  	v0 =	vmax.f32 v0, v6  }
0x6b: {  	[tilespmem:s14+$0x10830] =	vst v0;
	s14 =	smov.u32 s13  }
0x6c: {  	[tilespmem:s9], [sflag:$0x1] =	stream.indirect_vreg.gather [hbm4b:s3+s2], $0x80, v1, vm0, $0xb8;
	[tilespmem:$0x18800] =	vst v63  }
0x6d: {  	_ =	swait.ge [sflag:s10], $0x800  }
0x6e: {  	[sflag:s10] =	ssyncset.done $0x0  }
0x6f: {  	[sflag:s10] =	ssyncadd.s32 $0xFFFFF800  }
0x70: {  	v0 =	vld [tilespmem:$0x10000]  }
0x71: {  	v1 =	vld [tilespmem:$0x10080]  }
0x72: {  	v2 =	vld [tilespmem:$0x10100]  }
0x73: {  	v3 =	vld [tilespmem:$0x10180]  }
0x74: {  	v4 =	vld [tilespmem:$0x10200]  }
0x75: {  	v5 =	vld [tilespmem:$0x10280]  }
0x76: {  	v0 =	vmax.f32 v0, v1;
	v1 =	vld [tilespmem:$0x10300]  }
0x77: {  	v0 =	vmax.f32 v0, v2;
	v2 =	vld [tilespmem:$0x10380]  }
0x78: {  	v0 =	vmax.f32 v0, v3;
	v3 =	vld [tilespmem:$0x10400]  }
0x79: {  	v0 =	vmax.f32 v0, v4;
	v4 =	vld [tilespmem:$0x10480]  }
0x7a: {  	v0 =	vmax.f32 v0, v5;
	v5 =	vld [tilespmem:$0x10500]  }
0x7b: {  	v0 =	vmax.f32 v0, v1;
	v1 =	vld [tilespmem:$0x10580]  }
0x7c: {  	v0 =	vmax.f32 v0, v2;
	v2 =	vld [tilespmem:$0x10600]  }
0x7d: {  	v0 =	vmax.f32 v0, v3;
	v3 =	vld [tilespmem:$0x10680]  }
0x7e: {  	v0 =	vmax.f32 v0, v4;
	v4 =	vld [tilespmem:$0x10700]  }
0x7f: {  	v0 =	vmax.f32 v0, v5;
	v5 =	vld [tilespmem:$0x10780]  }
0x80: {  	v0 =	vmax.f32 v0, v1  }
0x81: {  	v0 =	vmax.f32 v0, v2  }
0x82: {  	v0 =	vmax.f32 v0, v3  }
0x83: {  	v0 =	vmax.f32 v0, v4  }
0x84: {  	v0 =	vmax.f32 v0, v5  }
.Ltmp0:
0x85: {  	[tilespmem:s14+$0x10800] =	vst v0;
	(pc) =	sbr.rel @p0 .LBB2_2-.Ltmp0, $4  }
0x86: {  	s13 =	sshra.s32 s16, $0x2;
	v0 =	vld [tilespmem:$0x10010]  }
0x87: {  	v3 =	vld [tilespmem:$0x10090]  }
0x88: {  	v1 =	vld [tilespmem:$0x10110]  }
0x89: {  	v2 =	vld [tilespmem:$0x10190]  }
0x8a: {  	v4 =	vld [tilespmem:$0x10210]  }
0x8b: {  	v5 =	vld [tilespmem:$0x10290]  }
0x8c: {  	v0 =	vmax.f32 v0, v3;
	v3 =	vld [tilespmem:$0x10310]  }
0x8d: {  	v0 =	vmax.f32 v0, v1;
	v1 =	vld [tilespmem:$0x10390]  }
0x8e: {  	v0 =	vmax.f32 v0, v2;
	v2 =	vld [tilespmem:$0x10410]  }
0x8f: {  	v0 =	vmax.f32 v0, v4;
	v4 =	vld [tilespmem:$0x10490]  }
0x90: {  	v0 =	vmax.f32 v0, v5;
	v5 =	vld [tilespmem:$0x10510]  }
0x91: {  	v0 =	vmax.f32 v0, v3;
	v3 =	vld [tilespmem:$0x10590]  }
0x92: {  	v0 =	vmax.f32 v0, v1;
	v1 =	vld [tilespmem:$0x10610]  }
0x93: {  	v0 =	vmax.f32 v0, v2;
	v2 =	vld [tilespmem:$0x10690]  }
0x94: {  	v0 =	vmax.f32 v0, v4;
	v4 =	vld [tilespmem:$0x10710]  }
0x95: {  	v0 =	vmax.f32 v0, v5;
	v5 =	vld [tilespmem:$0x10790]  }
0x96: {  	v0 =	vmax.f32 v0, v3  }
0x97: {  	v0 =	vmax.f32 v0, v1  }
0x98: {  	v0 =	vmax.f32 v0, v2  }
0x99: {  	v0 =	vmax.f32 v0, v4  }
0x9a: {  	v0 =	vmax.f32 v0, v5  }
0x9b: {  	[tilespmem:s14+$0x10810] =	vst v0  }
0x9c: {  	v0 =	vld [tilespmem:$0x10020]  }
0x9d: {  	v1 =	vld [tilespmem:$0x100A0]  }
0x9e: {  	v2 =	vld [tilespmem:$0x10120]  }
0x9f: {  	v3 =	vld [tilespmem:$0x101A0]  }
0xa0: {  	v4 =	vld [tilespmem:$0x10220]  }
0xa1: {  	v5 =	vld [tilespmem:$0x102A0]  }
0xa2: {  	v0 =	vmax.f32 v0, v1;
	v1 =	vld [tilespmem:$0x10320]  }
0xa3: {  	v0 =	vmax.f32 v0, v2;
	v2 =	vld [tilespmem:$0x103A0]  }
0xa4: {  	v0 =	vmax.f32 v0, v3;
	v3 =	vld [tilespmem:$0x10420]  }
0xa5: {  	v0 =	vmax.f32 v0, v4;
	v4 =	vld [tilespmem:$0x104A0]  }
0xa6: {  	v0 =	vmax.f32 v0, v5;
	v5 =	vld [tilespmem:$0x10520]  }
0xa7: {  	v0 =	vmax.f32 v0, v1;
	v1 =	vld [tilespmem:$0x105A0]  }
0xa8: {  	v0 =	vmax.f32 v0, v2;
	v2 =	vld [tilespmem:$0x10620]  }
0xa9: {  	v0 =	vmax.f32 v0, v3;
	v3 =	vld [tilespmem:$0x106A0]  }
0xaa: {  	v0 =	vmax.f32 v0, v4;
	v4 =	vld [tilespmem:$0x10720]  }
0xab: {  	v0 =	vmax.f32 v0, v5;
	v5 =	vld [tilespmem:$0x107A0]  }
0xac: {  	v0 =	vmax.f32 v0, v1  }
0xad: {  	v0 =	vmax.f32 v0, v2  }
0xae: {  	v0 =	vmax.f32 v0, v3  }
0xaf: {  	v0 =	vmax.f32 v0, v4  }
0xb0: {  	v0 =	vmax.f32 v0, v5  }
0xb1: {  	v1 =	vld [tilespmem:s13+$0x0];
	[tilespmem:s14+$0x10820] =	vst v0  }
0xb2: {  	v0 =	vld [tilespmem:$0x10030]  }
0xb3: {  	v2 =	vld [tilespmem:$0x100B0]  }
0xb4: {  	v3 =	vld [tilespmem:$0x10130]  }
0xb5: {  	v4 =	vld [tilespmem:$0x101B0]  }
0xb6: {  	v5 =	vld [tilespmem:$0x10230]  }
0xb7: {  	v6 =	vld [tilespmem:$0x102B0]  }
0xb8: {  	v0 =	vmax.f32 v0, v2;
	v2 =	vld [tilespmem:$0x10330]  }
0xb9: {  	v0 =	vmax.f32 v0, v3;
	v3 =	vld [tilespmem:$0x103B0]  }
0xba: {  	v0 =	vmax.f32 v0, v4;
	v4 =	vld [tilespmem:$0x10430]  }
0xbb: {  	v0 =	vmax.f32 v0, v5;
	v5 =	vld [tilespmem:$0x104B0]  }
0xbc: {  	v62 =	vld [tilespmem:$0x10530];
	v0 =	vmax.f32 v0, v6  }
0xbd: {  	v0 =	vmax.f32 v0, v2;
	v2 =	vld [tilespmem:$0x105B0]  }
0xbe: {  	v0 =	vmax.f32 v0, v3;
	v3 =	vld [tilespmem:$0x10630]  }
0xbf: {  	v0 =	vmax.f32 v0, v4;
	v4 =	vld [tilespmem:$0x106B0]  }
0xc0: {  	v0 =	vmax.f32 v0, v5;
	v5 =	vld [tilespmem:$0x10730]  }
0xc1: {  	v63 =	vld [tilespmem:$0x107B0];
	v0 =	vmax.f32 v0, v62  }
0xc2: {  	v0 =	vmax.f32 v0, v2  }
0xc3: {  	v0 =	vmax.f32 v0, v3  }
0xc4: {  	v0 =	vmax.f32 v0, v4  }
0xc5: {  	v0 =	vmax.f32 v0, v5  }
0xc6: {  	v0 =	vmax.f32 v0, v63  }
0xc7: {  	[tilespmem:s14+$0x10830] =	vst v0  }
0xc8: {  	[tilespmem:s9], [sflag:$0x1] =	stream.indirect_vreg.gather [hbm4b:s3+s2], $0x80, v1, vm0, $0xb8;
	[tilespmem:$0x18800] =	vst v63  }
0xc9: {  	_ =	swait.ge [sflag:s10], $0x800  }
0xca: {  	[sflag:s10] =	ssyncset.done $0x0  }
0xcb: {  	[sflag:s10] =	ssyncadd.s32 $0xFFFFF800  }
0xcc: {  	v0 =	vld [tilespmem:$0x10000]  }
0xcd: {  	v1 =	vld [tilespmem:$0x10080]  }
0xce: {  	v2 =	vld [tilespmem:$0x10100]  }
0xcf: {  	v3 =	vld [tilespmem:$0x10180]  }
0xd0: {  	v4 =	vld [tilespmem:$0x10200]  }
0xd1: {  	v5 =	vld [tilespmem:$0x10280]  }
0xd2: {  	v0 =	vmax.f32 v0, v1;
	v1 =	vld [tilespmem:$0x10300]  }
0xd3: {  	v0 =	vmax.f32 v0, v2;
	v2 =	vld [tilespmem:$0x10380]  }
0xd4: {  	v0 =	vmax.f32 v0, v3;
	v3 =	vld [tilespmem:$0x10400]  }
0xd5: {  	v0 =	vmax.f32 v0, v4;
	v4 =	vld [tilespmem:$0x10480]  }
0xd6: {  	v0 =	vmax.f32 v0, v5;
	v5 =	vld [tilespmem:$0x10500]  }
0xd7: {  	v0 =	vmax.f32 v0, v1;
	v1 =	vld [tilespmem:$0x10580]  }
0xd8: {  	v0 =	vmax.f32 v0, v2;
	v2 =	vld [tilespmem:$0x10600]  }
0xd9: {  	v0 =	vmax.f32 v0, v3;
	v3 =	vld [tilespmem:$0x10680]  }
0xda: {  	v0 =	vmax.f32 v0, v4;
	v4 =	vld [tilespmem:$0x10700]  }
0xdb: {  	v0 =	vmax.f32 v0, v5;
	v5 =	vld [tilespmem:$0x10780]  }
0xdc: {  	v0 =	vmax.f32 v0, v1  }
0xdd: {  	v0 =	vmax.f32 v0, v2  }
0xde: {  	v0 =	vmax.f32 v0, v3  }
0xdf: {  	v0 =	vmax.f32 v0, v4  }
0xe0: {  	v0 =	vmax.f32 v0, v5  }
0xe1: {  	[tilespmem:s13+$0x10800] =	vst v0  }
0xe2: {  	v0 =	vld [tilespmem:$0x10010]  }
0xe3: {  	v1 =	vld [tilespmem:$0x10090]  }
0xe4: {  	v2 =	vld [tilespmem:$0x10110]  }
0xe5: {  	v3 =	vld [tilespmem:$0x10190]  }
0xe6: {  	v4 =	vld [tilespmem:$0x10210]  }
0xe7: {  	v5 =	vld [tilespmem:$0x10290]  }
0xe8: {  	v0 =	vmax.f32 v0, v1;
	v1 =	vld [tilespmem:$0x10310]  }
0xe9: {  	v0 =	vmax.f32 v0, v2;
	v2 =	vld [tilespmem:$0x10390]  }
0xea: {  	v0 =	vmax.f32 v0, v3;
	v3 =	vld [tilespmem:$0x10410]  }
0xeb: {  	v0 =	vmax.f32 v0, v4;
	v4 =	vld [tilespmem:$0x10490]  }
0xec: {  	v0 =	vmax.f32 v0, v5;
	v5 =	vld [tilespmem:$0x10510]  }
0xed: {  	v0 =	vmax.f32 v0, v1;
	v1 =	vld [tilespmem:$0x10590]  }
0xee: {  	v0 =	vmax.f32 v0, v2;
	v2 =	vld [tilespmem:$0x10610]  }
0xef: {  	v0 =	vmax.f32 v0, v3;
	v3 =	vld [tilespmem:$0x10690]  }
0xf0: {  	v0 =	vmax.f32 v0, v4;
	v4 =	vld [tilespmem:$0x10710]  }
0xf1: {  	v0 =	vmax.f32 v0, v5;
	v5 =	vld [tilespmem:$0x10790]  }
0xf2: {  	v0 =	vmax.f32 v0, v1  }
0xf3: {  	v0 =	vmax.f32 v0, v2  }
0xf4: {  	v0 =	vmax.f32 v0, v3  }
0xf5: {  	v0 =	vmax.f32 v0, v4  }
0xf6: {  	v0 =	vmax.f32 v0, v5  }
0xf7: {  	[tilespmem:s13+$0x10810] =	vst v0  }
0xf8: {  	v0 =	vld [tilespmem:$0x10020]  }
0xf9: {  	v1 =	vld [tilespmem:$0x100A0]  }
0xfa: {  	v2 =	vld [tilespmem:$0x10120]  }
0xfb: {  	v3 =	vld [tilespmem:$0x101A0]  }
0xfc: {  	v4 =	vld [tilespmem:$0x10220]  }
0xfd: {  	v5 =	vld [tilespmem:$0x102A0]  }
0xfe: {  	v0 =	vmax.f32 v0, v1;
	v1 =	vld [tilespmem:$0x10320]  }
0xff: {  	v0 =	vmax.f32 v0, v2;
	v2 =	vld [tilespmem:$0x103A0]  }
0x100: {  	v0 =	vmax.f32 v0, v3;
	v3 =	vld [tilespmem:$0x10420]  }
0x101: {  	v0 =	vmax.f32 v0, v4;
	v4 =	vld [tilespmem:$0x104A0]  }
0x102: {  	v0 =	vmax.f32 v0, v5;
	v5 =	vld [tilespmem:$0x10520]  }
0x103: {  	v0 =	vmax.f32 v0, v1;
	v1 =	vld [tilespmem:$0x105A0]  }
0x104: {  	v0 =	vmax.f32 v0, v2;
	v2 =	vld [tilespmem:$0x10620]  }
0x105: {  	v0 =	vmax.f32 v0, v3;
	v3 =	vld [tilespmem:$0x106A0]  }
0x106: {  	v0 =	vmax.f32 v0, v4;
	v4 =	vld [tilespmem:$0x10720]  }
0x107: {  	v0 =	vmax.f32 v0, v5;
	v5 =	vld [tilespmem:$0x107A0]  }
0x108: {  	v0 =	vmax.f32 v0, v1  }
0x109: {  	v0 =	vmax.f32 v0, v2  }
0x10a: {  	v0 =	vmax.f32 v0, v3  }
0x10b: {  	v0 =	vmax.f32 v0, v4  }
0x10c: {  	v0 =	vmax.f32 v0, v5  }
0x10d: {  	[tilespmem:s13+$0x10820] =	vst v0  }
0x10e: {  	v0 =	vld [tilespmem:$0x10030]  }
0x10f: {  	v1 =	vld [tilespmem:$0x100B0]  }
0x110: {  	v2 =	vld [tilespmem:$0x10130]  }
0x111: {  	v3 =	vld [tilespmem:$0x101B0]  }
0x112: {  	v4 =	vld [tilespmem:$0x10230]  }
0x113: {  	v5 =	vld [tilespmem:$0x102B0]  }
0x114: {  	v0 =	vmax.f32 v0, v1;
	v1 =	vld [tilespmem:$0x10330]  }
0x115: {  	v0 =	vmax.f32 v0, v2;
	v2 =	vld [tilespmem:$0x103B0]  }
0x116: {  	v0 =	vmax.f32 v0, v3;
	v3 =	vld [tilespmem:$0x10430]  }
0x117: {  	v0 =	vmax.f32 v0, v4;
	v4 =	vld [tilespmem:$0x104B0]  }
0x118: {  	v0 =	vmax.f32 v0, v5;
	v5 =	vld [tilespmem:$0x10530]  }
0x119: {  	v0 =	vmax.f32 v0, v1;
	v1 =	vld [tilespmem:$0x105B0]  }
0x11a: {  	v0 =	vmax.f32 v0, v2;
	v2 =	vld [tilespmem:$0x10630]  }
0x11b: {  	v0 =	vmax.f32 v0, v3;
	v3 =	vld [tilespmem:$0x106B0]  }
0x11c: {  	v0 =	vmax.f32 v0, v4;
	v4 =	vld [tilespmem:$0x10730]  }
0x11d: {  	v0 =	vmax.f32 v0, v5;
	v5 =	vld [tilespmem:$0x107B0]  }
0x11e: {  	v0 =	vmax.f32 v0, v1  }
0x11f: {  	v0 =	vmax.f32 v0, v2  }
0x120: {  	v0 =	vmax.f32 v0, v3  }
0x121: {  	v0 =	vmax.f32 v0, v4  }
0x122: {  	v0 =	vmax.f32 v0, v5  }
0x123: {  	s31 =	simm.s32 $0x0;
	[tilespmem:s13+$0x10830] =	vst v0  }
0x124: {  	[hbm4b:s5+s31] =	stream.linear.scatter [tilespmem:s11], [sflag:$0x2], $0x8000, $0x38;
	[tilespmem:$0x18800] =	vst v63  }
0x125: {  	_ =	swait.ge [sflag:s8], $0x8000  }
0x126: {  	[sflag:s8] =	ssyncset.done $0x0  }
0x127: {  	s14 =	simm.s32 $0x0;
	[sflag:s8] =	ssyncadd.s32 $0xFFFF8000  }
0x128: {  	v0 =	vld [tilespmem:s14+$0x8000];
	_ =	sdelay $0x7  }
0x129: {  	[tilespmem:s9], [sflag:$0x1] =	stream.indirect_vreg.gather [hbm4b:s3+s2], $0x80, v0, vm0, $0xb8;
	[tilespmem:$0x18800] =	vst v63  }
0x12a: {  	_ =	swait.ge [sflag:s10], $0x800  }
0x12b: {  	[sflag:s10] =	ssyncset.done $0x0  }
0x12c: {  	[sflag:s10] =	ssyncadd.s32 $0xFFFFF800  }
0x12d: {  	v0 =	vld [tilespmem:$0x10000]  }
0x12e: {  	v1 =	vld [tilespmem:$0x10080]  }
0x12f: {  	v2 =	vld [tilespmem:$0x10100]  }
0x130: {  	v3 =	vld [tilespmem:$0x10180]  }
0x131: {  	v4 =	vld [tilespmem:$0x10200]  }
0x132: {  	v5 =	vld [tilespmem:$0x10280]  }
0x133: {  	v0 =	vmax.f32 v0, v1;
	v1 =	vld [tilespmem:$0x10300]  }
0x134: {  	v0 =	vmax.f32 v0, v2;
	v2 =	vld [tilespmem:$0x10380]  }
0x135: {  	v0 =	vmax.f32 v0, v3;
	v3 =	vld [tilespmem:$0x10400]  }
0x136: {  	v0 =	vmax.f32 v0, v4;
	v4 =	vld [tilespmem:$0x10480]  }
0x137: {  	v0 =	vmax.f32 v0, v5;
	v5 =	vld [tilespmem:$0x10500]  }
0x138: {  	v0 =	vmax.f32 v0, v1;
	v1 =	vld [tilespmem:$0x10580]  }
0x139: {  	v0 =	vmax.f32 v0, v2;
	v2 =	vld [tilespmem:$0x10600]  }
0x13a: {  	v0 =	vmax.f32 v0, v3;
	v3 =	vld [tilespmem:$0x10680]  }
0x13b: {  	v0 =	vmax.f32 v0, v4;
	v4 =	vld [tilespmem:$0x10700]  }
0x13c: {  	v0 =	vmax.f32 v0, v5;
	v5 =	vld [tilespmem:$0x10780]  }
0x13d: {  	v0 =	vmax.f32 v0, v1  }
0x13e: {  	v0 =	vmax.f32 v0, v2  }
0x13f: {  	v0 =	vmax.f32 v0, v3  }
0x140: {  	v0 =	vmax.f32 v0, v4  }
0x141: {  	v0 =	vmax.f32 v0, v5  }
0x142: {  	[tilespmem:s14+$0x10800] =	vst v0  }
0x143: {  	v0 =	vld [tilespmem:$0x10010]  }
0x144: {  	v3 =	vld [tilespmem:$0x10090]  }
0x145: {  	v1 =	vld [tilespmem:$0x10110]  }
0x146: {  	s15 =	simm.s32 $0x400;
	s13 =	simm.s32 $0x80;
	v2 =	vld [tilespmem:$0x10190]  }
.LBB2_4:
0x147: {  	p0 =	sne.s32 s15, $0x1FE00;
	v4 =	vld [tilespmem:$0x10210];
	s16 =	smov.u32 s15;
	s15 =	sadd.s32 $0x200, s15  }
0x148: {  	v5 =	vld [tilespmem:$0x10290]  }
0x149: {  	v0 =	vmax.f32 v0, v3;
	v3 =	vld [tilespmem:$0x10310]  }
0x14a: {  	v0 =	vmax.f32 v0, v1;
	v1 =	vld [tilespmem:$0x10390]  }
0x14b: {  	v0 =	vmax.f32 v0, v2;
	v2 =	vld [tilespmem:$0x10410]  }
0x14c: {  	v0 =	vmax.f32 v0, v4;
	v4 =	vld [tilespmem:$0x10490]  }
0x14d: {  	v0 =	vmax.f32 v0, v5;
	v5 =	vld [tilespmem:$0x10510]  }
0x14e: {  	v0 =	vmax.f32 v0, v3;
	v3 =	vld [tilespmem:$0x10590]  }
0x14f: {  	v0 =	vmax.f32 v0, v1;
	v1 =	vld [tilespmem:$0x10610]  }
0x150: {  	v0 =	vmax.f32 v0, v2;
	v2 =	vld [tilespmem:$0x10690]  }
0x151: {  	v0 =	vmax.f32 v0, v4;
	v4 =	vld [tilespmem:$0x10710]  }
0x152: {  	v0 =	vmax.f32 v0, v5;
	v5 =	vld [tilespmem:$0x10790]  }
0x153: {  	v0 =	vmax.f32 v0, v3  }
0x154: {  	v0 =	vmax.f32 v0, v1  }
0x155: {  	v0 =	vmax.f32 v0, v2  }
0x156: {  	v0 =	vmax.f32 v0, v4  }
0x157: {  	v0 =	vmax.f32 v0, v5  }
0x158: {  	[tilespmem:s14+$0x10810] =	vst v0  }
0x159: {  	v0 =	vld [tilespmem:$0x10020]  }
0x15a: {  	v1 =	vld [tilespmem:$0x100A0]  }
0x15b: {  	v2 =	vld [tilespmem:$0x10120]  }
0x15c: {  	v3 =	vld [tilespmem:$0x101A0]  }
0x15d: {  	v4 =	vld [tilespmem:$0x10220]  }
0x15e: {  	v5 =	vld [tilespmem:$0x102A0]  }
0x15f: {  	v0 =	vmax.f32 v0, v1;
	v1 =	vld [tilespmem:$0x10320]  }
0x160: {  	v0 =	vmax.f32 v0, v2;
	v2 =	vld [tilespmem:$0x103A0]  }
0x161: {  	v0 =	vmax.f32 v0, v3;
	v3 =	vld [tilespmem:$0x10420]  }
0x162: {  	v0 =	vmax.f32 v0, v4;
	v4 =	vld [tilespmem:$0x104A0]  }
0x163: {  	v0 =	vmax.f32 v0, v5;
	v5 =	vld [tilespmem:$0x10520]  }
0x164: {  	v0 =	vmax.f32 v0, v1;
	v1 =	vld [tilespmem:$0x105A0]  }
0x165: {  	v0 =	vmax.f32 v0, v2;
	v2 =	vld [tilespmem:$0x10620]  }
0x166: {  	v0 =	vmax.f32 v0, v3;
	v3 =	vld [tilespmem:$0x106A0]  }
0x167: {  	v0 =	vmax.f32 v0, v4;
	v4 =	vld [tilespmem:$0x10720]  }
0x168: {  	v0 =	vmax.f32 v0, v5;
	v5 =	vld [tilespmem:$0x107A0]  }
0x169: {  	v0 =	vmax.f32 v0, v1  }
0x16a: {  	v0 =	vmax.f32 v0, v2  }
0x16b: {  	v0 =	vmax.f32 v0, v3  }
0x16c: {  	v0 =	vmax.f32 v0, v4  }
0x16d: {  	v0 =	vmax.f32 v0, v5  }
0x16e: {  	v1 =	vld [tilespmem:s13+$0x8000];
	[tilespmem:s14+$0x10820] =	vst v0  }
0x16f: {  	v0 =	vld [tilespmem:$0x10030]  }
0x170: {  	v2 =	vld [tilespmem:$0x100B0]  }
0x171: {  	v3 =	vld [tilespmem:$0x10130]  }
0x172: {  	v4 =	vld [tilespmem:$0x101B0]  }
0x173: {  	v5 =	vld [tilespmem:$0x10230]  }
0x174: {  	v6 =	vld [tilespmem:$0x102B0]  }
0x175: {  	v0 =	vmax.f32 v0, v2;
	v2 =	vld [tilespmem:$0x10330]  }
0x176: {  	v0 =	vmax.f32 v0, v3;
	v3 =	vld [tilespmem:$0x103B0]  }
0x177: {  	v0 =	vmax.f32 v0, v4;
	v4 =	vld [tilespmem:$0x10430]  }
0x178: {  	v0 =	vmax.f32 v0, v5;
	v5 =	vld [tilespmem:$0x104B0]  }
0x179: {  	v0 =	vmax.f32 v0, v6;
	v6 =	vld [tilespmem:$0x10530]  }
0x17a: {  	v0 =	vmax.f32 v0, v2;
	v2 =	vld [tilespmem:$0x105B0]  }
0x17b: {  	v0 =	vmax.f32 v0, v3;
	v3 =	vld [tilespmem:$0x10630]  }
0x17c: {  	v0 =	vmax.f32 v0, v4;
	v4 =	vld [tilespmem:$0x106B0]  }
0x17d: {  	v0 =	vmax.f32 v0, v5;
	v5 =	vld [tilespmem:$0x10730]  }
0x17e: {  	v0 =	vmax.f32 v0, v6;
	v6 =	vld [tilespmem:$0x107B0]  }
0x17f: {  	v0 =	vmax.f32 v0, v2  }
0x180: {  	v0 =	vmax.f32 v0, v3  }
0x181: {  	v0 =	vmax.f32 v0, v4  }
0x182: {  	v0 =	vmax.f32 v0, v5  }
0x183: {  	v0 =	vmax.f32 v0, v6  }
0x184: {  	[tilespmem:s14+$0x10830] =	vst v0;
	s14 =	smov.u32 s13  }
0x185: {  	[tilespmem:s9], [sflag:$0x1] =	stream.indirect_vreg.gather [hbm4b:s3+s2], $0x80, v1, vm0, $0xb8;
	[tilespmem:$0x18800] =	vst v63  }
0x186: {  	_ =	swait.ge [sflag:s10], $0x800  }
0x187: {  	[sflag:s10] =	ssyncset.done $0x0  }
0x188: {  	[sflag:s10] =	ssyncadd.s32 $0xFFFFF800  }
0x189: {  	v0 =	vld [tilespmem:$0x10000]  }
0x18a: {  	v1 =	vld [tilespmem:$0x10080]  }
0x18b: {  	v2 =	vld [tilespmem:$0x10100]  }
0x18c: {  	v3 =	vld [tilespmem:$0x10180]  }
0x18d: {  	v4 =	vld [tilespmem:$0x10200]  }
0x18e: {  	v5 =	vld [tilespmem:$0x10280]  }
0x18f: {  	v0 =	vmax.f32 v0, v1;
	v1 =	vld [tilespmem:$0x10300]  }
0x190: {  	v0 =	vmax.f32 v0, v2;
	v2 =	vld [tilespmem:$0x10380]  }
0x191: {  	v0 =	vmax.f32 v0, v3;
	v3 =	vld [tilespmem:$0x10400]  }
0x192: {  	v0 =	vmax.f32 v0, v4;
	v4 =	vld [tilespmem:$0x10480]  }
0x193: {  	v0 =	vmax.f32 v0, v5;
	v5 =	vld [tilespmem:$0x10500]  }
0x194: {  	v0 =	vmax.f32 v0, v1;
	v1 =	vld [tilespmem:$0x10580]  }
0x195: {  	v0 =	vmax.f32 v0, v2;
	v2 =	vld [tilespmem:$0x10600]  }
0x196: {  	v0 =	vmax.f32 v0, v3;
	v3 =	vld [tilespmem:$0x10680]  }
0x197: {  	v0 =	vmax.f32 v0, v4;
	v4 =	vld [tilespmem:$0x10700]  }
0x198: {  	v0 =	vmax.f32 v0, v5;
	v5 =	vld [tilespmem:$0x10780]  }
0x199: {  	v0 =	vmax.f32 v0, v1  }
0x19a: {  	v0 =	vmax.f32 v0, v2  }
0x19b: {  	v0 =	vmax.f32 v0, v3  }
0x19c: {  	v0 =	vmax.f32 v0, v4  }
0x19d: {  	v0 =	vmax.f32 v0, v5  }
.Ltmp1:
0x19e: {  	[tilespmem:s14+$0x10800] =	vst v0;
	(pc) =	sbr.rel @p0 .LBB2_4-.Ltmp1, $4  }
0x19f: {  	s13 =	sshra.s32 s16, $0x2;
	v0 =	vld [tilespmem:$0x10010]  }
0x1a0: {  	v3 =	vld [tilespmem:$0x10090]  }
0x1a1: {  	v1 =	vld [tilespmem:$0x10110]  }
0x1a2: {  	v2 =	vld [tilespmem:$0x10190]  }
0x1a3: {  	v4 =	vld [tilespmem:$0x10210]  }
0x1a4: {  	v5 =	vld [tilespmem:$0x10290]  }
0x1a5: {  	v19 =	vld [tilespmem:$0x10310];
	v0 =	vmax.f32 v0, v3  }
0x1a6: {  	v20 =	vld [tilespmem:$0x10390];
	v0 =	vmax.f32 v0, v1  }
0x1a7: {  	v21 =	vld [tilespmem:$0x10410];
	v0 =	vmax.f32 v0, v2  }
0x1a8: {  	v22 =	vld [tilespmem:$0x10490];
	v0 =	vmax.f32 v0, v4  }
0x1a9: {  	v23 =	vld [tilespmem:$0x10510];
	v0 =	vmax.f32 v0, v5  }
0x1aa: {  	v24 =	vld [tilespmem:$0x10590];
	v0 =	vmax.f32 v0, v19  }
0x1ab: {  	v25 =	vld [tilespmem:$0x10610];
	v0 =	vmax.f32 v0, v20  }
0x1ac: {  	v26 =	vld [tilespmem:$0x10690];
	v0 =	vmax.f32 v0, v21  }
0x1ad: {  	v27 =	vld [tilespmem:$0x10710];
	v0 =	vmax.f32 v0, v22  }
0x1ae: {  	v28 =	vld [tilespmem:$0x10790];
	v0 =	vmax.f32 v0, v23  }
0x1af: {  	v0 =	vmax.f32 v0, v24  }
0x1b0: {  	v0 =	vmax.f32 v0, v25  }
0x1b1: {  	v0 =	vmax.f32 v0, v26  }
0x1b2: {  	v0 =	vmax.f32 v0, v27  }
0x1b3: {  	v0 =	vmax.f32 v0, v28  }
0x1b4: {  	[tilespmem:s14+$0x10810] =	vst v0  }
0x1b5: {  	v0 =	vld [tilespmem:$0x10020]  }
0x1b6: {  	v29 =	vld [tilespmem:$0x100A0]  }
0x1b7: {  	v30 =	vld [tilespmem:$0x10120]  }
0x1b8: {  	v31 =	vld [tilespmem:$0x101A0]  }
0x1b9: {  	v32 =	vld [tilespmem:$0x10220]  }
0x1ba: {  	v33 =	vld [tilespmem:$0x102A0]  }
0x1bb: {  	v34 =	vld [tilespmem:$0x10320];
	v0 =	vmax.f32 v0, v29  }
0x1bc: {  	v35 =	vld [tilespmem:$0x103A0];
	v0 =	vmax.f32 v0, v30  }
0x1bd: {  	v36 =	vld [tilespmem:$0x10420];
	v0 =	vmax.f32 v0, v31  }
0x1be: {  	v37 =	vld [tilespmem:$0x104A0];
	v0 =	vmax.f32 v0, v32  }
0x1bf: {  	v38 =	vld [tilespmem:$0x10520];
	v0 =	vmax.f32 v0, v33  }
0x1c0: {  	v39 =	vld [tilespmem:$0x105A0];
	v0 =	vmax.f32 v0, v34  }
0x1c1: {  	v40 =	vld [tilespmem:$0x10620];
	v0 =	vmax.f32 v0, v35  }
0x1c2: {  	v41 =	vld [tilespmem:$0x106A0];
	v0 =	vmax.f32 v0, v36  }
0x1c3: {  	v42 =	vld [tilespmem:$0x10720];
	v0 =	vmax.f32 v0, v37  }
0x1c4: {  	v43 =	vld [tilespmem:$0x107A0];
	v0 =	vmax.f32 v0, v38  }
0x1c5: {  	v0 =	vmax.f32 v0, v39  }
0x1c6: {  	v0 =	vmax.f32 v0, v40  }
0x1c7: {  	v0 =	vmax.f32 v0, v41  }
0x1c8: {  	v0 =	vmax.f32 v0, v42  }
0x1c9: {  	v0 =	vmax.f32 v0, v43  }
0x1ca: {  	v44 =	vld [tilespmem:s13+$0x8000];
	[tilespmem:s14+$0x10820] =	vst v0  }
0x1cb: {  	v0 =	vld [tilespmem:$0x10030]  }
0x1cc: {  	v45 =	vld [tilespmem:$0x100B0]  }
0x1cd: {  	v46 =	vld [tilespmem:$0x10130]  }
0x1ce: {  	v47 =	vld [tilespmem:$0x101B0]  }
0x1cf: {  	v48 =	vld [tilespmem:$0x10230]  }
0x1d0: {  	v6 =	vld [tilespmem:$0x102B0]  }
0x1d1: {  	v49 =	vld [tilespmem:$0x10330];
	v0 =	vmax.f32 v0, v45  }
0x1d2: {  	v50 =	vld [tilespmem:$0x103B0];
	v0 =	vmax.f32 v0, v46  }
0x1d3: {  	v51 =	vld [tilespmem:$0x10430];
	v0 =	vmax.f32 v0, v47  }
0x1d4: {  	v52 =	vld [tilespmem:$0x104B0];
	v0 =	vmax.f32 v0, v48  }
0x1d5: {  	v53 =	vld [tilespmem:$0x10530];
	v0 =	vmax.f32 v0, v6  }
0x1d6: {  	v54 =	vld [tilespmem:$0x105B0];
	v0 =	vmax.f32 v0, v49  }
0x1d7: {  	v55 =	vld [tilespmem:$0x10630];
	v0 =	vmax.f32 v0, v50  }
0x1d8: {  	v56 =	vld [tilespmem:$0x106B0];
	v0 =	vmax.f32 v0, v51  }
0x1d9: {  	v57 =	vld [tilespmem:$0x10730];
	v0 =	vmax.f32 v0, v52  }
0x1da: {  	v58 =	vld [tilespmem:$0x107B0];
	v0 =	vmax.f32 v0, v53  }
0x1db: {  	v0 =	vmax.f32 v0, v54  }
0x1dc: {  	v0 =	vmax.f32 v0, v55  }
0x1dd: {  	v0 =	vmax.f32 v0, v56  }
0x1de: {  	v0 =	vmax.f32 v0, v57  }
0x1df: {  	v0 =	vmax.f32 v0, v58  }
0x1e0: {  	[tilespmem:s14+$0x10830] =	vst v0  }
0x1e1: {  	[tilespmem:s9], [sflag:$0x1] =	stream.indirect_vreg.gather [hbm4b:s3+s2], $0x80, v44, vm0, $0xb8;
	[tilespmem:$0x18800] =	vst v63  }
0x1e2: {  	_ =	swait.ge [sflag:s10], $0x800  }
0x1e3: {  	[sflag:s10] =	ssyncset.done $0x0  }
0x1e4: {  	[sflag:s10] =	ssyncadd.s32 $0xFFFFF800  }
0x1e5: {  	v59 =	vld [tilespmem:$0x10000]  }
0x1e6: {  	v60 =	vld [tilespmem:$0x10080]  }
0x1e7: {  	v61 =	vld [tilespmem:$0x10100]  }
0x1e8: {  	v62 =	vld [tilespmem:$0x10180]  }
0x1e9: {  	v63 =	vld [tilespmem:$0x10200]  }
0x1ea: {  	v8 =	vld [tilespmem:$0x10280]  }
0x1eb: {  	v9 =	vld [tilespmem:$0x10300];
	v0 =	vmax.f32 v59, v60  }
0x1ec: {  	v10 =	vld [tilespmem:$0x10380];
	v0 =	vmax.f32 v0, v61  }
0x1ed: {  	v11 =	vld [tilespmem:$0x10400];
	v0 =	vmax.f32 v0, v62  }
0x1ee: {  	v12 =	vld [tilespmem:$0x10480];
	v0 =	vmax.f32 v0, v63  }
0x1ef: {  	v13 =	vld [tilespmem:$0x10500];
	v0 =	vmax.f32 v0, v8  }
0x1f0: {  	v14 =	vld [tilespmem:$0x10580];
	v0 =	vmax.f32 v0, v9  }
0x1f1: {  	v15 =	vld [tilespmem:$0x10600];
	v0 =	vmax.f32 v0, v10  }
0x1f2: {  	v16 =	vld [tilespmem:$0x10680];
	v0 =	vmax.f32 v0, v11  }
0x1f3: {  	v17 =	vld [tilespmem:$0x10700];
	v0 =	vmax.f32 v0, v12  }
0x1f4: {  	v18 =	vld [tilespmem:$0x10780];
	v0 =	vmax.f32 v0, v13  }
0x1f5: {  	v0 =	vmax.f32 v0, v14  }
0x1f6: {  	v0 =	vmax.f32 v0, v15  }
0x1f7: {  	v0 =	vmax.f32 v0, v16  }
0x1f8: {  	v0 =	vmax.f32 v0, v17  }
0x1f9: {  	v0 =	vmax.f32 v0, v18  }
0x1fa: {  	[tilespmem:s13+$0x10800] =	vst v0  }
0x1fb: {  	v0 =	vld [tilespmem:$0x10010]  }
0x1fc: {  	v19 =	vld [tilespmem:$0x10090]  }
0x1fd: {  	v20 =	vld [tilespmem:$0x10110]  }
0x1fe: {  	v21 =	vld [tilespmem:$0x10190]  }
0x1ff: {  	v22 =	vld [tilespmem:$0x10210]  }
0x200: {  	v23 =	vld [tilespmem:$0x10290]  }
0x201: {  	v24 =	vld [tilespmem:$0x10310];
	v0 =	vmax.f32 v0, v19  }
0x202: {  	v25 =	vld [tilespmem:$0x10390];
	v0 =	vmax.f32 v0, v20  }
0x203: {  	v26 =	vld [tilespmem:$0x10410];
	v0 =	vmax.f32 v0, v21  }
0x204: {  	v27 =	vld [tilespmem:$0x10490];
	v0 =	vmax.f32 v0, v22  }
0x205: {  	v28 =	vld [tilespmem:$0x10510];
	v0 =	vmax.f32 v0, v23  }
0x206: {  	v29 =	vld [tilespmem:$0x10590];
	v0 =	vmax.f32 v0, v24  }
0x207: {  	v30 =	vld [tilespmem:$0x10610];
	v0 =	vmax.f32 v0, v25  }
0x208: {  	v31 =	vld [tilespmem:$0x10690];
	v0 =	vmax.f32 v0, v26  }
0x209: {  	v32 =	vld [tilespmem:$0x10710];
	v0 =	vmax.f32 v0, v27  }
0x20a: {  	v33 =	vld [tilespmem:$0x10790];
	v0 =	vmax.f32 v0, v28  }
0x20b: {  	v0 =	vmax.f32 v0, v29  }
0x20c: {  	v0 =	vmax.f32 v0, v30  }
0x20d: {  	v0 =	vmax.f32 v0, v31  }
0x20e: {  	v0 =	vmax.f32 v0, v32  }
0x20f: {  	v0 =	vmax.f32 v0, v33  }
0x210: {  	[tilespmem:s13+$0x10810] =	vst v0  }
0x211: {  	v0 =	vld [tilespmem:$0x10020]  }
0x212: {  	v34 =	vld [tilespmem:$0x100A0]  }
0x213: {  	v35 =	vld [tilespmem:$0x10120]  }
0x214: {  	v36 =	vld [tilespmem:$0x101A0]  }
0x215: {  	v37 =	vld [tilespmem:$0x10220]  }
0x216: {  	v38 =	vld [tilespmem:$0x102A0]  }
0x217: {  	v39 =	vld [tilespmem:$0x10320];
	v0 =	vmax.f32 v0, v34  }
0x218: {  	v40 =	vld [tilespmem:$0x103A0];
	v0 =	vmax.f32 v0, v35  }
0x219: {  	v41 =	vld [tilespmem:$0x10420];
	v0 =	vmax.f32 v0, v36  }
0x21a: {  	v42 =	vld [tilespmem:$0x104A0];
	v0 =	vmax.f32 v0, v37  }
0x21b: {  	v43 =	vld [tilespmem:$0x10520];
	v0 =	vmax.f32 v0, v38  }
0x21c: {  	v44 =	vld [tilespmem:$0x105A0];
	v0 =	vmax.f32 v0, v39  }
0x21d: {  	v45 =	vld [tilespmem:$0x10620];
	v0 =	vmax.f32 v0, v40  }
0x21e: {  	v46 =	vld [tilespmem:$0x106A0];
	v0 =	vmax.f32 v0, v41  }
0x21f: {  	v47 =	vld [tilespmem:$0x10720];
	v0 =	vmax.f32 v0, v42  }
0x220: {  	v48 =	vld [tilespmem:$0x107A0];
	v0 =	vmax.f32 v0, v43  }
0x221: {  	v0 =	vmax.f32 v0, v44  }
0x222: {  	v0 =	vmax.f32 v0, v45  }
0x223: {  	v0 =	vmax.f32 v0, v46  }
0x224: {  	v0 =	vmax.f32 v0, v47  }
0x225: {  	v0 =	vmax.f32 v0, v48  }
0x226: {  	[tilespmem:s13+$0x10820] =	vst v0  }
0x227: {  	v0 =	vld [tilespmem:$0x10030]  }
0x228: {  	v49 =	vld [tilespmem:$0x100B0]  }
0x229: {  	v50 =	vld [tilespmem:$0x10130]  }
0x22a: {  	v51 =	vld [tilespmem:$0x101B0]  }
0x22b: {  	v52 =	vld [tilespmem:$0x10230]  }
0x22c: {  	v53 =	vld [tilespmem:$0x102B0]  }
0x22d: {  	v54 =	vld [tilespmem:$0x10330];
	v0 =	vmax.f32 v0, v49  }
0x22e: {  	v55 =	vld [tilespmem:$0x103B0];
	v0 =	vmax.f32 v0, v50  }
0x22f: {  	v56 =	vld [tilespmem:$0x10430];
	v0 =	vmax.f32 v0, v51  }
0x230: {  	v57 =	vld [tilespmem:$0x104B0];
	v0 =	vmax.f32 v0, v52  }
0x231: {  	v58 =	vld [tilespmem:$0x10530];
	v0 =	vmax.f32 v0, v53  }
0x232: {  	v59 =	vld [tilespmem:$0x105B0];
	v0 =	vmax.f32 v0, v54  }
0x233: {  	v60 =	vld [tilespmem:$0x10630];
	v0 =	vmax.f32 v0, v55  }
0x234: {  	v61 =	vld [tilespmem:$0x106B0];
	v0 =	vmax.f32 v0, v56  }
0x235: {  	v62 =	vld [tilespmem:$0x10730];
	v0 =	vmax.f32 v0, v57  }
0x236: {  	v63 =	vld [tilespmem:$0x107B0];
	v0 =	vmax.f32 v0, v58  }
0x237: {  	v0 =	vmax.f32 v0, v59  }
0x238: {  	v0 =	vmax.f32 v0, v60  }
0x239: {  	v0 =	vmax.f32 v0, v61  }
0x23a: {  	s12 =	sadd.s32 $0x1, s12;
	v0 =	vmax.f32 v0, v62  }
0x23b: {  	p0 =	sne.s32 s12, s7;
	v0 =	vmax.f32 v0, v63  }
.Ltmp2:
0x23c: {  	[tilespmem:s13+$0x10830] =	vst v0;
	(pc) =	sbr.rel @p0 .LBB2_1-.Ltmp2, $4  }
0x23d: {  	[hbm4b:s6+s2] =	stream.linear.scatter [tilespmem:s11], [sflag:$0x2], $0x8000, $0x38;
	[tilespmem:$0x18800] =	vst v63  }
0x23e: {  	_ =	swait.ge [sflag:s8], $0x8000  }
0x23f: {  	[sflag:s8] =	ssyncset.done $0x0  }
0x240: {  	[sflag:s8] =	ssyncadd.s32 $0xFFFF8000  }
0x241: {  	_ =	sfence.sel $0x180000  }
0x242: {  	[bflag:$0x0] =	sbarrier.arrive $0xFFFF  }
0x243: {  	p0 =	sne.s32 s1, $0x0;
	_ =	strace $0x9000004A  }
0x244: {  	s0 =	sadd.s32 @!p0 $0x100000, s0;
	[bflag:$0x2] =	sbarrier.arrive $0xFFFF  }
0x245: {  	[sflag:s0] =	ssyncadd.tile.s32 @!p0 $0x1;
	_ =	shalt  }
.Lfunc_end2:
_tile_overlayer_lowered:
.L_overlay_start_2:
0x246: {  	(tag) =	ssettag $0x2  }
0x247: {  	s0 =	rddreg [dreg:$0x0];
	s2 =	stileid.u32  }
0x248: {  	s1 =	rddreg [dreg:$0x1];
	p0 =	sne.s32 s2, $0x0  }
0x249: {  	s3 =	rddreg [dreg:$0x2];
	[bflag:$0x3] =	sbarrier.arrive $0xFFFF;
	s2 =	simm.s32 @!p0 $0x1C02  }
0x24a: {  	[timem:s3], [sflag:s2] =	dma.local @!p0 [hbm:s0], s1  }
0x24b: {  	s0 =	simm.s32 @!p0 $0x2  }
0x24c: {  	_ =	swait.ge @!p0 [sflag:s0], s1  }
0x24d: {  	s1 =	ssub.s32 @!p0 $0x0, s1;
	[sflag:s0] =	ssyncset.done @!p0 $0x0  }
0x24e: {  	[sflag:s0] =	ssyncadd.s32 @!p0 s1  }
0x24f: {  	[bflag:$0x3] =	sbarrier.arrive $0xFFFF  }
0x250: {  	_ =	shalt  }

// kernel: kernel.7.cloned.1.call-start
scs
__scs_entry_jumppad:
0x0: {  	(pc) =	sbr.rel $0x88, $3  }
0x1: {  	(tag) =	ssettag $0x0;
	lr =	simm.s32 $0x1  }
0x2: {  	[smem:$0x3F9D] =	sst lr;
	_ =	strace $0xD0000000  }
0x3: {  	_ = 	snop  }
0x4: {  	_ = 	snop  }
0x5: {  	_ = 	snop  }
0x6: {  	_ = 	snop  }
0x7: {  	_ = 	snop  }
__scs_overlays_trampoline_lowered:
0x8: {  	[smem:$0x3FAC] =	sst s0  }
0x9: {  	[smem:$0x3FAD] =	sst s1  }
0xa: {  	[smem:$0x3FAE] =	sst s2  }
0xb: {  	[smem:$0x3FAF] =	sst s3  }
0xc: {  	[smem:$0x3FB0] =	sst s4  }
0xd: {  	[smem:$0x3FB1] =	sst s5  }
0xe: {  	[smem:$0x3FB2] =	sst s6  }
0xf: {  	[smem:$0x3FB3] =	sst s7  }
0x10: {  	[smem:$0x3FB4] =	sst s8  }
0x11: {  	[smem:$0x3FB5] =	sst s9;
	s0 =	simm.s32 @!p0 $0x0  }
0x12: {  	s1 =	sld [smem:$0x3F9B];
	s0 =	simm.s32 @p0 $0x1  }
0x13: {  	[smem:$0x3FB6] =	sst s0;
	s0 =	simm.s32 @!p1 $0x0  }
0x14: {  	s2 =	sld [smem:$0x3F9A];
	s0 =	simm.s32 @p1 $0x1  }
0x15: {  	[smem:$0x3FB7] =	sst s0;
	s0 =	simm.s32 @!p2 $0x0  }
0x16: {  	s3 =	sld [smem:$0x3FDB];
	s0 =	simm.s32 @p2 $0x1  }
0x17: {  	s4 =	simm.s32 $0x1BF5;
	[smem:$0x3FB9] =	sst s0  }
0x18: {  	s0 =	sld [smem:$0x3F9C];
	_ =	swait.ge [sflag:s4], $0x0  }
0x19: {  	s7 =	sld [smem:$0x3F9D]  }
0x1a: {  	s8 =	sadd.s32 $0xFFFFE003, lr  }
0x1b: {  	s9 =	sadd.s32 $0xFFFFFEF7, lr;
	s5 =	simm.s32 $0xFFFFFFFF;
	p2 =	slt.u32 s8, $0xFFFFF086  }
0x1c: {  	p1 =	slt.u32 s9, $0xF7A;
	s5 =	simm.s32 @!p2 $0x0  }
0x1d: {  	s5 =	simm.s32 @p1 $0x1;
	p0 =	seq.s32 s7, s2  }
0x1e: {  	s7 =	smul.u32 @!p0 $0xF7A, s2;
	p2 =	seq.s32 @!p0 s5, $0x0  }
0x1f: {  	s9 =	smul.u32 $0xF7A, s1;
	s8 =	simm.s32 @!p0 $0x1BF5;
	p2 =	por !p2, p0  }
0x20: {  	[sflag:s8] =	ssyncset.s32 @!p0 $0xFFFFF086;
	s6 =	sadd.s32 @!p0 s3, s7;
	s7 =	simm.s32 @!p0 $0x108  }
0x21: {  	s3 =	sadd.s32 s3, s9;
	s6 =	sadd.s32 @!p0 $0x88, s6;
	s7 =	simm.s32 @p2 $0x1082  }
0x22: {  	[simem:s7], [sflag:s8] =	dma.local @!p0 [hbm:s6], $0xF7A  }
0x23: {  	s9 =	sor.u32 $0xD0000000, s2;
	s6 =	simm.s32 $0x108;
	_ =	swait.ge @!p0 [sflag:s8], $0x0  }
0x24: {  	s3 =	sadd.s32 $0x88, s3;
	s6 =	simm.s32 @!p1 $0x1082;
	[sflag:s4] =	ssyncset.s32 $0xFFFFF086  }
0x25: {  	[simem:s6], [sflag:s4] =	dma.local [hbm:s3], $0xF7A  }
0x26: {  	[smem:$0x3F9D] =	sst s1;
	(tag) =	ssettag s2;
	_ =	strace s9  }
0x27: {  	s1 =	sld [smem:$0x3FAD]  }
0x28: {  	s2 =	sld [smem:$0x3FAE]  }
0x29: {  	s4 =	sld [smem:$0x3FB0]  }
0x2a: {  	p0 =	seq.s32 s5, $0x0;
	s5 =	sld [smem:$0x3FB1]  }
0x2b: {  	s6 =	sld [smem:$0x3FB2]  }
0x2c: {  	s7 =	sld [smem:$0x3FB3]  }
0x2d: {  	s3 =	simm.s32 $0x108;
	s8 =	sld [smem:$0x3FB4]  }
0x2e: {  	s3 =	simm.s32 @!p0 $0x1082;
	s9 =	sld [smem:$0x3FB5]  }
0x2f: {  	lr =	sadd.s32 s0, s3;
	s0 =	sld [smem:$0x3FAC]  }
0x30: {  	s3 =	sld [smem:$0x3FAF]  }
0x31: {  	[smem:$0x3FB8] =	sst s10  }
0x32: {  	s10 =	sld [smem:$0x3FB6];
	_ =	sdelay $0x3  }
0x33: {  	p0 =	seq.s32 s10, $0x1;
	s10 =	sld [smem:$0x3FB8];
	_ =	sdelay $0x3  }
0x34: {  	[smem:$0x3FB8] =	sst s10  }
0x35: {  	s10 =	sld [smem:$0x3FB7];
	_ =	sdelay $0x3  }
0x36: {  	p1 =	seq.s32 s10, $0x1;
	s10 =	sld [smem:$0x3FB8];
	_ =	sdelay $0x3  }
0x37: {  	[smem:$0x3FB8] =	sst s10  }
0x38: {  	s10 =	sld [smem:$0x3FB9]  }
0x39: {  	_ = 	snop;
	(pc) =	sbr.ind lr, $3  }
0x3a: {  	_ = 	snop  }
0x3b: {  	_ = 	snop  }
0x3c: {  	p2 =	seq.s32 s10, $0x1;
	s10 =	sld [smem:$0x3FB8]  }
0x3d: {  	_ =	shalt  }
0x3e: {  	_ =	shalt  }
0x3f: {  	_ =	shalt  }
0x40: {  	_ =	shalt  }
0x41: {  	_ =	shalt  }
0x42: {  	_ =	shalt  }
0x43: {  	_ =	shalt  }
0x44: {  	_ =	shalt  }
0x45: {  	_ =	shalt  }
0x46: {  	_ =	shalt  }
0x47: {  	_ =	shalt  }
0x48: {  	_ =	shalt  }
0x49: {  	_ =	shalt  }
0x4a: {  	_ =	shalt  }
0x4b: {  	_ =	shalt  }
0x4c: {  	_ =	shalt  }
0x4d: {  	_ =	shalt  }
0x4e: {  	_ =	shalt  }
0x4f: {  	_ =	shalt  }
0x50: {  	_ =	shalt  }
0x51: {  	_ =	shalt  }
0x52: {  	_ =	shalt  }
0x53: {  	_ =	shalt  }
0x54: {  	_ =	shalt  }
0x55: {  	_ =	shalt  }
0x56: {  	_ =	shalt  }
0x57: {  	_ =	shalt  }
0x58: {  	_ =	shalt  }
0x59: {  	_ =	shalt  }
0x5a: {  	_ =	shalt  }
0x5b: {  	_ =	shalt  }
0x5c: {  	_ =	shalt  }
0x5d: {  	_ =	shalt  }
0x5e: {  	_ =	shalt  }
0x5f: {  	_ =	shalt  }
0x60: {  	_ =	shalt  }
0x61: {  	_ =	shalt  }
0x62: {  	_ =	shalt  }
0x63: {  	_ =	shalt  }
0x64: {  	_ =	shalt  }
0x65: {  	_ =	shalt  }
0x66: {  	_ =	shalt  }
0x67: {  	_ =	shalt  }
0x68: {  	_ =	shalt  }
0x69: {  	_ =	shalt  }
0x6a: {  	_ =	shalt  }
0x6b: {  	_ =	shalt  }
0x6c: {  	_ =	shalt  }
0x6d: {  	_ =	shalt  }
0x6e: {  	_ =	shalt  }
0x6f: {  	_ =	shalt  }
0x70: {  	_ =	shalt  }
0x71: {  	_ =	shalt  }
0x72: {  	_ =	shalt  }
0x73: {  	_ =	shalt  }
0x74: {  	_ =	shalt  }
0x75: {  	_ =	shalt  }
0x76: {  	_ =	shalt  }
0x77: {  	_ =	shalt  }
0x78: {  	_ =	shalt  }
0x79: {  	_ =	shalt  }
0x7a: {  	_ =	shalt  }
0x7b: {  	_ =	shalt  }
0x7c: {  	_ =	shalt  }
0x7d: {  	_ =	shalt  }
0x7e: {  	_ =	shalt  }
0x7f: {  	_ =	shalt  }
0x80: {  	_ =	shalt  }
0x81: {  	_ =	shalt  }
0x82: {  	_ =	shalt  }
0x83: {  	_ =	shalt  }
0x84: {  	_ =	shalt  }
0x85: {  	_ =	shalt  }
0x86: {  	_ =	shalt  }
0x87: {  	_ =	shalt  }
.Lfunc_end0:
.L_simem_size_0:
called_computation.1_lowered:
.L_overlay_start_0:
0x88: {  	s2 =	sld [smem:$0x3FD9]  }
0x89: {  	s3 =	sld [smem:$0x3FFE];
	_ =	sdelay $0x1  }
0x8a: {  	s1 =	srdreg.scid  }
0x8b: {  	s0 =	sand.u32 $0x1, s1  }
0x8c: {  	s17 =	sshll.u32 s0, $0xA;
	s2 =	sadd.s32 s3, s2  }
0x8d: {  	s2 =	sadd.s32 s2, s17  }
0x8e: {  	[smem:$0x3FC4] =	sst s2  }
0x8f: {  	_ = 	snop  }
0x90: {  	(tm) =	ssettm $0x1  }
0x91: {  	s18 =	sld [smem:$0x3FFB];
	_ =	sdelay $0x3  }
0x92: {  	_ =	strace s18  }
0x93: {  	s2 =	sld [smem:$0x3FFC];
	_ =	sdelay $0x3  }
0x94: {  	_ =	strace s2  }
0x95: {  	s2 =	sld [smem:$0x3FFD];
	_ =	sdelay $0x3  }
0x96: {  	_ =	strace s2  }
0x97: {  	_ =	strace $0x8FFFFFFF  }
0x98: {  	s19 =	sld [smem:$0x3FDB];
	_ =	sdelay $0x1  }
0x99: {  	s20 =	simm.s32 $_scs_section_size  }
0x9a: {  	s4 =	simm.s32 $_size__tile_overlayer_lowered;
	s5 =	simm.s32 $_tile_overlayer_lowered  }
0x9b: {  	s6 =	simm.s32 $0x1BFF;
	s21 =	sshll.u32 s5, $0x1;
	s3 =	sadd.s32 s20, s19  }
0x9c: {  	s22 =	simm.s32 $0x0;
	s4 =	sshll.u32 s4, $0x1;
	s5 =	sadd.s32 s21, s3  }
0x9d: {  	[timem:s22], [sflag:s6] =	dma.local [hbm:s5], s4  }
0x9e: {  	_ =	swait.ge [sflag:s6], s4  }
0x9f: {  	s4 =	ssub.s32 $0x0, s4;
	[sflag:s6] =	ssyncset.done $0x0  }
0xa0: {  	[sflag:s6] =	ssyncadd.s32 s4;
	_ =	sdelay $0x1  }
0xa1: {  	s23 =	simm.s32 $0x1B8B  }
0xa2: {  	_ =	swait.ge [sflag:s23], $0x1  }
0xa3: {  	[sflag:s23] =	ssyncset.done $0x0  }
0xa4: {  	[sflag:s23] =	ssyncadd.s32 $0xFFFFFFFF  }
0xa5: {  	s4 =	sld [smem:$0x0]  }
0xa6: {  	s5 =	sand.u32 $0xFFFFFFFE, s1  }
0xa7: {  	p0 =	sne.s32 s1, s5  }
0xa8: {  	s5 =	sshll.u32 @p0 s5, $0xE  }
0xa9: {  	s5 =	sadd.s32 @p0 $0x11B8D, s5;
	s6 =	sshll.u32 @p0 s4, $0x11  }
0xaa: {  	s5 =	sor.u32 @p0 s6, s5  }
0xab: {  	[sflag:s5] =	ssyncadd.remote.s32 @p0 $0x1;
	_ =	sdelay $0x1  }
0xac: {  	s5 =	simm.s32 @p0 $0x1B8D  }
0xad: {  	_ =	swait.eq @p0 [sflag:s5], $0x1  }
0xae: {  	[sflag:s5] =	ssyncadd.s32 @p0 $0xFFFFFFFF  }
0xaf: {  	s6 =	sshll.u32 @!p0 s1, $0xE  }
0xb0: {  	s6 =	sor.u32 @!p0 $0x4000, s6;
	s5 =	simm.s32 @!p0 $0x1B8D  }
0xb1: {  	s4 =	sshll.u32 @!p0 s4, $0x11;
	s6 =	sadd.s32 @!p0 $0x11B8D, s6;
	_ =	swait.eq @!p0 [sflag:s5], $0x1  }
0xb2: {  	s4 =	sor.u32 @!p0 s4, s6;
	[sflag:s5] =	ssyncadd.s32 @!p0 $0xFFFFFFFF  }
0xb3: {  	s25 =	simm.s32 $0x1B8E;
	s24 =	sld [smem:$0x3FFE];
	[sflag:s4] =	ssyncadd.remote.s32 @!p0 $0x1  }
0xb4: {  	s26 =	simm.s32 $execute0_lowered;
	[smem:$0x3FD2] =	sst s25  }
0xb5: {  	s5 =	sshll.u32 s26, $0x1;
	_ =	strace $0x8000004C;
	[dreg:$0x1] =	wrdreg $0xFFFFFFFF  }
0xb6: {  	s28 =	simm.s32 $_size_execute0_lowered;
	s3 =	sadd.s32 s3, s5;
	[dreg:$0x0] =	wrdreg $0x0  }
0xb7: {  	s5 =	sshll.u32 s28, $0x1;
	[dreg:$0x2] =	wrdreg s3  }
0xb8: {  	[dreg:$0x3] =	wrdreg s5  }
0xb9: {  	[dreg:$0x4] =	wrdreg $0xC0  }
0xba: {  	_ =	task [dreg:s22], $0x5FFFF  }
0xbb: {  	[dreg:$0x1] =	wrdreg $0xFFFFFFFF  }
0xbc: {  	[dreg:$0x0] =	wrdreg $0x60  }
0xbd: {  	[dreg:$0x2] =	wrdreg s24  }
0xbe: {  	[dreg:$0x3] =	wrdreg $0x9  }
0xbf: {  	_ =	task.clear_ibuf [dreg:s22], $0x4FFFF;
	_ =	strace $0x9000004C  }
0xc0: {  	s29 =	simm.s32 $0x9;
	_ =	strace $0x8000004E  }
0xc1: {  	_ =	swait.ge [sflag:s29], $0x1  }
0xc2: {  	[sflag:s29] =	ssyncadd.s32 $0xFFFFFFFF  }
0xc3: {  	_ =	strace $0x9000004E  }
0xc4: {  	_ =	sfence  }
0xc5: {  	s30 =	sld [smem:$0x0];
	_ =	sdelay $0x2  }
0xc6: {  	s31 =	sshll.u32 s1, $0xD;
	s1 =	sshrl.u32 s1, $0x2  }
0xc7: {  	s4 =	sand.u32 $0x4000, s31;
	s1 =	sadd.s32 s1, s30  }
0xc8: {  	s0 =	sor.u32 s4, s0;
	s1 =	sshll.u32 s1, $0x11  }
0xc9: {  	s0 =	sor.u32 s1, s0  }
0xca: {  	s0 =	sadd.s32 $0x8F2B, s0  }
0xcb: {  	[sflag:s0] =	ssyncadd.remote.s32 $0x1  }
0xcc: {  	_ =	sfence.sel $0xFFFF  }
0xcd: {  	[dreg:$0x0] =	wrdreg $0xFFFFFFFF;
	(pc) =	sbr.abs _section_cstart, $3  }
0xce: {  	[dreg:$0x1] =	wrdreg $0xFFFFFFFF  }
0xcf: {  	_ =	task.clear_ibuf [dreg:s22], $0x2FFFF;
	_ =	strace $0x9FFFFFFF  }
0xd0: {  	(tm) =	ssettm $0x7FFFFFFF  }
0xd1: {  	_ =	shalt  }
tec
execute0_lowered:
.L_overlay_start_1:
0x0: {  	(tag) =	ssettag $0x1  }
0x1: {  	s4 =	rddreg [dreg:$0x0]  }
0x2: {  	s0 =	rddreg [dreg:$0x1];
	s2 =	simm.s32 $0x0;
	s3 =	srdreg.scid  }
0x3: {  	s1 =	stileid.u32;
	s9 =	simm.s32 $0x10000;
	s10 =	simm.s32 $0x1  }
0x4: {  	s11 =	simm.s32 $0x10800;
	s12 =	simm.s32 $0x0;
	s3 =	sand.u32 $0x1, s3  }
0x5: {  	[smem:$0x7FF] =	sst s2;
	s5 =	sshll.u32 s1, $0xE;
	s6 =	sshll.u32 s3, $0xD  }
0x6: {  	s7 =	ssub.s32 $0x2, s3;
	_ =	strace $0x8000004D;
	s5 =	sor.u32 s6, s5  }
0x7: {  	s3 =	sadd.s32 $0x103E00, s4;
	s31 =	sshrl.u32 s7, $0x1;
	s8 =	sadd.s32 s5, s4  }
0x8: {  	s7 =	ssub.s32 s7, s31;
	s4 =	sadd.s32 $0xC3A00, s8;
	s5 =	sadd.s32 $0x3A00, s8  }
0x9: {  	vm0 =	vmmov $0xffff;
	s6 =	sadd.s32 $0x4A00, s8;
	s7 =	smax.u32 s7, $0x1;
	s8 =	simm.s32 $0x2  }
.LBB2_1:
0xa: {  	[tilespmem:s2], [sflag:$0x2] =	stream.linear.gather [hbm4b:s4+s2], $0x10000, $0x38;
	[tilespmem:$0x18800] =	vst v63  }
0xb: {  	_ =	swait.ge [sflag:s8], $0x10000  }
0xc: {  	[sflag:s8] =	ssyncset.done $0x0  }
0xd: {  	s14 =	simm.s32 $0x0;
	[sflag:s8] =	ssyncadd.s32 $0xFFFF0000  }
0xe: {  	v0 =	vld [tilespmem:s14+$0x0];
	_ =	sdelay $0x7  }
0xf: {  	[tilespmem:s9], [sflag:$0x1] =	stream.indirect_vreg.gather [hbm4b:s3+s2], $0x80, v0, vm0, $0xb8;
	[tilespmem:$0x18800] =	vst v63  }
0x10: {  	_ =	swait.ge [sflag:s10], $0x800  }
0x11: {  	[sflag:s10] =	ssyncset.done $0x0  }
0x12: {  	[sflag:s10] =	ssyncadd.s32 $0xFFFFF800  }
0x13: {  	v0 =	vld [tilespmem:$0x10000]  }
0x14: {  	v1 =	vld [tilespmem:$0x10080]  }
0x15: {  	v2 =	vld [tilespmem:$0x10100]  }
0x16: {  	v3 =	vld [tilespmem:$0x10180]  }
0x17: {  	v4 =	vld [tilespmem:$0x10200]  }
0x18: {  	v5 =	vld [tilespmem:$0x10280]  }
0x19: {  	v0 =	vmax.f32 v0, v1;
	v1 =	vld [tilespmem:$0x10300]  }
0x1a: {  	v0 =	vmax.f32 v0, v2;
	v2 =	vld [tilespmem:$0x10380]  }
0x1b: {  	v0 =	vmax.f32 v0, v3;
	v3 =	vld [tilespmem:$0x10400]  }
0x1c: {  	v0 =	vmax.f32 v0, v4;
	v4 =	vld [tilespmem:$0x10480]  }
0x1d: {  	v0 =	vmax.f32 v0, v5;
	v5 =	vld [tilespmem:$0x10500]  }
0x1e: {  	v0 =	vmax.f32 v0, v1;
	v1 =	vld [tilespmem:$0x10580]  }
0x1f: {  	v0 =	vmax.f32 v0, v2;
	v2 =	vld [tilespmem:$0x10600]  }
0x20: {  	v0 =	vmax.f32 v0, v3;
	v3 =	vld [tilespmem:$0x10680]  }
0x21: {  	v0 =	vmax.f32 v0, v4;
	v4 =	vld [tilespmem:$0x10700]  }
0x22: {  	v0 =	vmax.f32 v0, v5;
	v5 =	vld [tilespmem:$0x10780]  }
0x23: {  	v0 =	vmax.f32 v0, v1  }
0x24: {  	v0 =	vmax.f32 v0, v2  }
0x25: {  	v0 =	vmax.f32 v0, v3  }
0x26: {  	v0 =	vmax.f32 v0, v4  }
0x27: {  	v0 =	vmax.f32 v0, v5  }
0x28: {  	[tilespmem:s14+$0x10800] =	vst v0  }
0x29: {  	v0 =	vld [tilespmem:$0x10010]  }
0x2a: {  	v3 =	vld [tilespmem:$0x10090]  }
0x2b: {  	v1 =	vld [tilespmem:$0x10110]  }
0x2c: {  	s15 =	simm.s32 $0x400;
	s13 =	simm.s32 $0x80;
	v2 =	vld [tilespmem:$0x10190]  }
.LBB2_2:
0x2d: {  	p0 =	sne.s32 s15, $0x1FE00;
	v4 =	vld [tilespmem:$0x10210];
	s16 =	smov.u32 s15;
	s15 =	sadd.s32 $0x200, s15  }
0x2e: {  	v5 =	vld [tilespmem:$0x10290]  }
0x2f: {  	v0 =	vmax.f32 v0, v3;
	v3 =	vld [tilespmem:$0x10310]  }
0x30: {  	v0 =	vmax.f32 v0, v1;
	v1 =	vld [tilespmem:$0x10390]  }
0x31: {  	v0 =	vmax.f32 v0, v2;
	v2 =	vld [tilespmem:$0x10410]  }
0x32: {  	v0 =	vmax.f32 v0, v4;
	v4 =	vld [tilespmem:$0x10490]  }
0x33: {  	v0 =	vmax.f32 v0, v5;
	v5 =	vld [tilespmem:$0x10510]  }
0x34: {  	v0 =	vmax.f32 v0, v3;
	v3 =	vld [tilespmem:$0x10590]  }
0x35: {  	v0 =	vmax.f32 v0, v1;
	v1 =	vld [tilespmem:$0x10610]  }
0x36: {  	v0 =	vmax.f32 v0, v2;
	v2 =	vld [tilespmem:$0x10690]  }
0x37: {  	v0 =	vmax.f32 v0, v4;
	v4 =	vld [tilespmem:$0x10710]  }
0x38: {  	v0 =	vmax.f32 v0, v5;
	v5 =	vld [tilespmem:$0x10790]  }
0x39: {  	v0 =	vmax.f32 v0, v3  }
0x3a: {  	v0 =	vmax.f32 v0, v1  }
0x3b: {  	v0 =	vmax.f32 v0, v2  }
0x3c: {  	v0 =	vmax.f32 v0, v4  }
0x3d: {  	v0 =	vmax.f32 v0, v5  }
0x3e: {  	[tilespmem:s14+$0x10810] =	vst v0  }
0x3f: {  	v0 =	vld [tilespmem:$0x10020]  }
0x40: {  	v1 =	vld [tilespmem:$0x100A0]  }
0x41: {  	v2 =	vld [tilespmem:$0x10120]  }
0x42: {  	v3 =	vld [tilespmem:$0x101A0]  }
0x43: {  	v4 =	vld [tilespmem:$0x10220]  }
0x44: {  	v5 =	vld [tilespmem:$0x102A0]  }
0x45: {  	v0 =	vmax.f32 v0, v1;
	v1 =	vld [tilespmem:$0x10320]  }
0x46: {  	v0 =	vmax.f32 v0, v2;
	v2 =	vld [tilespmem:$0x103A0]  }
0x47: {  	v0 =	vmax.f32 v0, v3;
	v3 =	vld [tilespmem:$0x10420]  }
0x48: {  	v0 =	vmax.f32 v0, v4;
	v4 =	vld [tilespmem:$0x104A0]  }
0x49: {  	v0 =	vmax.f32 v0, v5;
	v5 =	vld [tilespmem:$0x10520]  }
0x4a: {  	v0 =	vmax.f32 v0, v1;
	v1 =	vld [tilespmem:$0x105A0]  }
0x4b: {  	v0 =	vmax.f32 v0, v2;
	v2 =	vld [tilespmem:$0x10620]  }
0x4c: {  	v0 =	vmax.f32 v0, v3;
	v3 =	vld [tilespmem:$0x106A0]  }
0x4d: {  	v0 =	vmax.f32 v0, v4;
	v4 =	vld [tilespmem:$0x10720]  }
0x4e: {  	v0 =	vmax.f32 v0, v5;
	v5 =	vld [tilespmem:$0x107A0]  }
0x4f: {  	v0 =	vmax.f32 v0, v1  }
0x50: {  	v0 =	vmax.f32 v0, v2  }
0x51: {  	v0 =	vmax.f32 v0, v3  }
0x52: {  	v0 =	vmax.f32 v0, v4  }
0x53: {  	v0 =	vmax.f32 v0, v5  }
0x54: {  	v1 =	vld [tilespmem:s13+$0x0];
	[tilespmem:s14+$0x10820] =	vst v0  }
0x55: {  	v0 =	vld [tilespmem:$0x10030]  }
0x56: {  	v2 =	vld [tilespmem:$0x100B0]  }
0x57: {  	v3 =	vld [tilespmem:$0x10130]  }
0x58: {  	v4 =	vld [tilespmem:$0x101B0]  }
0x59: {  	v5 =	vld [tilespmem:$0x10230]  }
0x5a: {  	v6 =	vld [tilespmem:$0x102B0]  }
0x5b: {  	v0 =	vmax.f32 v0, v2;
	v2 =	vld [tilespmem:$0x10330]  }
0x5c: {  	v0 =	vmax.f32 v0, v3;
	v3 =	vld [tilespmem:$0x103B0]  }
0x5d: {  	v0 =	vmax.f32 v0, v4;
	v4 =	vld [tilespmem:$0x10430]  }
0x5e: {  	v0 =	vmax.f32 v0, v5;
	v5 =	vld [tilespmem:$0x104B0]  }
0x5f: {  	v0 =	vmax.f32 v0, v6;
	v6 =	vld [tilespmem:$0x10530]  }
0x60: {  	v0 =	vmax.f32 v0, v2;
	v2 =	vld [tilespmem:$0x105B0]  }
0x61: {  	v0 =	vmax.f32 v0, v3;
	v3 =	vld [tilespmem:$0x10630]  }
0x62: {  	v0 =	vmax.f32 v0, v4;
	v4 =	vld [tilespmem:$0x106B0]  }
0x63: {  	v0 =	vmax.f32 v0, v5;
	v5 =	vld [tilespmem:$0x10730]  }
0x64: {  	v0 =	vmax.f32 v0, v6;
	v6 =	vld [tilespmem:$0x107B0]  }
0x65: {  	v0 =	vmax.f32 v0, v2  }
0x66: {  	v0 =	vmax.f32 v0, v3  }
0x67: {  	v0 =	vmax.f32 v0, v4  }
0x68: {  	v0 =	vmax.f32 v0, v5  }
0x69: {  	v0 =	vmax.f32 v0, v6  }
0x6a: {  	[tilespmem:s14+$0x10830] =	vst v0;
	s14 =	smov.u32 s13  }
0x6b: {  	[tilespmem:s9], [sflag:$0x1] =	stream.indirect_vreg.gather [hbm4b:s3+s2], $0x80, v1, vm0, $0xb8;
	[tilespmem:$0x18800] =	vst v63  }
0x6c: {  	_ =	swait.ge [sflag:s10], $0x800  }
0x6d: {  	[sflag:s10] =	ssyncset.done $0x0  }
0x6e: {  	[sflag:s10] =	ssyncadd.s32 $0xFFFFF800  }
0x6f: {  	v0 =	vld [tilespmem:$0x10000]  }
0x70: {  	v1 =	vld [tilespmem:$0x10080]  }
0x71: {  	v2 =	vld [tilespmem:$0x10100]  }
0x72: {  	v3 =	vld [tilespmem:$0x10180]  }
0x73: {  	v4 =	vld [tilespmem:$0x10200]  }
0x74: {  	v5 =	vld [tilespmem:$0x10280]  }
0x75: {  	v0 =	vmax.f32 v0, v1;
	v1 =	vld [tilespmem:$0x10300]  }
0x76: {  	v0 =	vmax.f32 v0, v2;
	v2 =	vld [tilespmem:$0x10380]  }
0x77: {  	v0 =	vmax.f32 v0, v3;
	v3 =	vld [tilespmem:$0x10400]  }
0x78: {  	v0 =	vmax.f32 v0, v4;
	v4 =	vld [tilespmem:$0x10480]  }
0x79: {  	v0 =	vmax.f32 v0, v5;
	v5 =	vld [tilespmem:$0x10500]  }
0x7a: {  	v0 =	vmax.f32 v0, v1;
	v1 =	vld [tilespmem:$0x10580]  }
0x7b: {  	v0 =	vmax.f32 v0, v2;
	v2 =	vld [tilespmem:$0x10600]  }
0x7c: {  	v0 =	vmax.f32 v0, v3;
	v3 =	vld [tilespmem:$0x10680]  }
0x7d: {  	v0 =	vmax.f32 v0, v4;
	v4 =	vld [tilespmem:$0x10700]  }
0x7e: {  	v0 =	vmax.f32 v0, v5;
	v5 =	vld [tilespmem:$0x10780]  }
0x7f: {  	v0 =	vmax.f32 v0, v1  }
0x80: {  	v0 =	vmax.f32 v0, v2  }
0x81: {  	v0 =	vmax.f32 v0, v3  }
0x82: {  	v0 =	vmax.f32 v0, v4  }
0x83: {  	v0 =	vmax.f32 v0, v5  }
.Ltmp0:
0x84: {  	[tilespmem:s14+$0x10800] =	vst v0;
	(pc) =	sbr.rel @p0 .LBB2_2-.Ltmp0, $4  }
0x85: {  	s13 =	sshra.s32 s16, $0x2;
	v0 =	vld [tilespmem:$0x10010]  }
0x86: {  	v3 =	vld [tilespmem:$0x10090]  }
0x87: {  	v1 =	vld [tilespmem:$0x10110]  }
0x88: {  	v2 =	vld [tilespmem:$0x10190]  }
0x89: {  	v4 =	vld [tilespmem:$0x10210]  }
0x8a: {  	v5 =	vld [tilespmem:$0x10290]  }
0x8b: {  	v0 =	vmax.f32 v0, v3;
	v3 =	vld [tilespmem:$0x10310]  }
0x8c: {  	v0 =	vmax.f32 v0, v1;
	v1 =	vld [tilespmem:$0x10390]  }
0x8d: {  	v0 =	vmax.f32 v0, v2;
	v2 =	vld [tilespmem:$0x10410]  }
0x8e: {  	v0 =	vmax.f32 v0, v4;
	v4 =	vld [tilespmem:$0x10490]  }
0x8f: {  	v0 =	vmax.f32 v0, v5;
	v5 =	vld [tilespmem:$0x10510]  }
0x90: {  	v0 =	vmax.f32 v0, v3;
	v3 =	vld [tilespmem:$0x10590]  }
0x91: {  	v0 =	vmax.f32 v0, v1;
	v1 =	vld [tilespmem:$0x10610]  }
0x92: {  	v0 =	vmax.f32 v0, v2;
	v2 =	vld [tilespmem:$0x10690]  }
0x93: {  	v0 =	vmax.f32 v0, v4;
	v4 =	vld [tilespmem:$0x10710]  }
0x94: {  	v0 =	vmax.f32 v0, v5;
	v5 =	vld [tilespmem:$0x10790]  }
0x95: {  	v0 =	vmax.f32 v0, v3  }
0x96: {  	v0 =	vmax.f32 v0, v1  }
0x97: {  	v0 =	vmax.f32 v0, v2  }
0x98: {  	v0 =	vmax.f32 v0, v4  }
0x99: {  	v0 =	vmax.f32 v0, v5  }
0x9a: {  	[tilespmem:s14+$0x10810] =	vst v0  }
0x9b: {  	v0 =	vld [tilespmem:$0x10020]  }
0x9c: {  	v1 =	vld [tilespmem:$0x100A0]  }
0x9d: {  	v2 =	vld [tilespmem:$0x10120]  }
0x9e: {  	v3 =	vld [tilespmem:$0x101A0]  }
0x9f: {  	v4 =	vld [tilespmem:$0x10220]  }
0xa0: {  	v5 =	vld [tilespmem:$0x102A0]  }
0xa1: {  	v0 =	vmax.f32 v0, v1;
	v1 =	vld [tilespmem:$0x10320]  }
0xa2: {  	v0 =	vmax.f32 v0, v2;
	v2 =	vld [tilespmem:$0x103A0]  }
0xa3: {  	v0 =	vmax.f32 v0, v3;
	v3 =	vld [tilespmem:$0x10420]  }
0xa4: {  	v0 =	vmax.f32 v0, v4;
	v4 =	vld [tilespmem:$0x104A0]  }
0xa5: {  	v0 =	vmax.f32 v0, v5;
	v5 =	vld [tilespmem:$0x10520]  }
0xa6: {  	v0 =	vmax.f32 v0, v1;
	v1 =	vld [tilespmem:$0x105A0]  }
0xa7: {  	v0 =	vmax.f32 v0, v2;
	v2 =	vld [tilespmem:$0x10620]  }
0xa8: {  	v0 =	vmax.f32 v0, v3;
	v3 =	vld [tilespmem:$0x106A0]  }
0xa9: {  	v0 =	vmax.f32 v0, v4;
	v4 =	vld [tilespmem:$0x10720]  }
0xaa: {  	v0 =	vmax.f32 v0, v5;
	v5 =	vld [tilespmem:$0x107A0]  }
0xab: {  	v0 =	vmax.f32 v0, v1  }
0xac: {  	v0 =	vmax.f32 v0, v2  }
0xad: {  	v0 =	vmax.f32 v0, v3  }
0xae: {  	v0 =	vmax.f32 v0, v4  }
0xaf: {  	v0 =	vmax.f32 v0, v5  }
0xb0: {  	v1 =	vld [tilespmem:s13+$0x0];
	[tilespmem:s14+$0x10820] =	vst v0  }
0xb1: {  	v0 =	vld [tilespmem:$0x10030]  }
0xb2: {  	v2 =	vld [tilespmem:$0x100B0]  }
0xb3: {  	v3 =	vld [tilespmem:$0x10130]  }
0xb4: {  	v4 =	vld [tilespmem:$0x101B0]  }
0xb5: {  	v5 =	vld [tilespmem:$0x10230]  }
0xb6: {  	v6 =	vld [tilespmem:$0x102B0]  }
0xb7: {  	v0 =	vmax.f32 v0, v2;
	v2 =	vld [tilespmem:$0x10330]  }
0xb8: {  	v0 =	vmax.f32 v0, v3;
	v3 =	vld [tilespmem:$0x103B0]  }
0xb9: {  	v0 =	vmax.f32 v0, v4;
	v4 =	vld [tilespmem:$0x10430]  }
0xba: {  	v0 =	vmax.f32 v0, v5;
	v5 =	vld [tilespmem:$0x104B0]  }
0xbb: {  	v62 =	vld [tilespmem:$0x10530];
	v0 =	vmax.f32 v0, v6  }
0xbc: {  	v0 =	vmax.f32 v0, v2;
	v2 =	vld [tilespmem:$0x105B0]  }
0xbd: {  	v0 =	vmax.f32 v0, v3;
	v3 =	vld [tilespmem:$0x10630]  }
0xbe: {  	v0 =	vmax.f32 v0, v4;
	v4 =	vld [tilespmem:$0x106B0]  }
0xbf: {  	v0 =	vmax.f32 v0, v5;
	v5 =	vld [tilespmem:$0x10730]  }
0xc0: {  	v63 =	vld [tilespmem:$0x107B0];
	v0 =	vmax.f32 v0, v62  }
0xc1: {  	v0 =	vmax.f32 v0, v2  }
0xc2: {  	v0 =	vmax.f32 v0, v3  }
0xc3: {  	v0 =	vmax.f32 v0, v4  }
0xc4: {  	v0 =	vmax.f32 v0, v5  }
0xc5: {  	v0 =	vmax.f32 v0, v63  }
0xc6: {  	[tilespmem:s14+$0x10830] =	vst v0  }
0xc7: {  	[tilespmem:s9], [sflag:$0x1] =	stream.indirect_vreg.gather [hbm4b:s3+s2], $0x80, v1, vm0, $0xb8;
	[tilespmem:$0x18800] =	vst v63  }
0xc8: {  	_ =	swait.ge [sflag:s10], $0x800  }
0xc9: {  	[sflag:s10] =	ssyncset.done $0x0  }
0xca: {  	[sflag:s10] =	ssyncadd.s32 $0xFFFFF800  }
0xcb: {  	v0 =	vld [tilespmem:$0x10000]  }
0xcc: {  	v1 =	vld [tilespmem:$0x10080]  }
0xcd: {  	v2 =	vld [tilespmem:$0x10100]  }
0xce: {  	v3 =	vld [tilespmem:$0x10180]  }
0xcf: {  	v4 =	vld [tilespmem:$0x10200]  }
0xd0: {  	v5 =	vld [tilespmem:$0x10280]  }
0xd1: {  	v0 =	vmax.f32 v0, v1;
	v1 =	vld [tilespmem:$0x10300]  }
0xd2: {  	v0 =	vmax.f32 v0, v2;
	v2 =	vld [tilespmem:$0x10380]  }
0xd3: {  	v0 =	vmax.f32 v0, v3;
	v3 =	vld [tilespmem:$0x10400]  }
0xd4: {  	v0 =	vmax.f32 v0, v4;
	v4 =	vld [tilespmem:$0x10480]  }
0xd5: {  	v0 =	vmax.f32 v0, v5;
	v5 =	vld [tilespmem:$0x10500]  }
0xd6: {  	v0 =	vmax.f32 v0, v1;
	v1 =	vld [tilespmem:$0x10580]  }
0xd7: {  	v0 =	vmax.f32 v0, v2;
	v2 =	vld [tilespmem:$0x10600]  }
0xd8: {  	v0 =	vmax.f32 v0, v3;
	v3 =	vld [tilespmem:$0x10680]  }
0xd9: {  	v0 =	vmax.f32 v0, v4;
	v4 =	vld [tilespmem:$0x10700]  }
0xda: {  	v0 =	vmax.f32 v0, v5;
	v5 =	vld [tilespmem:$0x10780]  }
0xdb: {  	v0 =	vmax.f32 v0, v1  }
0xdc: {  	v0 =	vmax.f32 v0, v2  }
0xdd: {  	v0 =	vmax.f32 v0, v3  }
0xde: {  	v0 =	vmax.f32 v0, v4  }
0xdf: {  	v0 =	vmax.f32 v0, v5  }
0xe0: {  	[tilespmem:s13+$0x10800] =	vst v0  }
0xe1: {  	v0 =	vld [tilespmem:$0x10010]  }
0xe2: {  	v1 =	vld [tilespmem:$0x10090]  }
0xe3: {  	v2 =	vld [tilespmem:$0x10110]  }
0xe4: {  	v3 =	vld [tilespmem:$0x10190]  }
0xe5: {  	v4 =	vld [tilespmem:$0x10210]  }
0xe6: {  	v5 =	vld [tilespmem:$0x10290]  }
0xe7: {  	v0 =	vmax.f32 v0, v1;
	v1 =	vld [tilespmem:$0x10310]  }
0xe8: {  	v0 =	vmax.f32 v0, v2;
	v2 =	vld [tilespmem:$0x10390]  }
0xe9: {  	v0 =	vmax.f32 v0, v3;
	v3 =	vld [tilespmem:$0x10410]  }
0xea: {  	v0 =	vmax.f32 v0, v4;
	v4 =	vld [tilespmem:$0x10490]  }
0xeb: {  	v0 =	vmax.f32 v0, v5;
	v5 =	vld [tilespmem:$0x10510]  }
0xec: {  	v0 =	vmax.f32 v0, v1;
	v1 =	vld [tilespmem:$0x10590]  }
0xed: {  	v0 =	vmax.f32 v0, v2;
	v2 =	vld [tilespmem:$0x10610]  }
0xee: {  	v0 =	vmax.f32 v0, v3;
	v3 =	vld [tilespmem:$0x10690]  }
0xef: {  	v0 =	vmax.f32 v0, v4;
	v4 =	vld [tilespmem:$0x10710]  }
0xf0: {  	v0 =	vmax.f32 v0, v5;
	v5 =	vld [tilespmem:$0x10790]  }
0xf1: {  	v0 =	vmax.f32 v0, v1  }
0xf2: {  	v0 =	vmax.f32 v0, v2  }
0xf3: {  	v0 =	vmax.f32 v0, v3  }
0xf4: {  	v0 =	vmax.f32 v0, v4  }
0xf5: {  	v0 =	vmax.f32 v0, v5  }
0xf6: {  	[tilespmem:s13+$0x10810] =	vst v0  }
0xf7: {  	v0 =	vld [tilespmem:$0x10020]  }
0xf8: {  	v1 =	vld [tilespmem:$0x100A0]  }
0xf9: {  	v2 =	vld [tilespmem:$0x10120]  }
0xfa: {  	v3 =	vld [tilespmem:$0x101A0]  }
0xfb: {  	v4 =	vld [tilespmem:$0x10220]  }
0xfc: {  	v5 =	vld [tilespmem:$0x102A0]  }
0xfd: {  	v0 =	vmax.f32 v0, v1;
	v1 =	vld [tilespmem:$0x10320]  }
0xfe: {  	v0 =	vmax.f32 v0, v2;
	v2 =	vld [tilespmem:$0x103A0]  }
0xff: {  	v0 =	vmax.f32 v0, v3;
	v3 =	vld [tilespmem:$0x10420]  }
0x100: {  	v0 =	vmax.f32 v0, v4;
	v4 =	vld [tilespmem:$0x104A0]  }
0x101: {  	v0 =	vmax.f32 v0, v5;
	v5 =	vld [tilespmem:$0x10520]  }
0x102: {  	v0 =	vmax.f32 v0, v1;
	v1 =	vld [tilespmem:$0x105A0]  }
0x103: {  	v0 =	vmax.f32 v0, v2;
	v2 =	vld [tilespmem:$0x10620]  }
0x104: {  	v0 =	vmax.f32 v0, v3;
	v3 =	vld [tilespmem:$0x106A0]  }
0x105: {  	v0 =	vmax.f32 v0, v4;
	v4 =	vld [tilespmem:$0x10720]  }
0x106: {  	v0 =	vmax.f32 v0, v5;
	v5 =	vld [tilespmem:$0x107A0]  }
0x107: {  	v0 =	vmax.f32 v0, v1  }
0x108: {  	v0 =	vmax.f32 v0, v2  }
0x109: {  	v0 =	vmax.f32 v0, v3  }
0x10a: {  	v0 =	vmax.f32 v0, v4  }
0x10b: {  	v0 =	vmax.f32 v0, v5  }
0x10c: {  	[tilespmem:s13+$0x10820] =	vst v0  }
0x10d: {  	v0 =	vld [tilespmem:$0x10030]  }
0x10e: {  	v1 =	vld [tilespmem:$0x100B0]  }
0x10f: {  	v2 =	vld [tilespmem:$0x10130]  }
0x110: {  	v3 =	vld [tilespmem:$0x101B0]  }
0x111: {  	v4 =	vld [tilespmem:$0x10230]  }
0x112: {  	v5 =	vld [tilespmem:$0x102B0]  }
0x113: {  	v0 =	vmax.f32 v0, v1;
	v1 =	vld [tilespmem:$0x10330]  }
0x114: {  	v0 =	vmax.f32 v0, v2;
	v2 =	vld [tilespmem:$0x103B0]  }
0x115: {  	v0 =	vmax.f32 v0, v3;
	v3 =	vld [tilespmem:$0x10430]  }
0x116: {  	v0 =	vmax.f32 v0, v4;
	v4 =	vld [tilespmem:$0x104B0]  }
0x117: {  	v0 =	vmax.f32 v0, v5;
	v5 =	vld [tilespmem:$0x10530]  }
0x118: {  	v0 =	vmax.f32 v0, v1;
	v1 =	vld [tilespmem:$0x105B0]  }
0x119: {  	v0 =	vmax.f32 v0, v2;
	v2 =	vld [tilespmem:$0x10630]  }
0x11a: {  	v0 =	vmax.f32 v0, v3;
	v3 =	vld [tilespmem:$0x106B0]  }
0x11b: {  	v0 =	vmax.f32 v0, v4;
	v4 =	vld [tilespmem:$0x10730]  }
0x11c: {  	v0 =	vmax.f32 v0, v5;
	v5 =	vld [tilespmem:$0x107B0]  }
0x11d: {  	v0 =	vmax.f32 v0, v1  }
0x11e: {  	v0 =	vmax.f32 v0, v2  }
0x11f: {  	v0 =	vmax.f32 v0, v3  }
0x120: {  	v0 =	vmax.f32 v0, v4  }
0x121: {  	v0 =	vmax.f32 v0, v5  }
0x122: {  	s31 =	simm.s32 $0x0;
	[tilespmem:s13+$0x10830] =	vst v0  }
0x123: {  	[hbm4b:s5+s31] =	stream.linear.scatter [tilespmem:s11], [sflag:$0x2], $0x8000, $0x38;
	[tilespmem:$0x18800] =	vst v63  }
0x124: {  	_ =	swait.ge [sflag:s8], $0x8000  }
0x125: {  	[sflag:s8] =	ssyncset.done $0x0  }
0x126: {  	s14 =	simm.s32 $0x0;
	[sflag:s8] =	ssyncadd.s32 $0xFFFF8000  }
0x127: {  	v0 =	vld [tilespmem:s14+$0x8000];
	_ =	sdelay $0x7  }
0x128: {  	[tilespmem:s9], [sflag:$0x1] =	stream.indirect_vreg.gather [hbm4b:s3+s2], $0x80, v0, vm0, $0xb8;
	[tilespmem:$0x18800] =	vst v63  }
0x129: {  	_ =	swait.ge [sflag:s10], $0x800  }
0x12a: {  	[sflag:s10] =	ssyncset.done $0x0  }
0x12b: {  	[sflag:s10] =	ssyncadd.s32 $0xFFFFF800  }
0x12c: {  	v0 =	vld [tilespmem:$0x10000]  }
0x12d: {  	v1 =	vld [tilespmem:$0x10080]  }
0x12e: {  	v2 =	vld [tilespmem:$0x10100]  }
0x12f: {  	v3 =	vld [tilespmem:$0x10180]  }
0x130: {  	v4 =	vld [tilespmem:$0x10200]  }
0x131: {  	v5 =	vld [tilespmem:$0x10280]  }
0x132: {  	v0 =	vmax.f32 v0, v1;
	v1 =	vld [tilespmem:$0x10300]  }
0x133: {  	v0 =	vmax.f32 v0, v2;
	v2 =	vld [tilespmem:$0x10380]  }
0x134: {  	v0 =	vmax.f32 v0, v3;
	v3 =	vld [tilespmem:$0x10400]  }
0x135: {  	v0 =	vmax.f32 v0, v4;
	v4 =	vld [tilespmem:$0x10480]  }
0x136: {  	v0 =	vmax.f32 v0, v5;
	v5 =	vld [tilespmem:$0x10500]  }
0x137: {  	v0 =	vmax.f32 v0, v1;
	v1 =	vld [tilespmem:$0x10580]  }
0x138: {  	v0 =	vmax.f32 v0, v2;
	v2 =	vld [tilespmem:$0x10600]  }
0x139: {  	v0 =	vmax.f32 v0, v3;
	v3 =	vld [tilespmem:$0x10680]  }
0x13a: {  	v0 =	vmax.f32 v0, v4;
	v4 =	vld [tilespmem:$0x10700]  }
0x13b: {  	v0 =	vmax.f32 v0, v5;
	v5 =	vld [tilespmem:$0x10780]  }
0x13c: {  	v0 =	vmax.f32 v0, v1  }
0x13d: {  	v0 =	vmax.f32 v0, v2  }
0x13e: {  	v0 =	vmax.f32 v0, v3  }
0x13f: {  	v0 =	vmax.f32 v0, v4  }
0x140: {  	v0 =	vmax.f32 v0, v5  }
0x141: {  	[tilespmem:s14+$0x10800] =	vst v0  }
0x142: {  	v0 =	vld [tilespmem:$0x10010]  }
0x143: {  	v3 =	vld [tilespmem:$0x10090]  }
0x144: {  	v1 =	vld [tilespmem:$0x10110]  }
0x145: {  	s15 =	simm.s32 $0x400;
	s13 =	simm.s32 $0x80;
	v2 =	vld [tilespmem:$0x10190]  }
.LBB2_4:
0x146: {  	p0 =	sne.s32 s15, $0x1FE00;
	v4 =	vld [tilespmem:$0x10210];
	s16 =	smov.u32 s15;
	s15 =	sadd.s32 $0x200, s15  }
0x147: {  	v5 =	vld [tilespmem:$0x10290]  }
0x148: {  	v0 =	vmax.f32 v0, v3;
	v3 =	vld [tilespmem:$0x10310]  }
0x149: {  	v0 =	vmax.f32 v0, v1;
	v1 =	vld [tilespmem:$0x10390]  }
0x14a: {  	v0 =	vmax.f32 v0, v2;
	v2 =	vld [tilespmem:$0x10410]  }
0x14b: {  	v0 =	vmax.f32 v0, v4;
	v4 =	vld [tilespmem:$0x10490]  }
0x14c: {  	v0 =	vmax.f32 v0, v5;
	v5 =	vld [tilespmem:$0x10510]  }
0x14d: {  	v0 =	vmax.f32 v0, v3;
	v3 =	vld [tilespmem:$0x10590]  }
0x14e: {  	v0 =	vmax.f32 v0, v1;
	v1 =	vld [tilespmem:$0x10610]  }
0x14f: {  	v0 =	vmax.f32 v0, v2;
	v2 =	vld [tilespmem:$0x10690]  }
0x150: {  	v0 =	vmax.f32 v0, v4;
	v4 =	vld [tilespmem:$0x10710]  }
0x151: {  	v0 =	vmax.f32 v0, v5;
	v5 =	vld [tilespmem:$0x10790]  }
0x152: {  	v0 =	vmax.f32 v0, v3  }
0x153: {  	v0 =	vmax.f32 v0, v1  }
0x154: {  	v0 =	vmax.f32 v0, v2  }
0x155: {  	v0 =	vmax.f32 v0, v4  }
0x156: {  	v0 =	vmax.f32 v0, v5  }
0x157: {  	[tilespmem:s14+$0x10810] =	vst v0  }
0x158: {  	v0 =	vld [tilespmem:$0x10020]  }
0x159: {  	v1 =	vld [tilespmem:$0x100A0]  }
0x15a: {  	v2 =	vld [tilespmem:$0x10120]  }
0x15b: {  	v3 =	vld [tilespmem:$0x101A0]  }
0x15c: {  	v4 =	vld [tilespmem:$0x10220]  }
0x15d: {  	v5 =	vld [tilespmem:$0x102A0]  }
0x15e: {  	v0 =	vmax.f32 v0, v1;
	v1 =	vld [tilespmem:$0x10320]  }
0x15f: {  	v0 =	vmax.f32 v0, v2;
	v2 =	vld [tilespmem:$0x103A0]  }
0x160: {  	v0 =	vmax.f32 v0, v3;
	v3 =	vld [tilespmem:$0x10420]  }
0x161: {  	v0 =	vmax.f32 v0, v4;
	v4 =	vld [tilespmem:$0x104A0]  }
0x162: {  	v0 =	vmax.f32 v0, v5;
	v5 =	vld [tilespmem:$0x10520]  }
0x163: {  	v0 =	vmax.f32 v0, v1;
	v1 =	vld [tilespmem:$0x105A0]  }
0x164: {  	v0 =	vmax.f32 v0, v2;
	v2 =	vld [tilespmem:$0x10620]  }
0x165: {  	v0 =	vmax.f32 v0, v3;
	v3 =	vld [tilespmem:$0x106A0]  }
0x166: {  	v0 =	vmax.f32 v0, v4;
	v4 =	vld [tilespmem:$0x10720]  }
0x167: {  	v0 =	vmax.f32 v0, v5;
	v5 =	vld [tilespmem:$0x107A0]  }
0x168: {  	v0 =	vmax.f32 v0, v1  }
0x169: {  	v0 =	vmax.f32 v0, v2  }
0x16a: {  	v0 =	vmax.f32 v0, v3  }
0x16b: {  	v0 =	vmax.f32 v0, v4  }
0x16c: {  	v0 =	vmax.f32 v0, v5  }
0x16d: {  	v1 =	vld [tilespmem:s13+$0x8000];
	[tilespmem:s14+$0x10820] =	vst v0  }
0x16e: {  	v0 =	vld [tilespmem:$0x10030]  }
0x16f: {  	v2 =	vld [tilespmem:$0x100B0]  }
0x170: {  	v3 =	vld [tilespmem:$0x10130]  }
0x171: {  	v4 =	vld [tilespmem:$0x101B0]  }
0x172: {  	v5 =	vld [tilespmem:$0x10230]  }
0x173: {  	v6 =	vld [tilespmem:$0x102B0]  }
0x174: {  	v0 =	vmax.f32 v0, v2;
	v2 =	vld [tilespmem:$0x10330]  }
0x175: {  	v0 =	vmax.f32 v0, v3;
	v3 =	vld [tilespmem:$0x103B0]  }
0x176: {  	v0 =	vmax.f32 v0, v4;
	v4 =	vld [tilespmem:$0x10430]  }
0x177: {  	v0 =	vmax.f32 v0, v5;
	v5 =	vld [tilespmem:$0x104B0]  }
0x178: {  	v0 =	vmax.f32 v0, v6;
	v6 =	vld [tilespmem:$0x10530]  }
0x179: {  	v0 =	vmax.f32 v0, v2;
	v2 =	vld [tilespmem:$0x105B0]  }
0x17a: {  	v0 =	vmax.f32 v0, v3;
	v3 =	vld [tilespmem:$0x10630]  }
0x17b: {  	v0 =	vmax.f32 v0, v4;
	v4 =	vld [tilespmem:$0x106B0]  }
0x17c: {  	v0 =	vmax.f32 v0, v5;
	v5 =	vld [tilespmem:$0x10730]  }
0x17d: {  	v0 =	vmax.f32 v0, v6;
	v6 =	vld [tilespmem:$0x107B0]  }
0x17e: {  	v0 =	vmax.f32 v0, v2  }
0x17f: {  	v0 =	vmax.f32 v0, v3  }
0x180: {  	v0 =	vmax.f32 v0, v4  }
0x181: {  	v0 =	vmax.f32 v0, v5  }
0x182: {  	v0 =	vmax.f32 v0, v6  }
0x183: {  	[tilespmem:s14+$0x10830] =	vst v0;
	s14 =	smov.u32 s13  }
0x184: {  	[tilespmem:s9], [sflag:$0x1] =	stream.indirect_vreg.gather [hbm4b:s3+s2], $0x80, v1, vm0, $0xb8;
	[tilespmem:$0x18800] =	vst v63  }
0x185: {  	_ =	swait.ge [sflag:s10], $0x800  }
0x186: {  	[sflag:s10] =	ssyncset.done $0x0  }
0x187: {  	[sflag:s10] =	ssyncadd.s32 $0xFFFFF800  }
0x188: {  	v0 =	vld [tilespmem:$0x10000]  }
0x189: {  	v1 =	vld [tilespmem:$0x10080]  }
0x18a: {  	v2 =	vld [tilespmem:$0x10100]  }
0x18b: {  	v3 =	vld [tilespmem:$0x10180]  }
0x18c: {  	v4 =	vld [tilespmem:$0x10200]  }
0x18d: {  	v5 =	vld [tilespmem:$0x10280]  }
0x18e: {  	v0 =	vmax.f32 v0, v1;
	v1 =	vld [tilespmem:$0x10300]  }
0x18f: {  	v0 =	vmax.f32 v0, v2;
	v2 =	vld [tilespmem:$0x10380]  }
0x190: {  	v0 =	vmax.f32 v0, v3;
	v3 =	vld [tilespmem:$0x10400]  }
0x191: {  	v0 =	vmax.f32 v0, v4;
	v4 =	vld [tilespmem:$0x10480]  }
0x192: {  	v0 =	vmax.f32 v0, v5;
	v5 =	vld [tilespmem:$0x10500]  }
0x193: {  	v0 =	vmax.f32 v0, v1;
	v1 =	vld [tilespmem:$0x10580]  }
0x194: {  	v0 =	vmax.f32 v0, v2;
	v2 =	vld [tilespmem:$0x10600]  }
0x195: {  	v0 =	vmax.f32 v0, v3;
	v3 =	vld [tilespmem:$0x10680]  }
0x196: {  	v0 =	vmax.f32 v0, v4;
	v4 =	vld [tilespmem:$0x10700]  }
0x197: {  	v0 =	vmax.f32 v0, v5;
	v5 =	vld [tilespmem:$0x10780]  }
0x198: {  	v0 =	vmax.f32 v0, v1  }
0x199: {  	v0 =	vmax.f32 v0, v2  }
0x19a: {  	v0 =	vmax.f32 v0, v3  }
0x19b: {  	v0 =	vmax.f32 v0, v4  }
0x19c: {  	v0 =	vmax.f32 v0, v5  }
.Ltmp1:
0x19d: {  	[tilespmem:s14+$0x10800] =	vst v0;
	(pc) =	sbr.rel @p0 .LBB2_4-.Ltmp1, $4  }
0x19e: {  	s13 =	sshra.s32 s16, $0x2;
	v0 =	vld [tilespmem:$0x10010]  }
0x19f: {  	v3 =	vld [tilespmem:$0x10090]  }
0x1a0: {  	v1 =	vld [tilespmem:$0x10110]  }
0x1a1: {  	v2 =	vld [tilespmem:$0x10190]  }
0x1a2: {  	v4 =	vld [tilespmem:$0x10210]  }
0x1a3: {  	v5 =	vld [tilespmem:$0x10290]  }
0x1a4: {  	v19 =	vld [tilespmem:$0x10310];
	v0 =	vmax.f32 v0, v3  }
0x1a5: {  	v20 =	vld [tilespmem:$0x10390];
	v0 =	vmax.f32 v0, v1  }
0x1a6: {  	v21 =	vld [tilespmem:$0x10410];
	v0 =	vmax.f32 v0, v2  }
0x1a7: {  	v22 =	vld [tilespmem:$0x10490];
	v0 =	vmax.f32 v0, v4  }
0x1a8: {  	v23 =	vld [tilespmem:$0x10510];
	v0 =	vmax.f32 v0, v5  }
0x1a9: {  	v24 =	vld [tilespmem:$0x10590];
	v0 =	vmax.f32 v0, v19  }
0x1aa: {  	v25 =	vld [tilespmem:$0x10610];
	v0 =	vmax.f32 v0, v20  }
0x1ab: {  	v26 =	vld [tilespmem:$0x10690];
	v0 =	vmax.f32 v0, v21  }
0x1ac: {  	v27 =	vld [tilespmem:$0x10710];
	v0 =	vmax.f32 v0, v22  }
0x1ad: {  	v28 =	vld [tilespmem:$0x10790];
	v0 =	vmax.f32 v0, v23  }
0x1ae: {  	v0 =	vmax.f32 v0, v24  }
0x1af: {  	v0 =	vmax.f32 v0, v25  }
0x1b0: {  	v0 =	vmax.f32 v0, v26  }
0x1b1: {  	v0 =	vmax.f32 v0, v27  }
0x1b2: {  	v0 =	vmax.f32 v0, v28  }
0x1b3: {  	[tilespmem:s14+$0x10810] =	vst v0  }
0x1b4: {  	v0 =	vld [tilespmem:$0x10020]  }
0x1b5: {  	v29 =	vld [tilespmem:$0x100A0]  }
0x1b6: {  	v30 =	vld [tilespmem:$0x10120]  }
0x1b7: {  	v31 =	vld [tilespmem:$0x101A0]  }
0x1b8: {  	v32 =	vld [tilespmem:$0x10220]  }
0x1b9: {  	v33 =	vld [tilespmem:$0x102A0]  }
0x1ba: {  	v34 =	vld [tilespmem:$0x10320];
	v0 =	vmax.f32 v0, v29  }
0x1bb: {  	v35 =	vld [tilespmem:$0x103A0];
	v0 =	vmax.f32 v0, v30  }
0x1bc: {  	v36 =	vld [tilespmem:$0x10420];
	v0 =	vmax.f32 v0, v31  }
0x1bd: {  	v37 =	vld [tilespmem:$0x104A0];
	v0 =	vmax.f32 v0, v32  }
0x1be: {  	v38 =	vld [tilespmem:$0x10520];
	v0 =	vmax.f32 v0, v33  }
0x1bf: {  	v39 =	vld [tilespmem:$0x105A0];
	v0 =	vmax.f32 v0, v34  }
0x1c0: {  	v40 =	vld [tilespmem:$0x10620];
	v0 =	vmax.f32 v0, v35  }
0x1c1: {  	v41 =	vld [tilespmem:$0x106A0];
	v0 =	vmax.f32 v0, v36  }
0x1c2: {  	v42 =	vld [tilespmem:$0x10720];
	v0 =	vmax.f32 v0, v37  }
0x1c3: {  	v43 =	vld [tilespmem:$0x107A0];
	v0 =	vmax.f32 v0, v38  }
0x1c4: {  	v0 =	vmax.f32 v0, v39  }
0x1c5: {  	v0 =	vmax.f32 v0, v40  }
0x1c6: {  	v0 =	vmax.f32 v0, v41  }
0x1c7: {  	v0 =	vmax.f32 v0, v42  }
0x1c8: {  	v0 =	vmax.f32 v0, v43  }
0x1c9: {  	v44 =	vld [tilespmem:s13+$0x8000];
	[tilespmem:s14+$0x10820] =	vst v0  }
0x1ca: {  	v0 =	vld [tilespmem:$0x10030]  }
0x1cb: {  	v45 =	vld [tilespmem:$0x100B0]  }
0x1cc: {  	v46 =	vld [tilespmem:$0x10130]  }
0x1cd: {  	v47 =	vld [tilespmem:$0x101B0]  }
0x1ce: {  	v48 =	vld [tilespmem:$0x10230]  }
0x1cf: {  	v6 =	vld [tilespmem:$0x102B0]  }
0x1d0: {  	v49 =	vld [tilespmem:$0x10330];
	v0 =	vmax.f32 v0, v45  }
0x1d1: {  	v50 =	vld [tilespmem:$0x103B0];
	v0 =	vmax.f32 v0, v46  }
0x1d2: {  	v51 =	vld [tilespmem:$0x10430];
	v0 =	vmax.f32 v0, v47  }
0x1d3: {  	v52 =	vld [tilespmem:$0x104B0];
	v0 =	vmax.f32 v0, v48  }
0x1d4: {  	v53 =	vld [tilespmem:$0x10530];
	v0 =	vmax.f32 v0, v6  }
0x1d5: {  	v54 =	vld [tilespmem:$0x105B0];
	v0 =	vmax.f32 v0, v49  }
0x1d6: {  	v55 =	vld [tilespmem:$0x10630];
	v0 =	vmax.f32 v0, v50  }
0x1d7: {  	v56 =	vld [tilespmem:$0x106B0];
	v0 =	vmax.f32 v0, v51  }
0x1d8: {  	v57 =	vld [tilespmem:$0x10730];
	v0 =	vmax.f32 v0, v52  }
0x1d9: {  	v58 =	vld [tilespmem:$0x107B0];
	v0 =	vmax.f32 v0, v53  }
0x1da: {  	v0 =	vmax.f32 v0, v54  }
0x1db: {  	v0 =	vmax.f32 v0, v55  }
0x1dc: {  	v0 =	vmax.f32 v0, v56  }
0x1dd: {  	v0 =	vmax.f32 v0, v57  }
0x1de: {  	v0 =	vmax.f32 v0, v58  }
0x1df: {  	[tilespmem:s14+$0x10830] =	vst v0  }
0x1e0: {  	[tilespmem:s9], [sflag:$0x1] =	stream.indirect_vreg.gather [hbm4b:s3+s2], $0x80, v44, vm0, $0xb8;
	[tilespmem:$0x18800] =	vst v63  }
0x1e1: {  	_ =	swait.ge [sflag:s10], $0x800  }
0x1e2: {  	[sflag:s10] =	ssyncset.done $0x0  }
0x1e3: {  	[sflag:s10] =	ssyncadd.s32 $0xFFFFF800  }
0x1e4: {  	v59 =	vld [tilespmem:$0x10000]  }
0x1e5: {  	v60 =	vld [tilespmem:$0x10080]  }
0x1e6: {  	v61 =	vld [tilespmem:$0x10100]  }
0x1e7: {  	v62 =	vld [tilespmem:$0x10180]  }
0x1e8: {  	v63 =	vld [tilespmem:$0x10200]  }
0x1e9: {  	v8 =	vld [tilespmem:$0x10280]  }
0x1ea: {  	v9 =	vld [tilespmem:$0x10300];
	v0 =	vmax.f32 v59, v60  }
0x1eb: {  	v10 =	vld [tilespmem:$0x10380];
	v0 =	vmax.f32 v0, v61  }
0x1ec: {  	v11 =	vld [tilespmem:$0x10400];
	v0 =	vmax.f32 v0, v62  }
0x1ed: {  	v12 =	vld [tilespmem:$0x10480];
	v0 =	vmax.f32 v0, v63  }
0x1ee: {  	v13 =	vld [tilespmem:$0x10500];
	v0 =	vmax.f32 v0, v8  }
0x1ef: {  	v14 =	vld [tilespmem:$0x10580];
	v0 =	vmax.f32 v0, v9  }
0x1f0: {  	v15 =	vld [tilespmem:$0x10600];
	v0 =	vmax.f32 v0, v10  }
0x1f1: {  	v16 =	vld [tilespmem:$0x10680];
	v0 =	vmax.f32 v0, v11  }
0x1f2: {  	v17 =	vld [tilespmem:$0x10700];
	v0 =	vmax.f32 v0, v12  }
0x1f3: {  	v18 =	vld [tilespmem:$0x10780];
	v0 =	vmax.f32 v0, v13  }
0x1f4: {  	v0 =	vmax.f32 v0, v14  }
0x1f5: {  	v0 =	vmax.f32 v0, v15  }
0x1f6: {  	v0 =	vmax.f32 v0, v16  }
0x1f7: {  	v0 =	vmax.f32 v0, v17  }
0x1f8: {  	v0 =	vmax.f32 v0, v18  }
0x1f9: {  	[tilespmem:s13+$0x10800] =	vst v0  }
0x1fa: {  	v0 =	vld [tilespmem:$0x10010]  }
0x1fb: {  	v19 =	vld [tilespmem:$0x10090]  }
0x1fc: {  	v20 =	vld [tilespmem:$0x10110]  }
0x1fd: {  	v21 =	vld [tilespmem:$0x10190]  }
0x1fe: {  	v22 =	vld [tilespmem:$0x10210]  }
0x1ff: {  	v23 =	vld [tilespmem:$0x10290]  }
0x200: {  	v24 =	vld [tilespmem:$0x10310];
	v0 =	vmax.f32 v0, v19  }
0x201: {  	v25 =	vld [tilespmem:$0x10390];
	v0 =	vmax.f32 v0, v20  }
0x202: {  	v26 =	vld [tilespmem:$0x10410];
	v0 =	vmax.f32 v0, v21  }
0x203: {  	v27 =	vld [tilespmem:$0x10490];
	v0 =	vmax.f32 v0, v22  }
0x204: {  	v28 =	vld [tilespmem:$0x10510];
	v0 =	vmax.f32 v0, v23  }
0x205: {  	v29 =	vld [tilespmem:$0x10590];
	v0 =	vmax.f32 v0, v24  }
0x206: {  	v30 =	vld [tilespmem:$0x10610];
	v0 =	vmax.f32 v0, v25  }
0x207: {  	v31 =	vld [tilespmem:$0x10690];
	v0 =	vmax.f32 v0, v26  }
0x208: {  	v32 =	vld [tilespmem:$0x10710];
	v0 =	vmax.f32 v0, v27  }
0x209: {  	v33 =	vld [tilespmem:$0x10790];
	v0 =	vmax.f32 v0, v28  }
0x20a: {  	v0 =	vmax.f32 v0, v29  }
0x20b: {  	v0 =	vmax.f32 v0, v30  }
0x20c: {  	v0 =	vmax.f32 v0, v31  }
0x20d: {  	v0 =	vmax.f32 v0, v32  }
0x20e: {  	v0 =	vmax.f32 v0, v33  }
0x20f: {  	[tilespmem:s13+$0x10810] =	vst v0  }
0x210: {  	v0 =	vld [tilespmem:$0x10020]  }
0x211: {  	v34 =	vld [tilespmem:$0x100A0]  }
0x212: {  	v35 =	vld [tilespmem:$0x10120]  }
0x213: {  	v36 =	vld [tilespmem:$0x101A0]  }
0x214: {  	v37 =	vld [tilespmem:$0x10220]  }
0x215: {  	v38 =	vld [tilespmem:$0x102A0]  }
0x216: {  	v39 =	vld [tilespmem:$0x10320];
	v0 =	vmax.f32 v0, v34  }
0x217: {  	v40 =	vld [tilespmem:$0x103A0];
	v0 =	vmax.f32 v0, v35  }
0x218: {  	v41 =	vld [tilespmem:$0x10420];
	v0 =	vmax.f32 v0, v36  }
0x219: {  	v42 =	vld [tilespmem:$0x104A0];
	v0 =	vmax.f32 v0, v37  }
0x21a: {  	v43 =	vld [tilespmem:$0x10520];
	v0 =	vmax.f32 v0, v38  }
0x21b: {  	v44 =	vld [tilespmem:$0x105A0];
	v0 =	vmax.f32 v0, v39  }
0x21c: {  	v45 =	vld [tilespmem:$0x10620];
	v0 =	vmax.f32 v0, v40  }
0x21d: {  	v46 =	vld [tilespmem:$0x106A0];
	v0 =	vmax.f32 v0, v41  }
0x21e: {  	v47 =	vld [tilespmem:$0x10720];
	v0 =	vmax.f32 v0, v42  }
0x21f: {  	v48 =	vld [tilespmem:$0x107A0];
	v0 =	vmax.f32 v0, v43  }
0x220: {  	v0 =	vmax.f32 v0, v44  }
0x221: {  	v0 =	vmax.f32 v0, v45  }
0x222: {  	v0 =	vmax.f32 v0, v46  }
0x223: {  	v0 =	vmax.f32 v0, v47  }
0x224: {  	v0 =	vmax.f32 v0, v48  }
0x225: {  	[tilespmem:s13+$0x10820] =	vst v0  }
0x226: {  	v0 =	vld [tilespmem:$0x10030]  }
0x227: {  	v49 =	vld [tilespmem:$0x100B0]  }
0x228: {  	v50 =	vld [tilespmem:$0x10130]  }
0x229: {  	v51 =	vld [tilespmem:$0x101B0]  }
0x22a: {  	v52 =	vld [tilespmem:$0x10230]  }
0x22b: {  	v53 =	vld [tilespmem:$0x102B0]  }
0x22c: {  	v54 =	vld [tilespmem:$0x10330];
	v0 =	vmax.f32 v0, v49  }
0x22d: {  	v55 =	vld [tilespmem:$0x103B0];
	v0 =	vmax.f32 v0, v50  }
0x22e: {  	v56 =	vld [tilespmem:$0x10430];
	v0 =	vmax.f32 v0, v51  }
0x22f: {  	v57 =	vld [tilespmem:$0x104B0];
	v0 =	vmax.f32 v0, v52  }
0x230: {  	v58 =	vld [tilespmem:$0x10530];
	v0 =	vmax.f32 v0, v53  }
0x231: {  	v59 =	vld [tilespmem:$0x105B0];
	v0 =	vmax.f32 v0, v54  }
0x232: {  	v60 =	vld [tilespmem:$0x10630];
	v0 =	vmax.f32 v0, v55  }
0x233: {  	v61 =	vld [tilespmem:$0x106B0];
	v0 =	vmax.f32 v0, v56  }
0x234: {  	v62 =	vld [tilespmem:$0x10730];
	v0 =	vmax.f32 v0, v57  }
0x235: {  	v63 =	vld [tilespmem:$0x107B0];
	v0 =	vmax.f32 v0, v58  }
0x236: {  	v0 =	vmax.f32 v0, v59  }
0x237: {  	v0 =	vmax.f32 v0, v60  }
0x238: {  	v0 =	vmax.f32 v0, v61  }
0x239: {  	s12 =	sadd.s32 $0x1, s12;
	v0 =	vmax.f32 v0, v62  }
0x23a: {  	p0 =	sne.s32 s12, s7;
	v0 =	vmax.f32 v0, v63  }
.Ltmp2:
0x23b: {  	[tilespmem:s13+$0x10830] =	vst v0;
	(pc) =	sbr.rel @p0 .LBB2_1-.Ltmp2, $4  }
0x23c: {  	[hbm4b:s6+s2] =	stream.linear.scatter [tilespmem:s11], [sflag:$0x2], $0x8000, $0x38;
	[tilespmem:$0x18800] =	vst v63  }
0x23d: {  	_ =	swait.ge [sflag:s8], $0x8000  }
0x23e: {  	[sflag:s8] =	ssyncset.done $0x0  }
0x23f: {  	[sflag:s8] =	ssyncadd.s32 $0xFFFF8000  }
0x240: {  	_ =	sfence.sel $0x180000  }
0x241: {  	[bflag:$0x0] =	sbarrier.arrive $0xFFFF  }
0x242: {  	p0 =	sne.s32 s1, $0x0;
	_ =	strace $0x9000004D  }
0x243: {  	s0 =	sadd.s32 @!p0 $0x100000, s0;
	[bflag:$0x2] =	sbarrier.arrive $0xFFFF  }
0x244: {  	[sflag:s0] =	ssyncadd.tile.s32 @!p0 $0x1;
	_ =	shalt  }
.Lfunc_end2:
_tile_overlayer_lowered:
.L_overlay_start_2:
0x245: {  	(tag) =	ssettag $0x2  }
0x246: {  	s0 =	rddreg [dreg:$0x0];
	s2 =	stileid.u32  }
0x247: {  	s1 =	rddreg [dreg:$0x1];
	p0 =	sne.s32 s2, $0x0  }
0x248: {  	s3 =	rddreg [dreg:$0x2];
	[bflag:$0x3] =	sbarrier.arrive $0xFFFF;
	s2 =	simm.s32 @!p0 $0x1C02  }
0x249: {  	[timem:s3], [sflag:s2] =	dma.local @!p0 [hbm:s0], s1  }
0x24a: {  	s0 =	simm.s32 @!p0 $0x2  }
0x24b: {  	_ =	swait.ge @!p0 [sflag:s0], s1  }
0x24c: {  	s1 =	ssub.s32 @!p0 $0x0, s1;
	[sflag:s0] =	ssyncset.done @!p0 $0x0  }
0x24d: {  	[sflag:s0] =	ssyncadd.s32 @!p0 s1  }
0x24e: {  	[bflag:$0x3] =	sbarrier.arrive $0xFFFF  }
0x24f: {  	_ =	shalt  }

</sc_bundles>
